<compile_context>
chip_gen: v7x
topology: tpu7x:2x2x1
jax: 0.10.2.dev20260603
libtpu: 0.0.44.dev20260713+nightly
codegen_flags: <defaults>
</compile_context>

<pallas_src>
import functools

import jax
import jax.numpy as jnp
from jax import lax
from jax.experimental import pallas as pl
from jax.experimental.pallas import tpu as pltpu
from jax.experimental.pallas import tpu_sc as plsc

_NC = 2
_NS = 16
_NW = _NC * _NS
_L = 16
_K = 128

_N = 500000
_U = 16
_CH = 15872
_B = _CH // 2

_SIGN = jnp.int32(-2147483648)


def _ord32(v):
    b0 = jnp.left_shift(jnp.bitwise_and(v, 0xFF), 24)
    b1 = jnp.left_shift(jnp.bitwise_and(v, 0xFF00), 8)
    b2 = jnp.bitwise_and(lax.shift_right_logical(v, 8), 0xFF00)
    b3 = jnp.bitwise_and(lax.shift_right_logical(v, 24), 0xFF)
    return jnp.bitwise_xor(b0 | b1 | b2 | b3, _SIGN)


@functools.partial(
    pl.kernel,
    out_type=jax.ShapeDtypeStruct((_N,), jnp.int32),
    mesh=plsc.VectorSubcoreMesh(core_axis_name="c", subcore_axis_name="s"),
    compiler_params=pltpu.CompilerParams(needs_layout_passes=False),
    scratch_types=[
        pltpu.VMEM((_B,), jnp.int32),
        pltpu.VMEM((_B,), jnp.int32),
        pltpu.VMEM((_B,), jnp.int32),
        pltpu.VMEM((_B,), jnp.int32),
        pltpu.VMEM((_K,), jnp.int32),
        pltpu.VMEM((_K,), jnp.int32),
        pltpu.VMEM((_K,), jnp.int32),
        pltpu.SemaphoreType.DMA,
        pltpu.SemaphoreType.DMA,
        pltpu.SemaphoreType.DMA,
        pltpu.SemaphoreType.DMA,
    ],
)
def _sc_lookup(x_hbm, keys_hbm, out_hbm, xv0, xv1, ov0, ov1, kv, sk, sl,
               si0, si1, so0, so1):
    wid = lax.axis_index("s") * _NC + lax.axis_index("c")
    base = jnp.minimum(wid * _CH, _N - _CH)
    hin0 = pltpu.async_copy(x_hbm.at[pl.ds(base, _B)], xv0, si0)
    hin1 = pltpu.async_copy(x_hbm.at[pl.ds(base + _B, _B)], xv1, si1)
    pltpu.sync_copy(keys_hbm, kv)

    kvec = [kv[pl.ds(i * _L, _L)] for i in range(_K // _L)]

    def rank_body(i, ranks):
        out = ranks
        for jj in range(4):
            bc = plsc.load_gather(kv, [i * 4 + jj + jnp.zeros((_L,), jnp.int32)])
            out = tuple(
                r + jnp.where(bc < kvec[q], 1, 0) for q, r in enumerate(out)
            )
        return out

    zero = jnp.zeros((_L,), jnp.int32)
    ranks = lax.fori_loop(0, _K // 4, rank_body, (zero,) * (_K // _L))
    lane = lax.iota(jnp.int32, _L)
    for i in range(_K // _L):
        plsc.store_scatter(sk, [ranks[i]], kvec[i])
        plsc.store_scatter(sl, [ranks[i]], lane + (i * _L))

    hidx = jnp.zeros((_L,), jnp.int32)
    for ln, split in enumerate((63, 31, 95, 15, 47, 79, 111)):
        hidx = jnp.where(lane == ln, split, hidx)
    heap = plsc.load_gather(sk, [hidx])

    def _search(xv, ov):
        def body(i, carry):
            b = i * (_U * _L)
            xs = [xv[pl.ds(b + k * _L, _L)] for k in range(_U)]
            t = [jnp.zeros((_L,), jnp.int32) for _ in range(_U)]
            for _lvl in range(3):
                for k in range(_U):
                    kk = jnp.take_along_axis(heap, t[k], axis=0)
                    t[k] = t[k] + t[k] + jnp.where(kk < xs[k], 2, 1)
            pos = [(t[k] - 7) * _L for k in range(_U)]
            for step in (8, 4, 2, 1):
                for k in range(_U):
                    kk = plsc.load_gather(sk, [pos[k] + (step - 1)])
                    pos[k] = pos[k] + jnp.where(kk < xs[k], step, 0)
            for k in range(_U):
                ov[pl.ds(b + k * _L, _L)] = plsc.load_gather(sl, [pos[k]])
            return carry

        lax.fori_loop(0, _B // (_U * _L), body, 0)

    hin0.wait()
    _search(xv0, ov0)
    hout0 = pltpu.async_copy(ov0, out_hbm.at[pl.ds(base, _B)], so0)
    hin1.wait()
    _search(xv1, ov1)
    hout1 = pltpu.async_copy(ov1, out_hbm.at[pl.ds(base + _B, _B)], so1)
    hout0.wait()
    hout1.wait()


def kernel(x, condition_tensors):
    return _sc_lookup(x, condition_tensors.reshape(_K))

# --- scband reference (transcript-rebuilt; emitter-appended) ---
"""Pipeline reference for scband-string-label-encoder-20366734917919 (READ-ONLY COPY).

The authoritative reference and input builder live on the scoring server;
editing this copy changes nothing except your own understanding.
"""

import jax, jax.numpy as jnp
import numpy as np

NUM_CLASSES = 128
N = 500000
MWL = 1  # int32 words per string (max_word_length=4 bytes -> 1 int32)

def _build_classes():
    classes = [""] + ["w%03d" % i for i in range(NUM_CLASSES - 1)]
    arr = np.array(sorted(set(classes)), dtype='|S4').view(np.int32)
    return jnp.asarray(arr.reshape(1, NUM_CLASSES, MWL))

def setup_inputs(seed: int = 0) -> dict:
    key = jax.random.key(seed)
    # x holds the int32-encoded query strings; zeros encode the empty string "",
    # which is a member of the class dictionary (sorted first -> label 0), so the
    # module's 'unseen label' assertion is satisfied for every row.
    x = jnp.zeros((N * MWL,), dtype=jnp.int32)
    return {"x": x, "condition_tensors": _build_classes()}

def reference(x, condition_tensors):
    # Faithful translation of StringLabelEncoder.forward:
    #   x.view(-1, 1, MWL); prod(condition == x, dim=2); nonzero(...)[1]
    xv = x.reshape(-1, 1, MWL)
    match = jnp.prod((condition_tensors == xv).astype(jnp.int32), axis=2)
    # exactly one match per row, so row-major nonzero gives one column index per row
    result = jnp.nonzero(match, size=xv.shape[0])[1]
    return result

if __name__ == "__main__":
    import jax
    _d = setup_inputs()
    print(jax.jit(kernel)(*tuple(_d.values())))

</pallas_src>

<mosaic_0001>
#map = affine_map<(d0, d1) -> (0)>
module attributes {stable_mosaic.version = 14 : i64} {
  func.func @_sc_lookup(%arg0: i32, %arg1: i32, %arg2: memref<500000xi32, #tpu.memory_space<hbm>>, %arg3: memref<128xi32, #tpu.memory_space<hbm>>, %arg4: memref<500000xi32, #tpu.memory_space<hbm>>, %arg5: memref<7936xi32, #tpu.memory_space<vmem>>, %arg6: memref<7936xi32, #tpu.memory_space<vmem>>, %arg7: memref<7936xi32, #tpu.memory_space<vmem>>, %arg8: memref<7936xi32, #tpu.memory_space<vmem>>, %arg9: memref<128xi32, #tpu.memory_space<vmem>>, %arg10: memref<128xi32, #tpu.memory_space<vmem>>, %arg11: memref<128xi32, #tpu.memory_space<vmem>>, %arg12: memref<!tpu.dma_semaphore, #tpu.memory_space<semaphore_mem>>, %arg13: memref<!tpu.dma_semaphore, #tpu.memory_space<semaphore_mem>>, %arg14: memref<!tpu.dma_semaphore, #tpu.memory_space<semaphore_mem>>, %arg15: memref<!tpu.dma_semaphore, #tpu.memory_space<semaphore_mem>>) attributes {dimension_semantics = [#tpu.dimension_semantics<core_parallel>, #tpu.dimension_semantics<subcore_parallel>], iteration_bounds = array<i64: 2, 16>, scalar_prefetch = 0 : i64, scratch_operands = 11 : i64, tpu.core_type = #tpu.core_type<sc_vector_subcore>, window_params = [{transform_indices = #map}, {transform_indices = #map}, {transform_indices = #map}]} {
    %mul3A = arith.constant 2 : i32
    %mul3A_0 = arith.muli %arg1, %mul3A : i32
    %add3A = arith.addi %mul3A_0, %arg0 : i32
    %mul3A_1 = arith.constant 15872 : i32
    %mul3A_2 = arith.muli %add3A, %mul3A_1 : i32
    %min3A = arith.constant 484128 : i32
    %min3A_3 = arith.minsi %mul3A_2, %min3A : i32
    %dma_start3A = tpu.memref_slice %arg2[%min3A_3] : memref<500000xi32, #tpu.memory_space<hbm>> -> memref<7936xi32, #tpu.memory_space<hbm>>
    %dma_start3A_4 = tpu.memref_slice %arg2[%min3A_3] : memref<500000xi32, #tpu.memory_space<hbm>> -> memref<7936xi32, #tpu.memory_space<hbm>>
    tpu.enqueue_dma source(%dma_start3A_4 : memref<7936xi32, #tpu.memory_space<hbm>>) target(%arg5 : memref<7936xi32, #tpu.memory_space<vmem>>) target_semaphore(%arg12 : memref<!tpu.dma_semaphore, #tpu.memory_space<semaphore_mem>>)
    %add3A_5 = arith.constant 7936 : i32
    %add3A_6 = arith.addi %min3A_3, %add3A_5 : i32
    %dma_start3A_7 = tpu.memref_slice %arg2[%add3A_6] : memref<500000xi32, #tpu.memory_space<hbm>> -> memref<7936xi32, #tpu.memory_space<hbm>>
    %dma_start3A_8 = tpu.memref_slice %arg2[%add3A_6] : memref<500000xi32, #tpu.memory_space<hbm>> -> memref<7936xi32, #tpu.memory_space<hbm>>
    tpu.enqueue_dma source(%dma_start3A_8 : memref<7936xi32, #tpu.memory_space<hbm>>) target(%arg6 : memref<7936xi32, #tpu.memory_space<vmem>>) target_semaphore(%arg13 : memref<!tpu.dma_semaphore, #tpu.memory_space<semaphore_mem>>)
    "tpu.region"() ({
      %run_scoped3A = tpu.sem_alloc : memref<!tpu.dma_semaphore, #tpu.memory_space<semaphore_mem>>
      tpu.enqueue_dma source(%arg3 : memref<128xi32, #tpu.memory_space<hbm>>) target(%arg9 : memref<128xi32, #tpu.memory_space<vmem>>) target_semaphore(%run_scoped3A : memref<!tpu.dma_semaphore, #tpu.memory_space<semaphore_mem>>)
      tpu.wait_dma2 semaphore(%run_scoped3A : memref<!tpu.dma_semaphore, #tpu.memory_space<semaphore_mem>>) src(%arg3 : memref<128xi32, #tpu.memory_space<hbm>>) dst(%arg9 : memref<128xi32, #tpu.memory_space<vmem>>)
      tpu.yield
    }) : () -> ()
    %get3A = arith.constant 0 : index
    %get3A_9 = tpu.vector_load %arg9[%get3A] {strides = array<i32>} : memref<128xi32, #tpu.memory_space<vmem>>, vector<16xi32>,
    %get3A_10 = arith.constant 16 : index
    %get3A_11 = tpu.vector_load %arg9[%get3A_10] {strides = array<i32>} : memref<128xi32, #tpu.memory_space<vmem>>, vector<16xi32>,
    %get3A_12 = arith.constant 32 : index
    %get3A_13 = tpu.vector_load %arg9[%get3A_12] {strides = array<i32>} : memref<128xi32, #tpu.memory_space<vmem>>, vector<16xi32>,
    %get3A_14 = arith.constant 48 : index
    %get3A_15 = tpu.vector_load %arg9[%get3A_14] {strides = array<i32>} : memref<128xi32, #tpu.memory_space<vmem>>, vector<16xi32>,
    %get3A_16 = arith.constant 64 : index
    %get3A_17 = tpu.vector_load %arg9[%get3A_16] {strides = array<i32>} : memref<128xi32, #tpu.memory_space<vmem>>, vector<16xi32>,
    %get3A_18 = arith.constant 80 : index
    %get3A_19 = tpu.vector_load %arg9[%get3A_18] {strides = array<i32>} : memref<128xi32, #tpu.memory_space<vmem>>, vector<16xi32>,
    %get3A_20 = arith.constant 96 : index
    %get3A_21 = tpu.vector_load %arg9[%get3A_20] {strides = array<i32>} : memref<128xi32, #tpu.memory_space<vmem>>, vector<16xi32>,
    %get3A_22 = arith.constant 112 : index
    %get3A_23 = tpu.vector_load %arg9[%get3A_22] {strides = array<i32>} : memref<128xi32, #tpu.memory_space<vmem>>, vector<16xi32>,
    %broadcast_in_dim3A = arith.constant 0 : i32
    %broadcast_in_dim3A_24 = vector.broadcast %broadcast_in_dim3A : i32 to vector<16xi32>
    %scan3A = arith.constant 0 : i32
    %scan3A_25 = arith.constant 32 : i32
    %scan3A_26 = arith.addi %scan3A, %scan3A_25 : i32
    %scan3A_27 = arith.constant 1 : i32
    %scan3A_28:8 = scf.for %scan3A_120 = %scan3A to %scan3A_26 step %scan3A_27 iter_args(%scan3A_121 = %broadcast_in_dim3A_24, %scan3A_122 = %broadcast_in_dim3A_24, %scan3A_123 = %broadcast_in_dim3A_24, %scan3A_124 = %broadcast_in_dim3A_24, %scan3A_125 = %broadcast_in_dim3A_24, %scan3A_126 = %broadcast_in_dim3A_24, %scan3A_127 = %broadcast_in_dim3A_24, %scan3A_128 = %broadcast_in_dim3A_24) -> (vector<16xi32>, vector<16xi32>, vector<16xi32>, vector<16xi32>, vector<16xi32>, vector<16xi32>, vector<16xi32>, vector<16xi32>)  : i32 {
      %mul3A_129 = arith.constant 4 : i32
      %mul3A_130 = arith.muli %scan3A_120, %mul3A_129 : i32
      %add3A_131 = arith.constant 0 : i32
      %add3A_132 = arith.addi %mul3A_130, %add3A_131 : i32
      %broadcast_in_dim3A_133 = arith.constant 0 : i32
      %broadcast_in_dim3A_134 = vector.broadcast %broadcast_in_dim3A_133 : i32 to vector<16xi32>
      %add3A_135 = vector.broadcast %add3A_132 : i32 to vector<16xi32>
      %add3A_136 = arith.addi %add3A_135, %broadcast_in_dim3A_134 : vector<16xi32>
      %gather3A_137 = tpu.vector_load_idx %arg9[%add3A_136] : memref<128xi32, #tpu.memory_space<vmem>>[vector<16xi32>], vector<16xi32>,
      %lt3A = arith.cmpi slt, %gather3A_137, %get3A_9 : vector<16xi32>
      %jit3A_138 = arith.constant 1 : i32
      %jit3A_139 = arith.constant 0 : i32
      %broadcast_in_dim3A_140 = vector.broadcast %jit3A_138 : i32 to vector<16xi32>
      %broadcast_in_dim3A_141 = vector.broadcast %jit3A_139 : i32 to vector<16xi32>
      %select_n3A_142 = arith.select %lt3A, %broadcast_in_dim3A_140, %broadcast_in_dim3A_141 : vector<16xi1>, vector<16xi32>
      %add3A_143 = arith.addi %scan3A_121, %select_n3A_142 : vector<16xi32>
      %lt3A_144 = arith.cmpi slt, %gather3A_137, %get3A_11 : vector<16xi32>
      %jit3A_145 = arith.constant 1 : i32
      %jit3A_146 = arith.constant 0 : i32
      %broadcast_in_dim3A_147 = vector.broadcast %jit3A_145 : i32 to vector<16xi32>
      %broadcast_in_dim3A_148 = vector.broadcast %jit3A_146 : i32 to vector<16xi32>
      %select_n3A_149 = arith.select %lt3A_144, %broadcast_in_dim3A_147, %broadcast_in_dim3A_148 : vector<16xi1>, vector<16xi32>
      %add3A_150 = arith.addi %scan3A_122, %select_n3A_149 : vector<16xi32>
      %lt3A_151 = arith.cmpi slt, %gather3A_137, %get3A_13 : vector<16xi32>
      %jit3A_152 = arith.constant 1 : i32
      %jit3A_153 = arith.constant 0 : i32
      %broadcast_in_dim3A_154 = vector.broadcast %jit3A_152 : i32 to vector<16xi32>
      %broadcast_in_dim3A_155 = vector.broadcast %jit3A_153 : i32 to vector<16xi32>
      %select_n3A_156 = arith.select %lt3A_151, %broadcast_in_dim3A_154, %broadcast_in_dim3A_155 : vector<16xi1>, vector<16xi32>
      %add3A_157 = arith.addi %scan3A_123, %select_n3A_156 : vector<16xi32>
      %lt3A_158 = arith.cmpi slt, %gather3A_137, %get3A_15 : vector<16xi32>
      %jit3A_159 = arith.constant 1 : i32
      %jit3A_160 = arith.constant 0 : i32
      %broadcast_in_dim3A_161 = vector.broadcast %jit3A_159 : i32 to vector<16xi32>
      %broadcast_in_dim3A_162 = vector.broadcast %jit3A_160 : i32 to vector<16xi32>
      %select_n3A_163 = arith.select %lt3A_158, %broadcast_in_dim3A_161, %broadcast_in_dim3A_162 : vector<16xi1>, vector<16xi32>
      %add3A_164 = arith.addi %scan3A_124, %select_n3A_163 : vector<16xi32>
      %lt3A_165 = arith.cmpi slt, %gather3A_137, %get3A_17 : vector<16xi32>
      %jit3A_166 = arith.constant 1 : i32
      %jit3A_167 = arith.constant 0 : i32
      %broadcast_in_dim3A_168 = vector.broadcast %jit3A_166 : i32 to vector<16xi32>
      %broadcast_in_dim3A_169 = vector.broadcast %jit3A_167 : i32 to vector<16xi32>
      %select_n3A_170 = arith.select %lt3A_165, %broadcast_in_dim3A_168, %broadcast_in_dim3A_169 : vector<16xi1>, vector<16xi32>
      %add3A_171 = arith.addi %scan3A_125, %select_n3A_170 : vector<16xi32>
      %lt3A_172 = arith.cmpi slt, %gather3A_137, %get3A_19 : vector<16xi32>
      %jit3A_173 = arith.constant 1 : i32
      %jit3A_174 = arith.constant 0 : i32
      %broadcast_in_dim3A_175 = vector.broadcast %jit3A_173 : i32 to vector<16xi32>
      %broadcast_in_dim3A_176 = vector.broadcast %jit3A_174 : i32 to vector<16xi32>
      %select_n3A_177 = arith.select %lt3A_172, %broadcast_in_dim3A_175, %broadcast_in_dim3A_176 : vector<16xi1>, vector<16xi32>
      %add3A_178 = arith.addi %scan3A_126, %select_n3A_177 : vector<16xi32>
      %lt3A_179 = arith.cmpi slt, %gather3A_137, %get3A_21 : vector<16xi32>
      %jit3A_180 = arith.constant 1 : i32
      %jit3A_181 = arith.constant 0 : i32
      %broadcast_in_dim3A_182 = vector.broadcast %jit3A_180 : i32 to vector<16xi32>
      %broadcast_in_dim3A_183 = vector.broadcast %jit3A_181 : i32 to vector<16xi32>
      %select_n3A_184 = arith.select %lt3A_179, %broadcast_in_dim3A_182, %broadcast_in_dim3A_183 : vector<16xi1>, vector<16xi32>
      %add3A_185 = arith.addi %scan3A_127, %select_n3A_184 : vector<16xi32>
      %lt3A_186 = arith.cmpi slt, %gather3A_137, %get3A_23 : vector<16xi32>
      %jit3A_187 = arith.constant 1 : i32
      %jit3A_188 = arith.constant 0 : i32
      %broadcast_in_dim3A_189 = vector.broadcast %jit3A_187 : i32 to vector<16xi32>
      %broadcast_in_dim3A_190 = vector.broadcast %jit3A_188 : i32 to vector<16xi32>
      %select_n3A_191 = arith.select %lt3A_186, %broadcast_in_dim3A_189, %broadcast_in_dim3A_190 : vector<16xi1>, vector<16xi32>
      %add3A_192 = arith.addi %scan3A_128, %select_n3A_191 : vector<16xi32>
      %mul3A_193 = arith.constant 4 : i32
      %mul3A_194 = arith.muli %scan3A_120, %mul3A_193 : i32
      %add3A_195 = arith.constant 1 : i32
      %add3A_196 = arith.addi %mul3A_194, %add3A_195 : i32
      %broadcast_in_dim3A_197 = arith.constant 0 : i32
      %broadcast_in_dim3A_198 = vector.broadcast %broadcast_in_dim3A_197 : i32 to vector<16xi32>
      %add3A_199 = vector.broadcast %add3A_196 : i32 to vector<16xi32>
      %add3A_200 = arith.addi %add3A_199, %broadcast_in_dim3A_198 : vector<16xi32>
      %gather3A_201 = tpu.vector_load_idx %arg9[%add3A_200] : memref<128xi32, #tpu.memory_space<vmem>>[vector<16xi32>], vector<16xi32>,
      %lt3A_202 = arith.cmpi slt, %gather3A_201, %get3A_9 : vector<16xi32>
      %jit3A_203 = arith.constant 1 : i32
      %jit3A_204 = arith.constant 0 : i32
      %broadcast_in_dim3A_205 = vector.broadcast %jit3A_203 : i32 to vector<16xi32>
      %broadcast_in_dim3A_206 = vector.broadcast %jit3A_204 : i32 to vector<16xi32>
      %select_n3A_207 = arith.select %lt3A_202, %broadcast_in_dim3A_205, %broadcast_in_dim3A_206 : vector<16xi1>, vector<16xi32>
      %add3A_208 = arith.addi %add3A_143, %select_n3A_207 : vector<16xi32>
      %lt3A_209 = arith.cmpi slt, %gather3A_201, %get3A_11 : vector<16xi32>
      %jit3A_210 = arith.constant 1 : i32
      %jit3A_211 = arith.constant 0 : i32
      %broadcast_in_dim3A_212 = vector.broadcast %jit3A_210 : i32 to vector<16xi32>
      %broadcast_in_dim3A_213 = vector.broadcast %jit3A_211 : i32 to vector<16xi32>
      %select_n3A_214 = arith.select %lt3A_209, %broadcast_in_dim3A_212, %broadcast_in_dim3A_213 : vector<16xi1>, vector<16xi32>
      %add3A_215 = arith.addi %add3A_150, %select_n3A_214 : vector<16xi32>
      %lt3A_216 = arith.cmpi slt, %gather3A_201, %get3A_13 : vector<16xi32>
      %jit3A_217 = arith.constant 1 : i32
      %jit3A_218 = arith.constant 0 : i32
      %broadcast_in_dim3A_219 = vector.broadcast %jit3A_217 : i32 to vector<16xi32>
      %broadcast_in_dim3A_220 = vector.broadcast %jit3A_218 : i32 to vector<16xi32>
      %select_n3A_221 = arith.select %lt3A_216, %broadcast_in_dim3A_219, %broadcast_in_dim3A_220 : vector<16xi1>, vector<16xi32>
      %add3A_222 = arith.addi %add3A_157, %select_n3A_221 : vector<16xi32>
      %lt3A_223 = arith.cmpi slt, %gather3A_201, %get3A_15 : vector<16xi32>
      %jit3A_224 = arith.constant 1 : i32
      %jit3A_225 = arith.constant 0 : i32
      %broadcast_in_dim3A_226 = vector.broadcast %jit3A_224 : i32 to vector<16xi32>
      %broadcast_in_dim3A_227 = vector.broadcast %jit3A_225 : i32 to vector<16xi32>
      %select_n3A_228 = arith.select %lt3A_223, %broadcast_in_dim3A_226, %broadcast_in_dim3A_227 : vector<16xi1>, vector<16xi32>
      %add3A_229 = arith.addi %add3A_164, %select_n3A_228 : vector<16xi32>
      %lt3A_230 = arith.cmpi slt, %gather3A_201, %get3A_17 : vector<16xi32>
      %jit3A_231 = arith.constant 1 : i32
      %jit3A_232 = arith.constant 0 : i32
      %broadcast_in_dim3A_233 = vector.broadcast %jit3A_231 : i32 to vector<16xi32>
      %broadcast_in_dim3A_234 = vector.broadcast %jit3A_232 : i32 to vector<16xi32>
      %select_n3A_235 = arith.select %lt3A_230, %broadcast_in_dim3A_233, %broadcast_in_dim3A_234 : vector<16xi1>, vector<16xi32>
      %add3A_236 = arith.addi %add3A_171, %select_n3A_235 : vector<16xi32>
      %lt3A_237 = arith.cmpi slt, %gather3A_201, %get3A_19 : vector<16xi32>
      %jit3A_238 = arith.constant 1 : i32
      %jit3A_239 = arith.constant 0 : i32
      %broadcast_in_dim3A_240 = vector.broadcast %jit3A_238 : i32 to vector<16xi32>
      %broadcast_in_dim3A_241 = vector.broadcast %jit3A_239 : i32 to vector<16xi32>
      %select_n3A_242 = arith.select %lt3A_237, %broadcast_in_dim3A_240, %broadcast_in_dim3A_241 : vector<16xi1>, vector<16xi32>
      %add3A_243 = arith.addi %add3A_178, %select_n3A_242 : vector<16xi32>
      %lt3A_244 = arith.cmpi slt, %gather3A_201, %get3A_21 : vector<16xi32>
      %jit3A_245 = arith.constant 1 : i32
      %jit3A_246 = arith.constant 0 : i32
      %broadcast_in_dim3A_247 = vector.broadcast %jit3A_245 : i32 to vector<16xi32>
      %broadcast_in_dim3A_248 = vector.broadcast %jit3A_246 : i32 to vector<16xi32>
      %select_n3A_249 = arith.select %lt3A_244, %broadcast_in_dim3A_247, %broadcast_in_dim3A_248 : vector<16xi1>, vector<16xi32>
      %add3A_250 = arith.addi %add3A_185, %select_n3A_249 : vector<16xi32>
      %lt3A_251 = arith.cmpi slt, %gather3A_201, %get3A_23 : vector<16xi32>
      %jit3A_252 = arith.constant 1 : i32
      %jit3A_253 = arith.constant 0 : i32
      %broadcast_in_dim3A_254 = vector.broadcast %jit3A_252 : i32 to vector<16xi32>
      %broadcast_in_dim3A_255 = vector.broadcast %jit3A_253 : i32 to vector<16xi32>
      %select_n3A_256 = arith.select %lt3A_251, %broadcast_in_dim3A_254, %broadcast_in_dim3A_255 : vector<16xi1>, vector<16xi32>
      %add3A_257 = arith.addi %add3A_192, %select_n3A_256 : vector<16xi32>
      %mul3A_258 = arith.constant 4 : i32
      %mul3A_259 = arith.muli %scan3A_120, %mul3A_258 : i32
      %add3A_260 = arith.constant 2 : i32
      %add3A_261 = arith.addi %mul3A_259, %add3A_260 : i32
      %broadcast_in_dim3A_262 = arith.constant 0 : i32
      %broadcast_in_dim3A_263 = vector.broadcast %broadcast_in_dim3A_262 : i32 to vector<16xi32>
      %add3A_264 = vector.broadcast %add3A_261 : i32 to vector<16xi32>
      %add3A_265 = arith.addi %add3A_264, %broadcast_in_dim3A_263 : vector<16xi32>
      %gather3A_266 = tpu.vector_load_idx %arg9[%add3A_265] : memref<128xi32, #tpu.memory_space<vmem>>[vector<16xi32>], vector<16xi32>,
      %lt3A_267 = arith.cmpi slt, %gather3A_266, %get3A_9 : vector<16xi32>
      %jit3A_268 = arith.constant 1 : i32
      %jit3A_269 = arith.constant 0 : i32
      %broadcast_in_dim3A_270 = vector.broadcast %jit3A_268 : i32 to vector<16xi32>
      %broadcast_in_dim3A_271 = vector.broadcast %jit3A_269 : i32 to vector<16xi32>
      %select_n3A_272 = arith.select %lt3A_267, %broadcast_in_dim3A_270, %broadcast_in_dim3A_271 : vector<16xi1>, vector<16xi32>
      %add3A_273 = arith.addi %add3A_208, %select_n3A_272 : vector<16xi32>
      %lt3A_274 = arith.cmpi slt, %gather3A_266, %get3A_11 : vector<16xi32>
      %jit3A_275 = arith.constant 1 : i32
      %jit3A_276 = arith.constant 0 : i32
      %broadcast_in_dim3A_277 = vector.broadcast %jit3A_275 : i32 to vector<16xi32>
      %broadcast_in_dim3A_278 = vector.broadcast %jit3A_276 : i32 to vector<16xi32>
      %select_n3A_279 = arith.select %lt3A_274, %broadcast_in_dim3A_277, %broadcast_in_dim3A_278 : vector<16xi1>, vector<16xi32>
      %add3A_280 = arith.addi %add3A_215, %select_n3A_279 : vector<16xi32>
      %lt3A_281 = arith.cmpi slt, %gather3A_266, %get3A_13 : vector<16xi32>
      %jit3A_282 = arith.constant 1 : i32
      %jit3A_283 = arith.constant 0 : i32
      %broadcast_in_dim3A_284 = vector.broadcast %jit3A_282 : i32 to vector<16xi32>
      %broadcast_in_dim3A_285 = vector.broadcast %jit3A_283 : i32 to vector<16xi32>
      %select_n3A_286 = arith.select %lt3A_281, %broadcast_in_dim3A_284, %broadcast_in_dim3A_285 : vector<16xi1>, vector<16xi32>
      %add3A_287 = arith.addi %add3A_222, %select_n3A_286 : vector<16xi32>
      %lt3A_288 = arith.cmpi slt, %gather3A_266, %get3A_15 : vector<16xi32>
      %jit3A_289 = arith.constant 1 : i32
      %jit3A_290 = arith.constant 0 : i32
      %broadcast_in_dim3A_291 = vector.broadcast %jit3A_289 : i32 to vector<16xi32>
      %broadcast_in_dim3A_292 = vector.broadcast %jit3A_290 : i32 to vector<16xi32>
      %select_n3A_293 = arith.select %lt3A_288, %broadcast_in_dim3A_291, %broadcast_in_dim3A_292 : vector<16xi1>, vector<16xi32>
      %add3A_294 = arith.addi %add3A_229, %select_n3A_293 : vector<16xi32>
      %lt3A_295 = arith.cmpi slt, %gather3A_266, %get3A_17 : vector<16xi32>
      %jit3A_296 = arith.constant 1 : i32
      %jit3A_297 = arith.constant 0 : i32
      %broadcast_in_dim3A_298 = vector.broadcast %jit3A_296 : i32 to vector<16xi32>
      %broadcast_in_dim3A_299 = vector.broadcast %jit3A_297 : i32 to vector<16xi32>
      %select_n3A_300 = arith.select %lt3A_295, %broadcast_in_dim3A_298, %broadcast_in_dim3A_299 : vector<16xi1>, vector<16xi32>
      %add3A_301 = arith.addi %add3A_236, %select_n3A_300 : vector<16xi32>
      %lt3A_302 = arith.cmpi slt, %gather3A_266, %get3A_19 : vector<16xi32>
      %jit3A_303 = arith.constant 1 : i32
      %jit3A_304 = arith.constant 0 : i32
      %broadcast_in_dim3A_305 = vector.broadcast %jit3A_303 : i32 to vector<16xi32>
      %broadcast_in_dim3A_306 = vector.broadcast %jit3A_304 : i32 to vector<16xi32>
      %select_n3A_307 = arith.select %lt3A_302, %broadcast_in_dim3A_305, %broadcast_in_dim3A_306 : vector<16xi1>, vector<16xi32>
      %add3A_308 = arith.addi %add3A_243, %select_n3A_307 : vector<16xi32>
      %lt3A_309 = arith.cmpi slt, %gather3A_266, %get3A_21 : vector<16xi32>
      %jit3A_310 = arith.constant 1 : i32
      %jit3A_311 = arith.constant 0 : i32
      %broadcast_in_dim3A_312 = vector.broadcast %jit3A_310 : i32 to vector<16xi32>
      %broadcast_in_dim3A_313 = vector.broadcast %jit3A_311 : i32 to vector<16xi32>
      %select_n3A_314 = arith.select %lt3A_309, %broadcast_in_dim3A_312, %broadcast_in_dim3A_313 : vector<16xi1>, vector<16xi32>
      %add3A_315 = arith.addi %add3A_250, %select_n3A_314 : vector<16xi32>
      %lt3A_316 = arith.cmpi slt, %gather3A_266, %get3A_23 : vector<16xi32>
      %jit3A_317 = arith.constant 1 : i32
      %jit3A_318 = arith.constant 0 : i32
      %broadcast_in_dim3A_319 = vector.broadcast %jit3A_317 : i32 to vector<16xi32>
      %broadcast_in_dim3A_320 = vector.broadcast %jit3A_318 : i32 to vector<16xi32>
      %select_n3A_321 = arith.select %lt3A_316, %broadcast_in_dim3A_319, %broadcast_in_dim3A_320 : vector<16xi1>, vector<16xi32>
      %add3A_322 = arith.addi %add3A_257, %select_n3A_321 : vector<16xi32>
      %mul3A_323 = arith.constant 4 : i32
      %mul3A_324 = arith.muli %scan3A_120, %mul3A_323 : i32
      %add3A_325 = arith.constant 3 : i32
      %add3A_326 = arith.addi %mul3A_324, %add3A_325 : i32
      %broadcast_in_dim3A_327 = arith.constant 0 : i32
      %broadcast_in_dim3A_328 = vector.broadcast %broadcast_in_dim3A_327 : i32 to vector<16xi32>
      %add3A_329 = vector.broadcast %add3A_326 : i32 to vector<16xi32>
      %add3A_330 = arith.addi %add3A_329, %broadcast_in_dim3A_328 : vector<16xi32>
      %gather3A_331 = tpu.vector_load_idx %arg9[%add3A_330] : memref<128xi32, #tpu.memory_space<vmem>>[vector<16xi32>], vector<16xi32>,
      %lt3A_332 = arith.cmpi slt, %gather3A_331, %get3A_9 : vector<16xi32>
      %jit3A_333 = arith.constant 1 : i32
      %jit3A_334 = arith.constant 0 : i32
      %broadcast_in_dim3A_335 = vector.broadcast %jit3A_333 : i32 to vector<16xi32>
      %broadcast_in_dim3A_336 = vector.broadcast %jit3A_334 : i32 to vector<16xi32>
      %select_n3A_337 = arith.select %lt3A_332, %broadcast_in_dim3A_335, %broadcast_in_dim3A_336 : vector<16xi1>, vector<16xi32>
      %add3A_338 = arith.addi %add3A_273, %select_n3A_337 : vector<16xi32>
      %lt3A_339 = arith.cmpi slt, %gather3A_331, %get3A_11 : vector<16xi32>
      %jit3A_340 = arith.constant 1 : i32
      %jit3A_341 = arith.constant 0 : i32
      %broadcast_in_dim3A_342 = vector.broadcast %jit3A_340 : i32 to vector<16xi32>
      %broadcast_in_dim3A_343 = vector.broadcast %jit3A_341 : i32 to vector<16xi32>
      %select_n3A_344 = arith.select %lt3A_339, %broadcast_in_dim3A_342, %broadcast_in_dim3A_343 : vector<16xi1>, vector<16xi32>
      %add3A_345 = arith.addi %add3A_280, %select_n3A_344 : vector<16xi32>
      %lt3A_346 = arith.cmpi slt, %gather3A_331, %get3A_13 : vector<16xi32>
      %jit3A_347 = arith.constant 1 : i32
      %jit3A_348 = arith.constant 0 : i32
      %broadcast_in_dim3A_349 = vector.broadcast %jit3A_347 : i32 to vector<16xi32>
      %broadcast_in_dim3A_350 = vector.broadcast %jit3A_348 : i32 to vector<16xi32>
      %select_n3A_351 = arith.select %lt3A_346, %broadcast_in_dim3A_349, %broadcast_in_dim3A_350 : vector<16xi1>, vector<16xi32>
      %add3A_352 = arith.addi %add3A_287, %select_n3A_351 : vector<16xi32>
      %lt3A_353 = arith.cmpi slt, %gather3A_331, %get3A_15 : vector<16xi32>
      %jit3A_354 = arith.constant 1 : i32
      %jit3A_355 = arith.constant 0 : i32
      %broadcast_in_dim3A_356 = vector.broadcast %jit3A_354 : i32 to vector<16xi32>
      %broadcast_in_dim3A_357 = vector.broadcast %jit3A_355 : i32 to vector<16xi32>
      %select_n3A_358 = arith.select %lt3A_353, %broadcast_in_dim3A_356, %broadcast_in_dim3A_357 : vector<16xi1>, vector<16xi32>
      %add3A_359 = arith.addi %add3A_294, %select_n3A_358 : vector<16xi32>
      %lt3A_360 = arith.cmpi slt, %gather3A_331, %get3A_17 : vector<16xi32>
      %jit3A_361 = arith.constant 1 : i32
      %jit3A_362 = arith.constant 0 : i32
      %broadcast_in_dim3A_363 = vector.broadcast %jit3A_361 : i32 to vector<16xi32>
      %broadcast_in_dim3A_364 = vector.broadcast %jit3A_362 : i32 to vector<16xi32>
      %select_n3A_365 = arith.select %lt3A_360, %broadcast_in_dim3A_363, %broadcast_in_dim3A_364 : vector<16xi1>, vector<16xi32>
      %add3A_366 = arith.addi %add3A_301, %select_n3A_365 : vector<16xi32>
      %lt3A_367 = arith.cmpi slt, %gather3A_331, %get3A_19 : vector<16xi32>
      %jit3A_368 = arith.constant 1 : i32
      %jit3A_369 = arith.constant 0 : i32
      %broadcast_in_dim3A_370 = vector.broadcast %jit3A_368 : i32 to vector<16xi32>
      %broadcast_in_dim3A_371 = vector.broadcast %jit3A_369 : i32 to vector<16xi32>
      %select_n3A_372 = arith.select %lt3A_367, %broadcast_in_dim3A_370, %broadcast_in_dim3A_371 : vector<16xi1>, vector<16xi32>
      %add3A_373 = arith.addi %add3A_308, %select_n3A_372 : vector<16xi32>
      %lt3A_374 = arith.cmpi slt, %gather3A_331, %get3A_21 : vector<16xi32>
      %jit3A_375 = arith.constant 1 : i32
      %jit3A_376 = arith.constant 0 : i32
      %broadcast_in_dim3A_377 = vector.broadcast %jit3A_375 : i32 to vector<16xi32>
      %broadcast_in_dim3A_378 = vector.broadcast %jit3A_376 : i32 to vector<16xi32>
      %select_n3A_379 = arith.select %lt3A_374, %broadcast_in_dim3A_377, %broadcast_in_dim3A_378 : vector<16xi1>, vector<16xi32>
      %add3A_380 = arith.addi %add3A_315, %select_n3A_379 : vector<16xi32>
      %lt3A_381 = arith.cmpi slt, %gather3A_331, %get3A_23 : vector<16xi32>
      %jit3A_382 = arith.constant 1 : i32
      %jit3A_383 = arith.constant 0 : i32
      %broadcast_in_dim3A_384 = vector.broadcast %jit3A_382 : i32 to vector<16xi32>
      %broadcast_in_dim3A_385 = vector.broadcast %jit3A_383 : i32 to vector<16xi32>
      %select_n3A_386 = arith.select %lt3A_381, %broadcast_in_dim3A_384, %broadcast_in_dim3A_385 : vector<16xi1>, vector<16xi32>
      %add3A_387 = arith.addi %add3A_322, %select_n3A_386 : vector<16xi32>
      scf.yield %add3A_338, %add3A_345, %add3A_352, %add3A_359, %add3A_366, %add3A_373, %add3A_380, %add3A_387 : vector<16xi32>, vector<16xi32>, vector<16xi32>, vector<16xi32>, vector<16xi32>, vector<16xi32>, vector<16xi32>, vector<16xi32>
    }
    %scan3A_29 = arith.constant 32 : i32
    %iota3A = tpu.iota {dimensions = array<i32: 0>} : vector<16xi32>
    tpu.vector_store_idx %arg10[%scan3A_28#0], %get3A_9 : memref<128xi32, #tpu.memory_space<vmem>>[vector<16xi32>], vector<16xi32>,
    %add3A_30 = arith.constant 0 : i32
    %add3A_31 = vector.broadcast %add3A_30 : i32 to vector<16xi32>
    %add3A_32 = arith.addi %iota3A, %add3A_31 : vector<16xi32>
    tpu.vector_store_idx %arg11[%scan3A_28#0], %add3A_32 : memref<128xi32, #tpu.memory_space<vmem>>[vector<16xi32>], vector<16xi32>,
    tpu.vector_store_idx %arg10[%scan3A_28#1], %get3A_11 : memref<128xi32, #tpu.memory_space<vmem>>[vector<16xi32>], vector<16xi32>,
    %add3A_33 = arith.constant 16 : i32
    %add3A_34 = vector.broadcast %add3A_33 : i32 to vector<16xi32>
    %add3A_35 = arith.addi %iota3A, %add3A_34 : vector<16xi32>
    tpu.vector_store_idx %arg11[%scan3A_28#1], %add3A_35 : memref<128xi32, #tpu.memory_space<vmem>>[vector<16xi32>], vector<16xi32>,
    tpu.vector_store_idx %arg10[%scan3A_28#2], %get3A_13 : memref<128xi32, #tpu.memory_space<vmem>>[vector<16xi32>], vector<16xi32>,
    %add3A_36 = arith.constant 32 : i32
    %add3A_37 = vector.broadcast %add3A_36 : i32 to vector<16xi32>
    %add3A_38 = arith.addi %iota3A, %add3A_37 : vector<16xi32>
    tpu.vector_store_idx %arg11[%scan3A_28#2], %add3A_38 : memref<128xi32, #tpu.memory_space<vmem>>[vector<16xi32>], vector<16xi32>,
    tpu.vector_store_idx %arg10[%scan3A_28#3], %get3A_15 : memref<128xi32, #tpu.memory_space<vmem>>[vector<16xi32>], vector<16xi32>,
    %add3A_39 = arith.constant 48 : i32
    %add3A_40 = vector.broadcast %add3A_39 : i32 to vector<16xi32>
    %add3A_41 = arith.addi %iota3A, %add3A_40 : vector<16xi32>
    tpu.vector_store_idx %arg11[%scan3A_28#3], %add3A_41 : memref<128xi32, #tpu.memory_space<vmem>>[vector<16xi32>], vector<16xi32>,
    tpu.vector_store_idx %arg10[%scan3A_28#4], %get3A_17 : memref<128xi32, #tpu.memory_space<vmem>>[vector<16xi32>], vector<16xi32>,
    %add3A_42 = arith.constant 64 : i32
    %add3A_43 = vector.broadcast %add3A_42 : i32 to vector<16xi32>
    %add3A_44 = arith.addi %iota3A, %add3A_43 : vector<16xi32>
    tpu.vector_store_idx %arg11[%scan3A_28#4], %add3A_44 : memref<128xi32, #tpu.memory_space<vmem>>[vector<16xi32>], vector<16xi32>,
    tpu.vector_store_idx %arg10[%scan3A_28#5], %get3A_19 : memref<128xi32, #tpu.memory_space<vmem>>[vector<16xi32>], vector<16xi32>,
    %add3A_45 = arith.constant 80 : i32
    %add3A_46 = vector.broadcast %add3A_45 : i32 to vector<16xi32>
    %add3A_47 = arith.addi %iota3A, %add3A_46 : vector<16xi32>
    tpu.vector_store_idx %arg11[%scan3A_28#5], %add3A_47 : memref<128xi32, #tpu.memory_space<vmem>>[vector<16xi32>], vector<16xi32>,
    tpu.vector_store_idx %arg10[%scan3A_28#6], %get3A_21 : memref<128xi32, #tpu.memory_space<vmem>>[vector<16xi32>], vector<16xi32>,
    %add3A_48 = arith.constant 96 : i32
    %add3A_49 = vector.broadcast %add3A_48 : i32 to vector<16xi32>
    %add3A_50 = arith.addi %iota3A, %add3A_49 : vector<16xi32>
    tpu.vector_store_idx %arg11[%scan3A_28#6], %add3A_50 : memref<128xi32, #tpu.memory_space<vmem>>[vector<16xi32>], vector<16xi32>,
    tpu.vector_store_idx %arg10[%scan3A_28#7], %get3A_23 : memref<128xi32, #tpu.memory_space<vmem>>[vector<16xi32>], vector<16xi32>,
    %add3A_51 = arith.constant 112 : i32
    %add3A_52 = vector.broadcast %add3A_51 : i32 to vector<16xi32>
    %add3A_53 = arith.addi %iota3A, %add3A_52 : vector<16xi32>
    tpu.vector_store_idx %arg11[%scan3A_28#7], %add3A_53 : memref<128xi32, #tpu.memory_space<vmem>>[vector<16xi32>], vector<16xi32>,
    %broadcast_in_dim3A_54 = arith.constant 0 : i32
    %broadcast_in_dim3A_55 = vector.broadcast %broadcast_in_dim3A_54 : i32 to vector<16xi32>
    %eq3A = arith.constant 0 : i32
    %eq3A_56 = vector.broadcast %eq3A : i32 to vector<16xi32>
    %eq3A_57 = arith.cmpi eq, %iota3A, %eq3A_56 : vector<16xi32>
    %jit3A = arith.constant 63 : i32
    %broadcast_in_dim3A_58 = vector.broadcast %jit3A : i32 to vector<16xi32>
    %select_n3A = arith.select %eq3A_57, %broadcast_in_dim3A_58, %broadcast_in_dim3A_55 : vector<16xi1>, vector<16xi32>
    %eq3A_59 = arith.constant 1 : i32
    %eq3A_60 = vector.broadcast %eq3A_59 : i32 to vector<16xi32>
    %eq3A_61 = arith.cmpi eq, %iota3A, %eq3A_60 : vector<16xi32>
    %jit3A_62 = arith.constant 31 : i32
    %broadcast_in_dim3A_63 = vector.broadcast %jit3A_62 : i32 to vector<16xi32>
    %select_n3A_64 = arith.select %eq3A_61, %broadcast_in_dim3A_63, %select_n3A : vector<16xi1>, vector<16xi32>
    %eq3A_65 = arith.constant 2 : i32
    %eq3A_66 = vector.broadcast %eq3A_65 : i32 to vector<16xi32>
    %eq3A_67 = arith.cmpi eq, %iota3A, %eq3A_66 : vector<16xi32>
    %jit3A_68 = arith.constant 95 : i32
    %broadcast_in_dim3A_69 = vector.broadcast %jit3A_68 : i32 to vector<16xi32>
    %select_n3A_70 = arith.select %eq3A_67, %broadcast_in_dim3A_69, %select_n3A_64 : vector<16xi1>, vector<16xi32>
    %eq3A_71 = arith.constant 3 : i32
    %eq3A_72 = vector.broadcast %eq3A_71 : i32 to vector<16xi32>
    %eq3A_73 = arith.cmpi eq, %iota3A, %eq3A_72 : vector<16xi32>
    %jit3A_74 = arith.constant 15 : i32
    %broadcast_in_dim3A_75 = vector.broadcast %jit3A_74 : i32 to vector<16xi32>
    %select_n3A_76 = arith.select %eq3A_73, %broadcast_in_dim3A_75, %select_n3A_70 : vector<16xi1>, vector<16xi32>
    %eq3A_77 = arith.constant 4 : i32
    %eq3A_78 = vector.broadcast %eq3A_77 : i32 to vector<16xi32>
    %eq3A_79 = arith.cmpi eq, %iota3A, %eq3A_78 : vector<16xi32>
    %jit3A_80 = arith.constant 47 : i32
    %broadcast_in_dim3A_81 = vector.broadcast %jit3A_80 : i32 to vector<16xi32>
    %select_n3A_82 = arith.select %eq3A_79, %broadcast_in_dim3A_81, %select_n3A_76 : vector<16xi1>, vector<16xi32>
    %eq3A_83 = arith.constant 5 : i32
    %eq3A_84 = vector.broadcast %eq3A_83 : i32 to vector<16xi32>
    %eq3A_85 = arith.cmpi eq, %iota3A, %eq3A_84 : vector<16xi32>
    %jit3A_86 = arith.constant 79 : i32
    %broadcast_in_dim3A_87 = vector.broadcast %jit3A_86 : i32 to vector<16xi32>
    %select_n3A_88 = arith.select %eq3A_85, %broadcast_in_dim3A_87, %select_n3A_82 : vector<16xi1>, vector<16xi32>
    %eq3A_89 = arith.constant 6 : i32
    %eq3A_90 = vector.broadcast %eq3A_89 : i32 to vector<16xi32>
    %eq3A_91 = arith.cmpi eq, %iota3A, %eq3A_90 : vector<16xi32>
    %jit3A_92 = arith.constant 111 : i32
    %broadcast_in_dim3A_93 = vector.broadcast %jit3A_92 : i32 to vector<16xi32>
    %select_n3A_94 = arith.select %eq3A_91, %broadcast_in_dim3A_93, %select_n3A_88 : vector<16xi1>, vector<16xi32>
    %gather3A = tpu.vector_load_idx %arg10[%select_n3A_94] : memref<128xi32, #tpu.memory_space<vmem>>[vector<16xi32>], vector<16xi32>,
    %dma_wait3A = tpu.memref_slice %arg2[%min3A_3] : memref<500000xi32, #tpu.memory_space<hbm>> -> memref<7936xi32, #tpu.memory_space<hbm>>
    %dma_wait3A_95 = tpu.memref_slice %arg2[%min3A_3] : memref<500000xi32, #tpu.memory_space<hbm>> -> memref<7936xi32, #tpu.memory_space<hbm>>
    tpu.wait_dma2 semaphore(%arg12 : memref<!tpu.dma_semaphore, #tpu.memory_space<semaphore_mem>>) src(%dma_wait3A_95 : memref<7936xi32, #tpu.memory_space<hbm>>) dst(%arg5 : memref<7936xi32, #tpu.memory_space<vmem>>)
    %scan3A_96 = arith.constant 0 : i32
    %scan3A_97 = arith.constant 0 : i32
    %scan3A_98 = arith.constant 31 : i32
    %scan3A_99 = arith.addi %scan3A_97, %scan3A_98 : i32
    %scan3A_100 = arith.constant 1 : i32
    scf.for %scan3A_120 = %scan3A_97 to %scan3A_99 step %scan3A_100  : i32 {
      %mul3A_121 = arith.constant 256 : i32
      %mul3A_122 = arith.muli %scan3A_120, %mul3A_121 : i32
      %add3A_123 = arith.constant 0 : i32
      %add3A_124 = arith.addi %mul3A_122, %add3A_123 : i32
      %get3A_125 = arith.index_cast %add3A_124 : i32 to index
      %get3A_126 = tpu.vector_load %arg5[%get3A_125] {strides = array<i32>} : memref<7936xi32, #tpu.memory_space<vmem>>, vector<16xi32>,
      %add3A_127 = arith.constant 16 : i32
      %add3A_128 = arith.addi %mul3A_122, %add3A_127 : i32
      %get3A_129 = arith.index_cast %add3A_128 : i32 to index
      %get3A_130 = tpu.vector_load %arg5[%get3A_129] {strides = array<i32>} : memref<7936xi32, #tpu.memory_space<vmem>>, vector<16xi32>,
      %add3A_131 = arith.constant 32 : i32
      %add3A_132 = arith.addi %mul3A_122, %add3A_131 : i32
      %get3A_133 = arith.index_cast %add3A_132 : i32 to index
      %get3A_134 = tpu.vector_load %arg5[%get3A_133] {strides = array<i32>} : memref<7936xi32, #tpu.memory_space<vmem>>, vector<16xi32>,
      %add3A_135 = arith.constant 48 : i32
      %add3A_136 = arith.addi %mul3A_122, %add3A_135 : i32
      %get3A_137 = arith.index_cast %add3A_136 : i32 to index
      %get3A_138 = tpu.vector_load %arg5[%get3A_137] {strides = array<i32>} : memref<7936xi32, #tpu.memory_space<vmem>>, vector<16xi32>,
      %add3A_139 = arith.constant 64 : i32
      %add3A_140 = arith.addi %mul3A_122, %add3A_139 : i32
      %get3A_141 = arith.index_cast %add3A_140 : i32 to index
      %get3A_142 = tpu.vector_load %arg5[%get3A_141] {strides = array<i32>} : memref<7936xi32, #tpu.memory_space<vmem>>, vector<16xi32>,
      %add3A_143 = arith.constant 80 : i32
      %add3A_144 = arith.addi %mul3A_122, %add3A_143 : i32
      %get3A_145 = arith.index_cast %add3A_144 : i32 to index
      %get3A_146 = tpu.vector_load %arg5[%get3A_145] {strides = array<i32>} : memref<7936xi32, #tpu.memory_space<vmem>>, vector<16xi32>,
      %add3A_147 = arith.constant 96 : i32
      %add3A_148 = arith.addi %mul3A_122, %add3A_147 : i32
      %get3A_149 = arith.index_cast %add3A_148 : i32 to index
      %get3A_150 = tpu.vector_load %arg5[%get3A_149] {strides = array<i32>} : memref<7936xi32, #tpu.memory_space<vmem>>, vector<16xi32>,
      %add3A_151 = arith.constant 112 : i32
      %add3A_152 = arith.addi %mul3A_122, %add3A_151 : i32
      %get3A_153 = arith.index_cast %add3A_152 : i32 to index
      %get3A_154 = tpu.vector_load %arg5[%get3A_153] {strides = array<i32>} : memref<7936xi32, #tpu.memory_space<vmem>>, vector<16xi32>,
      %add3A_155 = arith.constant 128 : i32
      %add3A_156 = arith.addi %mul3A_122, %add3A_155 : i32
      %get3A_157 = arith.index_cast %add3A_156 : i32 to index
      %get3A_158 = tpu.vector_load %arg5[%get3A_157] {strides = array<i32>} : memref<7936xi32, #tpu.memory_space<vmem>>, vector<16xi32>,
      %add3A_159 = arith.constant 144 : i32
      %add3A_160 = arith.addi %mul3A_122, %add3A_159 : i32
      %get3A_161 = arith.index_cast %add3A_160 : i32 to index
      %get3A_162 = tpu.vector_load %arg5[%get3A_161] {strides = array<i32>} : memref<7936xi32, #tpu.memory_space<vmem>>, vector<16xi32>,
      %add3A_163 = arith.constant 160 : i32
      %add3A_164 = arith.addi %mul3A_122, %add3A_163 : i32
      %get3A_165 = arith.index_cast %add3A_164 : i32 to index
      %get3A_166 = tpu.vector_load %arg5[%get3A_165] {strides = array<i32>} : memref<7936xi32, #tpu.memory_space<vmem>>, vector<16xi32>,
      %add3A_167 = arith.constant 176 : i32
      %add3A_168 = arith.addi %mul3A_122, %add3A_167 : i32
      %get3A_169 = arith.index_cast %add3A_168 : i32 to index
      %get3A_170 = tpu.vector_load %arg5[%get3A_169] {strides = array<i32>} : memref<7936xi32, #tpu.memory_space<vmem>>, vector<16xi32>,
      %add3A_171 = arith.constant 192 : i32
      %add3A_172 = arith.addi %mul3A_122, %add3A_171 : i32
      %get3A_173 = arith.index_cast %add3A_172 : i32 to index
      %get3A_174 = tpu.vector_load %arg5[%get3A_173] {strides = array<i32>} : memref<7936xi32, #tpu.memory_space<vmem>>, vector<16xi32>,
      %add3A_175 = arith.constant 208 : i32
      %add3A_176 = arith.addi %mul3A_122, %add3A_175 : i32
      %get3A_177 = arith.index_cast %add3A_176 : i32 to index
      %get3A_178 = tpu.vector_load %arg5[%get3A_177] {strides = array<i32>} : memref<7936xi32, #tpu.memory_space<vmem>>, vector<16xi32>,
      %add3A_179 = arith.constant 224 : i32
      %add3A_180 = arith.addi %mul3A_122, %add3A_179 : i32
      %get3A_181 = arith.index_cast %add3A_180 : i32 to index
      %get3A_182 = tpu.vector_load %arg5[%get3A_181] {strides = array<i32>} : memref<7936xi32, #tpu.memory_space<vmem>>, vector<16xi32>,
      %add3A_183 = arith.constant 240 : i32
      %add3A_184 = arith.addi %mul3A_122, %add3A_183 : i32
      %get3A_185 = arith.index_cast %add3A_184 : i32 to index
      %get3A_186 = tpu.vector_load %arg5[%get3A_185] {strides = array<i32>} : memref<7936xi32, #tpu.memory_space<vmem>>, vector<16xi32>,
      %broadcast_in_dim3A_187 = arith.constant 0 : i32
      %broadcast_in_dim3A_188 = vector.broadcast %broadcast_in_dim3A_187 : i32 to vector<16xi32>
      %broadcast_in_dim3A_189 = arith.constant 0 : i32
      %broadcast_in_dim3A_190 = vector.broadcast %broadcast_in_dim3A_189 : i32 to vector<16xi32>
      %broadcast_in_dim3A_191 = arith.constant 0 : i32
      %broadcast_in_dim3A_192 = vector.broadcast %broadcast_in_dim3A_191 : i32 to vector<16xi32>
      %broadcast_in_dim3A_193 = arith.constant 0 : i32
      %broadcast_in_dim3A_194 = vector.broadcast %broadcast_in_dim3A_193 : i32 to vector<16xi32>
      %broadcast_in_dim3A_195 = arith.constant 0 : i32
      %broadcast_in_dim3A_196 = vector.broadcast %broadcast_in_dim3A_195 : i32 to vector<16xi32>
      %broadcast_in_dim3A_197 = arith.constant 0 : i32
      %broadcast_in_dim3A_198 = vector.broadcast %broadcast_in_dim3A_197 : i32 to vector<16xi32>
      %broadcast_in_dim3A_199 = arith.constant 0 : i32
      %broadcast_in_dim3A_200 = vector.broadcast %broadcast_in_dim3A_199 : i32 to vector<16xi32>
      %broadcast_in_dim3A_201 = arith.constant 0 : i32
      %broadcast_in_dim3A_202 = vector.broadcast %broadcast_in_dim3A_201 : i32 to vector<16xi32>
      %broadcast_in_dim3A_203 = arith.constant 0 : i32
      %broadcast_in_dim3A_204 = vector.broadcast %broadcast_in_dim3A_203 : i32 to vector<16xi32>
      %broadcast_in_dim3A_205 = arith.constant 0 : i32
      %broadcast_in_dim3A_206 = vector.broadcast %broadcast_in_dim3A_205 : i32 to vector<16xi32>
      %broadcast_in_dim3A_207 = arith.constant 0 : i32
      %broadcast_in_dim3A_208 = vector.broadcast %broadcast_in_dim3A_207 : i32 to vector<16xi32>
      %broadcast_in_dim3A_209 = arith.constant 0 : i32
      %broadcast_in_dim3A_210 = vector.broadcast %broadcast_in_dim3A_209 : i32 to vector<16xi32>
      %broadcast_in_dim3A_211 = arith.constant 0 : i32
      %broadcast_in_dim3A_212 = vector.broadcast %broadcast_in_dim3A_211 : i32 to vector<16xi32>
      %broadcast_in_dim3A_213 = arith.constant 0 : i32
      %broadcast_in_dim3A_214 = vector.broadcast %broadcast_in_dim3A_213 : i32 to vector<16xi32>
      %broadcast_in_dim3A_215 = arith.constant 0 : i32
      %broadcast_in_dim3A_216 = vector.broadcast %broadcast_in_dim3A_215 : i32 to vector<16xi32>
      %broadcast_in_dim3A_217 = arith.constant 0 : i32
      %broadcast_in_dim3A_218 = vector.broadcast %broadcast_in_dim3A_217 : i32 to vector<16xi32>
      %lt3A = arith.constant 0 : i32
      %lt3A_219 = vector.broadcast %lt3A : i32 to vector<16xi32>
      %lt3A_220 = arith.cmpi slt, %broadcast_in_dim3A_188, %lt3A_219 : vector<16xi32>
      %add3A_221 = arith.constant 16 : i32
      %add3A_222 = vector.broadcast %add3A_221 : i32 to vector<16xi32>
      %add3A_223 = arith.addi %broadcast_in_dim3A_188, %add3A_222 : vector<16xi32>
      %select_n3A_224 = arith.select %lt3A_220, %add3A_223, %broadcast_in_dim3A_188 : vector<16xi1>, vector<16xi32>
      %reshape3A = vector.shape_cast %select_n3A_224 : vector<16xi32> to vector<16x1xi32>
      %gather3A_225 = vector.shape_cast %reshape3A : vector<16x1xi32> to vector<16xi32>
      %gather3A_226 = tpu.dynamic_gather %gather3A[%gather3A_225] in [0] : vector<16xi32>, vector<16xi32> -> vector<16xi32>
      %add3A_227 = arith.addi %broadcast_in_dim3A_188, %broadcast_in_dim3A_188 : vector<16xi32>
      %lt3A_228 = arith.cmpi slt, %gather3A_226, %get3A_126 : vector<16xi32>
      %jit3A_229 = arith.constant 2 : i32
      %jit3A_230 = arith.constant 1 : i32
      %broadcast_in_dim3A_231 = vector.broadcast %jit3A_229 : i32 to vector<16xi32>
      %broadcast_in_dim3A_232 = vector.broadcast %jit3A_230 : i32 to vector<16xi32>
      %select_n3A_233 = arith.select %lt3A_228, %broadcast_in_dim3A_231, %broadcast_in_dim3A_232 : vector<16xi1>, vector<16xi32>
      %add3A_234 = arith.addi %add3A_227, %select_n3A_233 : vector<16xi32>
      %lt3A_235 = arith.constant 0 : i32
      %lt3A_236 = vector.broadcast %lt3A_235 : i32 to vector<16xi32>
      %lt3A_237 = arith.cmpi slt, %broadcast_in_dim3A_190, %lt3A_236 : vector<16xi32>
      %add3A_238 = arith.constant 16 : i32
      %add3A_239 = vector.broadcast %add3A_238 : i32 to vector<16xi32>
      %add3A_240 = arith.addi %broadcast_in_dim3A_190, %add3A_239 : vector<16xi32>
      %select_n3A_241 = arith.select %lt3A_237, %add3A_240, %broadcast_in_dim3A_190 : vector<16xi1>, vector<16xi32>
      %reshape3A_242 = vector.shape_cast %select_n3A_241 : vector<16xi32> to vector<16x1xi32>
      %gather3A_243 = vector.shape_cast %reshape3A_242 : vector<16x1xi32> to vector<16xi32>
      %gather3A_244 = tpu.dynamic_gather %gather3A[%gather3A_243] in [0] : vector<16xi32>, vector<16xi32> -> vector<16xi32>
      %add3A_245 = arith.addi %broadcast_in_dim3A_190, %broadcast_in_dim3A_190 : vector<16xi32>
      %lt3A_246 = arith.cmpi slt, %gather3A_244, %get3A_130 : vector<16xi32>
      %jit3A_247 = arith.constant 2 : i32
      %jit3A_248 = arith.constant 1 : i32
      %broadcast_in_dim3A_249 = vector.broadcast %jit3A_247 : i32 to vector<16xi32>
      %broadcast_in_dim3A_250 = vector.broadcast %jit3A_248 : i32 to vector<16xi32>
      %select_n3A_251 = arith.select %lt3A_246, %broadcast_in_dim3A_249, %broadcast_in_dim3A_250 : vector<16xi1>, vector<16xi32>
      %add3A_252 = arith.addi %add3A_245, %select_n3A_251 : vector<16xi32>
      %lt3A_253 = arith.constant 0 : i32
      %lt3A_254 = vector.broadcast %lt3A_253 : i32 to vector<16xi32>
      %lt3A_255 = arith.cmpi slt, %broadcast_in_dim3A_192, %lt3A_254 : vector<16xi32>
      %add3A_256 = arith.constant 16 : i32
      %add3A_257 = vector.broadcast %add3A_256 : i32 to vector<16xi32>
      %add3A_258 = arith.addi %broadcast_in_dim3A_192, %add3A_257 : vector<16xi32>
      %select_n3A_259 = arith.select %lt3A_255, %add3A_258, %broadcast_in_dim3A_192 : vector<16xi1>, vector<16xi32>
      %reshape3A_260 = vector.shape_cast %select_n3A_259 : vector<16xi32> to vector<16x1xi32>
      %gather3A_261 = vector.shape_cast %reshape3A_260 : vector<16x1xi32> to vector<16xi32>
      %gather3A_262 = tpu.dynamic_gather %gather3A[%gather3A_261] in [0] : vector<16xi32>, vector<16xi32> -> vector<16xi32>
      %add3A_263 = arith.addi %broadcast_in_dim3A_192, %broadcast_in_dim3A_192 : vector<16xi32>
      %lt3A_264 = arith.cmpi slt, %gather3A_262, %get3A_134 : vector<16xi32>
      %jit3A_265 = arith.constant 2 : i32
      %jit3A_266 = arith.constant 1 : i32
      %broadcast_in_dim3A_267 = vector.broadcast %jit3A_265 : i32 to vector<16xi32>
      %broadcast_in_dim3A_268 = vector.broadcast %jit3A_266 : i32 to vector<16xi32>
      %select_n3A_269 = arith.select %lt3A_264, %broadcast_in_dim3A_267, %broadcast_in_dim3A_268 : vector<16xi1>, vector<16xi32>
      %add3A_270 = arith.addi %add3A_263, %select_n3A_269 : vector<16xi32>
      %lt3A_271 = arith.constant 0 : i32
      %lt3A_272 = vector.broadcast %lt3A_271 : i32 to vector<16xi32>
      %lt3A_273 = arith.cmpi slt, %broadcast_in_dim3A_194, %lt3A_272 : vector<16xi32>
      %add3A_274 = arith.constant 16 : i32
      %add3A_275 = vector.broadcast %add3A_274 : i32 to vector<16xi32>
      %add3A_276 = arith.addi %broadcast_in_dim3A_194, %add3A_275 : vector<16xi32>
      %select_n3A_277 = arith.select %lt3A_273, %add3A_276, %broadcast_in_dim3A_194 : vector<16xi1>, vector<16xi32>
      %reshape3A_278 = vector.shape_cast %select_n3A_277 : vector<16xi32> to vector<16x1xi32>
      %gather3A_279 = vector.shape_cast %reshape3A_278 : vector<16x1xi32> to vector<16xi32>
      %gather3A_280 = tpu.dynamic_gather %gather3A[%gather3A_279] in [0] : vector<16xi32>, vector<16xi32> -> vector<16xi32>
      %add3A_281 = arith.addi %broadcast_in_dim3A_194, %broadcast_in_dim3A_194 : vector<16xi32>
      %lt3A_282 = arith.cmpi slt, %gather3A_280, %get3A_138 : vector<16xi32>
      %jit3A_283 = arith.constant 2 : i32
      %jit3A_284 = arith.constant 1 : i32
      %broadcast_in_dim3A_285 = vector.broadcast %jit3A_283 : i32 to vector<16xi32>
      %broadcast_in_dim3A_286 = vector.broadcast %jit3A_284 : i32 to vector<16xi32>
      %select_n3A_287 = arith.select %lt3A_282, %broadcast_in_dim3A_285, %broadcast_in_dim3A_286 : vector<16xi1>, vector<16xi32>
      %add3A_288 = arith.addi %add3A_281, %select_n3A_287 : vector<16xi32>
      %lt3A_289 = arith.constant 0 : i32
      %lt3A_290 = vector.broadcast %lt3A_289 : i32 to vector<16xi32>
      %lt3A_291 = arith.cmpi slt, %broadcast_in_dim3A_196, %lt3A_290 : vector<16xi32>
      %add3A_292 = arith.constant 16 : i32
      %add3A_293 = vector.broadcast %add3A_292 : i32 to vector<16xi32>
      %add3A_294 = arith.addi %broadcast_in_dim3A_196, %add3A_293 : vector<16xi32>
      %select_n3A_295 = arith.select %lt3A_291, %add3A_294, %broadcast_in_dim3A_196 : vector<16xi1>, vector<16xi32>
      %reshape3A_296 = vector.shape_cast %select_n3A_295 : vector<16xi32> to vector<16x1xi32>
      %gather3A_297 = vector.shape_cast %reshape3A_296 : vector<16x1xi32> to vector<16xi32>
      %gather3A_298 = tpu.dynamic_gather %gather3A[%gather3A_297] in [0] : vector<16xi32>, vector<16xi32> -> vector<16xi32>
      %add3A_299 = arith.addi %broadcast_in_dim3A_196, %broadcast_in_dim3A_196 : vector<16xi32>
      %lt3A_300 = arith.cmpi slt, %gather3A_298, %get3A_142 : vector<16xi32>
      %jit3A_301 = arith.constant 2 : i32
      %jit3A_302 = arith.constant 1 : i32
      %broadcast_in_dim3A_303 = vector.broadcast %jit3A_301 : i32 to vector<16xi32>
      %broadcast_in_dim3A_304 = vector.broadcast %jit3A_302 : i32 to vector<16xi32>
      %select_n3A_305 = arith.select %lt3A_300, %broadcast_in_dim3A_303, %broadcast_in_dim3A_304 : vector<16xi1>, vector<16xi32>
      %add3A_306 = arith.addi %add3A_299, %select_n3A_305 : vector<16xi32>
      %lt3A_307 = arith.constant 0 : i32
      %lt3A_308 = vector.broadcast %lt3A_307 : i32 to vector<16xi32>
      %lt3A_309 = arith.cmpi slt, %broadcast_in_dim3A_198, %lt3A_308 : vector<16xi32>
      %add3A_310 = arith.constant 16 : i32
      %add3A_311 = vector.broadcast %add3A_310 : i32 to vector<16xi32>
      %add3A_312 = arith.addi %broadcast_in_dim3A_198, %add3A_311 : vector<16xi32>
      %select_n3A_313 = arith.select %lt3A_309, %add3A_312, %broadcast_in_dim3A_198 : vector<16xi1>, vector<16xi32>
      %reshape3A_314 = vector.shape_cast %select_n3A_313 : vector<16xi32> to vector<16x1xi32>
      %gather3A_315 = vector.shape_cast %reshape3A_314 : vector<16x1xi32> to vector<16xi32>
      %gather3A_316 = tpu.dynamic_gather %gather3A[%gather3A_315] in [0] : vector<16xi32>, vector<16xi32> -> vector<16xi32>
      %add3A_317 = arith.addi %broadcast_in_dim3A_198, %broadcast_in_dim3A_198 : vector<16xi32>
      %lt3A_318 = arith.cmpi slt, %gather3A_316, %get3A_146 : vector<16xi32>
      %jit3A_319 = arith.constant 2 : i32
      %jit3A_320 = arith.constant 1 : i32
      %broadcast_in_dim3A_321 = vector.broadcast %jit3A_319 : i32 to vector<16xi32>
      %broadcast_in_dim3A_322 = vector.broadcast %jit3A_320 : i32 to vector<16xi32>
      %select_n3A_323 = arith.select %lt3A_318, %broadcast_in_dim3A_321, %broadcast_in_dim3A_322 : vector<16xi1>, vector<16xi32>
      %add3A_324 = arith.addi %add3A_317, %select_n3A_323 : vector<16xi32>
      %lt3A_325 = arith.constant 0 : i32
      %lt3A_326 = vector.broadcast %lt3A_325 : i32 to vector<16xi32>
      %lt3A_327 = arith.cmpi slt, %broadcast_in_dim3A_200, %lt3A_326 : vector<16xi32>
      %add3A_328 = arith.constant 16 : i32
      %add3A_329 = vector.broadcast %add3A_328 : i32 to vector<16xi32>
      %add3A_330 = arith.addi %broadcast_in_dim3A_200, %add3A_329 : vector<16xi32>
      %select_n3A_331 = arith.select %lt3A_327, %add3A_330, %broadcast_in_dim3A_200 : vector<16xi1>, vector<16xi32>
      %reshape3A_332 = vector.shape_cast %select_n3A_331 : vector<16xi32> to vector<16x1xi32>
      %gather3A_333 = vector.shape_cast %reshape3A_332 : vector<16x1xi32> to vector<16xi32>
      %gather3A_334 = tpu.dynamic_gather %gather3A[%gather3A_333] in [0] : vector<16xi32>, vector<16xi32> -> vector<16xi32>
      %add3A_335 = arith.addi %broadcast_in_dim3A_200, %broadcast_in_dim3A_200 : vector<16xi32>
      %lt3A_336 = arith.cmpi slt, %gather3A_334, %get3A_150 : vector<16xi32>
      %jit3A_337 = arith.constant 2 : i32
      %jit3A_338 = arith.constant 1 : i32
      %broadcast_in_dim3A_339 = vector.broadcast %jit3A_337 : i32 to vector<16xi32>
      %broadcast_in_dim3A_340 = vector.broadcast %jit3A_338 : i32 to vector<16xi32>
      %select_n3A_341 = arith.select %lt3A_336, %broadcast_in_dim3A_339, %broadcast_in_dim3A_340 : vector<16xi1>, vector<16xi32>
      %add3A_342 = arith.addi %add3A_335, %select_n3A_341 : vector<16xi32>
      %lt3A_343 = arith.constant 0 : i32
      %lt3A_344 = vector.broadcast %lt3A_343 : i32 to vector<16xi32>
      %lt3A_345 = arith.cmpi slt, %broadcast_in_dim3A_202, %lt3A_344 : vector<16xi32>
      %add3A_346 = arith.constant 16 : i32
      %add3A_347 = vector.broadcast %add3A_346 : i32 to vector<16xi32>
      %add3A_348 = arith.addi %broadcast_in_dim3A_202, %add3A_347 : vector<16xi32>
      %select_n3A_349 = arith.select %lt3A_345, %add3A_348, %broadcast_in_dim3A_202 : vector<16xi1>, vector<16xi32>
      %reshape3A_350 = vector.shape_cast %select_n3A_349 : vector<16xi32> to vector<16x1xi32>
      %gather3A_351 = vector.shape_cast %reshape3A_350 : vector<16x1xi32> to vector<16xi32>
      %gather3A_352 = tpu.dynamic_gather %gather3A[%gather3A_351] in [0] : vector<16xi32>, vector<16xi32> -> vector<16xi32>
      %add3A_353 = arith.addi %broadcast_in_dim3A_202, %broadcast_in_dim3A_202 : vector<16xi32>
      %lt3A_354 = arith.cmpi slt, %gather3A_352, %get3A_154 : vector<16xi32>
      %jit3A_355 = arith.constant 2 : i32
      %jit3A_356 = arith.constant 1 : i32
      %broadcast_in_dim3A_357 = vector.broadcast %jit3A_355 : i32 to vector<16xi32>
      %broadcast_in_dim3A_358 = vector.broadcast %jit3A_356 : i32 to vector<16xi32>
      %select_n3A_359 = arith.select %lt3A_354, %broadcast_in_dim3A_357, %broadcast_in_dim3A_358 : vector<16xi1>, vector<16xi32>
      %add3A_360 = arith.addi %add3A_353, %select_n3A_359 : vector<16xi32>
      %lt3A_361 = arith.constant 0 : i32
      %lt3A_362 = vector.broadcast %lt3A_361 : i32 to vector<16xi32>
      %lt3A_363 = arith.cmpi slt, %broadcast_in_dim3A_204, %lt3A_362 : vector<16xi32>
      %add3A_364 = arith.constant 16 : i32
      %add3A_365 = vector.broadcast %add3A_364 : i32 to vector<16xi32>
      %add3A_366 = arith.addi %broadcast_in_dim3A_204, %add3A_365 : vector<16xi32>
      %select_n3A_367 = arith.select %lt3A_363, %add3A_366, %broadcast_in_dim3A_204 : vector<16xi1>, vector<16xi32>
      %reshape3A_368 = vector.shape_cast %select_n3A_367 : vector<16xi32> to vector<16x1xi32>
      %gather3A_369 = vector.shape_cast %reshape3A_368 : vector<16x1xi32> to vector<16xi32>
      %gather3A_370 = tpu.dynamic_gather %gather3A[%gather3A_369] in [0] : vector<16xi32>, vector<16xi32> -> vector<16xi32>
      %add3A_371 = arith.addi %broadcast_in_dim3A_204, %broadcast_in_dim3A_204 : vector<16xi32>
      %lt3A_372 = arith.cmpi slt, %gather3A_370, %get3A_158 : vector<16xi32>
      %jit3A_373 = arith.constant 2 : i32
      %jit3A_374 = arith.constant 1 : i32
      %broadcast_in_dim3A_375 = vector.broadcast %jit3A_373 : i32 to vector<16xi32>
      %broadcast_in_dim3A_376 = vector.broadcast %jit3A_374 : i32 to vector<16xi32>
      %select_n3A_377 = arith.select %lt3A_372, %broadcast_in_dim3A_375, %broadcast_in_dim3A_376 : vector<16xi1>, vector<16xi32>
      %add3A_378 = arith.addi %add3A_371, %select_n3A_377 : vector<16xi32>
      %lt3A_379 = arith.constant 0 : i32
      %lt3A_380 = vector.broadcast %lt3A_379 : i32 to vector<16xi32>
      %lt3A_381 = arith.cmpi slt, %broadcast_in_dim3A_206, %lt3A_380 : vector<16xi32>
      %add3A_382 = arith.constant 16 : i32
      %add3A_383 = vector.broadcast %add3A_382 : i32 to vector<16xi32>
      %add3A_384 = arith.addi %broadcast_in_dim3A_206, %add3A_383 : vector<16xi32>
      %select_n3A_385 = arith.select %lt3A_381, %add3A_384, %broadcast_in_dim3A_206 : vector<16xi1>, vector<16xi32>
      %reshape3A_386 = vector.shape_cast %select_n3A_385 : vector<16xi32> to vector<16x1xi32>
      %gather3A_387 = vector.shape_cast %reshape3A_386 : vector<16x1xi32> to vector<16xi32>
      %gather3A_388 = tpu.dynamic_gather %gather3A[%gather3A_387] in [0] : vector<16xi32>, vector<16xi32> -> vector<16xi32>
      %add3A_389 = arith.addi %broadcast_in_dim3A_206, %broadcast_in_dim3A_206 : vector<16xi32>
      %lt3A_390 = arith.cmpi slt, %gather3A_388, %get3A_162 : vector<16xi32>
      %jit3A_391 = arith.constant 2 : i32
      %jit3A_392 = arith.constant 1 : i32
      %broadcast_in_dim3A_393 = vector.broadcast %jit3A_391 : i32 to vector<16xi32>
      %broadcast_in_dim3A_394 = vector.broadcast %jit3A_392 : i32 to vector<16xi32>
      %select_n3A_395 = arith.select %lt3A_390, %broadcast_in_dim3A_393, %broadcast_in_dim3A_394 : vector<16xi1>, vector<16xi32>
      %add3A_396 = arith.addi %add3A_389, %select_n3A_395 : vector<16xi32>
      %lt3A_397 = arith.constant 0 : i32
      %lt3A_398 = vector.broadcast %lt3A_397 : i32 to vector<16xi32>
      %lt3A_399 = arith.cmpi slt, %broadcast_in_dim3A_208, %lt3A_398 : vector<16xi32>
      %add3A_400 = arith.constant 16 : i32
      %add3A_401 = vector.broadcast %add3A_400 : i32 to vector<16xi32>
      %add3A_402 = arith.addi %broadcast_in_dim3A_208, %add3A_401 : vector<16xi32>
      %select_n3A_403 = arith.select %lt3A_399, %add3A_402, %broadcast_in_dim3A_208 : vector<16xi1>, vector<16xi32>
      %reshape3A_404 = vector.shape_cast %select_n3A_403 : vector<16xi32> to vector<16x1xi32>
      %gather3A_405 = vector.shape_cast %reshape3A_404 : vector<16x1xi32> to vector<16xi32>
      %gather3A_406 = tpu.dynamic_gather %gather3A[%gather3A_405] in [0] : vector<16xi32>, vector<16xi32> -> vector<16xi32>
      %add3A_407 = arith.addi %broadcast_in_dim3A_208, %broadcast_in_dim3A_208 : vector<16xi32>
      %lt3A_408 = arith.cmpi slt, %gather3A_406, %get3A_166 : vector<16xi32>
      %jit3A_409 = arith.constant 2 : i32
      %jit3A_410 = arith.constant 1 : i32
      %broadcast_in_dim3A_411 = vector.broadcast %jit3A_409 : i32 to vector<16xi32>
      %broadcast_in_dim3A_412 = vector.broadcast %jit3A_410 : i32 to vector<16xi32>
      %select_n3A_413 = arith.select %lt3A_408, %broadcast_in_dim3A_411, %broadcast_in_dim3A_412 : vector<16xi1>, vector<16xi32>
      %add3A_414 = arith.addi %add3A_407, %select_n3A_413 : vector<16xi32>
      %lt3A_415 = arith.constant 0 : i32
      %lt3A_416 = vector.broadcast %lt3A_415 : i32 to vector<16xi32>
      %lt3A_417 = arith.cmpi slt, %broadcast_in_dim3A_210, %lt3A_416 : vector<16xi32>
      %add3A_418 = arith.constant 16 : i32
      %add3A_419 = vector.broadcast %add3A_418 : i32 to vector<16xi32>
      %add3A_420 = arith.addi %broadcast_in_dim3A_210, %add3A_419 : vector<16xi32>
      %select_n3A_421 = arith.select %lt3A_417, %add3A_420, %broadcast_in_dim3A_210 : vector<16xi1>, vector<16xi32>
      %reshape3A_422 = vector.shape_cast %select_n3A_421 : vector<16xi32> to vector<16x1xi32>
      %gather3A_423 = vector.shape_cast %reshape3A_422 : vector<16x1xi32> to vector<16xi32>
      %gather3A_424 = tpu.dynamic_gather %gather3A[%gather3A_423] in [0] : vector<16xi32>, vector<16xi32> -> vector<16xi32>
      %add3A_425 = arith.addi %broadcast_in_dim3A_210, %broadcast_in_dim3A_210 : vector<16xi32>
      %lt3A_426 = arith.cmpi slt, %gather3A_424, %get3A_170 : vector<16xi32>
      %jit3A_427 = arith.constant 2 : i32
      %jit3A_428 = arith.constant 1 : i32
      %broadcast_in_dim3A_429 = vector.broadcast %jit3A_427 : i32 to vector<16xi32>
      %broadcast_in_dim3A_430 = vector.broadcast %jit3A_428 : i32 to vector<16xi32>
      %select_n3A_431 = arith.select %lt3A_426, %broadcast_in_dim3A_429, %broadcast_in_dim3A_430 : vector<16xi1>, vector<16xi32>
      %add3A_432 = arith.addi %add3A_425, %select_n3A_431 : vector<16xi32>
      %lt3A_433 = arith.constant 0 : i32
      %lt3A_434 = vector.broadcast %lt3A_433 : i32 to vector<16xi32>
      %lt3A_435 = arith.cmpi slt, %broadcast_in_dim3A_212, %lt3A_434 : vector<16xi32>
      %add3A_436 = arith.constant 16 : i32
      %add3A_437 = vector.broadcast %add3A_436 : i32 to vector<16xi32>
      %add3A_438 = arith.addi %broadcast_in_dim3A_212, %add3A_437 : vector<16xi32>
      %select_n3A_439 = arith.select %lt3A_435, %add3A_438, %broadcast_in_dim3A_212 : vector<16xi1>, vector<16xi32>
      %reshape3A_440 = vector.shape_cast %select_n3A_439 : vector<16xi32> to vector<16x1xi32>
      %gather3A_441 = vector.shape_cast %reshape3A_440 : vector<16x1xi32> to vector<16xi32>
      %gather3A_442 = tpu.dynamic_gather %gather3A[%gather3A_441] in [0] : vector<16xi32>, vector<16xi32> -> vector<16xi32>
      %add3A_443 = arith.addi %broadcast_in_dim3A_212, %broadcast_in_dim3A_212 : vector<16xi32>
      %lt3A_444 = arith.cmpi slt, %gather3A_442, %get3A_174 : vector<16xi32>
      %jit3A_445 = arith.constant 2 : i32
      %jit3A_446 = arith.constant 1 : i32
      %broadcast_in_dim3A_447 = vector.broadcast %jit3A_445 : i32 to vector<16xi32>
      %broadcast_in_dim3A_448 = vector.broadcast %jit3A_446 : i32 to vector<16xi32>
      %select_n3A_449 = arith.select %lt3A_444, %broadcast_in_dim3A_447, %broadcast_in_dim3A_448 : vector<16xi1>, vector<16xi32>
      %add3A_450 = arith.addi %add3A_443, %select_n3A_449 : vector<16xi32>
      %lt3A_451 = arith.constant 0 : i32
      %lt3A_452 = vector.broadcast %lt3A_451 : i32 to vector<16xi32>
      %lt3A_453 = arith.cmpi slt, %broadcast_in_dim3A_214, %lt3A_452 : vector<16xi32>
      %add3A_454 = arith.constant 16 : i32
      %add3A_455 = vector.broadcast %add3A_454 : i32 to vector<16xi32>
      %add3A_456 = arith.addi %broadcast_in_dim3A_214, %add3A_455 : vector<16xi32>
      %select_n3A_457 = arith.select %lt3A_453, %add3A_456, %broadcast_in_dim3A_214 : vector<16xi1>, vector<16xi32>
      %reshape3A_458 = vector.shape_cast %select_n3A_457 : vector<16xi32> to vector<16x1xi32>
      %gather3A_459 = vector.shape_cast %reshape3A_458 : vector<16x1xi32> to vector<16xi32>
      %gather3A_460 = tpu.dynamic_gather %gather3A[%gather3A_459] in [0] : vector<16xi32>, vector<16xi32> -> vector<16xi32>
      %add3A_461 = arith.addi %broadcast_in_dim3A_214, %broadcast_in_dim3A_214 : vector<16xi32>
      %lt3A_462 = arith.cmpi slt, %gather3A_460, %get3A_178 : vector<16xi32>
      %jit3A_463 = arith.constant 2 : i32
      %jit3A_464 = arith.constant 1 : i32
      %broadcast_in_dim3A_465 = vector.broadcast %jit3A_463 : i32 to vector<16xi32>
      %broadcast_in_dim3A_466 = vector.broadcast %jit3A_464 : i32 to vector<16xi32>
      %select_n3A_467 = arith.select %lt3A_462, %broadcast_in_dim3A_465, %broadcast_in_dim3A_466 : vector<16xi1>, vector<16xi32>
      %add3A_468 = arith.addi %add3A_461, %select_n3A_467 : vector<16xi32>
      %lt3A_469 = arith.constant 0 : i32
      %lt3A_470 = vector.broadcast %lt3A_469 : i32 to vector<16xi32>
      %lt3A_471 = arith.cmpi slt, %broadcast_in_dim3A_216, %lt3A_470 : vector<16xi32>
      %add3A_472 = arith.constant 16 : i32
      %add3A_473 = vector.broadcast %add3A_472 : i32 to vector<16xi32>
      %add3A_474 = arith.addi %broadcast_in_dim3A_216, %add3A_473 : vector<16xi32>
      %select_n3A_475 = arith.select %lt3A_471, %add3A_474, %broadcast_in_dim3A_216 : vector<16xi1>, vector<16xi32>
      %reshape3A_476 = vector.shape_cast %select_n3A_475 : vector<16xi32> to vector<16x1xi32>
      %gather3A_477 = vector.shape_cast %reshape3A_476 : vector<16x1xi32> to vector<16xi32>
      %gather3A_478 = tpu.dynamic_gather %gather3A[%gather3A_477] in [0] : vector<16xi32>, vector<16xi32> -> vector<16xi32>
      %add3A_479 = arith.addi %broadcast_in_dim3A_216, %broadcast_in_dim3A_216 : vector<16xi32>
      %lt3A_480 = arith.cmpi slt, %gather3A_478, %get3A_182 : vector<16xi32>
      %jit3A_481 = arith.constant 2 : i32
      %jit3A_482 = arith.constant 1 : i32
      %broadcast_in_dim3A_483 = vector.broadcast %jit3A_481 : i32 to vector<16xi32>
      %broadcast_in_dim3A_484 = vector.broadcast %jit3A_482 : i32 to vector<16xi32>
      %select_n3A_485 = arith.select %lt3A_480, %broadcast_in_dim3A_483, %broadcast_in_dim3A_484 : vector<16xi1>, vector<16xi32>
      %add3A_486 = arith.addi %add3A_479, %select_n3A_485 : vector<16xi32>
      %lt3A_487 = arith.constant 0 : i32
      %lt3A_488 = vector.broadcast %lt3A_487 : i32 to vector<16xi32>
      %lt3A_489 = arith.cmpi slt, %broadcast_in_dim3A_218, %lt3A_488 : vector<16xi32>
      %add3A_490 = arith.constant 16 : i32
      %add3A_491 = vector.broadcast %add3A_490 : i32 to vector<16xi32>
      %add3A_492 = arith.addi %broadcast_in_dim3A_218, %add3A_491 : vector<16xi32>
      %select_n3A_493 = arith.select %lt3A_489, %add3A_492, %broadcast_in_dim3A_218 : vector<16xi1>, vector<16xi32>
      %reshape3A_494 = vector.shape_cast %select_n3A_493 : vector<16xi32> to vector<16x1xi32>
      %gather3A_495 = vector.shape_cast %reshape3A_494 : vector<16x1xi32> to vector<16xi32>
      %gather3A_496 = tpu.dynamic_gather %gather3A[%gather3A_495] in [0] : vector<16xi32>, vector<16xi32> -> vector<16xi32>
      %add3A_497 = arith.addi %broadcast_in_dim3A_218, %broadcast_in_dim3A_218 : vector<16xi32>
      %lt3A_498 = arith.cmpi slt, %gather3A_496, %get3A_186 : vector<16xi32>
      %jit3A_499 = arith.constant 2 : i32
      %jit3A_500 = arith.constant 1 : i32
      %broadcast_in_dim3A_501 = vector.broadcast %jit3A_499 : i32 to vector<16xi32>
      %broadcast_in_dim3A_502 = vector.broadcast %jit3A_500 : i32 to vector<16xi32>
      %select_n3A_503 = arith.select %lt3A_498, %broadcast_in_dim3A_501, %broadcast_in_dim3A_502 : vector<16xi1>, vector<16xi32>
      %add3A_504 = arith.addi %add3A_497, %select_n3A_503 : vector<16xi32>
      %lt3A_505 = arith.constant 0 : i32
      %lt3A_506 = vector.broadcast %lt3A_505 : i32 to vector<16xi32>
      %lt3A_507 = arith.cmpi slt, %add3A_234, %lt3A_506 : vector<16xi32>
      %add3A_508 = arith.constant 16 : i32
      %add3A_509 = vector.broadcast %add3A_508 : i32 to vector<16xi32>
      %add3A_510 = arith.addi %add3A_234, %add3A_509 : vector<16xi32>
      %select_n3A_511 = arith.select %lt3A_507, %add3A_510, %add3A_234 : vector<16xi1>, vector<16xi32>
      %reshape3A_512 = vector.shape_cast %select_n3A_511 : vector<16xi32> to vector<16x1xi32>
      %gather3A_513 = vector.shape_cast %reshape3A_512 : vector<16x1xi32> to vector<16xi32>
      %gather3A_514 = tpu.dynamic_gather %gather3A[%gather3A_513] in [0] : vector<16xi32>, vector<16xi32> -> vector<16xi32>
      %add3A_515 = arith.addi %add3A_234, %add3A_234 : vector<16xi32>
      %lt3A_516 = arith.cmpi slt, %gather3A_514, %get3A_126 : vector<16xi32>
      %jit3A_517 = arith.constant 2 : i32
      %jit3A_518 = arith.constant 1 : i32
      %broadcast_in_dim3A_519 = vector.broadcast %jit3A_517 : i32 to vector<16xi32>
      %broadcast_in_dim3A_520 = vector.broadcast %jit3A_518 : i32 to vector<16xi32>
      %select_n3A_521 = arith.select %lt3A_516, %broadcast_in_dim3A_519, %broadcast_in_dim3A_520 : vector<16xi1>, vector<16xi32>
      %add3A_522 = arith.addi %add3A_515, %select_n3A_521 : vector<16xi32>
      %lt3A_523 = arith.constant 0 : i32
      %lt3A_524 = vector.broadcast %lt3A_523 : i32 to vector<16xi32>
      %lt3A_525 = arith.cmpi slt, %add3A_252, %lt3A_524 : vector<16xi32>
      %add3A_526 = arith.constant 16 : i32
      %add3A_527 = vector.broadcast %add3A_526 : i32 to vector<16xi32>
      %add3A_528 = arith.addi %add3A_252, %add3A_527 : vector<16xi32>
      %select_n3A_529 = arith.select %lt3A_525, %add3A_528, %add3A_252 : vector<16xi1>, vector<16xi32>
      %reshape3A_530 = vector.shape_cast %select_n3A_529 : vector<16xi32> to vector<16x1xi32>
      %gather3A_531 = vector.shape_cast %reshape3A_530 : vector<16x1xi32> to vector<16xi32>
      %gather3A_532 = tpu.dynamic_gather %gather3A[%gather3A_531] in [0] : vector<16xi32>, vector<16xi32> -> vector<16xi32>
      %add3A_533 = arith.addi %add3A_252, %add3A_252 : vector<16xi32>
      %lt3A_534 = arith.cmpi slt, %gather3A_532, %get3A_130 : vector<16xi32>
      %jit3A_535 = arith.constant 2 : i32
      %jit3A_536 = arith.constant 1 : i32
      %broadcast_in_dim3A_537 = vector.broadcast %jit3A_535 : i32 to vector<16xi32>
      %broadcast_in_dim3A_538 = vector.broadcast %jit3A_536 : i32 to vector<16xi32>
      %select_n3A_539 = arith.select %lt3A_534, %broadcast_in_dim3A_537, %broadcast_in_dim3A_538 : vector<16xi1>, vector<16xi32>
      %add3A_540 = arith.addi %add3A_533, %select_n3A_539 : vector<16xi32>
      %lt3A_541 = arith.constant 0 : i32
      %lt3A_542 = vector.broadcast %lt3A_541 : i32 to vector<16xi32>
      %lt3A_543 = arith.cmpi slt, %add3A_270, %lt3A_542 : vector<16xi32>
      %add3A_544 = arith.constant 16 : i32
      %add3A_545 = vector.broadcast %add3A_544 : i32 to vector<16xi32>
      %add3A_546 = arith.addi %add3A_270, %add3A_545 : vector<16xi32>
      %select_n3A_547 = arith.select %lt3A_543, %add3A_546, %add3A_270 : vector<16xi1>, vector<16xi32>
      %reshape3A_548 = vector.shape_cast %select_n3A_547 : vector<16xi32> to vector<16x1xi32>
      %gather3A_549 = vector.shape_cast %reshape3A_548 : vector<16x1xi32> to vector<16xi32>
      %gather3A_550 = tpu.dynamic_gather %gather3A[%gather3A_549] in [0] : vector<16xi32>, vector<16xi32> -> vector<16xi32>
      %add3A_551 = arith.addi %add3A_270, %add3A_270 : vector<16xi32>
      %lt3A_552 = arith.cmpi slt, %gather3A_550, %get3A_134 : vector<16xi32>
      %jit3A_553 = arith.constant 2 : i32
      %jit3A_554 = arith.constant 1 : i32
      %broadcast_in_dim3A_555 = vector.broadcast %jit3A_553 : i32 to vector<16xi32>
      %broadcast_in_dim3A_556 = vector.broadcast %jit3A_554 : i32 to vector<16xi32>
      %select_n3A_557 = arith.select %lt3A_552, %broadcast_in_dim3A_555, %broadcast_in_dim3A_556 : vector<16xi1>, vector<16xi32>
      %add3A_558 = arith.addi %add3A_551, %select_n3A_557 : vector<16xi32>
      %lt3A_559 = arith.constant 0 : i32
      %lt3A_560 = vector.broadcast %lt3A_559 : i32 to vector<16xi32>
      %lt3A_561 = arith.cmpi slt, %add3A_288, %lt3A_560 : vector<16xi32>
      %add3A_562 = arith.constant 16 : i32
      %add3A_563 = vector.broadcast %add3A_562 : i32 to vector<16xi32>
      %add3A_564 = arith.addi %add3A_288, %add3A_563 : vector<16xi32>
      %select_n3A_565 = arith.select %lt3A_561, %add3A_564, %add3A_288 : vector<16xi1>, vector<16xi32>
      %reshape3A_566 = vector.shape_cast %select_n3A_565 : vector<16xi32> to vector<16x1xi32>
      %gather3A_567 = vector.shape_cast %reshape3A_566 : vector<16x1xi32> to vector<16xi32>
      %gather3A_568 = tpu.dynamic_gather %gather3A[%gather3A_567] in [0] : vector<16xi32>, vector<16xi32> -> vector<16xi32>
      %add3A_569 = arith.addi %add3A_288, %add3A_288 : vector<16xi32>
      %lt3A_570 = arith.cmpi slt, %gather3A_568, %get3A_138 : vector<16xi32>
      %jit3A_571 = arith.constant 2 : i32
      %jit3A_572 = arith.constant 1 : i32
      %broadcast_in_dim3A_573 = vector.broadcast %jit3A_571 : i32 to vector<16xi32>
      %broadcast_in_dim3A_574 = vector.broadcast %jit3A_572 : i32 to vector<16xi32>
      %select_n3A_575 = arith.select %lt3A_570, %broadcast_in_dim3A_573, %broadcast_in_dim3A_574 : vector<16xi1>, vector<16xi32>
      %add3A_576 = arith.addi %add3A_569, %select_n3A_575 : vector<16xi32>
      %lt3A_577 = arith.constant 0 : i32
      %lt3A_578 = vector.broadcast %lt3A_577 : i32 to vector<16xi32>
      %lt3A_579 = arith.cmpi slt, %add3A_306, %lt3A_578 : vector<16xi32>
      %add3A_580 = arith.constant 16 : i32
      %add3A_581 = vector.broadcast %add3A_580 : i32 to vector<16xi32>
      %add3A_582 = arith.addi %add3A_306, %add3A_581 : vector<16xi32>
      %select_n3A_583 = arith.select %lt3A_579, %add3A_582, %add3A_306 : vector<16xi1>, vector<16xi32>
      %reshape3A_584 = vector.shape_cast %select_n3A_583 : vector<16xi32> to vector<16x1xi32>
      %gather3A_585 = vector.shape_cast %reshape3A_584 : vector<16x1xi32> to vector<16xi32>
      %gather3A_586 = tpu.dynamic_gather %gather3A[%gather3A_585] in [0] : vector<16xi32>, vector<16xi32> -> vector<16xi32>
      %add3A_587 = arith.addi %add3A_306, %add3A_306 : vector<16xi32>
      %lt3A_588 = arith.cmpi slt, %gather3A_586, %get3A_142 : vector<16xi32>
      %jit3A_589 = arith.constant 2 : i32
      %jit3A_590 = arith.constant 1 : i32
      %broadcast_in_dim3A_591 = vector.broadcast %jit3A_589 : i32 to vector<16xi32>
      %broadcast_in_dim3A_592 = vector.broadcast %jit3A_590 : i32 to vector<16xi32>
      %select_n3A_593 = arith.select %lt3A_588, %broadcast_in_dim3A_591, %broadcast_in_dim3A_592 : vector<16xi1>, vector<16xi32>
      %add3A_594 = arith.addi %add3A_587, %select_n3A_593 : vector<16xi32>
      %lt3A_595 = arith.constant 0 : i32
      %lt3A_596 = vector.broadcast %lt3A_595 : i32 to vector<16xi32>
      %lt3A_597 = arith.cmpi slt, %add3A_324, %lt3A_596 : vector<16xi32>
      %add3A_598 = arith.constant 16 : i32
      %add3A_599 = vector.broadcast %add3A_598 : i32 to vector<16xi32>
      %add3A_600 = arith.addi %add3A_324, %add3A_599 : vector<16xi32>
      %select_n3A_601 = arith.select %lt3A_597, %add3A_600, %add3A_324 : vector<16xi1>, vector<16xi32>
      %reshape3A_602 = vector.shape_cast %select_n3A_601 : vector<16xi32> to vector<16x1xi32>
      %gather3A_603 = vector.shape_cast %reshape3A_602 : vector<16x1xi32> to vector<16xi32>
      %gather3A_604 = tpu.dynamic_gather %gather3A[%gather3A_603] in [0] : vector<16xi32>, vector<16xi32> -> vector<16xi32>
      %add3A_605 = arith.addi %add3A_324, %add3A_324 : vector<16xi32>
      %lt3A_606 = arith.cmpi slt, %gather3A_604, %get3A_146 : vector<16xi32>
      %jit3A_607 = arith.constant 2 : i32
      %jit3A_608 = arith.constant 1 : i32
      %broadcast_in_dim3A_609 = vector.broadcast %jit3A_607 : i32 to vector<16xi32>
      %broadcast_in_dim3A_610 = vector.broadcast %jit3A_608 : i32 to vector<16xi32>
      %select_n3A_611 = arith.select %lt3A_606, %broadcast_in_dim3A_609, %broadcast_in_dim3A_610 : vector<16xi1>, vector<16xi32>
      %add3A_612 = arith.addi %add3A_605, %select_n3A_611 : vector<16xi32>
      %lt3A_613 = arith.constant 0 : i32
      %lt3A_614 = vector.broadcast %lt3A_613 : i32 to vector<16xi32>
      %lt3A_615 = arith.cmpi slt, %add3A_342, %lt3A_614 : vector<16xi32>
      %add3A_616 = arith.constant 16 : i32
      %add3A_617 = vector.broadcast %add3A_616 : i32 to vector<16xi32>
      %add3A_618 = arith.addi %add3A_342, %add3A_617 : vector<16xi32>
      %select_n3A_619 = arith.select %lt3A_615, %add3A_618, %add3A_342 : vector<16xi1>, vector<16xi32>
      %reshape3A_620 = vector.shape_cast %select_n3A_619 : vector<16xi32> to vector<16x1xi32>
      %gather3A_621 = vector.shape_cast %reshape3A_620 : vector<16x1xi32> to vector<16xi32>
      %gather3A_622 = tpu.dynamic_gather %gather3A[%gather3A_621] in [0] : vector<16xi32>, vector<16xi32> -> vector<16xi32>
      %add3A_623 = arith.addi %add3A_342, %add3A_342 : vector<16xi32>
      %lt3A_624 = arith.cmpi slt, %gather3A_622, %get3A_150 : vector<16xi32>
      %jit3A_625 = arith.constant 2 : i32
      %jit3A_626 = arith.constant 1 : i32
      %broadcast_in_dim3A_627 = vector.broadcast %jit3A_625 : i32 to vector<16xi32>
      %broadcast_in_dim3A_628 = vector.broadcast %jit3A_626 : i32 to vector<16xi32>
      %select_n3A_629 = arith.select %lt3A_624, %broadcast_in_dim3A_627, %broadcast_in_dim3A_628 : vector<16xi1>, vector<16xi32>
      %add3A_630 = arith.addi %add3A_623, %select_n3A_629 : vector<16xi32>
      %lt3A_631 = arith.constant 0 : i32
      %lt3A_632 = vector.broadcast %lt3A_631 : i32 to vector<16xi32>
      %lt3A_633 = arith.cmpi slt, %add3A_360, %lt3A_632 : vector<16xi32>
      %add3A_634 = arith.constant 16 : i32
      %add3A_635 = vector.broadcast %add3A_634 : i32 to vector<16xi32>
      %add3A_636 = arith.addi %add3A_360, %add3A_635 : vector<16xi32>
      %select_n3A_637 = arith.select %lt3A_633, %add3A_636, %add3A_360 : vector<16xi1>, vector<16xi32>
      %reshape3A_638 = vector.shape_cast %select_n3A_637 : vector<16xi32> to vector<16x1xi32>
      %gather3A_639 = vector.shape_cast %reshape3A_638 : vector<16x1xi32> to vector<16xi32>
      %gather3A_640 = tpu.dynamic_gather %gather3A[%gather3A_639] in [0] : vector<16xi32>, vector<16xi32> -> vector<16xi32>
      %add3A_641 = arith.addi %add3A_360, %add3A_360 : vector<16xi32>
      %lt3A_642 = arith.cmpi slt, %gather3A_640, %get3A_154 : vector<16xi32>
      %jit3A_643 = arith.constant 2 : i32
      %jit3A_644 = arith.constant 1 : i32
      %broadcast_in_dim3A_645 = vector.broadcast %jit3A_643 : i32 to vector<16xi32>
      %broadcast_in_dim3A_646 = vector.broadcast %jit3A_644 : i32 to vector<16xi32>
      %select_n3A_647 = arith.select %lt3A_642, %broadcast_in_dim3A_645, %broadcast_in_dim3A_646 : vector<16xi1>, vector<16xi32>
      %add3A_648 = arith.addi %add3A_641, %select_n3A_647 : vector<16xi32>
      %lt3A_649 = arith.constant 0 : i32
      %lt3A_650 = vector.broadcast %lt3A_649 : i32 to vector<16xi32>
      %lt3A_651 = arith.cmpi slt, %add3A_378, %lt3A_650 : vector<16xi32>
      %add3A_652 = arith.constant 16 : i32
      %add3A_653 = vector.broadcast %add3A_652 : i32 to vector<16xi32>
      %add3A_654 = arith.addi %add3A_378, %add3A_653 : vector<16xi32>
      %select_n3A_655 = arith.select %lt3A_651, %add3A_654, %add3A_378 : vector<16xi1>, vector<16xi32>
      %reshape3A_656 = vector.shape_cast %select_n3A_655 : vector<16xi32> to vector<16x1xi32>
      %gather3A_657 = vector.shape_cast %reshape3A_656 : vector<16x1xi32> to vector<16xi32>
      %gather3A_658 = tpu.dynamic_gather %gather3A[%gather3A_657] in [0] : vector<16xi32>, vector<16xi32> -> vector<16xi32>
      %add3A_659 = arith.addi %add3A_378, %add3A_378 : vector<16xi32>
      %lt3A_660 = arith.cmpi slt, %gather3A_658, %get3A_158 : vector<16xi32>
      %jit3A_661 = arith.constant 2 : i32
      %jit3A_662 = arith.constant 1 : i32
      %broadcast_in_dim3A_663 = vector.broadcast %jit3A_661 : i32 to vector<16xi32>
      %broadcast_in_dim3A_664 = vector.broadcast %jit3A_662 : i32 to vector<16xi32>
      %select_n3A_665 = arith.select %lt3A_660, %broadcast_in_dim3A_663, %broadcast_in_dim3A_664 : vector<16xi1>, vector<16xi32>
      %add3A_666 = arith.addi %add3A_659, %select_n3A_665 : vector<16xi32>
      %lt3A_667 = arith.constant 0 : i32
      %lt3A_668 = vector.broadcast %lt3A_667 : i32 to vector<16xi32>
      %lt3A_669 = arith.cmpi slt, %add3A_396, %lt3A_668 : vector<16xi32>
      %add3A_670 = arith.constant 16 : i32
      %add3A_671 = vector.broadcast %add3A_670 : i32 to vector<16xi32>
      %add3A_672 = arith.addi %add3A_396, %add3A_671 : vector<16xi32>
      %select_n3A_673 = arith.select %lt3A_669, %add3A_672, %add3A_396 : vector<16xi1>, vector<16xi32>
      %reshape3A_674 = vector.shape_cast %select_n3A_673 : vector<16xi32> to vector<16x1xi32>
      %gather3A_675 = vector.shape_cast %reshape3A_674 : vector<16x1xi32> to vector<16xi32>
      %gather3A_676 = tpu.dynamic_gather %gather3A[%gather3A_675] in [0] : vector<16xi32>, vector<16xi32> -> vector<16xi32>
      %add3A_677 = arith.addi %add3A_396, %add3A_396 : vector<16xi32>
      %lt3A_678 = arith.cmpi slt, %gather3A_676, %get3A_162 : vector<16xi32>
      %jit3A_679 = arith.constant 2 : i32
      %jit3A_680 = arith.constant 1 : i32
      %broadcast_in_dim3A_681 = vector.broadcast %jit3A_679 : i32 to vector<16xi32>
      %broadcast_in_dim3A_682 = vector.broadcast %jit3A_680 : i32 to vector<16xi32>
      %select_n3A_683 = arith.select %lt3A_678, %broadcast_in_dim3A_681, %broadcast_in_dim3A_682 : vector<16xi1>, vector<16xi32>
      %add3A_684 = arith.addi %add3A_677, %select_n3A_683 : vector<16xi32>
      %lt3A_685 = arith.constant 0 : i32
      %lt3A_686 = vector.broadcast %lt3A_685 : i32 to vector<16xi32>
      %lt3A_687 = arith.cmpi slt, %add3A_414, %lt3A_686 : vector<16xi32>
      %add3A_688 = arith.constant 16 : i32
      %add3A_689 = vector.broadcast %add3A_688 : i32 to vector<16xi32>
      %add3A_690 = arith.addi %add3A_414, %add3A_689 : vector<16xi32>
      %select_n3A_691 = arith.select %lt3A_687, %add3A_690, %add3A_414 : vector<16xi1>, vector<16xi32>
      %reshape3A_692 = vector.shape_cast %select_n3A_691 : vector<16xi32> to vector<16x1xi32>
      %gather3A_693 = vector.shape_cast %reshape3A_692 : vector<16x1xi32> to vector<16xi32>
      %gather3A_694 = tpu.dynamic_gather %gather3A[%gather3A_693] in [0] : vector<16xi32>, vector<16xi32> -> vector<16xi32>
      %add3A_695 = arith.addi %add3A_414, %add3A_414 : vector<16xi32>
      %lt3A_696 = arith.cmpi slt, %gather3A_694, %get3A_166 : vector<16xi32>
      %jit3A_697 = arith.constant 2 : i32
      %jit3A_698 = arith.constant 1 : i32
      %broadcast_in_dim3A_699 = vector.broadcast %jit3A_697 : i32 to vector<16xi32>
      %broadcast_in_dim3A_700 = vector.broadcast %jit3A_698 : i32 to vector<16xi32>
      %select_n3A_701 = arith.select %lt3A_696, %broadcast_in_dim3A_699, %broadcast_in_dim3A_700 : vector<16xi1>, vector<16xi32>
      %add3A_702 = arith.addi %add3A_695, %select_n3A_701 : vector<16xi32>
      %lt3A_703 = arith.constant 0 : i32
      %lt3A_704 = vector.broadcast %lt3A_703 : i32 to vector<16xi32>
      %lt3A_705 = arith.cmpi slt, %add3A_432, %lt3A_704 : vector<16xi32>
      %add3A_706 = arith.constant 16 : i32
      %add3A_707 = vector.broadcast %add3A_706 : i32 to vector<16xi32>
      %add3A_708 = arith.addi %add3A_432, %add3A_707 : vector<16xi32>
      %select_n3A_709 = arith.select %lt3A_705, %add3A_708, %add3A_432 : vector<16xi1>, vector<16xi32>
      %reshape3A_710 = vector.shape_cast %select_n3A_709 : vector<16xi32> to vector<16x1xi32>
      %gather3A_711 = vector.shape_cast %reshape3A_710 : vector<16x1xi32> to vector<16xi32>
      %gather3A_712 = tpu.dynamic_gather %gather3A[%gather3A_711] in [0] : vector<16xi32>, vector<16xi32> -> vector<16xi32>
      %add3A_713 = arith.addi %add3A_432, %add3A_432 : vector<16xi32>
      %lt3A_714 = arith.cmpi slt, %gather3A_712, %get3A_170 : vector<16xi32>
      %jit3A_715 = arith.constant 2 : i32
      %jit3A_716 = arith.constant 1 : i32
      %broadcast_in_dim3A_717 = vector.broadcast %jit3A_715 : i32 to vector<16xi32>
      %broadcast_in_dim3A_718 = vector.broadcast %jit3A_716 : i32 to vector<16xi32>
      %select_n3A_719 = arith.select %lt3A_714, %broadcast_in_dim3A_717, %broadcast_in_dim3A_718 : vector<16xi1>, vector<16xi32>
      %add3A_720 = arith.addi %add3A_713, %select_n3A_719 : vector<16xi32>
      %lt3A_721 = arith.constant 0 : i32
      %lt3A_722 = vector.broadcast %lt3A_721 : i32 to vector<16xi32>
      %lt3A_723 = arith.cmpi slt, %add3A_450, %lt3A_722 : vector<16xi32>
      %add3A_724 = arith.constant 16 : i32
      %add3A_725 = vector.broadcast %add3A_724 : i32 to vector<16xi32>
      %add3A_726 = arith.addi %add3A_450, %add3A_725 : vector<16xi32>
      %select_n3A_727 = arith.select %lt3A_723, %add3A_726, %add3A_450 : vector<16xi1>, vector<16xi32>
      %reshape3A_728 = vector.shape_cast %select_n3A_727 : vector<16xi32> to vector<16x1xi32>
      %gather3A_729 = vector.shape_cast %reshape3A_728 : vector<16x1xi32> to vector<16xi32>
      %gather3A_730 = tpu.dynamic_gather %gather3A[%gather3A_729] in [0] : vector<16xi32>, vector<16xi32> -> vector<16xi32>
      %add3A_731 = arith.addi %add3A_450, %add3A_450 : vector<16xi32>
      %lt3A_732 = arith.cmpi slt, %gather3A_730, %get3A_174 : vector<16xi32>
      %jit3A_733 = arith.constant 2 : i32
      %jit3A_734 = arith.constant 1 : i32
      %broadcast_in_dim3A_735 = vector.broadcast %jit3A_733 : i32 to vector<16xi32>
      %broadcast_in_dim3A_736 = vector.broadcast %jit3A_734 : i32 to vector<16xi32>
      %select_n3A_737 = arith.select %lt3A_732, %broadcast_in_dim3A_735, %broadcast_in_dim3A_736 : vector<16xi1>, vector<16xi32>
      %add3A_738 = arith.addi %add3A_731, %select_n3A_737 : vector<16xi32>
      %lt3A_739 = arith.constant 0 : i32
      %lt3A_740 = vector.broadcast %lt3A_739 : i32 to vector<16xi32>
      %lt3A_741 = arith.cmpi slt, %add3A_468, %lt3A_740 : vector<16xi32>
      %add3A_742 = arith.constant 16 : i32
      %add3A_743 = vector.broadcast %add3A_742 : i32 to vector<16xi32>
      %add3A_744 = arith.addi %add3A_468, %add3A_743 : vector<16xi32>
      %select_n3A_745 = arith.select %lt3A_741, %add3A_744, %add3A_468 : vector<16xi1>, vector<16xi32>
      %reshape3A_746 = vector.shape_cast %select_n3A_745 : vector<16xi32> to vector<16x1xi32>
      %gather3A_747 = vector.shape_cast %reshape3A_746 : vector<16x1xi32> to vector<16xi32>
      %gather3A_748 = tpu.dynamic_gather %gather3A[%gather3A_747] in [0] : vector<16xi32>, vector<16xi32> -> vector<16xi32>
      %add3A_749 = arith.addi %add3A_468, %add3A_468 : vector<16xi32>
      %lt3A_750 = arith.cmpi slt, %gather3A_748, %get3A_178 : vector<16xi32>
      %jit3A_751 = arith.constant 2 : i32
      %jit3A_752 = arith.constant 1 : i32
      %broadcast_in_dim3A_753 = vector.broadcast %jit3A_751 : i32 to vector<16xi32>
      %broadcast_in_dim3A_754 = vector.broadcast %jit3A_752 : i32 to vector<16xi32>
      %select_n3A_755 = arith.select %lt3A_750, %broadcast_in_dim3A_753, %broadcast_in_dim3A_754 : vector<16xi1>, vector<16xi32>
      %add3A_756 = arith.addi %add3A_749, %select_n3A_755 : vector<16xi32>
      %lt3A_757 = arith.constant 0 : i32
      %lt3A_758 = vector.broadcast %lt3A_757 : i32 to vector<16xi32>
      %lt3A_759 = arith.cmpi slt, %add3A_486, %lt3A_758 : vector<16xi32>
      %add3A_760 = arith.constant 16 : i32
      %add3A_761 = vector.broadcast %add3A_760 : i32 to vector<16xi32>
      %add3A_762 = arith.addi %add3A_486, %add3A_761 : vector<16xi32>
      %select_n3A_763 = arith.select %lt3A_759, %add3A_762, %add3A_486 : vector<16xi1>, vector<16xi32>
      %reshape3A_764 = vector.shape_cast %select_n3A_763 : vector<16xi32> to vector<16x1xi32>
      %gather3A_765 = vector.shape_cast %reshape3A_764 : vector<16x1xi32> to vector<16xi32>
      %gather3A_766 = tpu.dynamic_gather %gather3A[%gather3A_765] in [0] : vector<16xi32>, vector<16xi32> -> vector<16xi32>
      %add3A_767 = arith.addi %add3A_486, %add3A_486 : vector<16xi32>
      %lt3A_768 = arith.cmpi slt, %gather3A_766, %get3A_182 : vector<16xi32>
      %jit3A_769 = arith.constant 2 : i32
      %jit3A_770 = arith.constant 1 : i32
      %broadcast_in_dim3A_771 = vector.broadcast %jit3A_769 : i32 to vector<16xi32>
      %broadcast_in_dim3A_772 = vector.broadcast %jit3A_770 : i32 to vector<16xi32>
      %select_n3A_773 = arith.select %lt3A_768, %broadcast_in_dim3A_771, %broadcast_in_dim3A_772 : vector<16xi1>, vector<16xi32>
      %add3A_774 = arith.addi %add3A_767, %select_n3A_773 : vector<16xi32>
      %lt3A_775 = arith.constant 0 : i32
      %lt3A_776 = vector.broadcast %lt3A_775 : i32 to vector<16xi32>
      %lt3A_777 = arith.cmpi slt, %add3A_504, %lt3A_776 : vector<16xi32>
      %add3A_778 = arith.constant 16 : i32
      %add3A_779 = vector.broadcast %add3A_778 : i32 to vector<16xi32>
      %add3A_780 = arith.addi %add3A_504, %add3A_779 : vector<16xi32>
      %select_n3A_781 = arith.select %lt3A_777, %add3A_780, %add3A_504 : vector<16xi1>, vector<16xi32>
      %reshape3A_782 = vector.shape_cast %select_n3A_781 : vector<16xi32> to vector<16x1xi32>
      %gather3A_783 = vector.shape_cast %reshape3A_782 : vector<16x1xi32> to vector<16xi32>
      %gather3A_784 = tpu.dynamic_gather %gather3A[%gather3A_783] in [0] : vector<16xi32>, vector<16xi32> -> vector<16xi32>
      %add3A_785 = arith.addi %add3A_504, %add3A_504 : vector<16xi32>
      %lt3A_786 = arith.cmpi slt, %gather3A_784, %get3A_186 : vector<16xi32>
      %jit3A_787 = arith.constant 2 : i32
      %jit3A_788 = arith.constant 1 : i32
      %broadcast_in_dim3A_789 = vector.broadcast %jit3A_787 : i32 to vector<16xi32>
      %broadcast_in_dim3A_790 = vector.broadcast %jit3A_788 : i32 to vector<16xi32>
      %select_n3A_791 = arith.select %lt3A_786, %broadcast_in_dim3A_789, %broadcast_in_dim3A_790 : vector<16xi1>, vector<16xi32>
      %add3A_792 = arith.addi %add3A_785, %select_n3A_791 : vector<16xi32>
      %lt3A_793 = arith.constant 0 : i32
      %lt3A_794 = vector.broadcast %lt3A_793 : i32 to vector<16xi32>
      %lt3A_795 = arith.cmpi slt, %add3A_522, %lt3A_794 : vector<16xi32>
      %add3A_796 = arith.constant 16 : i32
      %add3A_797 = vector.broadcast %add3A_796 : i32 to vector<16xi32>
      %add3A_798 = arith.addi %add3A_522, %add3A_797 : vector<16xi32>
      %select_n3A_799 = arith.select %lt3A_795, %add3A_798, %add3A_522 : vector<16xi1>, vector<16xi32>
      %reshape3A_800 = vector.shape_cast %select_n3A_799 : vector<16xi32> to vector<16x1xi32>
      %gather3A_801 = vector.shape_cast %reshape3A_800 : vector<16x1xi32> to vector<16xi32>
      %gather3A_802 = tpu.dynamic_gather %gather3A[%gather3A_801] in [0] : vector<16xi32>, vector<16xi32> -> vector<16xi32>
      %add3A_803 = arith.addi %add3A_522, %add3A_522 : vector<16xi32>
      %lt3A_804 = arith.cmpi slt, %gather3A_802, %get3A_126 : vector<16xi32>
      %jit3A_805 = arith.constant 2 : i32
      %jit3A_806 = arith.constant 1 : i32
      %broadcast_in_dim3A_807 = vector.broadcast %jit3A_805 : i32 to vector<16xi32>
      %broadcast_in_dim3A_808 = vector.broadcast %jit3A_806 : i32 to vector<16xi32>
      %select_n3A_809 = arith.select %lt3A_804, %broadcast_in_dim3A_807, %broadcast_in_dim3A_808 : vector<16xi1>, vector<16xi32>
      %add3A_810 = arith.addi %add3A_803, %select_n3A_809 : vector<16xi32>
      %lt3A_811 = arith.constant 0 : i32
      %lt3A_812 = vector.broadcast %lt3A_811 : i32 to vector<16xi32>
      %lt3A_813 = arith.cmpi slt, %add3A_540, %lt3A_812 : vector<16xi32>
      %add3A_814 = arith.constant 16 : i32
      %add3A_815 = vector.broadcast %add3A_814 : i32 to vector<16xi32>
      %add3A_816 = arith.addi %add3A_540, %add3A_815 : vector<16xi32>
      %select_n3A_817 = arith.select %lt3A_813, %add3A_816, %add3A_540 : vector<16xi1>, vector<16xi32>
      %reshape3A_818 = vector.shape_cast %select_n3A_817 : vector<16xi32> to vector<16x1xi32>
      %gather3A_819 = vector.shape_cast %reshape3A_818 : vector<16x1xi32> to vector<16xi32>
      %gather3A_820 = tpu.dynamic_gather %gather3A[%gather3A_819] in [0] : vector<16xi32>, vector<16xi32> -> vector<16xi32>
      %add3A_821 = arith.addi %add3A_540, %add3A_540 : vector<16xi32>
      %lt3A_822 = arith.cmpi slt, %gather3A_820, %get3A_130 : vector<16xi32>
      %jit3A_823 = arith.constant 2 : i32
      %jit3A_824 = arith.constant 1 : i32
      %broadcast_in_dim3A_825 = vector.broadcast %jit3A_823 : i32 to vector<16xi32>
      %broadcast_in_dim3A_826 = vector.broadcast %jit3A_824 : i32 to vector<16xi32>
      %select_n3A_827 = arith.select %lt3A_822, %broadcast_in_dim3A_825, %broadcast_in_dim3A_826 : vector<16xi1>, vector<16xi32>
      %add3A_828 = arith.addi %add3A_821, %select_n3A_827 : vector<16xi32>
      %lt3A_829 = arith.constant 0 : i32
      %lt3A_830 = vector.broadcast %lt3A_829 : i32 to vector<16xi32>
      %lt3A_831 = arith.cmpi slt, %add3A_558, %lt3A_830 : vector<16xi32>
      %add3A_832 = arith.constant 16 : i32
      %add3A_833 = vector.broadcast %add3A_832 : i32 to vector<16xi32>
      %add3A_834 = arith.addi %add3A_558, %add3A_833 : vector<16xi32>
      %select_n3A_835 = arith.select %lt3A_831, %add3A_834, %add3A_558 : vector<16xi1>, vector<16xi32>
      %reshape3A_836 = vector.shape_cast %select_n3A_835 : vector<16xi32> to vector<16x1xi32>
      %gather3A_837 = vector.shape_cast %reshape3A_836 : vector<16x1xi32> to vector<16xi32>
      %gather3A_838 = tpu.dynamic_gather %gather3A[%gather3A_837] in [0] : vector<16xi32>, vector<16xi32> -> vector<16xi32>
      %add3A_839 = arith.addi %add3A_558, %add3A_558 : vector<16xi32>
      %lt3A_840 = arith.cmpi slt, %gather3A_838, %get3A_134 : vector<16xi32>
      %jit3A_841 = arith.constant 2 : i32
      %jit3A_842 = arith.constant 1 : i32
      %broadcast_in_dim3A_843 = vector.broadcast %jit3A_841 : i32 to vector<16xi32>
      %broadcast_in_dim3A_844 = vector.broadcast %jit3A_842 : i32 to vector<16xi32>
      %select_n3A_845 = arith.select %lt3A_840, %broadcast_in_dim3A_843, %broadcast_in_dim3A_844 : vector<16xi1>, vector<16xi32>
      %add3A_846 = arith.addi %add3A_839, %select_n3A_845 : vector<16xi32>
      %lt3A_847 = arith.constant 0 : i32
      %lt3A_848 = vector.broadcast %lt3A_847 : i32 to vector<16xi32>
      %lt3A_849 = arith.cmpi slt, %add3A_576, %lt3A_848 : vector<16xi32>
      %add3A_850 = arith.constant 16 : i32
      %add3A_851 = vector.broadcast %add3A_850 : i32 to vector<16xi32>
      %add3A_852 = arith.addi %add3A_576, %add3A_851 : vector<16xi32>
      %select_n3A_853 = arith.select %lt3A_849, %add3A_852, %add3A_576 : vector<16xi1>, vector<16xi32>
      %reshape3A_854 = vector.shape_cast %select_n3A_853 : vector<16xi32> to vector<16x1xi32>
      %gather3A_855 = vector.shape_cast %reshape3A_854 : vector<16x1xi32> to vector<16xi32>
      %gather3A_856 = tpu.dynamic_gather %gather3A[%gather3A_855] in [0] : vector<16xi32>, vector<16xi32> -> vector<16xi32>
      %add3A_857 = arith.addi %add3A_576, %add3A_576 : vector<16xi32>
      %lt3A_858 = arith.cmpi slt, %gather3A_856, %get3A_138 : vector<16xi32>
      %jit3A_859 = arith.constant 2 : i32
      %jit3A_860 = arith.constant 1 : i32
      %broadcast_in_dim3A_861 = vector.broadcast %jit3A_859 : i32 to vector<16xi32>
      %broadcast_in_dim3A_862 = vector.broadcast %jit3A_860 : i32 to vector<16xi32>
      %select_n3A_863 = arith.select %lt3A_858, %broadcast_in_dim3A_861, %broadcast_in_dim3A_862 : vector<16xi1>, vector<16xi32>
      %add3A_864 = arith.addi %add3A_857, %select_n3A_863 : vector<16xi32>
      %lt3A_865 = arith.constant 0 : i32
      %lt3A_866 = vector.broadcast %lt3A_865 : i32 to vector<16xi32>
      %lt3A_867 = arith.cmpi slt, %add3A_594, %lt3A_866 : vector<16xi32>
      %add3A_868 = arith.constant 16 : i32
      %add3A_869 = vector.broadcast %add3A_868 : i32 to vector<16xi32>
      %add3A_870 = arith.addi %add3A_594, %add3A_869 : vector<16xi32>
      %select_n3A_871 = arith.select %lt3A_867, %add3A_870, %add3A_594 : vector<16xi1>, vector<16xi32>
      %reshape3A_872 = vector.shape_cast %select_n3A_871 : vector<16xi32> to vector<16x1xi32>
      %gather3A_873 = vector.shape_cast %reshape3A_872 : vector<16x1xi32> to vector<16xi32>
      %gather3A_874 = tpu.dynamic_gather %gather3A[%gather3A_873] in [0] : vector<16xi32>, vector<16xi32> -> vector<16xi32>
      %add3A_875 = arith.addi %add3A_594, %add3A_594 : vector<16xi32>
      %lt3A_876 = arith.cmpi slt, %gather3A_874, %get3A_142 : vector<16xi32>
      %jit3A_877 = arith.constant 2 : i32
      %jit3A_878 = arith.constant 1 : i32
      %broadcast_in_dim3A_879 = vector.broadcast %jit3A_877 : i32 to vector<16xi32>
      %broadcast_in_dim3A_880 = vector.broadcast %jit3A_878 : i32 to vector<16xi32>
      %select_n3A_881 = arith.select %lt3A_876, %broadcast_in_dim3A_879, %broadcast_in_dim3A_880 : vector<16xi1>, vector<16xi32>
      %add3A_882 = arith.addi %add3A_875, %select_n3A_881 : vector<16xi32>
      %lt3A_883 = arith.constant 0 : i32
      %lt3A_884 = vector.broadcast %lt3A_883 : i32 to vector<16xi32>
      %lt3A_885 = arith.cmpi slt, %add3A_612, %lt3A_884 : vector<16xi32>
      %add3A_886 = arith.constant 16 : i32
      %add3A_887 = vector.broadcast %add3A_886 : i32 to vector<16xi32>
      %add3A_888 = arith.addi %add3A_612, %add3A_887 : vector<16xi32>
      %select_n3A_889 = arith.select %lt3A_885, %add3A_888, %add3A_612 : vector<16xi1>, vector<16xi32>
      %reshape3A_890 = vector.shape_cast %select_n3A_889 : vector<16xi32> to vector<16x1xi32>
      %gather3A_891 = vector.shape_cast %reshape3A_890 : vector<16x1xi32> to vector<16xi32>
      %gather3A_892 = tpu.dynamic_gather %gather3A[%gather3A_891] in [0] : vector<16xi32>, vector<16xi32> -> vector<16xi32>
      %add3A_893 = arith.addi %add3A_612, %add3A_612 : vector<16xi32>
      %lt3A_894 = arith.cmpi slt, %gather3A_892, %get3A_146 : vector<16xi32>
      %jit3A_895 = arith.constant 2 : i32
      %jit3A_896 = arith.constant 1 : i32
      %broadcast_in_dim3A_897 = vector.broadcast %jit3A_895 : i32 to vector<16xi32>
      %broadcast_in_dim3A_898 = vector.broadcast %jit3A_896 : i32 to vector<16xi32>
      %select_n3A_899 = arith.select %lt3A_894, %broadcast_in_dim3A_897, %broadcast_in_dim3A_898 : vector<16xi1>, vector<16xi32>
      %add3A_900 = arith.addi %add3A_893, %select_n3A_899 : vector<16xi32>
      %lt3A_901 = arith.constant 0 : i32
      %lt3A_902 = vector.broadcast %lt3A_901 : i32 to vector<16xi32>
      %lt3A_903 = arith.cmpi slt, %add3A_630, %lt3A_902 : vector<16xi32>
      %add3A_904 = arith.constant 16 : i32
      %add3A_905 = vector.broadcast %add3A_904 : i32 to vector<16xi32>
      %add3A_906 = arith.addi %add3A_630, %add3A_905 : vector<16xi32>
      %select_n3A_907 = arith.select %lt3A_903, %add3A_906, %add3A_630 : vector<16xi1>, vector<16xi32>
      %reshape3A_908 = vector.shape_cast %select_n3A_907 : vector<16xi32> to vector<16x1xi32>
      %gather3A_909 = vector.shape_cast %reshape3A_908 : vector<16x1xi32> to vector<16xi32>
      %gather3A_910 = tpu.dynamic_gather %gather3A[%gather3A_909] in [0] : vector<16xi32>, vector<16xi32> -> vector<16xi32>
      %add3A_911 = arith.addi %add3A_630, %add3A_630 : vector<16xi32>
      %lt3A_912 = arith.cmpi slt, %gather3A_910, %get3A_150 : vector<16xi32>
      %jit3A_913 = arith.constant 2 : i32
      %jit3A_914 = arith.constant 1 : i32
      %broadcast_in_dim3A_915 = vector.broadcast %jit3A_913 : i32 to vector<16xi32>
      %broadcast_in_dim3A_916 = vector.broadcast %jit3A_914 : i32 to vector<16xi32>
      %select_n3A_917 = arith.select %lt3A_912, %broadcast_in_dim3A_915, %broadcast_in_dim3A_916 : vector<16xi1>, vector<16xi32>
      %add3A_918 = arith.addi %add3A_911, %select_n3A_917 : vector<16xi32>
      %lt3A_919 = arith.constant 0 : i32
      %lt3A_920 = vector.broadcast %lt3A_919 : i32 to vector<16xi32>
      %lt3A_921 = arith.cmpi slt, %add3A_648, %lt3A_920 : vector<16xi32>
      %add3A_922 = arith.constant 16 : i32
      %add3A_923 = vector.broadcast %add3A_922 : i32 to vector<16xi32>
      %add3A_924 = arith.addi %add3A_648, %add3A_923 : vector<16xi32>
      %select_n3A_925 = arith.select %lt3A_921, %add3A_924, %add3A_648 : vector<16xi1>, vector<16xi32>
      %reshape3A_926 = vector.shape_cast %select_n3A_925 : vector<16xi32> to vector<16x1xi32>
      %gather3A_927 = vector.shape_cast %reshape3A_926 : vector<16x1xi32> to vector<16xi32>
      %gather3A_928 = tpu.dynamic_gather %gather3A[%gather3A_927] in [0] : vector<16xi32>, vector<16xi32> -> vector<16xi32>
      %add3A_929 = arith.addi %add3A_648, %add3A_648 : vector<16xi32>
      %lt3A_930 = arith.cmpi slt, %gather3A_928, %get3A_154 : vector<16xi32>
      %jit3A_931 = arith.constant 2 : i32
      %jit3A_932 = arith.constant 1 : i32
      %broadcast_in_dim3A_933 = vector.broadcast %jit3A_931 : i32 to vector<16xi32>
      %broadcast_in_dim3A_934 = vector.broadcast %jit3A_932 : i32 to vector<16xi32>
      %select_n3A_935 = arith.select %lt3A_930, %broadcast_in_dim3A_933, %broadcast_in_dim3A_934 : vector<16xi1>, vector<16xi32>
      %add3A_936 = arith.addi %add3A_929, %select_n3A_935 : vector<16xi32>
      %lt3A_937 = arith.constant 0 : i32
      %lt3A_938 = vector.broadcast %lt3A_937 : i32 to vector<16xi32>
      %lt3A_939 = arith.cmpi slt, %add3A_666, %lt3A_938 : vector<16xi32>
      %add3A_940 = arith.constant 16 : i32
      %add3A_941 = vector.broadcast %add3A_940 : i32 to vector<16xi32>
      %add3A_942 = arith.addi %add3A_666, %add3A_941 : vector<16xi32>
      %select_n3A_943 = arith.select %lt3A_939, %add3A_942, %add3A_666 : vector<16xi1>, vector<16xi32>
      %reshape3A_944 = vector.shape_cast %select_n3A_943 : vector<16xi32> to vector<16x1xi32>
      %gather3A_945 = vector.shape_cast %reshape3A_944 : vector<16x1xi32> to vector<16xi32>
      %gather3A_946 = tpu.dynamic_gather %gather3A[%gather3A_945] in [0] : vector<16xi32>, vector<16xi32> -> vector<16xi32>
      %add3A_947 = arith.addi %add3A_666, %add3A_666 : vector<16xi32>
      %lt3A_948 = arith.cmpi slt, %gather3A_946, %get3A_158 : vector<16xi32>
      %jit3A_949 = arith.constant 2 : i32
      %jit3A_950 = arith.constant 1 : i32
      %broadcast_in_dim3A_951 = vector.broadcast %jit3A_949 : i32 to vector<16xi32>
      %broadcast_in_dim3A_952 = vector.broadcast %jit3A_950 : i32 to vector<16xi32>
      %select_n3A_953 = arith.select %lt3A_948, %broadcast_in_dim3A_951, %broadcast_in_dim3A_952 : vector<16xi1>, vector<16xi32>
      %add3A_954 = arith.addi %add3A_947, %select_n3A_953 : vector<16xi32>
      %lt3A_955 = arith.constant 0 : i32
      %lt3A_956 = vector.broadcast %lt3A_955 : i32 to vector<16xi32>
      %lt3A_957 = arith.cmpi slt, %add3A_684, %lt3A_956 : vector<16xi32>
      %add3A_958 = arith.constant 16 : i32
      %add3A_959 = vector.broadcast %add3A_958 : i32 to vector<16xi32>
      %add3A_960 = arith.addi %add3A_684, %add3A_959 : vector<16xi32>
      %select_n3A_961 = arith.select %lt3A_957, %add3A_960, %add3A_684 : vector<16xi1>, vector<16xi32>
      %reshape3A_962 = vector.shape_cast %select_n3A_961 : vector<16xi32> to vector<16x1xi32>
      %gather3A_963 = vector.shape_cast %reshape3A_962 : vector<16x1xi32> to vector<16xi32>
      %gather3A_964 = tpu.dynamic_gather %gather3A[%gather3A_963] in [0] : vector<16xi32>, vector<16xi32> -> vector<16xi32>
      %add3A_965 = arith.addi %add3A_684, %add3A_684 : vector<16xi32>
      %lt3A_966 = arith.cmpi slt, %gather3A_964, %get3A_162 : vector<16xi32>
      %jit3A_967 = arith.constant 2 : i32
      %jit3A_968 = arith.constant 1 : i32
      %broadcast_in_dim3A_969 = vector.broadcast %jit3A_967 : i32 to vector<16xi32>
      %broadcast_in_dim3A_970 = vector.broadcast %jit3A_968 : i32 to vector<16xi32>
      %select_n3A_971 = arith.select %lt3A_966, %broadcast_in_dim3A_969, %broadcast_in_dim3A_970 : vector<16xi1>, vector<16xi32>
      %add3A_972 = arith.addi %add3A_965, %select_n3A_971 : vector<16xi32>
      %lt3A_973 = arith.constant 0 : i32
      %lt3A_974 = vector.broadcast %lt3A_973 : i32 to vector<16xi32>
      %lt3A_975 = arith.cmpi slt, %add3A_702, %lt3A_974 : vector<16xi32>
      %add3A_976 = arith.constant 16 : i32
      %add3A_977 = vector.broadcast %add3A_976 : i32 to vector<16xi32>
      %add3A_978 = arith.addi %add3A_702, %add3A_977 : vector<16xi32>
      %select_n3A_979 = arith.select %lt3A_975, %add3A_978, %add3A_702 : vector<16xi1>, vector<16xi32>
      %reshape3A_980 = vector.shape_cast %select_n3A_979 : vector<16xi32> to vector<16x1xi32>
      %gather3A_981 = vector.shape_cast %reshape3A_980 : vector<16x1xi32> to vector<16xi32>
      %gather3A_982 = tpu.dynamic_gather %gather3A[%gather3A_981] in [0] : vector<16xi32>, vector<16xi32> -> vector<16xi32>
      %add3A_983 = arith.addi %add3A_702, %add3A_702 : vector<16xi32>
      %lt3A_984 = arith.cmpi slt, %gather3A_982, %get3A_166 : vector<16xi32>
      %jit3A_985 = arith.constant 2 : i32
      %jit3A_986 = arith.constant 1 : i32
      %broadcast_in_dim3A_987 = vector.broadcast %jit3A_985 : i32 to vector<16xi32>
      %broadcast_in_dim3A_988 = vector.broadcast %jit3A_986 : i32 to vector<16xi32>
      %select_n3A_989 = arith.select %lt3A_984, %broadcast_in_dim3A_987, %broadcast_in_dim3A_988 : vector<16xi1>, vector<16xi32>
      %add3A_990 = arith.addi %add3A_983, %select_n3A_989 : vector<16xi32>
      %lt3A_991 = arith.constant 0 : i32
      %lt3A_992 = vector.broadcast %lt3A_991 : i32 to vector<16xi32>
      %lt3A_993 = arith.cmpi slt, %add3A_720, %lt3A_992 : vector<16xi32>
      %add3A_994 = arith.constant 16 : i32
      %add3A_995 = vector.broadcast %add3A_994 : i32 to vector<16xi32>
      %add3A_996 = arith.addi %add3A_720, %add3A_995 : vector<16xi32>
      %select_n3A_997 = arith.select %lt3A_993, %add3A_996, %add3A_720 : vector<16xi1>, vector<16xi32>
      %reshape3A_998 = vector.shape_cast %select_n3A_997 : vector<16xi32> to vector<16x1xi32>
      %gather3A_999 = vector.shape_cast %reshape3A_998 : vector<16x1xi32> to vector<16xi32>
      %gather3A_1000 = tpu.dynamic_gather %gather3A[%gather3A_999] in [0] : vector<16xi32>, vector<16xi32> -> vector<16xi32>
      %add3A_1001 = arith.addi %add3A_720, %add3A_720 : vector<16xi32>
      %lt3A_1002 = arith.cmpi slt, %gather3A_1000, %get3A_170 : vector<16xi32>
      %jit3A_1003 = arith.constant 2 : i32
      %jit3A_1004 = arith.constant 1 : i32
      %broadcast_in_dim3A_1005 = vector.broadcast %jit3A_1003 : i32 to vector<16xi32>
      %broadcast_in_dim3A_1006 = vector.broadcast %jit3A_1004 : i32 to vector<16xi32>
      %select_n3A_1007 = arith.select %lt3A_1002, %broadcast_in_dim3A_1005, %broadcast_in_dim3A_1006 : vector<16xi1>, vector<16xi32>
      %add3A_1008 = arith.addi %add3A_1001, %select_n3A_1007 : vector<16xi32>
      %lt3A_1009 = arith.constant 0 : i32
      %lt3A_1010 = vector.broadcast %lt3A_1009 : i32 to vector<16xi32>
      %lt3A_1011 = arith.cmpi slt, %add3A_738, %lt3A_1010 : vector<16xi32>
      %add3A_1012 = arith.constant 16 : i32
      %add3A_1013 = vector.broadcast %add3A_1012 : i32 to vector<16xi32>
      %add3A_1014 = arith.addi %add3A_738, %add3A_1013 : vector<16xi32>
      %select_n3A_1015 = arith.select %lt3A_1011, %add3A_1014, %add3A_738 : vector<16xi1>, vector<16xi32>
      %reshape3A_1016 = vector.shape_cast %select_n3A_1015 : vector<16xi32> to vector<16x1xi32>
      %gather3A_1017 = vector.shape_cast %reshape3A_1016 : vector<16x1xi32> to vector<16xi32>
      %gather3A_1018 = tpu.dynamic_gather %gather3A[%gather3A_1017] in [0] : vector<16xi32>, vector<16xi32> -> vector<16xi32>
      %add3A_1019 = arith.addi %add3A_738, %add3A_738 : vector<16xi32>
      %lt3A_1020 = arith.cmpi slt, %gather3A_1018, %get3A_174 : vector<16xi32>
      %jit3A_1021 = arith.constant 2 : i32
      %jit3A_1022 = arith.constant 1 : i32
      %broadcast_in_dim3A_1023 = vector.broadcast %jit3A_1021 : i32 to vector<16xi32>
      %broadcast_in_dim3A_1024 = vector.broadcast %jit3A_1022 : i32 to vector<16xi32>
      %select_n3A_1025 = arith.select %lt3A_1020, %broadcast_in_dim3A_1023, %broadcast_in_dim3A_1024 : vector<16xi1>, vector<16xi32>
      %add3A_1026 = arith.addi %add3A_1019, %select_n3A_1025 : vector<16xi32>
      %lt3A_1027 = arith.constant 0 : i32
      %lt3A_1028 = vector.broadcast %lt3A_1027 : i32 to vector<16xi32>
      %lt3A_1029 = arith.cmpi slt, %add3A_756, %lt3A_1028 : vector<16xi32>
      %add3A_1030 = arith.constant 16 : i32
      %add3A_1031 = vector.broadcast %add3A_1030 : i32 to vector<16xi32>
      %add3A_1032 = arith.addi %add3A_756, %add3A_1031 : vector<16xi32>
      %select_n3A_1033 = arith.select %lt3A_1029, %add3A_1032, %add3A_756 : vector<16xi1>, vector<16xi32>
      %reshape3A_1034 = vector.shape_cast %select_n3A_1033 : vector<16xi32> to vector<16x1xi32>
      %gather3A_1035 = vector.shape_cast %reshape3A_1034 : vector<16x1xi32> to vector<16xi32>
      %gather3A_1036 = tpu.dynamic_gather %gather3A[%gather3A_1035] in [0] : vector<16xi32>, vector<16xi32> -> vector<16xi32>
      %add3A_1037 = arith.addi %add3A_756, %add3A_756 : vector<16xi32>
      %lt3A_1038 = arith.cmpi slt, %gather3A_1036, %get3A_178 : vector<16xi32>
      %jit3A_1039 = arith.constant 2 : i32
      %jit3A_1040 = arith.constant 1 : i32
      %broadcast_in_dim3A_1041 = vector.broadcast %jit3A_1039 : i32 to vector<16xi32>
      %broadcast_in_dim3A_1042 = vector.broadcast %jit3A_1040 : i32 to vector<16xi32>
      %select_n3A_1043 = arith.select %lt3A_1038, %broadcast_in_dim3A_1041, %broadcast_in_dim3A_1042 : vector<16xi1>, vector<16xi32>
      %add3A_1044 = arith.addi %add3A_1037, %select_n3A_1043 : vector<16xi32>
      %lt3A_1045 = arith.constant 0 : i32
      %lt3A_1046 = vector.broadcast %lt3A_1045 : i32 to vector<16xi32>
      %lt3A_1047 = arith.cmpi slt, %add3A_774, %lt3A_1046 : vector<16xi32>
      %add3A_1048 = arith.constant 16 : i32
      %add3A_1049 = vector.broadcast %add3A_1048 : i32 to vector<16xi32>
      %add3A_1050 = arith.addi %add3A_774, %add3A_1049 : vector<16xi32>
      %select_n3A_1051 = arith.select %lt3A_1047, %add3A_1050, %add3A_774 : vector<16xi1>, vector<16xi32>
      %reshape3A_1052 = vector.shape_cast %select_n3A_1051 : vector<16xi32> to vector<16x1xi32>
      %gather3A_1053 = vector.shape_cast %reshape3A_1052 : vector<16x1xi32> to vector<16xi32>
      %gather3A_1054 = tpu.dynamic_gather %gather3A[%gather3A_1053] in [0] : vector<16xi32>, vector<16xi32> -> vector<16xi32>
      %add3A_1055 = arith.addi %add3A_774, %add3A_774 : vector<16xi32>
      %lt3A_1056 = arith.cmpi slt, %gather3A_1054, %get3A_182 : vector<16xi32>
      %jit3A_1057 = arith.constant 2 : i32
      %jit3A_1058 = arith.constant 1 : i32
      %broadcast_in_dim3A_1059 = vector.broadcast %jit3A_1057 : i32 to vector<16xi32>
      %broadcast_in_dim3A_1060 = vector.broadcast %jit3A_1058 : i32 to vector<16xi32>
      %select_n3A_1061 = arith.select %lt3A_1056, %broadcast_in_dim3A_1059, %broadcast_in_dim3A_1060 : vector<16xi1>, vector<16xi32>
      %add3A_1062 = arith.addi %add3A_1055, %select_n3A_1061 : vector<16xi32>
      %lt3A_1063 = arith.constant 0 : i32
      %lt3A_1064 = vector.broadcast %lt3A_1063 : i32 to vector<16xi32>
      %lt3A_1065 = arith.cmpi slt, %add3A_792, %lt3A_1064 : vector<16xi32>
      %add3A_1066 = arith.constant 16 : i32
      %add3A_1067 = vector.broadcast %add3A_1066 : i32 to vector<16xi32>
      %add3A_1068 = arith.addi %add3A_792, %add3A_1067 : vector<16xi32>
      %select_n3A_1069 = arith.select %lt3A_1065, %add3A_1068, %add3A_792 : vector<16xi1>, vector<16xi32>
      %reshape3A_1070 = vector.shape_cast %select_n3A_1069 : vector<16xi32> to vector<16x1xi32>
      %gather3A_1071 = vector.shape_cast %reshape3A_1070 : vector<16x1xi32> to vector<16xi32>
      %gather3A_1072 = tpu.dynamic_gather %gather3A[%gather3A_1071] in [0] : vector<16xi32>, vector<16xi32> -> vector<16xi32>
      %add3A_1073 = arith.addi %add3A_792, %add3A_792 : vector<16xi32>
      %lt3A_1074 = arith.cmpi slt, %gather3A_1072, %get3A_186 : vector<16xi32>
      %jit3A_1075 = arith.constant 2 : i32
      %jit3A_1076 = arith.constant 1 : i32
      %broadcast_in_dim3A_1077 = vector.broadcast %jit3A_1075 : i32 to vector<16xi32>
      %broadcast_in_dim3A_1078 = vector.broadcast %jit3A_1076 : i32 to vector<16xi32>
      %select_n3A_1079 = arith.select %lt3A_1074, %broadcast_in_dim3A_1077, %broadcast_in_dim3A_1078 : vector<16xi1>, vector<16xi32>
      %add3A_1080 = arith.addi %add3A_1073, %select_n3A_1079 : vector<16xi32>
      %sub3A = arith.constant 7 : i32
      %sub3A_1081 = vector.broadcast %sub3A : i32 to vector<16xi32>
      %sub3A_1082 = arith.subi %add3A_810, %sub3A_1081 : vector<16xi32>
      %mul3A_1083 = arith.constant 16 : i32
      %mul3A_1084 = vector.broadcast %mul3A_1083 : i32 to vector<16xi32>
      %mul3A_1085 = arith.muli %sub3A_1082, %mul3A_1084 : vector<16xi32>
      %sub3A_1086 = arith.constant 7 : i32
      %sub3A_1087 = vector.broadcast %sub3A_1086 : i32 to vector<16xi32>
      %sub3A_1088 = arith.subi %add3A_828, %sub3A_1087 : vector<16xi32>
      %mul3A_1089 = arith.constant 16 : i32
      %mul3A_1090 = vector.broadcast %mul3A_1089 : i32 to vector<16xi32>
      %mul3A_1091 = arith.muli %sub3A_1088, %mul3A_1090 : vector<16xi32>
      %sub3A_1092 = arith.constant 7 : i32
      %sub3A_1093 = vector.broadcast %sub3A_1092 : i32 to vector<16xi32>
      %sub3A_1094 = arith.subi %add3A_846, %sub3A_1093 : vector<16xi32>
      %mul3A_1095 = arith.constant 16 : i32
      %mul3A_1096 = vector.broadcast %mul3A_1095 : i32 to vector<16xi32>
      %mul3A_1097 = arith.muli %sub3A_1094, %mul3A_1096 : vector<16xi32>
      %sub3A_1098 = arith.constant 7 : i32
      %sub3A_1099 = vector.broadcast %sub3A_1098 : i32 to vector<16xi32>
      %sub3A_1100 = arith.subi %add3A_864, %sub3A_1099 : vector<16xi32>
      %mul3A_1101 = arith.constant 16 : i32
      %mul3A_1102 = vector.broadcast %mul3A_1101 : i32 to vector<16xi32>
      %mul3A_1103 = arith.muli %sub3A_1100, %mul3A_1102 : vector<16xi32>
      %sub3A_1104 = arith.constant 7 : i32
      %sub3A_1105 = vector.broadcast %sub3A_1104 : i32 to vector<16xi32>
      %sub3A_1106 = arith.subi %add3A_882, %sub3A_1105 : vector<16xi32>
      %mul3A_1107 = arith.constant 16 : i32
      %mul3A_1108 = vector.broadcast %mul3A_1107 : i32 to vector<16xi32>
      %mul3A_1109 = arith.muli %sub3A_1106, %mul3A_1108 : vector<16xi32>
      %sub3A_1110 = arith.constant 7 : i32
      %sub3A_1111 = vector.broadcast %sub3A_1110 : i32 to vector<16xi32>
      %sub3A_1112 = arith.subi %add3A_900, %sub3A_1111 : vector<16xi32>
      %mul3A_1113 = arith.constant 16 : i32
      %mul3A_1114 = vector.broadcast %mul3A_1113 : i32 to vector<16xi32>
      %mul3A_1115 = arith.muli %sub3A_1112, %mul3A_1114 : vector<16xi32>
      %sub3A_1116 = arith.constant 7 : i32
      %sub3A_1117 = vector.broadcast %sub3A_1116 : i32 to vector<16xi32>
      %sub3A_1118 = arith.subi %add3A_918, %sub3A_1117 : vector<16xi32>
      %mul3A_1119 = arith.constant 16 : i32
      %mul3A_1120 = vector.broadcast %mul3A_1119 : i32 to vector<16xi32>
      %mul3A_1121 = arith.muli %sub3A_1118, %mul3A_1120 : vector<16xi32>
      %sub3A_1122 = arith.constant 7 : i32
      %sub3A_1123 = vector.broadcast %sub3A_1122 : i32 to vector<16xi32>
      %sub3A_1124 = arith.subi %add3A_936, %sub3A_1123 : vector<16xi32>
      %mul3A_1125 = arith.constant 16 : i32
      %mul3A_1126 = vector.broadcast %mul3A_1125 : i32 to vector<16xi32>
      %mul3A_1127 = arith.muli %sub3A_1124, %mul3A_1126 : vector<16xi32>
      %sub3A_1128 = arith.constant 7 : i32
      %sub3A_1129 = vector.broadcast %sub3A_1128 : i32 to vector<16xi32>
      %sub3A_1130 = arith.subi %add3A_954, %sub3A_1129 : vector<16xi32>
      %mul3A_1131 = arith.constant 16 : i32
      %mul3A_1132 = vector.broadcast %mul3A_1131 : i32 to vector<16xi32>
      %mul3A_1133 = arith.muli %sub3A_1130, %mul3A_1132 : vector<16xi32>
      %sub3A_1134 = arith.constant 7 : i32
      %sub3A_1135 = vector.broadcast %sub3A_1134 : i32 to vector<16xi32>
      %sub3A_1136 = arith.subi %add3A_972, %sub3A_1135 : vector<16xi32>
      %mul3A_1137 = arith.constant 16 : i32
      %mul3A_1138 = vector.broadcast %mul3A_1137 : i32 to vector<16xi32>
      %mul3A_1139 = arith.muli %sub3A_1136, %mul3A_1138 : vector<16xi32>
      %sub3A_1140 = arith.constant 7 : i32
      %sub3A_1141 = vector.broadcast %sub3A_1140 : i32 to vector<16xi32>
      %sub3A_1142 = arith.subi %add3A_990, %sub3A_1141 : vector<16xi32>
      %mul3A_1143 = arith.constant 16 : i32
      %mul3A_1144 = vector.broadcast %mul3A_1143 : i32 to vector<16xi32>
      %mul3A_1145 = arith.muli %sub3A_1142, %mul3A_1144 : vector<16xi32>
      %sub3A_1146 = arith.constant 7 : i32
      %sub3A_1147 = vector.broadcast %sub3A_1146 : i32 to vector<16xi32>
      %sub3A_1148 = arith.subi %add3A_1008, %sub3A_1147 : vector<16xi32>
      %mul3A_1149 = arith.constant 16 : i32
      %mul3A_1150 = vector.broadcast %mul3A_1149 : i32 to vector<16xi32>
      %mul3A_1151 = arith.muli %sub3A_1148, %mul3A_1150 : vector<16xi32>
      %sub3A_1152 = arith.constant 7 : i32
      %sub3A_1153 = vector.broadcast %sub3A_1152 : i32 to vector<16xi32>
      %sub3A_1154 = arith.subi %add3A_1026, %sub3A_1153 : vector<16xi32>
      %mul3A_1155 = arith.constant 16 : i32
      %mul3A_1156 = vector.broadcast %mul3A_1155 : i32 to vector<16xi32>
      %mul3A_1157 = arith.muli %sub3A_1154, %mul3A_1156 : vector<16xi32>
      %sub3A_1158 = arith.constant 7 : i32
      %sub3A_1159 = vector.broadcast %sub3A_1158 : i32 to vector<16xi32>
      %sub3A_1160 = arith.subi %add3A_1044, %sub3A_1159 : vector<16xi32>
      %mul3A_1161 = arith.constant 16 : i32
      %mul3A_1162 = vector.broadcast %mul3A_1161 : i32 to vector<16xi32>
      %mul3A_1163 = arith.muli %sub3A_1160, %mul3A_1162 : vector<16xi32>
      %sub3A_1164 = arith.constant 7 : i32
      %sub3A_1165 = vector.broadcast %sub3A_1164 : i32 to vector<16xi32>
      %sub3A_1166 = arith.subi %add3A_1062, %sub3A_1165 : vector<16xi32>
      %mul3A_1167 = arith.constant 16 : i32
      %mul3A_1168 = vector.broadcast %mul3A_1167 : i32 to vector<16xi32>
      %mul3A_1169 = arith.muli %sub3A_1166, %mul3A_1168 : vector<16xi32>
      %sub3A_1170 = arith.constant 7 : i32
      %sub3A_1171 = vector.broadcast %sub3A_1170 : i32 to vector<16xi32>
      %sub3A_1172 = arith.subi %add3A_1080, %sub3A_1171 : vector<16xi32>
      %mul3A_1173 = arith.constant 16 : i32
      %mul3A_1174 = vector.broadcast %mul3A_1173 : i32 to vector<16xi32>
      %mul3A_1175 = arith.muli %sub3A_1172, %mul3A_1174 : vector<16xi32>
      %add3A_1176 = arith.constant 7 : i32
      %add3A_1177 = vector.broadcast %add3A_1176 : i32 to vector<16xi32>
      %add3A_1178 = arith.addi %mul3A_1085, %add3A_1177 : vector<16xi32>
      %gather3A_1179 = tpu.vector_load_idx %arg10[%add3A_1178] : memref<128xi32, #tpu.memory_space<vmem>>[vector<16xi32>], vector<16xi32>,
      %lt3A_1180 = arith.cmpi slt, %gather3A_1179, %get3A_126 : vector<16xi32>
      %jit3A_1181 = arith.constant 8 : i32
      %jit3A_1182 = arith.constant 0 : i32
      %broadcast_in_dim3A_1183 = vector.broadcast %jit3A_1181 : i32 to vector<16xi32>
      %broadcast_in_dim3A_1184 = vector.broadcast %jit3A_1182 : i32 to vector<16xi32>
      %select_n3A_1185 = arith.select %lt3A_1180, %broadcast_in_dim3A_1183, %broadcast_in_dim3A_1184 : vector<16xi1>, vector<16xi32>
      %add3A_1186 = arith.addi %mul3A_1085, %select_n3A_1185 : vector<16xi32>
      %add3A_1187 = arith.constant 7 : i32
      %add3A_1188 = vector.broadcast %add3A_1187 : i32 to vector<16xi32>
      %add3A_1189 = arith.addi %mul3A_1091, %add3A_1188 : vector<16xi32>
      %gather3A_1190 = tpu.vector_load_idx %arg10[%add3A_1189] : memref<128xi32, #tpu.memory_space<vmem>>[vector<16xi32>], vector<16xi32>,
      %lt3A_1191 = arith.cmpi slt, %gather3A_1190, %get3A_130 : vector<16xi32>
      %jit3A_1192 = arith.constant 8 : i32
      %jit3A_1193 = arith.constant 0 : i32
      %broadcast_in_dim3A_1194 = vector.broadcast %jit3A_1192 : i32 to vector<16xi32>
      %broadcast_in_dim3A_1195 = vector.broadcast %jit3A_1193 : i32 to vector<16xi32>
      %select_n3A_1196 = arith.select %lt3A_1191, %broadcast_in_dim3A_1194, %broadcast_in_dim3A_1195 : vector<16xi1>, vector<16xi32>
      %add3A_1197 = arith.addi %mul3A_1091, %select_n3A_1196 : vector<16xi32>
      %add3A_1198 = arith.constant 7 : i32
      %add3A_1199 = vector.broadcast %add3A_1198 : i32 to vector<16xi32>
      %add3A_1200 = arith.addi %mul3A_1097, %add3A_1199 : vector<16xi32>
      %gather3A_1201 = tpu.vector_load_idx %arg10[%add3A_1200] : memref<128xi32, #tpu.memory_space<vmem>>[vector<16xi32>], vector<16xi32>,
      %lt3A_1202 = arith.cmpi slt, %gather3A_1201, %get3A_134 : vector<16xi32>
      %jit3A_1203 = arith.constant 8 : i32
      %jit3A_1204 = arith.constant 0 : i32
      %broadcast_in_dim3A_1205 = vector.broadcast %jit3A_1203 : i32 to vector<16xi32>
      %broadcast_in_dim3A_1206 = vector.broadcast %jit3A_1204 : i32 to vector<16xi32>
      %select_n3A_1207 = arith.select %lt3A_1202, %broadcast_in_dim3A_1205, %broadcast_in_dim3A_1206 : vector<16xi1>, vector<16xi32>
      %add3A_1208 = arith.addi %mul3A_1097, %select_n3A_1207 : vector<16xi32>
      %add3A_1209 = arith.constant 7 : i32
      %add3A_1210 = vector.broadcast %add3A_1209 : i32 to vector<16xi32>
      %add3A_1211 = arith.addi %mul3A_1103, %add3A_1210 : vector<16xi32>
      %gather3A_1212 = tpu.vector_load_idx %arg10[%add3A_1211] : memref<128xi32, #tpu.memory_space<vmem>>[vector<16xi32>], vector<16xi32>,
      %lt3A_1213 = arith.cmpi slt, %gather3A_1212, %get3A_138 : vector<16xi32>
      %jit3A_1214 = arith.constant 8 : i32
      %jit3A_1215 = arith.constant 0 : i32
      %broadcast_in_dim3A_1216 = vector.broadcast %jit3A_1214 : i32 to vector<16xi32>
      %broadcast_in_dim3A_1217 = vector.broadcast %jit3A_1215 : i32 to vector<16xi32>
      %select_n3A_1218 = arith.select %lt3A_1213, %broadcast_in_dim3A_1216, %broadcast_in_dim3A_1217 : vector<16xi1>, vector<16xi32>
      %add3A_1219 = arith.addi %mul3A_1103, %select_n3A_1218 : vector<16xi32>
      %add3A_1220 = arith.constant 7 : i32
      %add3A_1221 = vector.broadcast %add3A_1220 : i32 to vector<16xi32>
      %add3A_1222 = arith.addi %mul3A_1109, %add3A_1221 : vector<16xi32>
      %gather3A_1223 = tpu.vector_load_idx %arg10[%add3A_1222] : memref<128xi32, #tpu.memory_space<vmem>>[vector<16xi32>], vector<16xi32>,
      %lt3A_1224 = arith.cmpi slt, %gather3A_1223, %get3A_142 : vector<16xi32>
      %jit3A_1225 = arith.constant 8 : i32
      %jit3A_1226 = arith.constant 0 : i32
      %broadcast_in_dim3A_1227 = vector.broadcast %jit3A_1225 : i32 to vector<16xi32>
      %broadcast_in_dim3A_1228 = vector.broadcast %jit3A_1226 : i32 to vector<16xi32>
      %select_n3A_1229 = arith.select %lt3A_1224, %broadcast_in_dim3A_1227, %broadcast_in_dim3A_1228 : vector<16xi1>, vector<16xi32>
      %add3A_1230 = arith.addi %mul3A_1109, %select_n3A_1229 : vector<16xi32>
      %add3A_1231 = arith.constant 7 : i32
      %add3A_1232 = vector.broadcast %add3A_1231 : i32 to vector<16xi32>
      %add3A_1233 = arith.addi %mul3A_1115, %add3A_1232 : vector<16xi32>
      %gather3A_1234 = tpu.vector_load_idx %arg10[%add3A_1233] : memref<128xi32, #tpu.memory_space<vmem>>[vector<16xi32>], vector<16xi32>,
      %lt3A_1235 = arith.cmpi slt, %gather3A_1234, %get3A_146 : vector<16xi32>
      %jit3A_1236 = arith.constant 8 : i32
      %jit3A_1237 = arith.constant 0 : i32
      %broadcast_in_dim3A_1238 = vector.broadcast %jit3A_1236 : i32 to vector<16xi32>
      %broadcast_in_dim3A_1239 = vector.broadcast %jit3A_1237 : i32 to vector<16xi32>
      %select_n3A_1240 = arith.select %lt3A_1235, %broadcast_in_dim3A_1238, %broadcast_in_dim3A_1239 : vector<16xi1>, vector<16xi32>
      %add3A_1241 = arith.addi %mul3A_1115, %select_n3A_1240 : vector<16xi32>
      %add3A_1242 = arith.constant 7 : i32
      %add3A_1243 = vector.broadcast %add3A_1242 : i32 to vector<16xi32>
      %add3A_1244 = arith.addi %mul3A_1121, %add3A_1243 : vector<16xi32>
      %gather3A_1245 = tpu.vector_load_idx %arg10[%add3A_1244] : memref<128xi32, #tpu.memory_space<vmem>>[vector<16xi32>], vector<16xi32>,
      %lt3A_1246 = arith.cmpi slt, %gather3A_1245, %get3A_150 : vector<16xi32>
      %jit3A_1247 = arith.constant 8 : i32
      %jit3A_1248 = arith.constant 0 : i32
      %broadcast_in_dim3A_1249 = vector.broadcast %jit3A_1247 : i32 to vector<16xi32>
      %broadcast_in_dim3A_1250 = vector.broadcast %jit3A_1248 : i32 to vector<16xi32>
      %select_n3A_1251 = arith.select %lt3A_1246, %broadcast_in_dim3A_1249, %broadcast_in_dim3A_1250 : vector<16xi1>, vector<16xi32>
      %add3A_1252 = arith.addi %mul3A_1121, %select_n3A_1251 : vector<16xi32>
      %add3A_1253 = arith.constant 7 : i32
      %add3A_1254 = vector.broadcast %add3A_1253 : i32 to vector<16xi32>
      %add3A_1255 = arith.addi %mul3A_1127, %add3A_1254 : vector<16xi32>
      %gather3A_1256 = tpu.vector_load_idx %arg10[%add3A_1255] : memref<128xi32, #tpu.memory_space<vmem>>[vector<16xi32>], vector<16xi32>,
      %lt3A_1257 = arith.cmpi slt, %gather3A_1256, %get3A_154 : vector<16xi32>
      %jit3A_1258 = arith.constant 8 : i32
      %jit3A_1259 = arith.constant 0 : i32
      %broadcast_in_dim3A_1260 = vector.broadcast %jit3A_1258 : i32 to vector<16xi32>
      %broadcast_in_dim3A_1261 = vector.broadcast %jit3A_1259 : i32 to vector<16xi32>
      %select_n3A_1262 = arith.select %lt3A_1257, %broadcast_in_dim3A_1260, %broadcast_in_dim3A_1261 : vector<16xi1>, vector<16xi32>
      %add3A_1263 = arith.addi %mul3A_1127, %select_n3A_1262 : vector<16xi32>
      %add3A_1264 = arith.constant 7 : i32
      %add3A_1265 = vector.broadcast %add3A_1264 : i32 to vector<16xi32>
      %add3A_1266 = arith.addi %mul3A_1133, %add3A_1265 : vector<16xi32>
      %gather3A_1267 = tpu.vector_load_idx %arg10[%add3A_1266] : memref<128xi32, #tpu.memory_space<vmem>>[vector<16xi32>], vector<16xi32>,
      %lt3A_1268 = arith.cmpi slt, %gather3A_1267, %get3A_158 : vector<16xi32>
      %jit3A_1269 = arith.constant 8 : i32
      %jit3A_1270 = arith.constant 0 : i32
      %broadcast_in_dim3A_1271 = vector.broadcast %jit3A_1269 : i32 to vector<16xi32>
      %broadcast_in_dim3A_1272 = vector.broadcast %jit3A_1270 : i32 to vector<16xi32>
      %select_n3A_1273 = arith.select %lt3A_1268, %broadcast_in_dim3A_1271, %broadcast_in_dim3A_1272 : vector<16xi1>, vector<16xi32>
      %add3A_1274 = arith.addi %mul3A_1133, %select_n3A_1273 : vector<16xi32>
      %add3A_1275 = arith.constant 7 : i32
      %add3A_1276 = vector.broadcast %add3A_1275 : i32 to vector<16xi32>
      %add3A_1277 = arith.addi %mul3A_1139, %add3A_1276 : vector<16xi32>
      %gather3A_1278 = tpu.vector_load_idx %arg10[%add3A_1277] : memref<128xi32, #tpu.memory_space<vmem>>[vector<16xi32>], vector<16xi32>,
      %lt3A_1279 = arith.cmpi slt, %gather3A_1278, %get3A_162 : vector<16xi32>
      %jit3A_1280 = arith.constant 8 : i32
      %jit3A_1281 = arith.constant 0 : i32
      %broadcast_in_dim3A_1282 = vector.broadcast %jit3A_1280 : i32 to vector<16xi32>
      %broadcast_in_dim3A_1283 = vector.broadcast %jit3A_1281 : i32 to vector<16xi32>
      %select_n3A_1284 = arith.select %lt3A_1279, %broadcast_in_dim3A_1282, %broadcast_in_dim3A_1283 : vector<16xi1>, vector<16xi32>
      %add3A_1285 = arith.addi %mul3A_1139, %select_n3A_1284 : vector<16xi32>
      %add3A_1286 = arith.constant 7 : i32
      %add3A_1287 = vector.broadcast %add3A_1286 : i32 to vector<16xi32>
      %add3A_1288 = arith.addi %mul3A_1145, %add3A_1287 : vector<16xi32>
      %gather3A_1289 = tpu.vector_load_idx %arg10[%add3A_1288] : memref<128xi32, #tpu.memory_space<vmem>>[vector<16xi32>], vector<16xi32>,
      %lt3A_1290 = arith.cmpi slt, %gather3A_1289, %get3A_166 : vector<16xi32>
      %jit3A_1291 = arith.constant 8 : i32
      %jit3A_1292 = arith.constant 0 : i32
      %broadcast_in_dim3A_1293 = vector.broadcast %jit3A_1291 : i32 to vector<16xi32>
      %broadcast_in_dim3A_1294 = vector.broadcast %jit3A_1292 : i32 to vector<16xi32>
      %select_n3A_1295 = arith.select %lt3A_1290, %broadcast_in_dim3A_1293, %broadcast_in_dim3A_1294 : vector<16xi1>, vector<16xi32>
      %add3A_1296 = arith.addi %mul3A_1145, %select_n3A_1295 : vector<16xi32>
      %add3A_1297 = arith.constant 7 : i32
      %add3A_1298 = vector.broadcast %add3A_1297 : i32 to vector<16xi32>
      %add3A_1299 = arith.addi %mul3A_1151, %add3A_1298 : vector<16xi32>
      %gather3A_1300 = tpu.vector_load_idx %arg10[%add3A_1299] : memref<128xi32, #tpu.memory_space<vmem>>[vector<16xi32>], vector<16xi32>,
      %lt3A_1301 = arith.cmpi slt, %gather3A_1300, %get3A_170 : vector<16xi32>
      %jit3A_1302 = arith.constant 8 : i32
      %jit3A_1303 = arith.constant 0 : i32
      %broadcast_in_dim3A_1304 = vector.broadcast %jit3A_1302 : i32 to vector<16xi32>
      %broadcast_in_dim3A_1305 = vector.broadcast %jit3A_1303 : i32 to vector<16xi32>
      %select_n3A_1306 = arith.select %lt3A_1301, %broadcast_in_dim3A_1304, %broadcast_in_dim3A_1305 : vector<16xi1>, vector<16xi32>
      %add3A_1307 = arith.addi %mul3A_1151, %select_n3A_1306 : vector<16xi32>
      %add3A_1308 = arith.constant 7 : i32
      %add3A_1309 = vector.broadcast %add3A_1308 : i32 to vector<16xi32>
      %add3A_1310 = arith.addi %mul3A_1157, %add3A_1309 : vector<16xi32>
      %gather3A_1311 = tpu.vector_load_idx %arg10[%add3A_1310] : memref<128xi32, #tpu.memory_space<vmem>>[vector<16xi32>], vector<16xi32>,
      %lt3A_1312 = arith.cmpi slt, %gather3A_1311, %get3A_174 : vector<16xi32>
      %jit3A_1313 = arith.constant 8 : i32
      %jit3A_1314 = arith.constant 0 : i32
      %broadcast_in_dim3A_1315 = vector.broadcast %jit3A_1313 : i32 to vector<16xi32>
      %broadcast_in_dim3A_1316 = vector.broadcast %jit3A_1314 : i32 to vector<16xi32>
      %select_n3A_1317 = arith.select %lt3A_1312, %broadcast_in_dim3A_1315, %broadcast_in_dim3A_1316 : vector<16xi1>, vector<16xi32>
      %add3A_1318 = arith.addi %mul3A_1157, %select_n3A_1317 : vector<16xi32>
      %add3A_1319 = arith.constant 7 : i32
      %add3A_1320 = vector.broadcast %add3A_1319 : i32 to vector<16xi32>
      %add3A_1321 = arith.addi %mul3A_1163, %add3A_1320 : vector<16xi32>
      %gather3A_1322 = tpu.vector_load_idx %arg10[%add3A_1321] : memref<128xi32, #tpu.memory_space<vmem>>[vector<16xi32>], vector<16xi32>,
      %lt3A_1323 = arith.cmpi slt, %gather3A_1322, %get3A_178 : vector<16xi32>
      %jit3A_1324 = arith.constant 8 : i32
      %jit3A_1325 = arith.constant 0 : i32
      %broadcast_in_dim3A_1326 = vector.broadcast %jit3A_1324 : i32 to vector<16xi32>
      %broadcast_in_dim3A_1327 = vector.broadcast %jit3A_1325 : i32 to vector<16xi32>
      %select_n3A_1328 = arith.select %lt3A_1323, %broadcast_in_dim3A_1326, %broadcast_in_dim3A_1327 : vector<16xi1>, vector<16xi32>
      %add3A_1329 = arith.addi %mul3A_1163, %select_n3A_1328 : vector<16xi32>
      %add3A_1330 = arith.constant 7 : i32
      %add3A_1331 = vector.broadcast %add3A_1330 : i32 to vector<16xi32>
      %add3A_1332 = arith.addi %mul3A_1169, %add3A_1331 : vector<16xi32>
      %gather3A_1333 = tpu.vector_load_idx %arg10[%add3A_1332] : memref<128xi32, #tpu.memory_space<vmem>>[vector<16xi32>], vector<16xi32>,
      %lt3A_1334 = arith.cmpi slt, %gather3A_1333, %get3A_182 : vector<16xi32>
      %jit3A_1335 = arith.constant 8 : i32
      %jit3A_1336 = arith.constant 0 : i32
      %broadcast_in_dim3A_1337 = vector.broadcast %jit3A_1335 : i32 to vector<16xi32>
      %broadcast_in_dim3A_1338 = vector.broadcast %jit3A_1336 : i32 to vector<16xi32>
      %select_n3A_1339 = arith.select %lt3A_1334, %broadcast_in_dim3A_1337, %broadcast_in_dim3A_1338 : vector<16xi1>, vector<16xi32>
      %add3A_1340 = arith.addi %mul3A_1169, %select_n3A_1339 : vector<16xi32>
      %add3A_1341 = arith.constant 7 : i32
      %add3A_1342 = vector.broadcast %add3A_1341 : i32 to vector<16xi32>
      %add3A_1343 = arith.addi %mul3A_1175, %add3A_1342 : vector<16xi32>
      %gather3A_1344 = tpu.vector_load_idx %arg10[%add3A_1343] : memref<128xi32, #tpu.memory_space<vmem>>[vector<16xi32>], vector<16xi32>,
      %lt3A_1345 = arith.cmpi slt, %gather3A_1344, %get3A_186 : vector<16xi32>
      %jit3A_1346 = arith.constant 8 : i32
      %jit3A_1347 = arith.constant 0 : i32
      %broadcast_in_dim3A_1348 = vector.broadcast %jit3A_1346 : i32 to vector<16xi32>
      %broadcast_in_dim3A_1349 = vector.broadcast %jit3A_1347 : i32 to vector<16xi32>
      %select_n3A_1350 = arith.select %lt3A_1345, %broadcast_in_dim3A_1348, %broadcast_in_dim3A_1349 : vector<16xi1>, vector<16xi32>
      %add3A_1351 = arith.addi %mul3A_1175, %select_n3A_1350 : vector<16xi32>
      %add3A_1352 = arith.constant 3 : i32
      %add3A_1353 = vector.broadcast %add3A_1352 : i32 to vector<16xi32>
      %add3A_1354 = arith.addi %add3A_1186, %add3A_1353 : vector<16xi32>
      %gather3A_1355 = tpu.vector_load_idx %arg10[%add3A_1354] : memref<128xi32, #tpu.memory_space<vmem>>[vector<16xi32>], vector<16xi32>,
      %lt3A_1356 = arith.cmpi slt, %gather3A_1355, %get3A_126 : vector<16xi32>
      %jit3A_1357 = arith.constant 4 : i32
      %jit3A_1358 = arith.constant 0 : i32
      %broadcast_in_dim3A_1359 = vector.broadcast %jit3A_1357 : i32 to vector<16xi32>
      %broadcast_in_dim3A_1360 = vector.broadcast %jit3A_1358 : i32 to vector<16xi32>
      %select_n3A_1361 = arith.select %lt3A_1356, %broadcast_in_dim3A_1359, %broadcast_in_dim3A_1360 : vector<16xi1>, vector<16xi32>
      %add3A_1362 = arith.addi %add3A_1186, %select_n3A_1361 : vector<16xi32>
      %add3A_1363 = arith.constant 3 : i32
      %add3A_1364 = vector.broadcast %add3A_1363 : i32 to vector<16xi32>
      %add3A_1365 = arith.addi %add3A_1197, %add3A_1364 : vector<16xi32>
      %gather3A_1366 = tpu.vector_load_idx %arg10[%add3A_1365] : memref<128xi32, #tpu.memory_space<vmem>>[vector<16xi32>], vector<16xi32>,
      %lt3A_1367 = arith.cmpi slt, %gather3A_1366, %get3A_130 : vector<16xi32>
      %jit3A_1368 = arith.constant 4 : i32
      %jit3A_1369 = arith.constant 0 : i32
      %broadcast_in_dim3A_1370 = vector.broadcast %jit3A_1368 : i32 to vector<16xi32>
      %broadcast_in_dim3A_1371 = vector.broadcast %jit3A_1369 : i32 to vector<16xi32>
      %select_n3A_1372 = arith.select %lt3A_1367, %broadcast_in_dim3A_1370, %broadcast_in_dim3A_1371 : vector<16xi1>, vector<16xi32>
      %add3A_1373 = arith.addi %add3A_1197, %select_n3A_1372 : vector<16xi32>
      %add3A_1374 = arith.constant 3 : i32
      %add3A_1375 = vector.broadcast %add3A_1374 : i32 to vector<16xi32>
      %add3A_1376 = arith.addi %add3A_1208, %add3A_1375 : vector<16xi32>
      %gather3A_1377 = tpu.vector_load_idx %arg10[%add3A_1376] : memref<128xi32, #tpu.memory_space<vmem>>[vector<16xi32>], vector<16xi32>,
      %lt3A_1378 = arith.cmpi slt, %gather3A_1377, %get3A_134 : vector<16xi32>
      %jit3A_1379 = arith.constant 4 : i32
      %jit3A_1380 = arith.constant 0 : i32
      %broadcast_in_dim3A_1381 = vector.broadcast %jit3A_1379 : i32 to vector<16xi32>
      %broadcast_in_dim3A_1382 = vector.broadcast %jit3A_1380 : i32 to vector<16xi32>
      %select_n3A_1383 = arith.select %lt3A_1378, %broadcast_in_dim3A_1381, %broadcast_in_dim3A_1382 : vector<16xi1>, vector<16xi32>
      %add3A_1384 = arith.addi %add3A_1208, %select_n3A_1383 : vector<16xi32>
      %add3A_1385 = arith.constant 3 : i32
      %add3A_1386 = vector.broadcast %add3A_1385 : i32 to vector<16xi32>
      %add3A_1387 = arith.addi %add3A_1219, %add3A_1386 : vector<16xi32>
      %gather3A_1388 = tpu.vector_load_idx %arg10[%add3A_1387] : memref<128xi32, #tpu.memory_space<vmem>>[vector<16xi32>], vector<16xi32>,
      %lt3A_1389 = arith.cmpi slt, %gather3A_1388, %get3A_138 : vector<16xi32>
      %jit3A_1390 = arith.constant 4 : i32
      %jit3A_1391 = arith.constant 0 : i32
      %broadcast_in_dim3A_1392 = vector.broadcast %jit3A_1390 : i32 to vector<16xi32>
      %broadcast_in_dim3A_1393 = vector.broadcast %jit3A_1391 : i32 to vector<16xi32>
      %select_n3A_1394 = arith.select %lt3A_1389, %broadcast_in_dim3A_1392, %broadcast_in_dim3A_1393 : vector<16xi1>, vector<16xi32>
      %add3A_1395 = arith.addi %add3A_1219, %select_n3A_1394 : vector<16xi32>
      %add3A_1396 = arith.constant 3 : i32
      %add3A_1397 = vector.broadcast %add3A_1396 : i32 to vector<16xi32>
      %add3A_1398 = arith.addi %add3A_1230, %add3A_1397 : vector<16xi32>
      %gather3A_1399 = tpu.vector_load_idx %arg10[%add3A_1398] : memref<128xi32, #tpu.memory_space<vmem>>[vector<16xi32>], vector<16xi32>,
      %lt3A_1400 = arith.cmpi slt, %gather3A_1399, %get3A_142 : vector<16xi32>
      %jit3A_1401 = arith.constant 4 : i32
      %jit3A_1402 = arith.constant 0 : i32
      %broadcast_in_dim3A_1403 = vector.broadcast %jit3A_1401 : i32 to vector<16xi32>
      %broadcast_in_dim3A_1404 = vector.broadcast %jit3A_1402 : i32 to vector<16xi32>
      %select_n3A_1405 = arith.select %lt3A_1400, %broadcast_in_dim3A_1403, %broadcast_in_dim3A_1404 : vector<16xi1>, vector<16xi32>
      %add3A_1406 = arith.addi %add3A_1230, %select_n3A_1405 : vector<16xi32>
      %add3A_1407 = arith.constant 3 : i32
      %add3A_1408 = vector.broadcast %add3A_1407 : i32 to vector<16xi32>
      %add3A_1409 = arith.addi %add3A_1241, %add3A_1408 : vector<16xi32>
      %gather3A_1410 = tpu.vector_load_idx %arg10[%add3A_1409] : memref<128xi32, #tpu.memory_space<vmem>>[vector<16xi32>], vector<16xi32>,
      %lt3A_1411 = arith.cmpi slt, %gather3A_1410, %get3A_146 : vector<16xi32>
      %jit3A_1412 = arith.constant 4 : i32
      %jit3A_1413 = arith.constant 0 : i32
      %broadcast_in_dim3A_1414 = vector.broadcast %jit3A_1412 : i32 to vector<16xi32>
      %broadcast_in_dim3A_1415 = vector.broadcast %jit3A_1413 : i32 to vector<16xi32>
      %select_n3A_1416 = arith.select %lt3A_1411, %broadcast_in_dim3A_1414, %broadcast_in_dim3A_1415 : vector<16xi1>, vector<16xi32>
      %add3A_1417 = arith.addi %add3A_1241, %select_n3A_1416 : vector<16xi32>
      %add3A_1418 = arith.constant 3 : i32
      %add3A_1419 = vector.broadcast %add3A_1418 : i32 to vector<16xi32>
      %add3A_1420 = arith.addi %add3A_1252, %add3A_1419 : vector<16xi32>
      %gather3A_1421 = tpu.vector_load_idx %arg10[%add3A_1420] : memref<128xi32, #tpu.memory_space<vmem>>[vector<16xi32>], vector<16xi32>,
      %lt3A_1422 = arith.cmpi slt, %gather3A_1421, %get3A_150 : vector<16xi32>
      %jit3A_1423 = arith.constant 4 : i32
      %jit3A_1424 = arith.constant 0 : i32
      %broadcast_in_dim3A_1425 = vector.broadcast %jit3A_1423 : i32 to vector<16xi32>
      %broadcast_in_dim3A_1426 = vector.broadcast %jit3A_1424 : i32 to vector<16xi32>
      %select_n3A_1427 = arith.select %lt3A_1422, %broadcast_in_dim3A_1425, %broadcast_in_dim3A_1426 : vector<16xi1>, vector<16xi32>
      %add3A_1428 = arith.addi %add3A_1252, %select_n3A_1427 : vector<16xi32>
      %add3A_1429 = arith.constant 3 : i32
      %add3A_1430 = vector.broadcast %add3A_1429 : i32 to vector<16xi32>
      %add3A_1431 = arith.addi %add3A_1263, %add3A_1430 : vector<16xi32>
      %gather3A_1432 = tpu.vector_load_idx %arg10[%add3A_1431] : memref<128xi32, #tpu.memory_space<vmem>>[vector<16xi32>], vector<16xi32>,
      %lt3A_1433 = arith.cmpi slt, %gather3A_1432, %get3A_154 : vector<16xi32>
      %jit3A_1434 = arith.constant 4 : i32
      %jit3A_1435 = arith.constant 0 : i32
      %broadcast_in_dim3A_1436 = vector.broadcast %jit3A_1434 : i32 to vector<16xi32>
      %broadcast_in_dim3A_1437 = vector.broadcast %jit3A_1435 : i32 to vector<16xi32>
      %select_n3A_1438 = arith.select %lt3A_1433, %broadcast_in_dim3A_1436, %broadcast_in_dim3A_1437 : vector<16xi1>, vector<16xi32>
      %add3A_1439 = arith.addi %add3A_1263, %select_n3A_1438 : vector<16xi32>
      %add3A_1440 = arith.constant 3 : i32
      %add3A_1441 = vector.broadcast %add3A_1440 : i32 to vector<16xi32>
      %add3A_1442 = arith.addi %add3A_1274, %add3A_1441 : vector<16xi32>
      %gather3A_1443 = tpu.vector_load_idx %arg10[%add3A_1442] : memref<128xi32, #tpu.memory_space<vmem>>[vector<16xi32>], vector<16xi32>,
      %lt3A_1444 = arith.cmpi slt, %gather3A_1443, %get3A_158 : vector<16xi32>
      %jit3A_1445 = arith.constant 4 : i32
      %jit3A_1446 = arith.constant 0 : i32
      %broadcast_in_dim3A_1447 = vector.broadcast %jit3A_1445 : i32 to vector<16xi32>
      %broadcast_in_dim3A_1448 = vector.broadcast %jit3A_1446 : i32 to vector<16xi32>
      %select_n3A_1449 = arith.select %lt3A_1444, %broadcast_in_dim3A_1447, %broadcast_in_dim3A_1448 : vector<16xi1>, vector<16xi32>
      %add3A_1450 = arith.addi %add3A_1274, %select_n3A_1449 : vector<16xi32>
      %add3A_1451 = arith.constant 3 : i32
      %add3A_1452 = vector.broadcast %add3A_1451 : i32 to vector<16xi32>
      %add3A_1453 = arith.addi %add3A_1285, %add3A_1452 : vector<16xi32>
      %gather3A_1454 = tpu.vector_load_idx %arg10[%add3A_1453] : memref<128xi32, #tpu.memory_space<vmem>>[vector<16xi32>], vector<16xi32>,
      %lt3A_1455 = arith.cmpi slt, %gather3A_1454, %get3A_162 : vector<16xi32>
      %jit3A_1456 = arith.constant 4 : i32
      %jit3A_1457 = arith.constant 0 : i32
      %broadcast_in_dim3A_1458 = vector.broadcast %jit3A_1456 : i32 to vector<16xi32>
      %broadcast_in_dim3A_1459 = vector.broadcast %jit3A_1457 : i32 to vector<16xi32>
      %select_n3A_1460 = arith.select %lt3A_1455, %broadcast_in_dim3A_1458, %broadcast_in_dim3A_1459 : vector<16xi1>, vector<16xi32>
      %add3A_1461 = arith.addi %add3A_1285, %select_n3A_1460 : vector<16xi32>
      %add3A_1462 = arith.constant 3 : i32
      %add3A_1463 = vector.broadcast %add3A_1462 : i32 to vector<16xi32>
      %add3A_1464 = arith.addi %add3A_1296, %add3A_1463 : vector<16xi32>
      %gather3A_1465 = tpu.vector_load_idx %arg10[%add3A_1464] : memref<128xi32, #tpu.memory_space<vmem>>[vector<16xi32>], vector<16xi32>,
      %lt3A_1466 = arith.cmpi slt, %gather3A_1465, %get3A_166 : vector<16xi32>
      %jit3A_1467 = arith.constant 4 : i32
      %jit3A_1468 = arith.constant 0 : i32
      %broadcast_in_dim3A_1469 = vector.broadcast %jit3A_1467 : i32 to vector<16xi32>
      %broadcast_in_dim3A_1470 = vector.broadcast %jit3A_1468 : i32 to vector<16xi32>
      %select_n3A_1471 = arith.select %lt3A_1466, %broadcast_in_dim3A_1469, %broadcast_in_dim3A_1470 : vector<16xi1>, vector<16xi32>
      %add3A_1472 = arith.addi %add3A_1296, %select_n3A_1471 : vector<16xi32>
      %add3A_1473 = arith.constant 3 : i32
      %add3A_1474 = vector.broadcast %add3A_1473 : i32 to vector<16xi32>
      %add3A_1475 = arith.addi %add3A_1307, %add3A_1474 : vector<16xi32>
      %gather3A_1476 = tpu.vector_load_idx %arg10[%add3A_1475] : memref<128xi32, #tpu.memory_space<vmem>>[vector<16xi32>], vector<16xi32>,
      %lt3A_1477 = arith.cmpi slt, %gather3A_1476, %get3A_170 : vector<16xi32>
      %jit3A_1478 = arith.constant 4 : i32
      %jit3A_1479 = arith.constant 0 : i32
      %broadcast_in_dim3A_1480 = vector.broadcast %jit3A_1478 : i32 to vector<16xi32>
      %broadcast_in_dim3A_1481 = vector.broadcast %jit3A_1479 : i32 to vector<16xi32>
      %select_n3A_1482 = arith.select %lt3A_1477, %broadcast_in_dim3A_1480, %broadcast_in_dim3A_1481 : vector<16xi1>, vector<16xi32>
      %add3A_1483 = arith.addi %add3A_1307, %select_n3A_1482 : vector<16xi32>
      %add3A_1484 = arith.constant 3 : i32
      %add3A_1485 = vector.broadcast %add3A_1484 : i32 to vector<16xi32>
      %add3A_1486 = arith.addi %add3A_1318, %add3A_1485 : vector<16xi32>
      %gather3A_1487 = tpu.vector_load_idx %arg10[%add3A_1486] : memref<128xi32, #tpu.memory_space<vmem>>[vector<16xi32>], vector<16xi32>,
      %lt3A_1488 = arith.cmpi slt, %gather3A_1487, %get3A_174 : vector<16xi32>
      %jit3A_1489 = arith.constant 4 : i32
      %jit3A_1490 = arith.constant 0 : i32
      %broadcast_in_dim3A_1491 = vector.broadcast %jit3A_1489 : i32 to vector<16xi32>
      %broadcast_in_dim3A_1492 = vector.broadcast %jit3A_1490 : i32 to vector<16xi32>
      %select_n3A_1493 = arith.select %lt3A_1488, %broadcast_in_dim3A_1491, %broadcast_in_dim3A_1492 : vector<16xi1>, vector<16xi32>
      %add3A_1494 = arith.addi %add3A_1318, %select_n3A_1493 : vector<16xi32>
      %add3A_1495 = arith.constant 3 : i32
      %add3A_1496 = vector.broadcast %add3A_1495 : i32 to vector<16xi32>
      %add3A_1497 = arith.addi %add3A_1329, %add3A_1496 : vector<16xi32>
      %gather3A_1498 = tpu.vector_load_idx %arg10[%add3A_1497] : memref<128xi32, #tpu.memory_space<vmem>>[vector<16xi32>], vector<16xi32>,
      %lt3A_1499 = arith.cmpi slt, %gather3A_1498, %get3A_178 : vector<16xi32>
      %jit3A_1500 = arith.constant 4 : i32
      %jit3A_1501 = arith.constant 0 : i32
      %broadcast_in_dim3A_1502 = vector.broadcast %jit3A_1500 : i32 to vector<16xi32>
      %broadcast_in_dim3A_1503 = vector.broadcast %jit3A_1501 : i32 to vector<16xi32>
      %select_n3A_1504 = arith.select %lt3A_1499, %broadcast_in_dim3A_1502, %broadcast_in_dim3A_1503 : vector<16xi1>, vector<16xi32>
      %add3A_1505 = arith.addi %add3A_1329, %select_n3A_1504 : vector<16xi32>
      %add3A_1506 = arith.constant 3 : i32
      %add3A_1507 = vector.broadcast %add3A_1506 : i32 to vector<16xi32>
      %add3A_1508 = arith.addi %add3A_1340, %add3A_1507 : vector<16xi32>
      %gather3A_1509 = tpu.vector_load_idx %arg10[%add3A_1508] : memref<128xi32, #tpu.memory_space<vmem>>[vector<16xi32>], vector<16xi32>,
      %lt3A_1510 = arith.cmpi slt, %gather3A_1509, %get3A_182 : vector<16xi32>
      %jit3A_1511 = arith.constant 4 : i32
      %jit3A_1512 = arith.constant 0 : i32
      %broadcast_in_dim3A_1513 = vector.broadcast %jit3A_1511 : i32 to vector<16xi32>
      %broadcast_in_dim3A_1514 = vector.broadcast %jit3A_1512 : i32 to vector<16xi32>
      %select_n3A_1515 = arith.select %lt3A_1510, %broadcast_in_dim3A_1513, %broadcast_in_dim3A_1514 : vector<16xi1>, vector<16xi32>
      %add3A_1516 = arith.addi %add3A_1340, %select_n3A_1515 : vector<16xi32>
      %add3A_1517 = arith.constant 3 : i32
      %add3A_1518 = vector.broadcast %add3A_1517 : i32 to vector<16xi32>
      %add3A_1519 = arith.addi %add3A_1351, %add3A_1518 : vector<16xi32>
      %gather3A_1520 = tpu.vector_load_idx %arg10[%add3A_1519] : memref<128xi32, #tpu.memory_space<vmem>>[vector<16xi32>], vector<16xi32>,
      %lt3A_1521 = arith.cmpi slt, %gather3A_1520, %get3A_186 : vector<16xi32>
      %jit3A_1522 = arith.constant 4 : i32
      %jit3A_1523 = arith.constant 0 : i32
      %broadcast_in_dim3A_1524 = vector.broadcast %jit3A_1522 : i32 to vector<16xi32>
      %broadcast_in_dim3A_1525 = vector.broadcast %jit3A_1523 : i32 to vector<16xi32>
      %select_n3A_1526 = arith.select %lt3A_1521, %broadcast_in_dim3A_1524, %broadcast_in_dim3A_1525 : vector<16xi1>, vector<16xi32>
      %add3A_1527 = arith.addi %add3A_1351, %select_n3A_1526 : vector<16xi32>
      %add3A_1528 = arith.constant 1 : i32
      %add3A_1529 = vector.broadcast %add3A_1528 : i32 to vector<16xi32>
      %add3A_1530 = arith.addi %add3A_1362, %add3A_1529 : vector<16xi32>
      %gather3A_1531 = tpu.vector_load_idx %arg10[%add3A_1530] : memref<128xi32, #tpu.memory_space<vmem>>[vector<16xi32>], vector<16xi32>,
      %lt3A_1532 = arith.cmpi slt, %gather3A_1531, %get3A_126 : vector<16xi32>
      %jit3A_1533 = arith.constant 2 : i32
      %jit3A_1534 = arith.constant 0 : i32
      %broadcast_in_dim3A_1535 = vector.broadcast %jit3A_1533 : i32 to vector<16xi32>
      %broadcast_in_dim3A_1536 = vector.broadcast %jit3A_1534 : i32 to vector<16xi32>
      %select_n3A_1537 = arith.select %lt3A_1532, %broadcast_in_dim3A_1535, %broadcast_in_dim3A_1536 : vector<16xi1>, vector<16xi32>
      %add3A_1538 = arith.addi %add3A_1362, %select_n3A_1537 : vector<16xi32>
      %add3A_1539 = arith.constant 1 : i32
      %add3A_1540 = vector.broadcast %add3A_1539 : i32 to vector<16xi32>
      %add3A_1541 = arith.addi %add3A_1373, %add3A_1540 : vector<16xi32>
      %gather3A_1542 = tpu.vector_load_idx %arg10[%add3A_1541] : memref<128xi32, #tpu.memory_space<vmem>>[vector<16xi32>], vector<16xi32>,
      %lt3A_1543 = arith.cmpi slt, %gather3A_1542, %get3A_130 : vector<16xi32>
      %jit3A_1544 = arith.constant 2 : i32
      %jit3A_1545 = arith.constant 0 : i32
      %broadcast_in_dim3A_1546 = vector.broadcast %jit3A_1544 : i32 to vector<16xi32>
      %broadcast_in_dim3A_1547 = vector.broadcast %jit3A_1545 : i32 to vector<16xi32>
      %select_n3A_1548 = arith.select %lt3A_1543, %broadcast_in_dim3A_1546, %broadcast_in_dim3A_1547 : vector<16xi1>, vector<16xi32>
      %add3A_1549 = arith.addi %add3A_1373, %select_n3A_1548 : vector<16xi32>
      %add3A_1550 = arith.constant 1 : i32
      %add3A_1551 = vector.broadcast %add3A_1550 : i32 to vector<16xi32>
      %add3A_1552 = arith.addi %add3A_1384, %add3A_1551 : vector<16xi32>
      %gather3A_1553 = tpu.vector_load_idx %arg10[%add3A_1552] : memref<128xi32, #tpu.memory_space<vmem>>[vector<16xi32>], vector<16xi32>,
      %lt3A_1554 = arith.cmpi slt, %gather3A_1553, %get3A_134 : vector<16xi32>
      %jit3A_1555 = arith.constant 2 : i32
      %jit3A_1556 = arith.constant 0 : i32
      %broadcast_in_dim3A_1557 = vector.broadcast %jit3A_1555 : i32 to vector<16xi32>
      %broadcast_in_dim3A_1558 = vector.broadcast %jit3A_1556 : i32 to vector<16xi32>
      %select_n3A_1559 = arith.select %lt3A_1554, %broadcast_in_dim3A_1557, %broadcast_in_dim3A_1558 : vector<16xi1>, vector<16xi32>
      %add3A_1560 = arith.addi %add3A_1384, %select_n3A_1559 : vector<16xi32>
      %add3A_1561 = arith.constant 1 : i32
      %add3A_1562 = vector.broadcast %add3A_1561 : i32 to vector<16xi32>
      %add3A_1563 = arith.addi %add3A_1395, %add3A_1562 : vector<16xi32>
      %gather3A_1564 = tpu.vector_load_idx %arg10[%add3A_1563] : memref<128xi32, #tpu.memory_space<vmem>>[vector<16xi32>], vector<16xi32>,
      %lt3A_1565 = arith.cmpi slt, %gather3A_1564, %get3A_138 : vector<16xi32>
      %jit3A_1566 = arith.constant 2 : i32
      %jit3A_1567 = arith.constant 0 : i32
      %broadcast_in_dim3A_1568 = vector.broadcast %jit3A_1566 : i32 to vector<16xi32>
      %broadcast_in_dim3A_1569 = vector.broadcast %jit3A_1567 : i32 to vector<16xi32>
      %select_n3A_1570 = arith.select %lt3A_1565, %broadcast_in_dim3A_1568, %broadcast_in_dim3A_1569 : vector<16xi1>, vector<16xi32>
      %add3A_1571 = arith.addi %add3A_1395, %select_n3A_1570 : vector<16xi32>
      %add3A_1572 = arith.constant 1 : i32
      %add3A_1573 = vector.broadcast %add3A_1572 : i32 to vector<16xi32>
      %add3A_1574 = arith.addi %add3A_1406, %add3A_1573 : vector<16xi32>
      %gather3A_1575 = tpu.vector_load_idx %arg10[%add3A_1574] : memref<128xi32, #tpu.memory_space<vmem>>[vector<16xi32>], vector<16xi32>,
      %lt3A_1576 = arith.cmpi slt, %gather3A_1575, %get3A_142 : vector<16xi32>
      %jit3A_1577 = arith.constant 2 : i32
      %jit3A_1578 = arith.constant 0 : i32
      %broadcast_in_dim3A_1579 = vector.broadcast %jit3A_1577 : i32 to vector<16xi32>
      %broadcast_in_dim3A_1580 = vector.broadcast %jit3A_1578 : i32 to vector<16xi32>
      %select_n3A_1581 = arith.select %lt3A_1576, %broadcast_in_dim3A_1579, %broadcast_in_dim3A_1580 : vector<16xi1>, vector<16xi32>
      %add3A_1582 = arith.addi %add3A_1406, %select_n3A_1581 : vector<16xi32>
      %add3A_1583 = arith.constant 1 : i32
      %add3A_1584 = vector.broadcast %add3A_1583 : i32 to vector<16xi32>
      %add3A_1585 = arith.addi %add3A_1417, %add3A_1584 : vector<16xi32>
      %gather3A_1586 = tpu.vector_load_idx %arg10[%add3A_1585] : memref<128xi32, #tpu.memory_space<vmem>>[vector<16xi32>], vector<16xi32>,
      %lt3A_1587 = arith.cmpi slt, %gather3A_1586, %get3A_146 : vector<16xi32>
      %jit3A_1588 = arith.constant 2 : i32
      %jit3A_1589 = arith.constant 0 : i32
      %broadcast_in_dim3A_1590 = vector.broadcast %jit3A_1588 : i32 to vector<16xi32>
      %broadcast_in_dim3A_1591 = vector.broadcast %jit3A_1589 : i32 to vector<16xi32>
      %select_n3A_1592 = arith.select %lt3A_1587, %broadcast_in_dim3A_1590, %broadcast_in_dim3A_1591 : vector<16xi1>, vector<16xi32>
      %add3A_1593 = arith.addi %add3A_1417, %select_n3A_1592 : vector<16xi32>
      %add3A_1594 = arith.constant 1 : i32
      %add3A_1595 = vector.broadcast %add3A_1594 : i32 to vector<16xi32>
      %add3A_1596 = arith.addi %add3A_1428, %add3A_1595 : vector<16xi32>
      %gather3A_1597 = tpu.vector_load_idx %arg10[%add3A_1596] : memref<128xi32, #tpu.memory_space<vmem>>[vector<16xi32>], vector<16xi32>,
      %lt3A_1598 = arith.cmpi slt, %gather3A_1597, %get3A_150 : vector<16xi32>
      %jit3A_1599 = arith.constant 2 : i32
      %jit3A_1600 = arith.constant 0 : i32
      %broadcast_in_dim3A_1601 = vector.broadcast %jit3A_1599 : i32 to vector<16xi32>
      %broadcast_in_dim3A_1602 = vector.broadcast %jit3A_1600 : i32 to vector<16xi32>
      %select_n3A_1603 = arith.select %lt3A_1598, %broadcast_in_dim3A_1601, %broadcast_in_dim3A_1602 : vector<16xi1>, vector<16xi32>
      %add3A_1604 = arith.addi %add3A_1428, %select_n3A_1603 : vector<16xi32>
      %add3A_1605 = arith.constant 1 : i32
      %add3A_1606 = vector.broadcast %add3A_1605 : i32 to vector<16xi32>
      %add3A_1607 = arith.addi %add3A_1439, %add3A_1606 : vector<16xi32>
      %gather3A_1608 = tpu.vector_load_idx %arg10[%add3A_1607] : memref<128xi32, #tpu.memory_space<vmem>>[vector<16xi32>], vector<16xi32>,
      %lt3A_1609 = arith.cmpi slt, %gather3A_1608, %get3A_154 : vector<16xi32>
      %jit3A_1610 = arith.constant 2 : i32
      %jit3A_1611 = arith.constant 0 : i32
      %broadcast_in_dim3A_1612 = vector.broadcast %jit3A_1610 : i32 to vector<16xi32>
      %broadcast_in_dim3A_1613 = vector.broadcast %jit3A_1611 : i32 to vector<16xi32>
      %select_n3A_1614 = arith.select %lt3A_1609, %broadcast_in_dim3A_1612, %broadcast_in_dim3A_1613 : vector<16xi1>, vector<16xi32>
      %add3A_1615 = arith.addi %add3A_1439, %select_n3A_1614 : vector<16xi32>
      %add3A_1616 = arith.constant 1 : i32
      %add3A_1617 = vector.broadcast %add3A_1616 : i32 to vector<16xi32>
      %add3A_1618 = arith.addi %add3A_1450, %add3A_1617 : vector<16xi32>
      %gather3A_1619 = tpu.vector_load_idx %arg10[%add3A_1618] : memref<128xi32, #tpu.memory_space<vmem>>[vector<16xi32>], vector<16xi32>,
      %lt3A_1620 = arith.cmpi slt, %gather3A_1619, %get3A_158 : vector<16xi32>
      %jit3A_1621 = arith.constant 2 : i32
      %jit3A_1622 = arith.constant 0 : i32
      %broadcast_in_dim3A_1623 = vector.broadcast %jit3A_1621 : i32 to vector<16xi32>
      %broadcast_in_dim3A_1624 = vector.broadcast %jit3A_1622 : i32 to vector<16xi32>
      %select_n3A_1625 = arith.select %lt3A_1620, %broadcast_in_dim3A_1623, %broadcast_in_dim3A_1624 : vector<16xi1>, vector<16xi32>
      %add3A_1626 = arith.addi %add3A_1450, %select_n3A_1625 : vector<16xi32>
      %add3A_1627 = arith.constant 1 : i32
      %add3A_1628 = vector.broadcast %add3A_1627 : i32 to vector<16xi32>
      %add3A_1629 = arith.addi %add3A_1461, %add3A_1628 : vector<16xi32>
      %gather3A_1630 = tpu.vector_load_idx %arg10[%add3A_1629] : memref<128xi32, #tpu.memory_space<vmem>>[vector<16xi32>], vector<16xi32>,
      %lt3A_1631 = arith.cmpi slt, %gather3A_1630, %get3A_162 : vector<16xi32>
      %jit3A_1632 = arith.constant 2 : i32
      %jit3A_1633 = arith.constant 0 : i32
      %broadcast_in_dim3A_1634 = vector.broadcast %jit3A_1632 : i32 to vector<16xi32>
      %broadcast_in_dim3A_1635 = vector.broadcast %jit3A_1633 : i32 to vector<16xi32>
      %select_n3A_1636 = arith.select %lt3A_1631, %broadcast_in_dim3A_1634, %broadcast_in_dim3A_1635 : vector<16xi1>, vector<16xi32>
      %add3A_1637 = arith.addi %add3A_1461, %select_n3A_1636 : vector<16xi32>
      %add3A_1638 = arith.constant 1 : i32
      %add3A_1639 = vector.broadcast %add3A_1638 : i32 to vector<16xi32>
      %add3A_1640 = arith.addi %add3A_1472, %add3A_1639 : vector<16xi32>
      %gather3A_1641 = tpu.vector_load_idx %arg10[%add3A_1640] : memref<128xi32, #tpu.memory_space<vmem>>[vector<16xi32>], vector<16xi32>,
      %lt3A_1642 = arith.cmpi slt, %gather3A_1641, %get3A_166 : vector<16xi32>
      %jit3A_1643 = arith.constant 2 : i32
      %jit3A_1644 = arith.constant 0 : i32
      %broadcast_in_dim3A_1645 = vector.broadcast %jit3A_1643 : i32 to vector<16xi32>
      %broadcast_in_dim3A_1646 = vector.broadcast %jit3A_1644 : i32 to vector<16xi32>
      %select_n3A_1647 = arith.select %lt3A_1642, %broadcast_in_dim3A_1645, %broadcast_in_dim3A_1646 : vector<16xi1>, vector<16xi32>
      %add3A_1648 = arith.addi %add3A_1472, %select_n3A_1647 : vector<16xi32>
      %add3A_1649 = arith.constant 1 : i32
      %add3A_1650 = vector.broadcast %add3A_1649 : i32 to vector<16xi32>
      %add3A_1651 = arith.addi %add3A_1483, %add3A_1650 : vector<16xi32>
      %gather3A_1652 = tpu.vector_load_idx %arg10[%add3A_1651] : memref<128xi32, #tpu.memory_space<vmem>>[vector<16xi32>], vector<16xi32>,
      %lt3A_1653 = arith.cmpi slt, %gather3A_1652, %get3A_170 : vector<16xi32>
      %jit3A_1654 = arith.constant 2 : i32
      %jit3A_1655 = arith.constant 0 : i32
      %broadcast_in_dim3A_1656 = vector.broadcast %jit3A_1654 : i32 to vector<16xi32>
      %broadcast_in_dim3A_1657 = vector.broadcast %jit3A_1655 : i32 to vector<16xi32>
      %select_n3A_1658 = arith.select %lt3A_1653, %broadcast_in_dim3A_1656, %broadcast_in_dim3A_1657 : vector<16xi1>, vector<16xi32>
      %add3A_1659 = arith.addi %add3A_1483, %select_n3A_1658 : vector<16xi32>
      %add3A_1660 = arith.constant 1 : i32
      %add3A_1661 = vector.broadcast %add3A_1660 : i32 to vector<16xi32>
      %add3A_1662 = arith.addi %add3A_1494, %add3A_1661 : vector<16xi32>
      %gather3A_1663 = tpu.vector_load_idx %arg10[%add3A_1662] : memref<128xi32, #tpu.memory_space<vmem>>[vector<16xi32>], vector<16xi32>,
      %lt3A_1664 = arith.cmpi slt, %gather3A_1663, %get3A_174 : vector<16xi32>
      %jit3A_1665 = arith.constant 2 : i32
      %jit3A_1666 = arith.constant 0 : i32
      %broadcast_in_dim3A_1667 = vector.broadcast %jit3A_1665 : i32 to vector<16xi32>
      %broadcast_in_dim3A_1668 = vector.broadcast %jit3A_1666 : i32 to vector<16xi32>
      %select_n3A_1669 = arith.select %lt3A_1664, %broadcast_in_dim3A_1667, %broadcast_in_dim3A_1668 : vector<16xi1>, vector<16xi32>
      %add3A_1670 = arith.addi %add3A_1494, %select_n3A_1669 : vector<16xi32>
      %add3A_1671 = arith.constant 1 : i32
      %add3A_1672 = vector.broadcast %add3A_1671 : i32 to vector<16xi32>
      %add3A_1673 = arith.addi %add3A_1505, %add3A_1672 : vector<16xi32>
      %gather3A_1674 = tpu.vector_load_idx %arg10[%add3A_1673] : memref<128xi32, #tpu.memory_space<vmem>>[vector<16xi32>], vector<16xi32>,
      %lt3A_1675 = arith.cmpi slt, %gather3A_1674, %get3A_178 : vector<16xi32>
      %jit3A_1676 = arith.constant 2 : i32
      %jit3A_1677 = arith.constant 0 : i32
      %broadcast_in_dim3A_1678 = vector.broadcast %jit3A_1676 : i32 to vector<16xi32>
      %broadcast_in_dim3A_1679 = vector.broadcast %jit3A_1677 : i32 to vector<16xi32>
      %select_n3A_1680 = arith.select %lt3A_1675, %broadcast_in_dim3A_1678, %broadcast_in_dim3A_1679 : vector<16xi1>, vector<16xi32>
      %add3A_1681 = arith.addi %add3A_1505, %select_n3A_1680 : vector<16xi32>
      %add3A_1682 = arith.constant 1 : i32
      %add3A_1683 = vector.broadcast %add3A_1682 : i32 to vector<16xi32>
      %add3A_1684 = arith.addi %add3A_1516, %add3A_1683 : vector<16xi32>
      %gather3A_1685 = tpu.vector_load_idx %arg10[%add3A_1684] : memref<128xi32, #tpu.memory_space<vmem>>[vector<16xi32>], vector<16xi32>,
      %lt3A_1686 = arith.cmpi slt, %gather3A_1685, %get3A_182 : vector<16xi32>
      %jit3A_1687 = arith.constant 2 : i32
      %jit3A_1688 = arith.constant 0 : i32
      %broadcast_in_dim3A_1689 = vector.broadcast %jit3A_1687 : i32 to vector<16xi32>
      %broadcast_in_dim3A_1690 = vector.broadcast %jit3A_1688 : i32 to vector<16xi32>
      %select_n3A_1691 = arith.select %lt3A_1686, %broadcast_in_dim3A_1689, %broadcast_in_dim3A_1690 : vector<16xi1>, vector<16xi32>
      %add3A_1692 = arith.addi %add3A_1516, %select_n3A_1691 : vector<16xi32>
      %add3A_1693 = arith.constant 1 : i32
      %add3A_1694 = vector.broadcast %add3A_1693 : i32 to vector<16xi32>
      %add3A_1695 = arith.addi %add3A_1527, %add3A_1694 : vector<16xi32>
      %gather3A_1696 = tpu.vector_load_idx %arg10[%add3A_1695] : memref<128xi32, #tpu.memory_space<vmem>>[vector<16xi32>], vector<16xi32>,
      %lt3A_1697 = arith.cmpi slt, %gather3A_1696, %get3A_186 : vector<16xi32>
      %jit3A_1698 = arith.constant 2 : i32
      %jit3A_1699 = arith.constant 0 : i32
      %broadcast_in_dim3A_1700 = vector.broadcast %jit3A_1698 : i32 to vector<16xi32>
      %broadcast_in_dim3A_1701 = vector.broadcast %jit3A_1699 : i32 to vector<16xi32>
      %select_n3A_1702 = arith.select %lt3A_1697, %broadcast_in_dim3A_1700, %broadcast_in_dim3A_1701 : vector<16xi1>, vector<16xi32>
      %add3A_1703 = arith.addi %add3A_1527, %select_n3A_1702 : vector<16xi32>
      %add3A_1704 = arith.constant 0 : i32
      %add3A_1705 = vector.broadcast %add3A_1704 : i32 to vector<16xi32>
      %add3A_1706 = arith.addi %add3A_1538, %add3A_1705 : vector<16xi32>
      %gather3A_1707 = tpu.vector_load_idx %arg10[%add3A_1706] : memref<128xi32, #tpu.memory_space<vmem>>[vector<16xi32>], vector<16xi32>,
      %lt3A_1708 = arith.cmpi slt, %gather3A_1707, %get3A_126 : vector<16xi32>
      %jit3A_1709 = arith.constant 1 : i32
      %jit3A_1710 = arith.constant 0 : i32
      %broadcast_in_dim3A_1711 = vector.broadcast %jit3A_1709 : i32 to vector<16xi32>
      %broadcast_in_dim3A_1712 = vector.broadcast %jit3A_1710 : i32 to vector<16xi32>
      %select_n3A_1713 = arith.select %lt3A_1708, %broadcast_in_dim3A_1711, %broadcast_in_dim3A_1712 : vector<16xi1>, vector<16xi32>
      %add3A_1714 = arith.addi %add3A_1538, %select_n3A_1713 : vector<16xi32>
      %add3A_1715 = arith.constant 0 : i32
      %add3A_1716 = vector.broadcast %add3A_1715 : i32 to vector<16xi32>
      %add3A_1717 = arith.addi %add3A_1549, %add3A_1716 : vector<16xi32>
      %gather3A_1718 = tpu.vector_load_idx %arg10[%add3A_1717] : memref<128xi32, #tpu.memory_space<vmem>>[vector<16xi32>], vector<16xi32>,
      %lt3A_1719 = arith.cmpi slt, %gather3A_1718, %get3A_130 : vector<16xi32>
      %jit3A_1720 = arith.constant 1 : i32
      %jit3A_1721 = arith.constant 0 : i32
      %broadcast_in_dim3A_1722 = vector.broadcast %jit3A_1720 : i32 to vector<16xi32>
      %broadcast_in_dim3A_1723 = vector.broadcast %jit3A_1721 : i32 to vector<16xi32>
      %select_n3A_1724 = arith.select %lt3A_1719, %broadcast_in_dim3A_1722, %broadcast_in_dim3A_1723 : vector<16xi1>, vector<16xi32>
      %add3A_1725 = arith.addi %add3A_1549, %select_n3A_1724 : vector<16xi32>
      %add3A_1726 = arith.constant 0 : i32
      %add3A_1727 = vector.broadcast %add3A_1726 : i32 to vector<16xi32>
      %add3A_1728 = arith.addi %add3A_1560, %add3A_1727 : vector<16xi32>
      %gather3A_1729 = tpu.vector_load_idx %arg10[%add3A_1728] : memref<128xi32, #tpu.memory_space<vmem>>[vector<16xi32>], vector<16xi32>,
      %lt3A_1730 = arith.cmpi slt, %gather3A_1729, %get3A_134 : vector<16xi32>
      %jit3A_1731 = arith.constant 1 : i32
      %jit3A_1732 = arith.constant 0 : i32
      %broadcast_in_dim3A_1733 = vector.broadcast %jit3A_1731 : i32 to vector<16xi32>
      %broadcast_in_dim3A_1734 = vector.broadcast %jit3A_1732 : i32 to vector<16xi32>
      %select_n3A_1735 = arith.select %lt3A_1730, %broadcast_in_dim3A_1733, %broadcast_in_dim3A_1734 : vector<16xi1>, vector<16xi32>
      %add3A_1736 = arith.addi %add3A_1560, %select_n3A_1735 : vector<16xi32>
      %add3A_1737 = arith.constant 0 : i32
      %add3A_1738 = vector.broadcast %add3A_1737 : i32 to vector<16xi32>
      %add3A_1739 = arith.addi %add3A_1571, %add3A_1738 : vector<16xi32>
      %gather3A_1740 = tpu.vector_load_idx %arg10[%add3A_1739] : memref<128xi32, #tpu.memory_space<vmem>>[vector<16xi32>], vector<16xi32>,
      %lt3A_1741 = arith.cmpi slt, %gather3A_1740, %get3A_138 : vector<16xi32>
      %jit3A_1742 = arith.constant 1 : i32
      %jit3A_1743 = arith.constant 0 : i32
      %broadcast_in_dim3A_1744 = vector.broadcast %jit3A_1742 : i32 to vector<16xi32>
      %broadcast_in_dim3A_1745 = vector.broadcast %jit3A_1743 : i32 to vector<16xi32>
      %select_n3A_1746 = arith.select %lt3A_1741, %broadcast_in_dim3A_1744, %broadcast_in_dim3A_1745 : vector<16xi1>, vector<16xi32>
      %add3A_1747 = arith.addi %add3A_1571, %select_n3A_1746 : vector<16xi32>
      %add3A_1748 = arith.constant 0 : i32
      %add3A_1749 = vector.broadcast %add3A_1748 : i32 to vector<16xi32>
      %add3A_1750 = arith.addi %add3A_1582, %add3A_1749 : vector<16xi32>
      %gather3A_1751 = tpu.vector_load_idx %arg10[%add3A_1750] : memref<128xi32, #tpu.memory_space<vmem>>[vector<16xi32>], vector<16xi32>,
      %lt3A_1752 = arith.cmpi slt, %gather3A_1751, %get3A_142 : vector<16xi32>
      %jit3A_1753 = arith.constant 1 : i32
      %jit3A_1754 = arith.constant 0 : i32
      %broadcast_in_dim3A_1755 = vector.broadcast %jit3A_1753 : i32 to vector<16xi32>
      %broadcast_in_dim3A_1756 = vector.broadcast %jit3A_1754 : i32 to vector<16xi32>
      %select_n3A_1757 = arith.select %lt3A_1752, %broadcast_in_dim3A_1755, %broadcast_in_dim3A_1756 : vector<16xi1>, vector<16xi32>
      %add3A_1758 = arith.addi %add3A_1582, %select_n3A_1757 : vector<16xi32>
      %add3A_1759 = arith.constant 0 : i32
      %add3A_1760 = vector.broadcast %add3A_1759 : i32 to vector<16xi32>
      %add3A_1761 = arith.addi %add3A_1593, %add3A_1760 : vector<16xi32>
      %gather3A_1762 = tpu.vector_load_idx %arg10[%add3A_1761] : memref<128xi32, #tpu.memory_space<vmem>>[vector<16xi32>], vector<16xi32>,
      %lt3A_1763 = arith.cmpi slt, %gather3A_1762, %get3A_146 : vector<16xi32>
      %jit3A_1764 = arith.constant 1 : i32
      %jit3A_1765 = arith.constant 0 : i32
      %broadcast_in_dim3A_1766 = vector.broadcast %jit3A_1764 : i32 to vector<16xi32>
      %broadcast_in_dim3A_1767 = vector.broadcast %jit3A_1765 : i32 to vector<16xi32>
      %select_n3A_1768 = arith.select %lt3A_1763, %broadcast_in_dim3A_1766, %broadcast_in_dim3A_1767 : vector<16xi1>, vector<16xi32>
      %add3A_1769 = arith.addi %add3A_1593, %select_n3A_1768 : vector<16xi32>
      %add3A_1770 = arith.constant 0 : i32
      %add3A_1771 = vector.broadcast %add3A_1770 : i32 to vector<16xi32>
      %add3A_1772 = arith.addi %add3A_1604, %add3A_1771 : vector<16xi32>
      %gather3A_1773 = tpu.vector_load_idx %arg10[%add3A_1772] : memref<128xi32, #tpu.memory_space<vmem>>[vector<16xi32>], vector<16xi32>,
      %lt3A_1774 = arith.cmpi slt, %gather3A_1773, %get3A_150 : vector<16xi32>
      %jit3A_1775 = arith.constant 1 : i32
      %jit3A_1776 = arith.constant 0 : i32
      %broadcast_in_dim3A_1777 = vector.broadcast %jit3A_1775 : i32 to vector<16xi32>
      %broadcast_in_dim3A_1778 = vector.broadcast %jit3A_1776 : i32 to vector<16xi32>
      %select_n3A_1779 = arith.select %lt3A_1774, %broadcast_in_dim3A_1777, %broadcast_in_dim3A_1778 : vector<16xi1>, vector<16xi32>
      %add3A_1780 = arith.addi %add3A_1604, %select_n3A_1779 : vector<16xi32>
      %add3A_1781 = arith.constant 0 : i32
      %add3A_1782 = vector.broadcast %add3A_1781 : i32 to vector<16xi32>
      %add3A_1783 = arith.addi %add3A_1615, %add3A_1782 : vector<16xi32>
      %gather3A_1784 = tpu.vector_load_idx %arg10[%add3A_1783] : memref<128xi32, #tpu.memory_space<vmem>>[vector<16xi32>], vector<16xi32>,
      %lt3A_1785 = arith.cmpi slt, %gather3A_1784, %get3A_154 : vector<16xi32>
      %jit3A_1786 = arith.constant 1 : i32
      %jit3A_1787 = arith.constant 0 : i32
      %broadcast_in_dim3A_1788 = vector.broadcast %jit3A_1786 : i32 to vector<16xi32>
      %broadcast_in_dim3A_1789 = vector.broadcast %jit3A_1787 : i32 to vector<16xi32>
      %select_n3A_1790 = arith.select %lt3A_1785, %broadcast_in_dim3A_1788, %broadcast_in_dim3A_1789 : vector<16xi1>, vector<16xi32>
      %add3A_1791 = arith.addi %add3A_1615, %select_n3A_1790 : vector<16xi32>
      %add3A_1792 = arith.constant 0 : i32
      %add3A_1793 = vector.broadcast %add3A_1792 : i32 to vector<16xi32>
      %add3A_1794 = arith.addi %add3A_1626, %add3A_1793 : vector<16xi32>
      %gather3A_1795 = tpu.vector_load_idx %arg10[%add3A_1794] : memref<128xi32, #tpu.memory_space<vmem>>[vector<16xi32>], vector<16xi32>,
      %lt3A_1796 = arith.cmpi slt, %gather3A_1795, %get3A_158 : vector<16xi32>
      %jit3A_1797 = arith.constant 1 : i32
      %jit3A_1798 = arith.constant 0 : i32
      %broadcast_in_dim3A_1799 = vector.broadcast %jit3A_1797 : i32 to vector<16xi32>
      %broadcast_in_dim3A_1800 = vector.broadcast %jit3A_1798 : i32 to vector<16xi32>
      %select_n3A_1801 = arith.select %lt3A_1796, %broadcast_in_dim3A_1799, %broadcast_in_dim3A_1800 : vector<16xi1>, vector<16xi32>
      %add3A_1802 = arith.addi %add3A_1626, %select_n3A_1801 : vector<16xi32>
      %add3A_1803 = arith.constant 0 : i32
      %add3A_1804 = vector.broadcast %add3A_1803 : i32 to vector<16xi32>
      %add3A_1805 = arith.addi %add3A_1637, %add3A_1804 : vector<16xi32>
      %gather3A_1806 = tpu.vector_load_idx %arg10[%add3A_1805] : memref<128xi32, #tpu.memory_space<vmem>>[vector<16xi32>], vector<16xi32>,
      %lt3A_1807 = arith.cmpi slt, %gather3A_1806, %get3A_162 : vector<16xi32>
      %jit3A_1808 = arith.constant 1 : i32
      %jit3A_1809 = arith.constant 0 : i32
      %broadcast_in_dim3A_1810 = vector.broadcast %jit3A_1808 : i32 to vector<16xi32>
      %broadcast_in_dim3A_1811 = vector.broadcast %jit3A_1809 : i32 to vector<16xi32>
      %select_n3A_1812 = arith.select %lt3A_1807, %broadcast_in_dim3A_1810, %broadcast_in_dim3A_1811 : vector<16xi1>, vector<16xi32>
      %add3A_1813 = arith.addi %add3A_1637, %select_n3A_1812 : vector<16xi32>
      %add3A_1814 = arith.constant 0 : i32
      %add3A_1815 = vector.broadcast %add3A_1814 : i32 to vector<16xi32>
      %add3A_1816 = arith.addi %add3A_1648, %add3A_1815 : vector<16xi32>
      %gather3A_1817 = tpu.vector_load_idx %arg10[%add3A_1816] : memref<128xi32, #tpu.memory_space<vmem>>[vector<16xi32>], vector<16xi32>,
      %lt3A_1818 = arith.cmpi slt, %gather3A_1817, %get3A_166 : vector<16xi32>
      %jit3A_1819 = arith.constant 1 : i32
      %jit3A_1820 = arith.constant 0 : i32
      %broadcast_in_dim3A_1821 = vector.broadcast %jit3A_1819 : i32 to vector<16xi32>
      %broadcast_in_dim3A_1822 = vector.broadcast %jit3A_1820 : i32 to vector<16xi32>
      %select_n3A_1823 = arith.select %lt3A_1818, %broadcast_in_dim3A_1821, %broadcast_in_dim3A_1822 : vector<16xi1>, vector<16xi32>
      %add3A_1824 = arith.addi %add3A_1648, %select_n3A_1823 : vector<16xi32>
      %add3A_1825 = arith.constant 0 : i32
      %add3A_1826 = vector.broadcast %add3A_1825 : i32 to vector<16xi32>
      %add3A_1827 = arith.addi %add3A_1659, %add3A_1826 : vector<16xi32>
      %gather3A_1828 = tpu.vector_load_idx %arg10[%add3A_1827] : memref<128xi32, #tpu.memory_space<vmem>>[vector<16xi32>], vector<16xi32>,
      %lt3A_1829 = arith.cmpi slt, %gather3A_1828, %get3A_170 : vector<16xi32>
      %jit3A_1830 = arith.constant 1 : i32
      %jit3A_1831 = arith.constant 0 : i32
      %broadcast_in_dim3A_1832 = vector.broadcast %jit3A_1830 : i32 to vector<16xi32>
      %broadcast_in_dim3A_1833 = vector.broadcast %jit3A_1831 : i32 to vector<16xi32>
      %select_n3A_1834 = arith.select %lt3A_1829, %broadcast_in_dim3A_1832, %broadcast_in_dim3A_1833 : vector<16xi1>, vector<16xi32>
      %add3A_1835 = arith.addi %add3A_1659, %select_n3A_1834 : vector<16xi32>
      %add3A_1836 = arith.constant 0 : i32
      %add3A_1837 = vector.broadcast %add3A_1836 : i32 to vector<16xi32>
      %add3A_1838 = arith.addi %add3A_1670, %add3A_1837 : vector<16xi32>
      %gather3A_1839 = tpu.vector_load_idx %arg10[%add3A_1838] : memref<128xi32, #tpu.memory_space<vmem>>[vector<16xi32>], vector<16xi32>,
      %lt3A_1840 = arith.cmpi slt, %gather3A_1839, %get3A_174 : vector<16xi32>
      %jit3A_1841 = arith.constant 1 : i32
      %jit3A_1842 = arith.constant 0 : i32
      %broadcast_in_dim3A_1843 = vector.broadcast %jit3A_1841 : i32 to vector<16xi32>
      %broadcast_in_dim3A_1844 = vector.broadcast %jit3A_1842 : i32 to vector<16xi32>
      %select_n3A_1845 = arith.select %lt3A_1840, %broadcast_in_dim3A_1843, %broadcast_in_dim3A_1844 : vector<16xi1>, vector<16xi32>
      %add3A_1846 = arith.addi %add3A_1670, %select_n3A_1845 : vector<16xi32>
      %add3A_1847 = arith.constant 0 : i32
      %add3A_1848 = vector.broadcast %add3A_1847 : i32 to vector<16xi32>
      %add3A_1849 = arith.addi %add3A_1681, %add3A_1848 : vector<16xi32>
      %gather3A_1850 = tpu.vector_load_idx %arg10[%add3A_1849] : memref<128xi32, #tpu.memory_space<vmem>>[vector<16xi32>], vector<16xi32>,
      %lt3A_1851 = arith.cmpi slt, %gather3A_1850, %get3A_178 : vector<16xi32>
      %jit3A_1852 = arith.constant 1 : i32
      %jit3A_1853 = arith.constant 0 : i32
      %broadcast_in_dim3A_1854 = vector.broadcast %jit3A_1852 : i32 to vector<16xi32>
      %broadcast_in_dim3A_1855 = vector.broadcast %jit3A_1853 : i32 to vector<16xi32>
      %select_n3A_1856 = arith.select %lt3A_1851, %broadcast_in_dim3A_1854, %broadcast_in_dim3A_1855 : vector<16xi1>, vector<16xi32>
      %add3A_1857 = arith.addi %add3A_1681, %select_n3A_1856 : vector<16xi32>
      %add3A_1858 = arith.constant 0 : i32
      %add3A_1859 = vector.broadcast %add3A_1858 : i32 to vector<16xi32>
      %add3A_1860 = arith.addi %add3A_1692, %add3A_1859 : vector<16xi32>
      %gather3A_1861 = tpu.vector_load_idx %arg10[%add3A_1860] : memref<128xi32, #tpu.memory_space<vmem>>[vector<16xi32>], vector<16xi32>,
      %lt3A_1862 = arith.cmpi slt, %gather3A_1861, %get3A_182 : vector<16xi32>
      %jit3A_1863 = arith.constant 1 : i32
      %jit3A_1864 = arith.constant 0 : i32
      %broadcast_in_dim3A_1865 = vector.broadcast %jit3A_1863 : i32 to vector<16xi32>
      %broadcast_in_dim3A_1866 = vector.broadcast %jit3A_1864 : i32 to vector<16xi32>
      %select_n3A_1867 = arith.select %lt3A_1862, %broadcast_in_dim3A_1865, %broadcast_in_dim3A_1866 : vector<16xi1>, vector<16xi32>
      %add3A_1868 = arith.addi %add3A_1692, %select_n3A_1867 : vector<16xi32>
      %add3A_1869 = arith.constant 0 : i32
      %add3A_1870 = vector.broadcast %add3A_1869 : i32 to vector<16xi32>
      %add3A_1871 = arith.addi %add3A_1703, %add3A_1870 : vector<16xi32>
      %gather3A_1872 = tpu.vector_load_idx %arg10[%add3A_1871] : memref<128xi32, #tpu.memory_space<vmem>>[vector<16xi32>], vector<16xi32>,
      %lt3A_1873 = arith.cmpi slt, %gather3A_1872, %get3A_186 : vector<16xi32>
      %jit3A_1874 = arith.constant 1 : i32
      %jit3A_1875 = arith.constant 0 : i32
      %broadcast_in_dim3A_1876 = vector.broadcast %jit3A_1874 : i32 to vector<16xi32>
      %broadcast_in_dim3A_1877 = vector.broadcast %jit3A_1875 : i32 to vector<16xi32>
      %select_n3A_1878 = arith.select %lt3A_1873, %broadcast_in_dim3A_1876, %broadcast_in_dim3A_1877 : vector<16xi1>, vector<16xi32>
      %add3A_1879 = arith.addi %add3A_1703, %select_n3A_1878 : vector<16xi32>
      %gather3A_1880 = tpu.vector_load_idx %arg11[%add3A_1714] : memref<128xi32, #tpu.memory_space<vmem>>[vector<16xi32>], vector<16xi32>,
      %add3A_1881 = arith.constant 0 : i32
      %add3A_1882 = arith.addi %mul3A_122, %add3A_1881 : i32
      %swap3A = arith.index_cast %add3A_1882 : i32 to index
      %swap3A_1883 = tpu.vector_load %arg7[%swap3A] {strides = array<i32>} : memref<7936xi32, #tpu.memory_space<vmem>>, vector<16xi32>,
      tpu.vector_store %arg7[%swap3A], %gather3A_1880 {strides = array<i32>} : memref<7936xi32, #tpu.memory_space<vmem>>, vector<16xi32>,
      %gather3A_1884 = tpu.vector_load_idx %arg11[%add3A_1725] : memref<128xi32, #tpu.memory_space<vmem>>[vector<16xi32>], vector<16xi32>,
      %add3A_1885 = arith.constant 16 : i32
      %add3A_1886 = arith.addi %mul3A_122, %add3A_1885 : i32
      %swap3A_1887 = arith.index_cast %add3A_1886 : i32 to index
      %swap3A_1888 = tpu.vector_load %arg7[%swap3A_1887] {strides = array<i32>} : memref<7936xi32, #tpu.memory_space<vmem>>, vector<16xi32>,
      tpu.vector_store %arg7[%swap3A_1887], %gather3A_1884 {strides = array<i32>} : memref<7936xi32, #tpu.memory_space<vmem>>, vector<16xi32>,
      %gather3A_1889 = tpu.vector_load_idx %arg11[%add3A_1736] : memref<128xi32, #tpu.memory_space<vmem>>[vector<16xi32>], vector<16xi32>,
      %add3A_1890 = arith.constant 32 : i32
      %add3A_1891 = arith.addi %mul3A_122, %add3A_1890 : i32
      %swap3A_1892 = arith.index_cast %add3A_1891 : i32 to index
      %swap3A_1893 = tpu.vector_load %arg7[%swap3A_1892] {strides = array<i32>} : memref<7936xi32, #tpu.memory_space<vmem>>, vector<16xi32>,
      tpu.vector_store %arg7[%swap3A_1892], %gather3A_1889 {strides = array<i32>} : memref<7936xi32, #tpu.memory_space<vmem>>, vector<16xi32>,
      %gather3A_1894 = tpu.vector_load_idx %arg11[%add3A_1747] : memref<128xi32, #tpu.memory_space<vmem>>[vector<16xi32>], vector<16xi32>,
      %add3A_1895 = arith.constant 48 : i32
      %add3A_1896 = arith.addi %mul3A_122, %add3A_1895 : i32
      %swap3A_1897 = arith.index_cast %add3A_1896 : i32 to index
      %swap3A_1898 = tpu.vector_load %arg7[%swap3A_1897] {strides = array<i32>} : memref<7936xi32, #tpu.memory_space<vmem>>, vector<16xi32>,
      tpu.vector_store %arg7[%swap3A_1897], %gather3A_1894 {strides = array<i32>} : memref<7936xi32, #tpu.memory_space<vmem>>, vector<16xi32>,
      %gather3A_1899 = tpu.vector_load_idx %arg11[%add3A_1758] : memref<128xi32, #tpu.memory_space<vmem>>[vector<16xi32>], vector<16xi32>,
      %add3A_1900 = arith.constant 64 : i32
      %add3A_1901 = arith.addi %mul3A_122, %add3A_1900 : i32
      %swap3A_1902 = arith.index_cast %add3A_1901 : i32 to index
      %swap3A_1903 = tpu.vector_load %arg7[%swap3A_1902] {strides = array<i32>} : memref<7936xi32, #tpu.memory_space<vmem>>, vector<16xi32>,
      tpu.vector_store %arg7[%swap3A_1902], %gather3A_1899 {strides = array<i32>} : memref<7936xi32, #tpu.memory_space<vmem>>, vector<16xi32>,
      %gather3A_1904 = tpu.vector_load_idx %arg11[%add3A_1769] : memref<128xi32, #tpu.memory_space<vmem>>[vector<16xi32>], vector<16xi32>,
      %add3A_1905 = arith.constant 80 : i32
      %add3A_1906 = arith.addi %mul3A_122, %add3A_1905 : i32
      %swap3A_1907 = arith.index_cast %add3A_1906 : i32 to index
      %swap3A_1908 = tpu.vector_load %arg7[%swap3A_1907] {strides = array<i32>} : memref<7936xi32, #tpu.memory_space<vmem>>, vector<16xi32>,
      tpu.vector_store %arg7[%swap3A_1907], %gather3A_1904 {strides = array<i32>} : memref<7936xi32, #tpu.memory_space<vmem>>, vector<16xi32>,
      %gather3A_1909 = tpu.vector_load_idx %arg11[%add3A_1780] : memref<128xi32, #tpu.memory_space<vmem>>[vector<16xi32>], vector<16xi32>,
      %add3A_1910 = arith.constant 96 : i32
      %add3A_1911 = arith.addi %mul3A_122, %add3A_1910 : i32
      %swap3A_1912 = arith.index_cast %add3A_1911 : i32 to index
      %swap3A_1913 = tpu.vector_load %arg7[%swap3A_1912] {strides = array<i32>} : memref<7936xi32, #tpu.memory_space<vmem>>, vector<16xi32>,
      tpu.vector_store %arg7[%swap3A_1912], %gather3A_1909 {strides = array<i32>} : memref<7936xi32, #tpu.memory_space<vmem>>, vector<16xi32>,
      %gather3A_1914 = tpu.vector_load_idx %arg11[%add3A_1791] : memref<128xi32, #tpu.memory_space<vmem>>[vector<16xi32>], vector<16xi32>,
      %add3A_1915 = arith.constant 112 : i32
      %add3A_1916 = arith.addi %mul3A_122, %add3A_1915 : i32
      %swap3A_1917 = arith.index_cast %add3A_1916 : i32 to index
      %swap3A_1918 = tpu.vector_load %arg7[%swap3A_1917] {strides = array<i32>} : memref<7936xi32, #tpu.memory_space<vmem>>, vector<16xi32>,
      tpu.vector_store %arg7[%swap3A_1917], %gather3A_1914 {strides = array<i32>} : memref<7936xi32, #tpu.memory_space<vmem>>, vector<16xi32>,
      %gather3A_1919 = tpu.vector_load_idx %arg11[%add3A_1802] : memref<128xi32, #tpu.memory_space<vmem>>[vector<16xi32>], vector<16xi32>,
      %add3A_1920 = arith.constant 128 : i32
      %add3A_1921 = arith.addi %mul3A_122, %add3A_1920 : i32
      %swap3A_1922 = arith.index_cast %add3A_1921 : i32 to index
      %swap3A_1923 = tpu.vector_load %arg7[%swap3A_1922] {strides = array<i32>} : memref<7936xi32, #tpu.memory_space<vmem>>, vector<16xi32>,
      tpu.vector_store %arg7[%swap3A_1922], %gather3A_1919 {strides = array<i32>} : memref<7936xi32, #tpu.memory_space<vmem>>, vector<16xi32>,
      %gather3A_1924 = tpu.vector_load_idx %arg11[%add3A_1813] : memref<128xi32, #tpu.memory_space<vmem>>[vector<16xi32>], vector<16xi32>,
      %add3A_1925 = arith.constant 144 : i32
      %add3A_1926 = arith.addi %mul3A_122, %add3A_1925 : i32
      %swap3A_1927 = arith.index_cast %add3A_1926 : i32 to index
      %swap3A_1928 = tpu.vector_load %arg7[%swap3A_1927] {strides = array<i32>} : memref<7936xi32, #tpu.memory_space<vmem>>, vector<16xi32>,
      tpu.vector_store %arg7[%swap3A_1927], %gather3A_1924 {strides = array<i32>} : memref<7936xi32, #tpu.memory_space<vmem>>, vector<16xi32>,
      %gather3A_1929 = tpu.vector_load_idx %arg11[%add3A_1824] : memref<128xi32, #tpu.memory_space<vmem>>[vector<16xi32>], vector<16xi32>,
      %add3A_1930 = arith.constant 160 : i32
      %add3A_1931 = arith.addi %mul3A_122, %add3A_1930 : i32
      %swap3A_1932 = arith.index_cast %add3A_1931 : i32 to index
      %swap3A_1933 = tpu.vector_load %arg7[%swap3A_1932] {strides = array<i32>} : memref<7936xi32, #tpu.memory_space<vmem>>, vector<16xi32>,
      tpu.vector_store %arg7[%swap3A_1932], %gather3A_1929 {strides = array<i32>} : memref<7936xi32, #tpu.memory_space<vmem>>, vector<16xi32>,
      %gather3A_1934 = tpu.vector_load_idx %arg11[%add3A_1835] : memref<128xi32, #tpu.memory_space<vmem>>[vector<16xi32>], vector<16xi32>,
      %add3A_1935 = arith.constant 176 : i32
      %add3A_1936 = arith.addi %mul3A_122, %add3A_1935 : i32
      %swap3A_1937 = arith.index_cast %add3A_1936 : i32 to index
      %swap3A_1938 = tpu.vector_load %arg7[%swap3A_1937] {strides = array<i32>} : memref<7936xi32, #tpu.memory_space<vmem>>, vector<16xi32>,
      tpu.vector_store %arg7[%swap3A_1937], %gather3A_1934 {strides = array<i32>} : memref<7936xi32, #tpu.memory_space<vmem>>, vector<16xi32>,
      %gather3A_1939 = tpu.vector_load_idx %arg11[%add3A_1846] : memref<128xi32, #tpu.memory_space<vmem>>[vector<16xi32>], vector<16xi32>,
      %add3A_1940 = arith.constant 192 : i32
      %add3A_1941 = arith.addi %mul3A_122, %add3A_1940 : i32
      %swap3A_1942 = arith.index_cast %add3A_1941 : i32 to index
      %swap3A_1943 = tpu.vector_load %arg7[%swap3A_1942] {strides = array<i32>} : memref<7936xi32, #tpu.memory_space<vmem>>, vector<16xi32>,
      tpu.vector_store %arg7[%swap3A_1942], %gather3A_1939 {strides = array<i32>} : memref<7936xi32, #tpu.memory_space<vmem>>, vector<16xi32>,
      %gather3A_1944 = tpu.vector_load_idx %arg11[%add3A_1857] : memref<128xi32, #tpu.memory_space<vmem>>[vector<16xi32>], vector<16xi32>,
      %add3A_1945 = arith.constant 208 : i32
      %add3A_1946 = arith.addi %mul3A_122, %add3A_1945 : i32
      %swap3A_1947 = arith.index_cast %add3A_1946 : i32 to index
      %swap3A_1948 = tpu.vector_load %arg7[%swap3A_1947] {strides = array<i32>} : memref<7936xi32, #tpu.memory_space<vmem>>, vector<16xi32>,
      tpu.vector_store %arg7[%swap3A_1947], %gather3A_1944 {strides = array<i32>} : memref<7936xi32, #tpu.memory_space<vmem>>, vector<16xi32>,
      %gather3A_1949 = tpu.vector_load_idx %arg11[%add3A_1868] : memref<128xi32, #tpu.memory_space<vmem>>[vector<16xi32>], vector<16xi32>,
      %add3A_1950 = arith.constant 224 : i32
      %add3A_1951 = arith.addi %mul3A_122, %add3A_1950 : i32
      %swap3A_1952 = arith.index_cast %add3A_1951 : i32 to index
      %swap3A_1953 = tpu.vector_load %arg7[%swap3A_1952] {strides = array<i32>} : memref<7936xi32, #tpu.memory_space<vmem>>, vector<16xi32>,
      tpu.vector_store %arg7[%swap3A_1952], %gather3A_1949 {strides = array<i32>} : memref<7936xi32, #tpu.memory_space<vmem>>, vector<16xi32>,
      %gather3A_1954 = tpu.vector_load_idx %arg11[%add3A_1879] : memref<128xi32, #tpu.memory_space<vmem>>[vector<16xi32>], vector<16xi32>,
      %add3A_1955 = arith.constant 240 : i32
      %add3A_1956 = arith.addi %mul3A_122, %add3A_1955 : i32
      %swap3A_1957 = arith.index_cast %add3A_1956 : i32 to index
      %swap3A_1958 = tpu.vector_load %arg7[%swap3A_1957] {strides = array<i32>} : memref<7936xi32, #tpu.memory_space<vmem>>, vector<16xi32>,
      tpu.vector_store %arg7[%swap3A_1957], %gather3A_1954 {strides = array<i32>} : memref<7936xi32, #tpu.memory_space<vmem>>, vector<16xi32>,
    }
    %scan3A_101 = arith.constant 31 : i32
    %dma_start3A_102 = tpu.memref_slice %arg4[%min3A_3] : memref<500000xi32, #tpu.memory_space<hbm>> -> memref<7936xi32, #tpu.memory_space<hbm>>
    %dma_start3A_103 = tpu.memref_slice %arg4[%min3A_3] : memref<500000xi32, #tpu.memory_space<hbm>> -> memref<7936xi32, #tpu.memory_space<hbm>>
    tpu.enqueue_dma source(%arg7 : memref<7936xi32, #tpu.memory_space<vmem>>) target(%dma_start3A_103 : memref<7936xi32, #tpu.memory_space<hbm>>) target_semaphore(%arg14 : memref<!tpu.dma_semaphore, #tpu.memory_space<semaphore_mem>>)
    %dma_wait3A_104 = tpu.memref_slice %arg2[%add3A_6] : memref<500000xi32, #tpu.memory_space<hbm>> -> memref<7936xi32, #tpu.memory_space<hbm>>
    %dma_wait3A_105 = tpu.memref_slice %arg2[%add3A_6] : memref<500000xi32, #tpu.memory_space<hbm>> -> memref<7936xi32, #tpu.memory_space<hbm>>
    tpu.wait_dma2 semaphore(%arg13 : memref<!tpu.dma_semaphore, #tpu.memory_space<semaphore_mem>>) src(%dma_wait3A_105 : memref<7936xi32, #tpu.memory_space<hbm>>) dst(%arg6 : memref<7936xi32, #tpu.memory_space<vmem>>)
    %scan3A_106 = arith.constant 0 : i32
    %scan3A_107 = arith.constant 0 : i32
    %scan3A_108 = arith.constant 31 : i32
    %scan3A_109 = arith.addi %scan3A_107, %scan3A_108 : i32
    %scan3A_110 = arith.constant 1 : i32
    scf.for %scan3A_120 = %scan3A_107 to %scan3A_109 step %scan3A_110  : i32 {
      %mul3A_121 = arith.constant 256 : i32
      %mul3A_122 = arith.muli %scan3A_120, %mul3A_121 : i32
      %add3A_123 = arith.constant 0 : i32
      %add3A_124 = arith.addi %mul3A_122, %add3A_123 : i32
      %get3A_125 = arith.index_cast %add3A_124 : i32 to index
      %get3A_126 = tpu.vector_load %arg6[%get3A_125] {strides = array<i32>} : memref<7936xi32, #tpu.memory_space<vmem>>, vector<16xi32>,
      %add3A_127 = arith.constant 16 : i32
      %add3A_128 = arith.addi %mul3A_122, %add3A_127 : i32
      %get3A_129 = arith.index_cast %add3A_128 : i32 to index
      %get3A_130 = tpu.vector_load %arg6[%get3A_129] {strides = array<i32>} : memref<7936xi32, #tpu.memory_space<vmem>>, vector<16xi32>,
      %add3A_131 = arith.constant 32 : i32
      %add3A_132 = arith.addi %mul3A_122, %add3A_131 : i32
      %get3A_133 = arith.index_cast %add3A_132 : i32 to index
      %get3A_134 = tpu.vector_load %arg6[%get3A_133] {strides = array<i32>} : memref<7936xi32, #tpu.memory_space<vmem>>, vector<16xi32>,
      %add3A_135 = arith.constant 48 : i32
      %add3A_136 = arith.addi %mul3A_122, %add3A_135 : i32
      %get3A_137 = arith.index_cast %add3A_136 : i32 to index
      %get3A_138 = tpu.vector_load %arg6[%get3A_137] {strides = array<i32>} : memref<7936xi32, #tpu.memory_space<vmem>>, vector<16xi32>,
      %add3A_139 = arith.constant 64 : i32
      %add3A_140 = arith.addi %mul3A_122, %add3A_139 : i32
      %get3A_141 = arith.index_cast %add3A_140 : i32 to index
      %get3A_142 = tpu.vector_load %arg6[%get3A_141] {strides = array<i32>} : memref<7936xi32, #tpu.memory_space<vmem>>, vector<16xi32>,
      %add3A_143 = arith.constant 80 : i32
      %add3A_144 = arith.addi %mul3A_122, %add3A_143 : i32
      %get3A_145 = arith.index_cast %add3A_144 : i32 to index
      %get3A_146 = tpu.vector_load %arg6[%get3A_145] {strides = array<i32>} : memref<7936xi32, #tpu.memory_space<vmem>>, vector<16xi32>,
      %add3A_147 = arith.constant 96 : i32
      %add3A_148 = arith.addi %mul3A_122, %add3A_147 : i32
      %get3A_149 = arith.index_cast %add3A_148 : i32 to index
      %get3A_150 = tpu.vector_load %arg6[%get3A_149] {strides = array<i32>} : memref<7936xi32, #tpu.memory_space<vmem>>, vector<16xi32>,
      %add3A_151 = arith.constant 112 : i32
      %add3A_152 = arith.addi %mul3A_122, %add3A_151 : i32
      %get3A_153 = arith.index_cast %add3A_152 : i32 to index
      %get3A_154 = tpu.vector_load %arg6[%get3A_153] {strides = array<i32>} : memref<7936xi32, #tpu.memory_space<vmem>>, vector<16xi32>,
      %add3A_155 = arith.constant 128 : i32
      %add3A_156 = arith.addi %mul3A_122, %add3A_155 : i32
      %get3A_157 = arith.index_cast %add3A_156 : i32 to index
      %get3A_158 = tpu.vector_load %arg6[%get3A_157] {strides = array<i32>} : memref<7936xi32, #tpu.memory_space<vmem>>, vector<16xi32>,
      %add3A_159 = arith.constant 144 : i32
      %add3A_160 = arith.addi %mul3A_122, %add3A_159 : i32
      %get3A_161 = arith.index_cast %add3A_160 : i32 to index
      %get3A_162 = tpu.vector_load %arg6[%get3A_161] {strides = array<i32>} : memref<7936xi32, #tpu.memory_space<vmem>>, vector<16xi32>,
      %add3A_163 = arith.constant 160 : i32
      %add3A_164 = arith.addi %mul3A_122, %add3A_163 : i32
      %get3A_165 = arith.index_cast %add3A_164 : i32 to index
      %get3A_166 = tpu.vector_load %arg6[%get3A_165] {strides = array<i32>} : memref<7936xi32, #tpu.memory_space<vmem>>, vector<16xi32>,
      %add3A_167 = arith.constant 176 : i32
      %add3A_168 = arith.addi %mul3A_122, %add3A_167 : i32
      %get3A_169 = arith.index_cast %add3A_168 : i32 to index
      %get3A_170 = tpu.vector_load %arg6[%get3A_169] {strides = array<i32>} : memref<7936xi32, #tpu.memory_space<vmem>>, vector<16xi32>,
      %add3A_171 = arith.constant 192 : i32
      %add3A_172 = arith.addi %mul3A_122, %add3A_171 : i32
      %get3A_173 = arith.index_cast %add3A_172 : i32 to index
      %get3A_174 = tpu.vector_load %arg6[%get3A_173] {strides = array<i32>} : memref<7936xi32, #tpu.memory_space<vmem>>, vector<16xi32>,
      %add3A_175 = arith.constant 208 : i32
      %add3A_176 = arith.addi %mul3A_122, %add3A_175 : i32
      %get3A_177 = arith.index_cast %add3A_176 : i32 to index
      %get3A_178 = tpu.vector_load %arg6[%get3A_177] {strides = array<i32>} : memref<7936xi32, #tpu.memory_space<vmem>>, vector<16xi32>,
      %add3A_179 = arith.constant 224 : i32
      %add3A_180 = arith.addi %mul3A_122, %add3A_179 : i32
      %get3A_181 = arith.index_cast %add3A_180 : i32 to index
      %get3A_182 = tpu.vector_load %arg6[%get3A_181] {strides = array<i32>} : memref<7936xi32, #tpu.memory_space<vmem>>, vector<16xi32>,
      %add3A_183 = arith.constant 240 : i32
      %add3A_184 = arith.addi %mul3A_122, %add3A_183 : i32
      %get3A_185 = arith.index_cast %add3A_184 : i32 to index
      %get3A_186 = tpu.vector_load %arg6[%get3A_185] {strides = array<i32>} : memref<7936xi32, #tpu.memory_space<vmem>>, vector<16xi32>,
      %broadcast_in_dim3A_187 = arith.constant 0 : i32
      %broadcast_in_dim3A_188 = vector.broadcast %broadcast_in_dim3A_187 : i32 to vector<16xi32>
      %broadcast_in_dim3A_189 = arith.constant 0 : i32
      %broadcast_in_dim3A_190 = vector.broadcast %broadcast_in_dim3A_189 : i32 to vector<16xi32>
      %broadcast_in_dim3A_191 = arith.constant 0 : i32
      %broadcast_in_dim3A_192 = vector.broadcast %broadcast_in_dim3A_191 : i32 to vector<16xi32>
      %broadcast_in_dim3A_193 = arith.constant 0 : i32
      %broadcast_in_dim3A_194 = vector.broadcast %broadcast_in_dim3A_193 : i32 to vector<16xi32>
      %broadcast_in_dim3A_195 = arith.constant 0 : i32
      %broadcast_in_dim3A_196 = vector.broadcast %broadcast_in_dim3A_195 : i32 to vector<16xi32>
      %broadcast_in_dim3A_197 = arith.constant 0 : i32
      %broadcast_in_dim3A_198 = vector.broadcast %broadcast_in_dim3A_197 : i32 to vector<16xi32>
      %broadcast_in_dim3A_199 = arith.constant 0 : i32
      %broadcast_in_dim3A_200 = vector.broadcast %broadcast_in_dim3A_199 : i32 to vector<16xi32>
      %broadcast_in_dim3A_201 = arith.constant 0 : i32
      %broadcast_in_dim3A_202 = vector.broadcast %broadcast_in_dim3A_201 : i32 to vector<16xi32>
      %broadcast_in_dim3A_203 = arith.constant 0 : i32
      %broadcast_in_dim3A_204 = vector.broadcast %broadcast_in_dim3A_203 : i32 to vector<16xi32>
      %broadcast_in_dim3A_205 = arith.constant 0 : i32
      %broadcast_in_dim3A_206 = vector.broadcast %broadcast_in_dim3A_205 : i32 to vector<16xi32>
      %broadcast_in_dim3A_207 = arith.constant 0 : i32
      %broadcast_in_dim3A_208 = vector.broadcast %broadcast_in_dim3A_207 : i32 to vector<16xi32>
      %broadcast_in_dim3A_209 = arith.constant 0 : i32
      %broadcast_in_dim3A_210 = vector.broadcast %broadcast_in_dim3A_209 : i32 to vector<16xi32>
      %broadcast_in_dim3A_211 = arith.constant 0 : i32
      %broadcast_in_dim3A_212 = vector.broadcast %broadcast_in_dim3A_211 : i32 to vector<16xi32>
      %broadcast_in_dim3A_213 = arith.constant 0 : i32
      %broadcast_in_dim3A_214 = vector.broadcast %broadcast_in_dim3A_213 : i32 to vector<16xi32>
      %broadcast_in_dim3A_215 = arith.constant 0 : i32
      %broadcast_in_dim3A_216 = vector.broadcast %broadcast_in_dim3A_215 : i32 to vector<16xi32>
      %broadcast_in_dim3A_217 = arith.constant 0 : i32
      %broadcast_in_dim3A_218 = vector.broadcast %broadcast_in_dim3A_217 : i32 to vector<16xi32>
      %lt3A = arith.constant 0 : i32
      %lt3A_219 = vector.broadcast %lt3A : i32 to vector<16xi32>
      %lt3A_220 = arith.cmpi slt, %broadcast_in_dim3A_188, %lt3A_219 : vector<16xi32>
      %add3A_221 = arith.constant 16 : i32
      %add3A_222 = vector.broadcast %add3A_221 : i32 to vector<16xi32>
      %add3A_223 = arith.addi %broadcast_in_dim3A_188, %add3A_222 : vector<16xi32>
      %select_n3A_224 = arith.select %lt3A_220, %add3A_223, %broadcast_in_dim3A_188 : vector<16xi1>, vector<16xi32>
      %reshape3A = vector.shape_cast %select_n3A_224 : vector<16xi32> to vector<16x1xi32>
      %gather3A_225 = vector.shape_cast %reshape3A : vector<16x1xi32> to vector<16xi32>
      %gather3A_226 = tpu.dynamic_gather %gather3A[%gather3A_225] in [0] : vector<16xi32>, vector<16xi32> -> vector<16xi32>
      %add3A_227 = arith.addi %broadcast_in_dim3A_188, %broadcast_in_dim3A_188 : vector<16xi32>
      %lt3A_228 = arith.cmpi slt, %gather3A_226, %get3A_126 : vector<16xi32>
      %jit3A_229 = arith.constant 2 : i32
      %jit3A_230 = arith.constant 1 : i32
      %broadcast_in_dim3A_231 = vector.broadcast %jit3A_229 : i32 to vector<16xi32>
      %broadcast_in_dim3A_232 = vector.broadcast %jit3A_230 : i32 to vector<16xi32>
      %select_n3A_233 = arith.select %lt3A_228, %broadcast_in_dim3A_231, %broadcast_in_dim3A_232 : vector<16xi1>, vector<16xi32>
      %add3A_234 = arith.addi %add3A_227, %select_n3A_233 : vector<16xi32>
      %lt3A_235 = arith.constant 0 : i32
      %lt3A_236 = vector.broadcast %lt3A_235 : i32 to vector<16xi32>
      %lt3A_237 = arith.cmpi slt, %broadcast_in_dim3A_190, %lt3A_236 : vector<16xi32>
      %add3A_238 = arith.constant 16 : i32
      %add3A_239 = vector.broadcast %add3A_238 : i32 to vector<16xi32>
      %add3A_240 = arith.addi %broadcast_in_dim3A_190, %add3A_239 : vector<16xi32>
      %select_n3A_241 = arith.select %lt3A_237, %add3A_240, %broadcast_in_dim3A_190 : vector<16xi1>, vector<16xi32>
      %reshape3A_242 = vector.shape_cast %select_n3A_241 : vector<16xi32> to vector<16x1xi32>
      %gather3A_243 = vector.shape_cast %reshape3A_242 : vector<16x1xi32> to vector<16xi32>
      %gather3A_244 = tpu.dynamic_gather %gather3A[%gather3A_243] in [0] : vector<16xi32>, vector<16xi32> -> vector<16xi32>
      %add3A_245 = arith.addi %broadcast_in_dim3A_190, %broadcast_in_dim3A_190 : vector<16xi32>
      %lt3A_246 = arith.cmpi slt, %gather3A_244, %get3A_130 : vector<16xi32>
      %jit3A_247 = arith.constant 2 : i32
      %jit3A_248 = arith.constant 1 : i32
      %broadcast_in_dim3A_249 = vector.broadcast %jit3A_247 : i32 to vector<16xi32>
      %broadcast_in_dim3A_250 = vector.broadcast %jit3A_248 : i32 to vector<16xi32>
      %select_n3A_251 = arith.select %lt3A_246, %broadcast_in_dim3A_249, %broadcast_in_dim3A_250 : vector<16xi1>, vector<16xi32>
      %add3A_252 = arith.addi %add3A_245, %select_n3A_251 : vector<16xi32>
      %lt3A_253 = arith.constant 0 : i32
      %lt3A_254 = vector.broadcast %lt3A_253 : i32 to vector<16xi32>
      %lt3A_255 = arith.cmpi slt, %broadcast_in_dim3A_192, %lt3A_254 : vector<16xi32>
      %add3A_256 = arith.constant 16 : i32
      %add3A_257 = vector.broadcast %add3A_256 : i32 to vector<16xi32>
      %add3A_258 = arith.addi %broadcast_in_dim3A_192, %add3A_257 : vector<16xi32>
      %select_n3A_259 = arith.select %lt3A_255, %add3A_258, %broadcast_in_dim3A_192 : vector<16xi1>, vector<16xi32>
      %reshape3A_260 = vector.shape_cast %select_n3A_259 : vector<16xi32> to vector<16x1xi32>
      %gather3A_261 = vector.shape_cast %reshape3A_260 : vector<16x1xi32> to vector<16xi32>
      %gather3A_262 = tpu.dynamic_gather %gather3A[%gather3A_261] in [0] : vector<16xi32>, vector<16xi32> -> vector<16xi32>
      %add3A_263 = arith.addi %broadcast_in_dim3A_192, %broadcast_in_dim3A_192 : vector<16xi32>
      %lt3A_264 = arith.cmpi slt, %gather3A_262, %get3A_134 : vector<16xi32>
      %jit3A_265 = arith.constant 2 : i32
      %jit3A_266 = arith.constant 1 : i32
      %broadcast_in_dim3A_267 = vector.broadcast %jit3A_265 : i32 to vector<16xi32>
      %broadcast_in_dim3A_268 = vector.broadcast %jit3A_266 : i32 to vector<16xi32>
      %select_n3A_269 = arith.select %lt3A_264, %broadcast_in_dim3A_267, %broadcast_in_dim3A_268 : vector<16xi1>, vector<16xi32>
      %add3A_270 = arith.addi %add3A_263, %select_n3A_269 : vector<16xi32>
      %lt3A_271 = arith.constant 0 : i32
      %lt3A_272 = vector.broadcast %lt3A_271 : i32 to vector<16xi32>
      %lt3A_273 = arith.cmpi slt, %broadcast_in_dim3A_194, %lt3A_272 : vector<16xi32>
      %add3A_274 = arith.constant 16 : i32
      %add3A_275 = vector.broadcast %add3A_274 : i32 to vector<16xi32>
      %add3A_276 = arith.addi %broadcast_in_dim3A_194, %add3A_275 : vector<16xi32>
      %select_n3A_277 = arith.select %lt3A_273, %add3A_276, %broadcast_in_dim3A_194 : vector<16xi1>, vector<16xi32>
      %reshape3A_278 = vector.shape_cast %select_n3A_277 : vector<16xi32> to vector<16x1xi32>
      %gather3A_279 = vector.shape_cast %reshape3A_278 : vector<16x1xi32> to vector<16xi32>
      %gather3A_280 = tpu.dynamic_gather %gather3A[%gather3A_279] in [0] : vector<16xi32>, vector<16xi32> -> vector<16xi32>
      %add3A_281 = arith.addi %broadcast_in_dim3A_194, %broadcast_in_dim3A_194 : vector<16xi32>
      %lt3A_282 = arith.cmpi slt, %gather3A_280, %get3A_138 : vector<16xi32>
      %jit3A_283 = arith.constant 2 : i32
      %jit3A_284 = arith.constant 1 : i32
      %broadcast_in_dim3A_285 = vector.broadcast %jit3A_283 : i32 to vector<16xi32>
      %broadcast_in_dim3A_286 = vector.broadcast %jit3A_284 : i32 to vector<16xi32>
      %select_n3A_287 = arith.select %lt3A_282, %broadcast_in_dim3A_285, %broadcast_in_dim3A_286 : vector<16xi1>, vector<16xi32>
      %add3A_288 = arith.addi %add3A_281, %select_n3A_287 : vector<16xi32>
      %lt3A_289 = arith.constant 0 : i32
      %lt3A_290 = vector.broadcast %lt3A_289 : i32 to vector<16xi32>
      %lt3A_291 = arith.cmpi slt, %broadcast_in_dim3A_196, %lt3A_290 : vector<16xi32>
      %add3A_292 = arith.constant 16 : i32
      %add3A_293 = vector.broadcast %add3A_292 : i32 to vector<16xi32>
      %add3A_294 = arith.addi %broadcast_in_dim3A_196, %add3A_293 : vector<16xi32>
      %select_n3A_295 = arith.select %lt3A_291, %add3A_294, %broadcast_in_dim3A_196 : vector<16xi1>, vector<16xi32>
      %reshape3A_296 = vector.shape_cast %select_n3A_295 : vector<16xi32> to vector<16x1xi32>
      %gather3A_297 = vector.shape_cast %reshape3A_296 : vector<16x1xi32> to vector<16xi32>
      %gather3A_298 = tpu.dynamic_gather %gather3A[%gather3A_297] in [0] : vector<16xi32>, vector<16xi32> -> vector<16xi32>
      %add3A_299 = arith.addi %broadcast_in_dim3A_196, %broadcast_in_dim3A_196 : vector<16xi32>
      %lt3A_300 = arith.cmpi slt, %gather3A_298, %get3A_142 : vector<16xi32>
      %jit3A_301 = arith.constant 2 : i32
      %jit3A_302 = arith.constant 1 : i32
      %broadcast_in_dim3A_303 = vector.broadcast %jit3A_301 : i32 to vector<16xi32>
      %broadcast_in_dim3A_304 = vector.broadcast %jit3A_302 : i32 to vector<16xi32>
      %select_n3A_305 = arith.select %lt3A_300, %broadcast_in_dim3A_303, %broadcast_in_dim3A_304 : vector<16xi1>, vector<16xi32>
      %add3A_306 = arith.addi %add3A_299, %select_n3A_305 : vector<16xi32>
      %lt3A_307 = arith.constant 0 : i32
      %lt3A_308 = vector.broadcast %lt3A_307 : i32 to vector<16xi32>
      %lt3A_309 = arith.cmpi slt, %broadcast_in_dim3A_198, %lt3A_308 : vector<16xi32>
      %add3A_310 = arith.constant 16 : i32
      %add3A_311 = vector.broadcast %add3A_310 : i32 to vector<16xi32>
      %add3A_312 = arith.addi %broadcast_in_dim3A_198, %add3A_311 : vector<16xi32>
      %select_n3A_313 = arith.select %lt3A_309, %add3A_312, %broadcast_in_dim3A_198 : vector<16xi1>, vector<16xi32>
      %reshape3A_314 = vector.shape_cast %select_n3A_313 : vector<16xi32> to vector<16x1xi32>
      %gather3A_315 = vector.shape_cast %reshape3A_314 : vector<16x1xi32> to vector<16xi32>
      %gather3A_316 = tpu.dynamic_gather %gather3A[%gather3A_315] in [0] : vector<16xi32>, vector<16xi32> -> vector<16xi32>
      %add3A_317 = arith.addi %broadcast_in_dim3A_198, %broadcast_in_dim3A_198 : vector<16xi32>
      %lt3A_318 = arith.cmpi slt, %gather3A_316, %get3A_146 : vector<16xi32>
      %jit3A_319 = arith.constant 2 : i32
      %jit3A_320 = arith.constant 1 : i32
      %broadcast_in_dim3A_321 = vector.broadcast %jit3A_319 : i32 to vector<16xi32>
      %broadcast_in_dim3A_322 = vector.broadcast %jit3A_320 : i32 to vector<16xi32>
      %select_n3A_323 = arith.select %lt3A_318, %broadcast_in_dim3A_321, %broadcast_in_dim3A_322 : vector<16xi1>, vector<16xi32>
      %add3A_324 = arith.addi %add3A_317, %select_n3A_323 : vector<16xi32>
      %lt3A_325 = arith.constant 0 : i32
      %lt3A_326 = vector.broadcast %lt3A_325 : i32 to vector<16xi32>
      %lt3A_327 = arith.cmpi slt, %broadcast_in_dim3A_200, %lt3A_326 : vector<16xi32>
      %add3A_328 = arith.constant 16 : i32
      %add3A_329 = vector.broadcast %add3A_328 : i32 to vector<16xi32>
      %add3A_330 = arith.addi %broadcast_in_dim3A_200, %add3A_329 : vector<16xi32>
      %select_n3A_331 = arith.select %lt3A_327, %add3A_330, %broadcast_in_dim3A_200 : vector<16xi1>, vector<16xi32>
      %reshape3A_332 = vector.shape_cast %select_n3A_331 : vector<16xi32> to vector<16x1xi32>
      %gather3A_333 = vector.shape_cast %reshape3A_332 : vector<16x1xi32> to vector<16xi32>
      %gather3A_334 = tpu.dynamic_gather %gather3A[%gather3A_333] in [0] : vector<16xi32>, vector<16xi32> -> vector<16xi32>
      %add3A_335 = arith.addi %broadcast_in_dim3A_200, %broadcast_in_dim3A_200 : vector<16xi32>
      %lt3A_336 = arith.cmpi slt, %gather3A_334, %get3A_150 : vector<16xi32>
      %jit3A_337 = arith.constant 2 : i32
      %jit3A_338 = arith.constant 1 : i32
      %broadcast_in_dim3A_339 = vector.broadcast %jit3A_337 : i32 to vector<16xi32>
      %broadcast_in_dim3A_340 = vector.broadcast %jit3A_338 : i32 to vector<16xi32>
      %select_n3A_341 = arith.select %lt3A_336, %broadcast_in_dim3A_339, %broadcast_in_dim3A_340 : vector<16xi1>, vector<16xi32>
      %add3A_342 = arith.addi %add3A_335, %select_n3A_341 : vector<16xi32>
      %lt3A_343 = arith.constant 0 : i32
      %lt3A_344 = vector.broadcast %lt3A_343 : i32 to vector<16xi32>
      %lt3A_345 = arith.cmpi slt, %broadcast_in_dim3A_202, %lt3A_344 : vector<16xi32>
      %add3A_346 = arith.constant 16 : i32
      %add3A_347 = vector.broadcast %add3A_346 : i32 to vector<16xi32>
      %add3A_348 = arith.addi %broadcast_in_dim3A_202, %add3A_347 : vector<16xi32>
      %select_n3A_349 = arith.select %lt3A_345, %add3A_348, %broadcast_in_dim3A_202 : vector<16xi1>, vector<16xi32>
      %reshape3A_350 = vector.shape_cast %select_n3A_349 : vector<16xi32> to vector<16x1xi32>
      %gather3A_351 = vector.shape_cast %reshape3A_350 : vector<16x1xi32> to vector<16xi32>
      %gather3A_352 = tpu.dynamic_gather %gather3A[%gather3A_351] in [0] : vector<16xi32>, vector<16xi32> -> vector<16xi32>
      %add3A_353 = arith.addi %broadcast_in_dim3A_202, %broadcast_in_dim3A_202 : vector<16xi32>
      %lt3A_354 = arith.cmpi slt, %gather3A_352, %get3A_154 : vector<16xi32>
      %jit3A_355 = arith.constant 2 : i32
      %jit3A_356 = arith.constant 1 : i32
      %broadcast_in_dim3A_357 = vector.broadcast %jit3A_355 : i32 to vector<16xi32>
      %broadcast_in_dim3A_358 = vector.broadcast %jit3A_356 : i32 to vector<16xi32>
      %select_n3A_359 = arith.select %lt3A_354, %broadcast_in_dim3A_357, %broadcast_in_dim3A_358 : vector<16xi1>, vector<16xi32>
      %add3A_360 = arith.addi %add3A_353, %select_n3A_359 : vector<16xi32>
      %lt3A_361 = arith.constant 0 : i32
      %lt3A_362 = vector.broadcast %lt3A_361 : i32 to vector<16xi32>
      %lt3A_363 = arith.cmpi slt, %broadcast_in_dim3A_204, %lt3A_362 : vector<16xi32>
      %add3A_364 = arith.constant 16 : i32
      %add3A_365 = vector.broadcast %add3A_364 : i32 to vector<16xi32>
      %add3A_366 = arith.addi %broadcast_in_dim3A_204, %add3A_365 : vector<16xi32>
      %select_n3A_367 = arith.select %lt3A_363, %add3A_366, %broadcast_in_dim3A_204 : vector<16xi1>, vector<16xi32>
      %reshape3A_368 = vector.shape_cast %select_n3A_367 : vector<16xi32> to vector<16x1xi32>
      %gather3A_369 = vector.shape_cast %reshape3A_368 : vector<16x1xi32> to vector<16xi32>
      %gather3A_370 = tpu.dynamic_gather %gather3A[%gather3A_369] in [0] : vector<16xi32>, vector<16xi32> -> vector<16xi32>
      %add3A_371 = arith.addi %broadcast_in_dim3A_204, %broadcast_in_dim3A_204 : vector<16xi32>
      %lt3A_372 = arith.cmpi slt, %gather3A_370, %get3A_158 : vector<16xi32>
      %jit3A_373 = arith.constant 2 : i32
      %jit3A_374 = arith.constant 1 : i32
      %broadcast_in_dim3A_375 = vector.broadcast %jit3A_373 : i32 to vector<16xi32>
      %broadcast_in_dim3A_376 = vector.broadcast %jit3A_374 : i32 to vector<16xi32>
      %select_n3A_377 = arith.select %lt3A_372, %broadcast_in_dim3A_375, %broadcast_in_dim3A_376 : vector<16xi1>, vector<16xi32>
      %add3A_378 = arith.addi %add3A_371, %select_n3A_377 : vector<16xi32>
      %lt3A_379 = arith.constant 0 : i32
      %lt3A_380 = vector.broadcast %lt3A_379 : i32 to vector<16xi32>
      %lt3A_381 = arith.cmpi slt, %broadcast_in_dim3A_206, %lt3A_380 : vector<16xi32>
      %add3A_382 = arith.constant 16 : i32
      %add3A_383 = vector.broadcast %add3A_382 : i32 to vector<16xi32>
      %add3A_384 = arith.addi %broadcast_in_dim3A_206, %add3A_383 : vector<16xi32>
      %select_n3A_385 = arith.select %lt3A_381, %add3A_384, %broadcast_in_dim3A_206 : vector<16xi1>, vector<16xi32>
      %reshape3A_386 = vector.shape_cast %select_n3A_385 : vector<16xi32> to vector<16x1xi32>
      %gather3A_387 = vector.shape_cast %reshape3A_386 : vector<16x1xi32> to vector<16xi32>
      %gather3A_388 = tpu.dynamic_gather %gather3A[%gather3A_387] in [0] : vector<16xi32>, vector<16xi32> -> vector<16xi32>
      %add3A_389 = arith.addi %broadcast_in_dim3A_206, %broadcast_in_dim3A_206 : vector<16xi32>
      %lt3A_390 = arith.cmpi slt, %gather3A_388, %get3A_162 : vector<16xi32>
      %jit3A_391 = arith.constant 2 : i32
      %jit3A_392 = arith.constant 1 : i32
      %broadcast_in_dim3A_393 = vector.broadcast %jit3A_391 : i32 to vector<16xi32>
      %broadcast_in_dim3A_394 = vector.broadcast %jit3A_392 : i32 to vector<16xi32>
      %select_n3A_395 = arith.select %lt3A_390, %broadcast_in_dim3A_393, %broadcast_in_dim3A_394 : vector<16xi1>, vector<16xi32>
      %add3A_396 = arith.addi %add3A_389, %select_n3A_395 : vector<16xi32>
      %lt3A_397 = arith.constant 0 : i32
      %lt3A_398 = vector.broadcast %lt3A_397 : i32 to vector<16xi32>
      %lt3A_399 = arith.cmpi slt, %broadcast_in_dim3A_208, %lt3A_398 : vector<16xi32>
      %add3A_400 = arith.constant 16 : i32
      %add3A_401 = vector.broadcast %add3A_400 : i32 to vector<16xi32>
      %add3A_402 = arith.addi %broadcast_in_dim3A_208, %add3A_401 : vector<16xi32>
      %select_n3A_403 = arith.select %lt3A_399, %add3A_402, %broadcast_in_dim3A_208 : vector<16xi1>, vector<16xi32>
      %reshape3A_404 = vector.shape_cast %select_n3A_403 : vector<16xi32> to vector<16x1xi32>
      %gather3A_405 = vector.shape_cast %reshape3A_404 : vector<16x1xi32> to vector<16xi32>
      %gather3A_406 = tpu.dynamic_gather %gather3A[%gather3A_405] in [0] : vector<16xi32>, vector<16xi32> -> vector<16xi32>
      %add3A_407 = arith.addi %broadcast_in_dim3A_208, %broadcast_in_dim3A_208 : vector<16xi32>
      %lt3A_408 = arith.cmpi slt, %gather3A_406, %get3A_166 : vector<16xi32>
      %jit3A_409 = arith.constant 2 : i32
      %jit3A_410 = arith.constant 1 : i32
      %broadcast_in_dim3A_411 = vector.broadcast %jit3A_409 : i32 to vector<16xi32>
      %broadcast_in_dim3A_412 = vector.broadcast %jit3A_410 : i32 to vector<16xi32>
      %select_n3A_413 = arith.select %lt3A_408, %broadcast_in_dim3A_411, %broadcast_in_dim3A_412 : vector<16xi1>, vector<16xi32>
      %add3A_414 = arith.addi %add3A_407, %select_n3A_413 : vector<16xi32>
      %lt3A_415 = arith.constant 0 : i32
      %lt3A_416 = vector.broadcast %lt3A_415 : i32 to vector<16xi32>
      %lt3A_417 = arith.cmpi slt, %broadcast_in_dim3A_210, %lt3A_416 : vector<16xi32>
      %add3A_418 = arith.constant 16 : i32
      %add3A_419 = vector.broadcast %add3A_418 : i32 to vector<16xi32>
      %add3A_420 = arith.addi %broadcast_in_dim3A_210, %add3A_419 : vector<16xi32>
      %select_n3A_421 = arith.select %lt3A_417, %add3A_420, %broadcast_in_dim3A_210 : vector<16xi1>, vector<16xi32>
      %reshape3A_422 = vector.shape_cast %select_n3A_421 : vector<16xi32> to vector<16x1xi32>
      %gather3A_423 = vector.shape_cast %reshape3A_422 : vector<16x1xi32> to vector<16xi32>
      %gather3A_424 = tpu.dynamic_gather %gather3A[%gather3A_423] in [0] : vector<16xi32>, vector<16xi32> -> vector<16xi32>
      %add3A_425 = arith.addi %broadcast_in_dim3A_210, %broadcast_in_dim3A_210 : vector<16xi32>
      %lt3A_426 = arith.cmpi slt, %gather3A_424, %get3A_170 : vector<16xi32>
      %jit3A_427 = arith.constant 2 : i32
      %jit3A_428 = arith.constant 1 : i32
      %broadcast_in_dim3A_429 = vector.broadcast %jit3A_427 : i32 to vector<16xi32>
      %broadcast_in_dim3A_430 = vector.broadcast %jit3A_428 : i32 to vector<16xi32>
      %select_n3A_431 = arith.select %lt3A_426, %broadcast_in_dim3A_429, %broadcast_in_dim3A_430 : vector<16xi1>, vector<16xi32>
      %add3A_432 = arith.addi %add3A_425, %select_n3A_431 : vector<16xi32>
      %lt3A_433 = arith.constant 0 : i32
      %lt3A_434 = vector.broadcast %lt3A_433 : i32 to vector<16xi32>
      %lt3A_435 = arith.cmpi slt, %broadcast_in_dim3A_212, %lt3A_434 : vector<16xi32>
      %add3A_436 = arith.constant 16 : i32
      %add3A_437 = vector.broadcast %add3A_436 : i32 to vector<16xi32>
      %add3A_438 = arith.addi %broadcast_in_dim3A_212, %add3A_437 : vector<16xi32>
      %select_n3A_439 = arith.select %lt3A_435, %add3A_438, %broadcast_in_dim3A_212 : vector<16xi1>, vector<16xi32>
      %reshape3A_440 = vector.shape_cast %select_n3A_439 : vector<16xi32> to vector<16x1xi32>
      %gather3A_441 = vector.shape_cast %reshape3A_440 : vector<16x1xi32> to vector<16xi32>
      %gather3A_442 = tpu.dynamic_gather %gather3A[%gather3A_441] in [0] : vector<16xi32>, vector<16xi32> -> vector<16xi32>
      %add3A_443 = arith.addi %broadcast_in_dim3A_212, %broadcast_in_dim3A_212 : vector<16xi32>
      %lt3A_444 = arith.cmpi slt, %gather3A_442, %get3A_174 : vector<16xi32>
      %jit3A_445 = arith.constant 2 : i32
      %jit3A_446 = arith.constant 1 : i32
      %broadcast_in_dim3A_447 = vector.broadcast %jit3A_445 : i32 to vector<16xi32>
      %broadcast_in_dim3A_448 = vector.broadcast %jit3A_446 : i32 to vector<16xi32>
      %select_n3A_449 = arith.select %lt3A_444, %broadcast_in_dim3A_447, %broadcast_in_dim3A_448 : vector<16xi1>, vector<16xi32>
      %add3A_450 = arith.addi %add3A_443, %select_n3A_449 : vector<16xi32>
      %lt3A_451 = arith.constant 0 : i32
      %lt3A_452 = vector.broadcast %lt3A_451 : i32 to vector<16xi32>
      %lt3A_453 = arith.cmpi slt, %broadcast_in_dim3A_214, %lt3A_452 : vector<16xi32>
      %add3A_454 = arith.constant 16 : i32
      %add3A_455 = vector.broadcast %add3A_454 : i32 to vector<16xi32>
      %add3A_456 = arith.addi %broadcast_in_dim3A_214, %add3A_455 : vector<16xi32>
      %select_n3A_457 = arith.select %lt3A_453, %add3A_456, %broadcast_in_dim3A_214 : vector<16xi1>, vector<16xi32>
      %reshape3A_458 = vector.shape_cast %select_n3A_457 : vector<16xi32> to vector<16x1xi32>
      %gather3A_459 = vector.shape_cast %reshape3A_458 : vector<16x1xi32> to vector<16xi32>
      %gather3A_460 = tpu.dynamic_gather %gather3A[%gather3A_459] in [0] : vector<16xi32>, vector<16xi32> -> vector<16xi32>
      %add3A_461 = arith.addi %broadcast_in_dim3A_214, %broadcast_in_dim3A_214 : vector<16xi32>
      %lt3A_462 = arith.cmpi slt, %gather3A_460, %get3A_178 : vector<16xi32>
      %jit3A_463 = arith.constant 2 : i32
      %jit3A_464 = arith.constant 1 : i32
      %broadcast_in_dim3A_465 = vector.broadcast %jit3A_463 : i32 to vector<16xi32>
      %broadcast_in_dim3A_466 = vector.broadcast %jit3A_464 : i32 to vector<16xi32>
      %select_n3A_467 = arith.select %lt3A_462, %broadcast_in_dim3A_465, %broadcast_in_dim3A_466 : vector<16xi1>, vector<16xi32>
      %add3A_468 = arith.addi %add3A_461, %select_n3A_467 : vector<16xi32>
      %lt3A_469 = arith.constant 0 : i32
      %lt3A_470 = vector.broadcast %lt3A_469 : i32 to vector<16xi32>
      %lt3A_471 = arith.cmpi slt, %broadcast_in_dim3A_216, %lt3A_470 : vector<16xi32>
      %add3A_472 = arith.constant 16 : i32
      %add3A_473 = vector.broadcast %add3A_472 : i32 to vector<16xi32>
      %add3A_474 = arith.addi %broadcast_in_dim3A_216, %add3A_473 : vector<16xi32>
      %select_n3A_475 = arith.select %lt3A_471, %add3A_474, %broadcast_in_dim3A_216 : vector<16xi1>, vector<16xi32>
      %reshape3A_476 = vector.shape_cast %select_n3A_475 : vector<16xi32> to vector<16x1xi32>
      %gather3A_477 = vector.shape_cast %reshape3A_476 : vector<16x1xi32> to vector<16xi32>
      %gather3A_478 = tpu.dynamic_gather %gather3A[%gather3A_477] in [0] : vector<16xi32>, vector<16xi32> -> vector<16xi32>
      %add3A_479 = arith.addi %broadcast_in_dim3A_216, %broadcast_in_dim3A_216 : vector<16xi32>
      %lt3A_480 = arith.cmpi slt, %gather3A_478, %get3A_182 : vector<16xi32>
      %jit3A_481 = arith.constant 2 : i32
      %jit3A_482 = arith.constant 1 : i32
      %broadcast_in_dim3A_483 = vector.broadcast %jit3A_481 : i32 to vector<16xi32>
      %broadcast_in_dim3A_484 = vector.broadcast %jit3A_482 : i32 to vector<16xi32>
      %select_n3A_485 = arith.select %lt3A_480, %broadcast_in_dim3A_483, %broadcast_in_dim3A_484 : vector<16xi1>, vector<16xi32>
      %add3A_486 = arith.addi %add3A_479, %select_n3A_485 : vector<16xi32>
      %lt3A_487 = arith.constant 0 : i32
      %lt3A_488 = vector.broadcast %lt3A_487 : i32 to vector<16xi32>
      %lt3A_489 = arith.cmpi slt, %broadcast_in_dim3A_218, %lt3A_488 : vector<16xi32>
      %add3A_490 = arith.constant 16 : i32
      %add3A_491 = vector.broadcast %add3A_490 : i32 to vector<16xi32>
      %add3A_492 = arith.addi %broadcast_in_dim3A_218, %add3A_491 : vector<16xi32>
      %select_n3A_493 = arith.select %lt3A_489, %add3A_492, %broadcast_in_dim3A_218 : vector<16xi1>, vector<16xi32>
      %reshape3A_494 = vector.shape_cast %select_n3A_493 : vector<16xi32> to vector<16x1xi32>
      %gather3A_495 = vector.shape_cast %reshape3A_494 : vector<16x1xi32> to vector<16xi32>
      %gather3A_496 = tpu.dynamic_gather %gather3A[%gather3A_495] in [0] : vector<16xi32>, vector<16xi32> -> vector<16xi32>
      %add3A_497 = arith.addi %broadcast_in_dim3A_218, %broadcast_in_dim3A_218 : vector<16xi32>
      %lt3A_498 = arith.cmpi slt, %gather3A_496, %get3A_186 : vector<16xi32>
      %jit3A_499 = arith.constant 2 : i32
      %jit3A_500 = arith.constant 1 : i32
      %broadcast_in_dim3A_501 = vector.broadcast %jit3A_499 : i32 to vector<16xi32>
      %broadcast_in_dim3A_502 = vector.broadcast %jit3A_500 : i32 to vector<16xi32>
      %select_n3A_503 = arith.select %lt3A_498, %broadcast_in_dim3A_501, %broadcast_in_dim3A_502 : vector<16xi1>, vector<16xi32>
      %add3A_504 = arith.addi %add3A_497, %select_n3A_503 : vector<16xi32>
      %lt3A_505 = arith.constant 0 : i32
      %lt3A_506 = vector.broadcast %lt3A_505 : i32 to vector<16xi32>
      %lt3A_507 = arith.cmpi slt, %add3A_234, %lt3A_506 : vector<16xi32>
      %add3A_508 = arith.constant 16 : i32
      %add3A_509 = vector.broadcast %add3A_508 : i32 to vector<16xi32>
      %add3A_510 = arith.addi %add3A_234, %add3A_509 : vector<16xi32>
      %select_n3A_511 = arith.select %lt3A_507, %add3A_510, %add3A_234 : vector<16xi1>, vector<16xi32>
      %reshape3A_512 = vector.shape_cast %select_n3A_511 : vector<16xi32> to vector<16x1xi32>
      %gather3A_513 = vector.shape_cast %reshape3A_512 : vector<16x1xi32> to vector<16xi32>
      %gather3A_514 = tpu.dynamic_gather %gather3A[%gather3A_513] in [0] : vector<16xi32>, vector<16xi32> -> vector<16xi32>
      %add3A_515 = arith.addi %add3A_234, %add3A_234 : vector<16xi32>
      %lt3A_516 = arith.cmpi slt, %gather3A_514, %get3A_126 : vector<16xi32>
      %jit3A_517 = arith.constant 2 : i32
      %jit3A_518 = arith.constant 1 : i32
      %broadcast_in_dim3A_519 = vector.broadcast %jit3A_517 : i32 to vector<16xi32>
      %broadcast_in_dim3A_520 = vector.broadcast %jit3A_518 : i32 to vector<16xi32>
      %select_n3A_521 = arith.select %lt3A_516, %broadcast_in_dim3A_519, %broadcast_in_dim3A_520 : vector<16xi1>, vector<16xi32>
      %add3A_522 = arith.addi %add3A_515, %select_n3A_521 : vector<16xi32>
      %lt3A_523 = arith.constant 0 : i32
      %lt3A_524 = vector.broadcast %lt3A_523 : i32 to vector<16xi32>
      %lt3A_525 = arith.cmpi slt, %add3A_252, %lt3A_524 : vector<16xi32>
      %add3A_526 = arith.constant 16 : i32
      %add3A_527 = vector.broadcast %add3A_526 : i32 to vector<16xi32>
      %add3A_528 = arith.addi %add3A_252, %add3A_527 : vector<16xi32>
      %select_n3A_529 = arith.select %lt3A_525, %add3A_528, %add3A_252 : vector<16xi1>, vector<16xi32>
      %reshape3A_530 = vector.shape_cast %select_n3A_529 : vector<16xi32> to vector<16x1xi32>
      %gather3A_531 = vector.shape_cast %reshape3A_530 : vector<16x1xi32> to vector<16xi32>
      %gather3A_532 = tpu.dynamic_gather %gather3A[%gather3A_531] in [0] : vector<16xi32>, vector<16xi32> -> vector<16xi32>
      %add3A_533 = arith.addi %add3A_252, %add3A_252 : vector<16xi32>
      %lt3A_534 = arith.cmpi slt, %gather3A_532, %get3A_130 : vector<16xi32>
      %jit3A_535 = arith.constant 2 : i32
      %jit3A_536 = arith.constant 1 : i32
      %broadcast_in_dim3A_537 = vector.broadcast %jit3A_535 : i32 to vector<16xi32>
      %broadcast_in_dim3A_538 = vector.broadcast %jit3A_536 : i32 to vector<16xi32>
      %select_n3A_539 = arith.select %lt3A_534, %broadcast_in_dim3A_537, %broadcast_in_dim3A_538 : vector<16xi1>, vector<16xi32>
      %add3A_540 = arith.addi %add3A_533, %select_n3A_539 : vector<16xi32>
      %lt3A_541 = arith.constant 0 : i32
      %lt3A_542 = vector.broadcast %lt3A_541 : i32 to vector<16xi32>
      %lt3A_543 = arith.cmpi slt, %add3A_270, %lt3A_542 : vector<16xi32>
      %add3A_544 = arith.constant 16 : i32
      %add3A_545 = vector.broadcast %add3A_544 : i32 to vector<16xi32>
      %add3A_546 = arith.addi %add3A_270, %add3A_545 : vector<16xi32>
      %select_n3A_547 = arith.select %lt3A_543, %add3A_546, %add3A_270 : vector<16xi1>, vector<16xi32>
      %reshape3A_548 = vector.shape_cast %select_n3A_547 : vector<16xi32> to vector<16x1xi32>
      %gather3A_549 = vector.shape_cast %reshape3A_548 : vector<16x1xi32> to vector<16xi32>
      %gather3A_550 = tpu.dynamic_gather %gather3A[%gather3A_549] in [0] : vector<16xi32>, vector<16xi32> -> vector<16xi32>
      %add3A_551 = arith.addi %add3A_270, %add3A_270 : vector<16xi32>
      %lt3A_552 = arith.cmpi slt, %gather3A_550, %get3A_134 : vector<16xi32>
      %jit3A_553 = arith.constant 2 : i32
      %jit3A_554 = arith.constant 1 : i32
      %broadcast_in_dim3A_555 = vector.broadcast %jit3A_553 : i32 to vector<16xi32>
      %broadcast_in_dim3A_556 = vector.broadcast %jit3A_554 : i32 to vector<16xi32>
      %select_n3A_557 = arith.select %lt3A_552, %broadcast_in_dim3A_555, %broadcast_in_dim3A_556 : vector<16xi1>, vector<16xi32>
      %add3A_558 = arith.addi %add3A_551, %select_n3A_557 : vector<16xi32>
      %lt3A_559 = arith.constant 0 : i32
      %lt3A_560 = vector.broadcast %lt3A_559 : i32 to vector<16xi32>
      %lt3A_561 = arith.cmpi slt, %add3A_288, %lt3A_560 : vector<16xi32>
      %add3A_562 = arith.constant 16 : i32
      %add3A_563 = vector.broadcast %add3A_562 : i32 to vector<16xi32>
      %add3A_564 = arith.addi %add3A_288, %add3A_563 : vector<16xi32>
      %select_n3A_565 = arith.select %lt3A_561, %add3A_564, %add3A_288 : vector<16xi1>, vector<16xi32>
      %reshape3A_566 = vector.shape_cast %select_n3A_565 : vector<16xi32> to vector<16x1xi32>
      %gather3A_567 = vector.shape_cast %reshape3A_566 : vector<16x1xi32> to vector<16xi32>
      %gather3A_568 = tpu.dynamic_gather %gather3A[%gather3A_567] in [0] : vector<16xi32>, vector<16xi32> -> vector<16xi32>
      %add3A_569 = arith.addi %add3A_288, %add3A_288 : vector<16xi32>
      %lt3A_570 = arith.cmpi slt, %gather3A_568, %get3A_138 : vector<16xi32>
      %jit3A_571 = arith.constant 2 : i32
      %jit3A_572 = arith.constant 1 : i32
      %broadcast_in_dim3A_573 = vector.broadcast %jit3A_571 : i32 to vector<16xi32>
      %broadcast_in_dim3A_574 = vector.broadcast %jit3A_572 : i32 to vector<16xi32>
      %select_n3A_575 = arith.select %lt3A_570, %broadcast_in_dim3A_573, %broadcast_in_dim3A_574 : vector<16xi1>, vector<16xi32>
      %add3A_576 = arith.addi %add3A_569, %select_n3A_575 : vector<16xi32>
      %lt3A_577 = arith.constant 0 : i32
      %lt3A_578 = vector.broadcast %lt3A_577 : i32 to vector<16xi32>
      %lt3A_579 = arith.cmpi slt, %add3A_306, %lt3A_578 : vector<16xi32>
      %add3A_580 = arith.constant 16 : i32
      %add3A_581 = vector.broadcast %add3A_580 : i32 to vector<16xi32>
      %add3A_582 = arith.addi %add3A_306, %add3A_581 : vector<16xi32>
      %select_n3A_583 = arith.select %lt3A_579, %add3A_582, %add3A_306 : vector<16xi1>, vector<16xi32>
      %reshape3A_584 = vector.shape_cast %select_n3A_583 : vector<16xi32> to vector<16x1xi32>
      %gather3A_585 = vector.shape_cast %reshape3A_584 : vector<16x1xi32> to vector<16xi32>
      %gather3A_586 = tpu.dynamic_gather %gather3A[%gather3A_585] in [0] : vector<16xi32>, vector<16xi32> -> vector<16xi32>
      %add3A_587 = arith.addi %add3A_306, %add3A_306 : vector<16xi32>
      %lt3A_588 = arith.cmpi slt, %gather3A_586, %get3A_142 : vector<16xi32>
      %jit3A_589 = arith.constant 2 : i32
      %jit3A_590 = arith.constant 1 : i32
      %broadcast_in_dim3A_591 = vector.broadcast %jit3A_589 : i32 to vector<16xi32>
      %broadcast_in_dim3A_592 = vector.broadcast %jit3A_590 : i32 to vector<16xi32>
      %select_n3A_593 = arith.select %lt3A_588, %broadcast_in_dim3A_591, %broadcast_in_dim3A_592 : vector<16xi1>, vector<16xi32>
      %add3A_594 = arith.addi %add3A_587, %select_n3A_593 : vector<16xi32>
      %lt3A_595 = arith.constant 0 : i32
      %lt3A_596 = vector.broadcast %lt3A_595 : i32 to vector<16xi32>
      %lt3A_597 = arith.cmpi slt, %add3A_324, %lt3A_596 : vector<16xi32>
      %add3A_598 = arith.constant 16 : i32
      %add3A_599 = vector.broadcast %add3A_598 : i32 to vector<16xi32>
      %add3A_600 = arith.addi %add3A_324, %add3A_599 : vector<16xi32>
      %select_n3A_601 = arith.select %lt3A_597, %add3A_600, %add3A_324 : vector<16xi1>, vector<16xi32>
      %reshape3A_602 = vector.shape_cast %select_n3A_601 : vector<16xi32> to vector<16x1xi32>
      %gather3A_603 = vector.shape_cast %reshape3A_602 : vector<16x1xi32> to vector<16xi32>
      %gather3A_604 = tpu.dynamic_gather %gather3A[%gather3A_603] in [0] : vector<16xi32>, vector<16xi32> -> vector<16xi32>
      %add3A_605 = arith.addi %add3A_324, %add3A_324 : vector<16xi32>
      %lt3A_606 = arith.cmpi slt, %gather3A_604, %get3A_146 : vector<16xi32>
      %jit3A_607 = arith.constant 2 : i32
      %jit3A_608 = arith.constant 1 : i32
      %broadcast_in_dim3A_609 = vector.broadcast %jit3A_607 : i32 to vector<16xi32>
      %broadcast_in_dim3A_610 = vector.broadcast %jit3A_608 : i32 to vector<16xi32>
      %select_n3A_611 = arith.select %lt3A_606, %broadcast_in_dim3A_609, %broadcast_in_dim3A_610 : vector<16xi1>, vector<16xi32>
      %add3A_612 = arith.addi %add3A_605, %select_n3A_611 : vector<16xi32>
      %lt3A_613 = arith.constant 0 : i32
      %lt3A_614 = vector.broadcast %lt3A_613 : i32 to vector<16xi32>
      %lt3A_615 = arith.cmpi slt, %add3A_342, %lt3A_614 : vector<16xi32>
      %add3A_616 = arith.constant 16 : i32
      %add3A_617 = vector.broadcast %add3A_616 : i32 to vector<16xi32>
      %add3A_618 = arith.addi %add3A_342, %add3A_617 : vector<16xi32>
      %select_n3A_619 = arith.select %lt3A_615, %add3A_618, %add3A_342 : vector<16xi1>, vector<16xi32>
      %reshape3A_620 = vector.shape_cast %select_n3A_619 : vector<16xi32> to vector<16x1xi32>
      %gather3A_621 = vector.shape_cast %reshape3A_620 : vector<16x1xi32> to vector<16xi32>
      %gather3A_622 = tpu.dynamic_gather %gather3A[%gather3A_621] in [0] : vector<16xi32>, vector<16xi32> -> vector<16xi32>
      %add3A_623 = arith.addi %add3A_342, %add3A_342 : vector<16xi32>
      %lt3A_624 = arith.cmpi slt, %gather3A_622, %get3A_150 : vector<16xi32>
      %jit3A_625 = arith.constant 2 : i32
      %jit3A_626 = arith.constant 1 : i32
      %broadcast_in_dim3A_627 = vector.broadcast %jit3A_625 : i32 to vector<16xi32>
      %broadcast_in_dim3A_628 = vector.broadcast %jit3A_626 : i32 to vector<16xi32>
      %select_n3A_629 = arith.select %lt3A_624, %broadcast_in_dim3A_627, %broadcast_in_dim3A_628 : vector<16xi1>, vector<16xi32>
      %add3A_630 = arith.addi %add3A_623, %select_n3A_629 : vector<16xi32>
      %lt3A_631 = arith.constant 0 : i32
      %lt3A_632 = vector.broadcast %lt3A_631 : i32 to vector<16xi32>
      %lt3A_633 = arith.cmpi slt, %add3A_360, %lt3A_632 : vector<16xi32>
      %add3A_634 = arith.constant 16 : i32
      %add3A_635 = vector.broadcast %add3A_634 : i32 to vector<16xi32>
      %add3A_636 = arith.addi %add3A_360, %add3A_635 : vector<16xi32>
      %select_n3A_637 = arith.select %lt3A_633, %add3A_636, %add3A_360 : vector<16xi1>, vector<16xi32>
      %reshape3A_638 = vector.shape_cast %select_n3A_637 : vector<16xi32> to vector<16x1xi32>
      %gather3A_639 = vector.shape_cast %reshape3A_638 : vector<16x1xi32> to vector<16xi32>
      %gather3A_640 = tpu.dynamic_gather %gather3A[%gather3A_639] in [0] : vector<16xi32>, vector<16xi32> -> vector<16xi32>
      %add3A_641 = arith.addi %add3A_360, %add3A_360 : vector<16xi32>
      %lt3A_642 = arith.cmpi slt, %gather3A_640, %get3A_154 : vector<16xi32>
      %jit3A_643 = arith.constant 2 : i32
      %jit3A_644 = arith.constant 1 : i32
      %broadcast_in_dim3A_645 = vector.broadcast %jit3A_643 : i32 to vector<16xi32>
      %broadcast_in_dim3A_646 = vector.broadcast %jit3A_644 : i32 to vector<16xi32>
      %select_n3A_647 = arith.select %lt3A_642, %broadcast_in_dim3A_645, %broadcast_in_dim3A_646 : vector<16xi1>, vector<16xi32>
      %add3A_648 = arith.addi %add3A_641, %select_n3A_647 : vector<16xi32>
      %lt3A_649 = arith.constant 0 : i32
      %lt3A_650 = vector.broadcast %lt3A_649 : i32 to vector<16xi32>
      %lt3A_651 = arith.cmpi slt, %add3A_378, %lt3A_650 : vector<16xi32>
      %add3A_652 = arith.constant 16 : i32
      %add3A_653 = vector.broadcast %add3A_652 : i32 to vector<16xi32>
      %add3A_654 = arith.addi %add3A_378, %add3A_653 : vector<16xi32>
      %select_n3A_655 = arith.select %lt3A_651, %add3A_654, %add3A_378 : vector<16xi1>, vector<16xi32>
      %reshape3A_656 = vector.shape_cast %select_n3A_655 : vector<16xi32> to vector<16x1xi32>
      %gather3A_657 = vector.shape_cast %reshape3A_656 : vector<16x1xi32> to vector<16xi32>
      %gather3A_658 = tpu.dynamic_gather %gather3A[%gather3A_657] in [0] : vector<16xi32>, vector<16xi32> -> vector<16xi32>
      %add3A_659 = arith.addi %add3A_378, %add3A_378 : vector<16xi32>
      %lt3A_660 = arith.cmpi slt, %gather3A_658, %get3A_158 : vector<16xi32>
      %jit3A_661 = arith.constant 2 : i32
      %jit3A_662 = arith.constant 1 : i32
      %broadcast_in_dim3A_663 = vector.broadcast %jit3A_661 : i32 to vector<16xi32>
      %broadcast_in_dim3A_664 = vector.broadcast %jit3A_662 : i32 to vector<16xi32>
      %select_n3A_665 = arith.select %lt3A_660, %broadcast_in_dim3A_663, %broadcast_in_dim3A_664 : vector<16xi1>, vector<16xi32>
      %add3A_666 = arith.addi %add3A_659, %select_n3A_665 : vector<16xi32>
      %lt3A_667 = arith.constant 0 : i32
      %lt3A_668 = vector.broadcast %lt3A_667 : i32 to vector<16xi32>
      %lt3A_669 = arith.cmpi slt, %add3A_396, %lt3A_668 : vector<16xi32>
      %add3A_670 = arith.constant 16 : i32
      %add3A_671 = vector.broadcast %add3A_670 : i32 to vector<16xi32>
      %add3A_672 = arith.addi %add3A_396, %add3A_671 : vector<16xi32>
      %select_n3A_673 = arith.select %lt3A_669, %add3A_672, %add3A_396 : vector<16xi1>, vector<16xi32>
      %reshape3A_674 = vector.shape_cast %select_n3A_673 : vector<16xi32> to vector<16x1xi32>
      %gather3A_675 = vector.shape_cast %reshape3A_674 : vector<16x1xi32> to vector<16xi32>
      %gather3A_676 = tpu.dynamic_gather %gather3A[%gather3A_675] in [0] : vector<16xi32>, vector<16xi32> -> vector<16xi32>
      %add3A_677 = arith.addi %add3A_396, %add3A_396 : vector<16xi32>
      %lt3A_678 = arith.cmpi slt, %gather3A_676, %get3A_162 : vector<16xi32>
      %jit3A_679 = arith.constant 2 : i32
      %jit3A_680 = arith.constant 1 : i32
      %broadcast_in_dim3A_681 = vector.broadcast %jit3A_679 : i32 to vector<16xi32>
      %broadcast_in_dim3A_682 = vector.broadcast %jit3A_680 : i32 to vector<16xi32>
      %select_n3A_683 = arith.select %lt3A_678, %broadcast_in_dim3A_681, %broadcast_in_dim3A_682 : vector<16xi1>, vector<16xi32>
      %add3A_684 = arith.addi %add3A_677, %select_n3A_683 : vector<16xi32>
      %lt3A_685 = arith.constant 0 : i32
      %lt3A_686 = vector.broadcast %lt3A_685 : i32 to vector<16xi32>
      %lt3A_687 = arith.cmpi slt, %add3A_414, %lt3A_686 : vector<16xi32>
      %add3A_688 = arith.constant 16 : i32
      %add3A_689 = vector.broadcast %add3A_688 : i32 to vector<16xi32>
      %add3A_690 = arith.addi %add3A_414, %add3A_689 : vector<16xi32>
      %select_n3A_691 = arith.select %lt3A_687, %add3A_690, %add3A_414 : vector<16xi1>, vector<16xi32>
      %reshape3A_692 = vector.shape_cast %select_n3A_691 : vector<16xi32> to vector<16x1xi32>
      %gather3A_693 = vector.shape_cast %reshape3A_692 : vector<16x1xi32> to vector<16xi32>
      %gather3A_694 = tpu.dynamic_gather %gather3A[%gather3A_693] in [0] : vector<16xi32>, vector<16xi32> -> vector<16xi32>
      %add3A_695 = arith.addi %add3A_414, %add3A_414 : vector<16xi32>
      %lt3A_696 = arith.cmpi slt, %gather3A_694, %get3A_166 : vector<16xi32>
      %jit3A_697 = arith.constant 2 : i32
      %jit3A_698 = arith.constant 1 : i32
      %broadcast_in_dim3A_699 = vector.broadcast %jit3A_697 : i32 to vector<16xi32>
      %broadcast_in_dim3A_700 = vector.broadcast %jit3A_698 : i32 to vector<16xi32>
      %select_n3A_701 = arith.select %lt3A_696, %broadcast_in_dim3A_699, %broadcast_in_dim3A_700 : vector<16xi1>, vector<16xi32>
      %add3A_702 = arith.addi %add3A_695, %select_n3A_701 : vector<16xi32>
      %lt3A_703 = arith.constant 0 : i32
      %lt3A_704 = vector.broadcast %lt3A_703 : i32 to vector<16xi32>
      %lt3A_705 = arith.cmpi slt, %add3A_432, %lt3A_704 : vector<16xi32>
      %add3A_706 = arith.constant 16 : i32
      %add3A_707 = vector.broadcast %add3A_706 : i32 to vector<16xi32>
      %add3A_708 = arith.addi %add3A_432, %add3A_707 : vector<16xi32>
      %select_n3A_709 = arith.select %lt3A_705, %add3A_708, %add3A_432 : vector<16xi1>, vector<16xi32>
      %reshape3A_710 = vector.shape_cast %select_n3A_709 : vector<16xi32> to vector<16x1xi32>
      %gather3A_711 = vector.shape_cast %reshape3A_710 : vector<16x1xi32> to vector<16xi32>
      %gather3A_712 = tpu.dynamic_gather %gather3A[%gather3A_711] in [0] : vector<16xi32>, vector<16xi32> -> vector<16xi32>
      %add3A_713 = arith.addi %add3A_432, %add3A_432 : vector<16xi32>
      %lt3A_714 = arith.cmpi slt, %gather3A_712, %get3A_170 : vector<16xi32>
      %jit3A_715 = arith.constant 2 : i32
      %jit3A_716 = arith.constant 1 : i32
      %broadcast_in_dim3A_717 = vector.broadcast %jit3A_715 : i32 to vector<16xi32>
      %broadcast_in_dim3A_718 = vector.broadcast %jit3A_716 : i32 to vector<16xi32>
      %select_n3A_719 = arith.select %lt3A_714, %broadcast_in_dim3A_717, %broadcast_in_dim3A_718 : vector<16xi1>, vector<16xi32>
      %add3A_720 = arith.addi %add3A_713, %select_n3A_719 : vector<16xi32>
      %lt3A_721 = arith.constant 0 : i32
      %lt3A_722 = vector.broadcast %lt3A_721 : i32 to vector<16xi32>
      %lt3A_723 = arith.cmpi slt, %add3A_450, %lt3A_722 : vector<16xi32>
      %add3A_724 = arith.constant 16 : i32
      %add3A_725 = vector.broadcast %add3A_724 : i32 to vector<16xi32>
      %add3A_726 = arith.addi %add3A_450, %add3A_725 : vector<16xi32>
      %select_n3A_727 = arith.select %lt3A_723, %add3A_726, %add3A_450 : vector<16xi1>, vector<16xi32>
      %reshape3A_728 = vector.shape_cast %select_n3A_727 : vector<16xi32> to vector<16x1xi32>
      %gather3A_729 = vector.shape_cast %reshape3A_728 : vector<16x1xi32> to vector<16xi32>
      %gather3A_730 = tpu.dynamic_gather %gather3A[%gather3A_729] in [0] : vector<16xi32>, vector<16xi32> -> vector<16xi32>
      %add3A_731 = arith.addi %add3A_450, %add3A_450 : vector<16xi32>
      %lt3A_732 = arith.cmpi slt, %gather3A_730, %get3A_174 : vector<16xi32>
      %jit3A_733 = arith.constant 2 : i32
      %jit3A_734 = arith.constant 1 : i32
      %broadcast_in_dim3A_735 = vector.broadcast %jit3A_733 : i32 to vector<16xi32>
      %broadcast_in_dim3A_736 = vector.broadcast %jit3A_734 : i32 to vector<16xi32>
      %select_n3A_737 = arith.select %lt3A_732, %broadcast_in_dim3A_735, %broadcast_in_dim3A_736 : vector<16xi1>, vector<16xi32>
      %add3A_738 = arith.addi %add3A_731, %select_n3A_737 : vector<16xi32>
      %lt3A_739 = arith.constant 0 : i32
      %lt3A_740 = vector.broadcast %lt3A_739 : i32 to vector<16xi32>
      %lt3A_741 = arith.cmpi slt, %add3A_468, %lt3A_740 : vector<16xi32>
      %add3A_742 = arith.constant 16 : i32
      %add3A_743 = vector.broadcast %add3A_742 : i32 to vector<16xi32>
      %add3A_744 = arith.addi %add3A_468, %add3A_743 : vector<16xi32>
      %select_n3A_745 = arith.select %lt3A_741, %add3A_744, %add3A_468 : vector<16xi1>, vector<16xi32>
      %reshape3A_746 = vector.shape_cast %select_n3A_745 : vector<16xi32> to vector<16x1xi32>
      %gather3A_747 = vector.shape_cast %reshape3A_746 : vector<16x1xi32> to vector<16xi32>
      %gather3A_748 = tpu.dynamic_gather %gather3A[%gather3A_747] in [0] : vector<16xi32>, vector<16xi32> -> vector<16xi32>
      %add3A_749 = arith.addi %add3A_468, %add3A_468 : vector<16xi32>
      %lt3A_750 = arith.cmpi slt, %gather3A_748, %get3A_178 : vector<16xi32>
      %jit3A_751 = arith.constant 2 : i32
      %jit3A_752 = arith.constant 1 : i32
      %broadcast_in_dim3A_753 = vector.broadcast %jit3A_751 : i32 to vector<16xi32>
      %broadcast_in_dim3A_754 = vector.broadcast %jit3A_752 : i32 to vector<16xi32>
      %select_n3A_755 = arith.select %lt3A_750, %broadcast_in_dim3A_753, %broadcast_in_dim3A_754 : vector<16xi1>, vector<16xi32>
      %add3A_756 = arith.addi %add3A_749, %select_n3A_755 : vector<16xi32>
      %lt3A_757 = arith.constant 0 : i32
      %lt3A_758 = vector.broadcast %lt3A_757 : i32 to vector<16xi32>
      %lt3A_759 = arith.cmpi slt, %add3A_486, %lt3A_758 : vector<16xi32>
      %add3A_760 = arith.constant 16 : i32
      %add3A_761 = vector.broadcast %add3A_760 : i32 to vector<16xi32>
      %add3A_762 = arith.addi %add3A_486, %add3A_761 : vector<16xi32>
      %select_n3A_763 = arith.select %lt3A_759, %add3A_762, %add3A_486 : vector<16xi1>, vector<16xi32>
      %reshape3A_764 = vector.shape_cast %select_n3A_763 : vector<16xi32> to vector<16x1xi32>
      %gather3A_765 = vector.shape_cast %reshape3A_764 : vector<16x1xi32> to vector<16xi32>
      %gather3A_766 = tpu.dynamic_gather %gather3A[%gather3A_765] in [0] : vector<16xi32>, vector<16xi32> -> vector<16xi32>
      %add3A_767 = arith.addi %add3A_486, %add3A_486 : vector<16xi32>
      %lt3A_768 = arith.cmpi slt, %gather3A_766, %get3A_182 : vector<16xi32>
      %jit3A_769 = arith.constant 2 : i32
      %jit3A_770 = arith.constant 1 : i32
      %broadcast_in_dim3A_771 = vector.broadcast %jit3A_769 : i32 to vector<16xi32>
      %broadcast_in_dim3A_772 = vector.broadcast %jit3A_770 : i32 to vector<16xi32>
      %select_n3A_773 = arith.select %lt3A_768, %broadcast_in_dim3A_771, %broadcast_in_dim3A_772 : vector<16xi1>, vector<16xi32>
      %add3A_774 = arith.addi %add3A_767, %select_n3A_773 : vector<16xi32>
      %lt3A_775 = arith.constant 0 : i32
      %lt3A_776 = vector.broadcast %lt3A_775 : i32 to vector<16xi32>
      %lt3A_777 = arith.cmpi slt, %add3A_504, %lt3A_776 : vector<16xi32>
      %add3A_778 = arith.constant 16 : i32
      %add3A_779 = vector.broadcast %add3A_778 : i32 to vector<16xi32>
      %add3A_780 = arith.addi %add3A_504, %add3A_779 : vector<16xi32>
      %select_n3A_781 = arith.select %lt3A_777, %add3A_780, %add3A_504 : vector<16xi1>, vector<16xi32>
      %reshape3A_782 = vector.shape_cast %select_n3A_781 : vector<16xi32> to vector<16x1xi32>
      %gather3A_783 = vector.shape_cast %reshape3A_782 : vector<16x1xi32> to vector<16xi32>
      %gather3A_784 = tpu.dynamic_gather %gather3A[%gather3A_783] in [0] : vector<16xi32>, vector<16xi32> -> vector<16xi32>
      %add3A_785 = arith.addi %add3A_504, %add3A_504 : vector<16xi32>
      %lt3A_786 = arith.cmpi slt, %gather3A_784, %get3A_186 : vector<16xi32>
      %jit3A_787 = arith.constant 2 : i32
      %jit3A_788 = arith.constant 1 : i32
      %broadcast_in_dim3A_789 = vector.broadcast %jit3A_787 : i32 to vector<16xi32>
      %broadcast_in_dim3A_790 = vector.broadcast %jit3A_788 : i32 to vector<16xi32>
      %select_n3A_791 = arith.select %lt3A_786, %broadcast_in_dim3A_789, %broadcast_in_dim3A_790 : vector<16xi1>, vector<16xi32>
      %add3A_792 = arith.addi %add3A_785, %select_n3A_791 : vector<16xi32>
      %lt3A_793 = arith.constant 0 : i32
      %lt3A_794 = vector.broadcast %lt3A_793 : i32 to vector<16xi32>
      %lt3A_795 = arith.cmpi slt, %add3A_522, %lt3A_794 : vector<16xi32>
      %add3A_796 = arith.constant 16 : i32
      %add3A_797 = vector.broadcast %add3A_796 : i32 to vector<16xi32>
      %add3A_798 = arith.addi %add3A_522, %add3A_797 : vector<16xi32>
      %select_n3A_799 = arith.select %lt3A_795, %add3A_798, %add3A_522 : vector<16xi1>, vector<16xi32>
      %reshape3A_800 = vector.shape_cast %select_n3A_799 : vector<16xi32> to vector<16x1xi32>
      %gather3A_801 = vector.shape_cast %reshape3A_800 : vector<16x1xi32> to vector<16xi32>
      %gather3A_802 = tpu.dynamic_gather %gather3A[%gather3A_801] in [0] : vector<16xi32>, vector<16xi32> -> vector<16xi32>
      %add3A_803 = arith.addi %add3A_522, %add3A_522 : vector<16xi32>
      %lt3A_804 = arith.cmpi slt, %gather3A_802, %get3A_126 : vector<16xi32>
      %jit3A_805 = arith.constant 2 : i32
      %jit3A_806 = arith.constant 1 : i32
      %broadcast_in_dim3A_807 = vector.broadcast %jit3A_805 : i32 to vector<16xi32>
      %broadcast_in_dim3A_808 = vector.broadcast %jit3A_806 : i32 to vector<16xi32>
      %select_n3A_809 = arith.select %lt3A_804, %broadcast_in_dim3A_807, %broadcast_in_dim3A_808 : vector<16xi1>, vector<16xi32>
      %add3A_810 = arith.addi %add3A_803, %select_n3A_809 : vector<16xi32>
      %lt3A_811 = arith.constant 0 : i32
      %lt3A_812 = vector.broadcast %lt3A_811 : i32 to vector<16xi32>
      %lt3A_813 = arith.cmpi slt, %add3A_540, %lt3A_812 : vector<16xi32>
      %add3A_814 = arith.constant 16 : i32
      %add3A_815 = vector.broadcast %add3A_814 : i32 to vector<16xi32>
      %add3A_816 = arith.addi %add3A_540, %add3A_815 : vector<16xi32>
      %select_n3A_817 = arith.select %lt3A_813, %add3A_816, %add3A_540 : vector<16xi1>, vector<16xi32>
      %reshape3A_818 = vector.shape_cast %select_n3A_817 : vector<16xi32> to vector<16x1xi32>
      %gather3A_819 = vector.shape_cast %reshape3A_818 : vector<16x1xi32> to vector<16xi32>
      %gather3A_820 = tpu.dynamic_gather %gather3A[%gather3A_819] in [0] : vector<16xi32>, vector<16xi32> -> vector<16xi32>
      %add3A_821 = arith.addi %add3A_540, %add3A_540 : vector<16xi32>
      %lt3A_822 = arith.cmpi slt, %gather3A_820, %get3A_130 : vector<16xi32>
      %jit3A_823 = arith.constant 2 : i32
      %jit3A_824 = arith.constant 1 : i32
      %broadcast_in_dim3A_825 = vector.broadcast %jit3A_823 : i32 to vector<16xi32>
      %broadcast_in_dim3A_826 = vector.broadcast %jit3A_824 : i32 to vector<16xi32>
      %select_n3A_827 = arith.select %lt3A_822, %broadcast_in_dim3A_825, %broadcast_in_dim3A_826 : vector<16xi1>, vector<16xi32>
      %add3A_828 = arith.addi %add3A_821, %select_n3A_827 : vector<16xi32>
      %lt3A_829 = arith.constant 0 : i32
      %lt3A_830 = vector.broadcast %lt3A_829 : i32 to vector<16xi32>
      %lt3A_831 = arith.cmpi slt, %add3A_558, %lt3A_830 : vector<16xi32>
      %add3A_832 = arith.constant 16 : i32
      %add3A_833 = vector.broadcast %add3A_832 : i32 to vector<16xi32>
      %add3A_834 = arith.addi %add3A_558, %add3A_833 : vector<16xi32>
      %select_n3A_835 = arith.select %lt3A_831, %add3A_834, %add3A_558 : vector<16xi1>, vector<16xi32>
      %reshape3A_836 = vector.shape_cast %select_n3A_835 : vector<16xi32> to vector<16x1xi32>
      %gather3A_837 = vector.shape_cast %reshape3A_836 : vector<16x1xi32> to vector<16xi32>
      %gather3A_838 = tpu.dynamic_gather %gather3A[%gather3A_837] in [0] : vector<16xi32>, vector<16xi32> -> vector<16xi32>
      %add3A_839 = arith.addi %add3A_558, %add3A_558 : vector<16xi32>
      %lt3A_840 = arith.cmpi slt, %gather3A_838, %get3A_134 : vector<16xi32>
      %jit3A_841 = arith.constant 2 : i32
      %jit3A_842 = arith.constant 1 : i32
      %broadcast_in_dim3A_843 = vector.broadcast %jit3A_841 : i32 to vector<16xi32>
      %broadcast_in_dim3A_844 = vector.broadcast %jit3A_842 : i32 to vector<16xi32>
      %select_n3A_845 = arith.select %lt3A_840, %broadcast_in_dim3A_843, %broadcast_in_dim3A_844 : vector<16xi1>, vector<16xi32>
      %add3A_846 = arith.addi %add3A_839, %select_n3A_845 : vector<16xi32>
      %lt3A_847 = arith.constant 0 : i32
      %lt3A_848 = vector.broadcast %lt3A_847 : i32 to vector<16xi32>
      %lt3A_849 = arith.cmpi slt, %add3A_576, %lt3A_848 : vector<16xi32>
      %add3A_850 = arith.constant 16 : i32
      %add3A_851 = vector.broadcast %add3A_850 : i32 to vector<16xi32>
      %add3A_852 = arith.addi %add3A_576, %add3A_851 : vector<16xi32>
      %select_n3A_853 = arith.select %lt3A_849, %add3A_852, %add3A_576 : vector<16xi1>, vector<16xi32>
      %reshape3A_854 = vector.shape_cast %select_n3A_853 : vector<16xi32> to vector<16x1xi32>
      %gather3A_855 = vector.shape_cast %reshape3A_854 : vector<16x1xi32> to vector<16xi32>
      %gather3A_856 = tpu.dynamic_gather %gather3A[%gather3A_855] in [0] : vector<16xi32>, vector<16xi32> -> vector<16xi32>
      %add3A_857 = arith.addi %add3A_576, %add3A_576 : vector<16xi32>
      %lt3A_858 = arith.cmpi slt, %gather3A_856, %get3A_138 : vector<16xi32>
      %jit3A_859 = arith.constant 2 : i32
      %jit3A_860 = arith.constant 1 : i32
      %broadcast_in_dim3A_861 = vector.broadcast %jit3A_859 : i32 to vector<16xi32>
      %broadcast_in_dim3A_862 = vector.broadcast %jit3A_860 : i32 to vector<16xi32>
      %select_n3A_863 = arith.select %lt3A_858, %broadcast_in_dim3A_861, %broadcast_in_dim3A_862 : vector<16xi1>, vector<16xi32>
      %add3A_864 = arith.addi %add3A_857, %select_n3A_863 : vector<16xi32>
      %lt3A_865 = arith.constant 0 : i32
      %lt3A_866 = vector.broadcast %lt3A_865 : i32 to vector<16xi32>
      %lt3A_867 = arith.cmpi slt, %add3A_594, %lt3A_866 : vector<16xi32>
      %add3A_868 = arith.constant 16 : i32
      %add3A_869 = vector.broadcast %add3A_868 : i32 to vector<16xi32>
      %add3A_870 = arith.addi %add3A_594, %add3A_869 : vector<16xi32>
      %select_n3A_871 = arith.select %lt3A_867, %add3A_870, %add3A_594 : vector<16xi1>, vector<16xi32>
      %reshape3A_872 = vector.shape_cast %select_n3A_871 : vector<16xi32> to vector<16x1xi32>
      %gather3A_873 = vector.shape_cast %reshape3A_872 : vector<16x1xi32> to vector<16xi32>
      %gather3A_874 = tpu.dynamic_gather %gather3A[%gather3A_873] in [0] : vector<16xi32>, vector<16xi32> -> vector<16xi32>
      %add3A_875 = arith.addi %add3A_594, %add3A_594 : vector<16xi32>
      %lt3A_876 = arith.cmpi slt, %gather3A_874, %get3A_142 : vector<16xi32>
      %jit3A_877 = arith.constant 2 : i32
      %jit3A_878 = arith.constant 1 : i32
      %broadcast_in_dim3A_879 = vector.broadcast %jit3A_877 : i32 to vector<16xi32>
      %broadcast_in_dim3A_880 = vector.broadcast %jit3A_878 : i32 to vector<16xi32>
      %select_n3A_881 = arith.select %lt3A_876, %broadcast_in_dim3A_879, %broadcast_in_dim3A_880 : vector<16xi1>, vector<16xi32>
      %add3A_882 = arith.addi %add3A_875, %select_n3A_881 : vector<16xi32>
      %lt3A_883 = arith.constant 0 : i32
      %lt3A_884 = vector.broadcast %lt3A_883 : i32 to vector<16xi32>
      %lt3A_885 = arith.cmpi slt, %add3A_612, %lt3A_884 : vector<16xi32>
      %add3A_886 = arith.constant 16 : i32
      %add3A_887 = vector.broadcast %add3A_886 : i32 to vector<16xi32>
      %add3A_888 = arith.addi %add3A_612, %add3A_887 : vector<16xi32>
      %select_n3A_889 = arith.select %lt3A_885, %add3A_888, %add3A_612 : vector<16xi1>, vector<16xi32>
      %reshape3A_890 = vector.shape_cast %select_n3A_889 : vector<16xi32> to vector<16x1xi32>
      %gather3A_891 = vector.shape_cast %reshape3A_890 : vector<16x1xi32> to vector<16xi32>
      %gather3A_892 = tpu.dynamic_gather %gather3A[%gather3A_891] in [0] : vector<16xi32>, vector<16xi32> -> vector<16xi32>
      %add3A_893 = arith.addi %add3A_612, %add3A_612 : vector<16xi32>
      %lt3A_894 = arith.cmpi slt, %gather3A_892, %get3A_146 : vector<16xi32>
      %jit3A_895 = arith.constant 2 : i32
      %jit3A_896 = arith.constant 1 : i32
      %broadcast_in_dim3A_897 = vector.broadcast %jit3A_895 : i32 to vector<16xi32>
      %broadcast_in_dim3A_898 = vector.broadcast %jit3A_896 : i32 to vector<16xi32>
      %select_n3A_899 = arith.select %lt3A_894, %broadcast_in_dim3A_897, %broadcast_in_dim3A_898 : vector<16xi1>, vector<16xi32>
      %add3A_900 = arith.addi %add3A_893, %select_n3A_899 : vector<16xi32>
      %lt3A_901 = arith.constant 0 : i32
      %lt3A_902 = vector.broadcast %lt3A_901 : i32 to vector<16xi32>
      %lt3A_903 = arith.cmpi slt, %add3A_630, %lt3A_902 : vector<16xi32>
      %add3A_904 = arith.constant 16 : i32
      %add3A_905 = vector.broadcast %add3A_904 : i32 to vector<16xi32>
      %add3A_906 = arith.addi %add3A_630, %add3A_905 : vector<16xi32>
      %select_n3A_907 = arith.select %lt3A_903, %add3A_906, %add3A_630 : vector<16xi1>, vector<16xi32>
      %reshape3A_908 = vector.shape_cast %select_n3A_907 : vector<16xi32> to vector<16x1xi32>
      %gather3A_909 = vector.shape_cast %reshape3A_908 : vector<16x1xi32> to vector<16xi32>
      %gather3A_910 = tpu.dynamic_gather %gather3A[%gather3A_909] in [0] : vector<16xi32>, vector<16xi32> -> vector<16xi32>
      %add3A_911 = arith.addi %add3A_630, %add3A_630 : vector<16xi32>
      %lt3A_912 = arith.cmpi slt, %gather3A_910, %get3A_150 : vector<16xi32>
      %jit3A_913 = arith.constant 2 : i32
      %jit3A_914 = arith.constant 1 : i32
      %broadcast_in_dim3A_915 = vector.broadcast %jit3A_913 : i32 to vector<16xi32>
      %broadcast_in_dim3A_916 = vector.broadcast %jit3A_914 : i32 to vector<16xi32>
      %select_n3A_917 = arith.select %lt3A_912, %broadcast_in_dim3A_915, %broadcast_in_dim3A_916 : vector<16xi1>, vector<16xi32>
      %add3A_918 = arith.addi %add3A_911, %select_n3A_917 : vector<16xi32>
      %lt3A_919 = arith.constant 0 : i32
      %lt3A_920 = vector.broadcast %lt3A_919 : i32 to vector<16xi32>
      %lt3A_921 = arith.cmpi slt, %add3A_648, %lt3A_920 : vector<16xi32>
      %add3A_922 = arith.constant 16 : i32
      %add3A_923 = vector.broadcast %add3A_922 : i32 to vector<16xi32>
      %add3A_924 = arith.addi %add3A_648, %add3A_923 : vector<16xi32>
      %select_n3A_925 = arith.select %lt3A_921, %add3A_924, %add3A_648 : vector<16xi1>, vector<16xi32>
      %reshape3A_926 = vector.shape_cast %select_n3A_925 : vector<16xi32> to vector<16x1xi32>
      %gather3A_927 = vector.shape_cast %reshape3A_926 : vector<16x1xi32> to vector<16xi32>
      %gather3A_928 = tpu.dynamic_gather %gather3A[%gather3A_927] in [0] : vector<16xi32>, vector<16xi32> -> vector<16xi32>
      %add3A_929 = arith.addi %add3A_648, %add3A_648 : vector<16xi32>
      %lt3A_930 = arith.cmpi slt, %gather3A_928, %get3A_154 : vector<16xi32>
      %jit3A_931 = arith.constant 2 : i32
      %jit3A_932 = arith.constant 1 : i32
      %broadcast_in_dim3A_933 = vector.broadcast %jit3A_931 : i32 to vector<16xi32>
      %broadcast_in_dim3A_934 = vector.broadcast %jit3A_932 : i32 to vector<16xi32>
      %select_n3A_935 = arith.select %lt3A_930, %broadcast_in_dim3A_933, %broadcast_in_dim3A_934 : vector<16xi1>, vector<16xi32>
      %add3A_936 = arith.addi %add3A_929, %select_n3A_935 : vector<16xi32>
      %lt3A_937 = arith.constant 0 : i32
      %lt3A_938 = vector.broadcast %lt3A_937 : i32 to vector<16xi32>
      %lt3A_939 = arith.cmpi slt, %add3A_666, %lt3A_938 : vector<16xi32>
      %add3A_940 = arith.constant 16 : i32
      %add3A_941 = vector.broadcast %add3A_940 : i32 to vector<16xi32>
      %add3A_942 = arith.addi %add3A_666, %add3A_941 : vector<16xi32>
      %select_n3A_943 = arith.select %lt3A_939, %add3A_942, %add3A_666 : vector<16xi1>, vector<16xi32>
      %reshape3A_944 = vector.shape_cast %select_n3A_943 : vector<16xi32> to vector<16x1xi32>
      %gather3A_945 = vector.shape_cast %reshape3A_944 : vector<16x1xi32> to vector<16xi32>
      %gather3A_946 = tpu.dynamic_gather %gather3A[%gather3A_945] in [0] : vector<16xi32>, vector<16xi32> -> vector<16xi32>
      %add3A_947 = arith.addi %add3A_666, %add3A_666 : vector<16xi32>
      %lt3A_948 = arith.cmpi slt, %gather3A_946, %get3A_158 : vector<16xi32>
      %jit3A_949 = arith.constant 2 : i32
      %jit3A_950 = arith.constant 1 : i32
      %broadcast_in_dim3A_951 = vector.broadcast %jit3A_949 : i32 to vector<16xi32>
      %broadcast_in_dim3A_952 = vector.broadcast %jit3A_950 : i32 to vector<16xi32>
      %select_n3A_953 = arith.select %lt3A_948, %broadcast_in_dim3A_951, %broadcast_in_dim3A_952 : vector<16xi1>, vector<16xi32>
      %add3A_954 = arith.addi %add3A_947, %select_n3A_953 : vector<16xi32>
      %lt3A_955 = arith.constant 0 : i32
      %lt3A_956 = vector.broadcast %lt3A_955 : i32 to vector<16xi32>
      %lt3A_957 = arith.cmpi slt, %add3A_684, %lt3A_956 : vector<16xi32>
      %add3A_958 = arith.constant 16 : i32
      %add3A_959 = vector.broadcast %add3A_958 : i32 to vector<16xi32>
      %add3A_960 = arith.addi %add3A_684, %add3A_959 : vector<16xi32>
      %select_n3A_961 = arith.select %lt3A_957, %add3A_960, %add3A_684 : vector<16xi1>, vector<16xi32>
      %reshape3A_962 = vector.shape_cast %select_n3A_961 : vector<16xi32> to vector<16x1xi32>
      %gather3A_963 = vector.shape_cast %reshape3A_962 : vector<16x1xi32> to vector<16xi32>
      %gather3A_964 = tpu.dynamic_gather %gather3A[%gather3A_963] in [0] : vector<16xi32>, vector<16xi32> -> vector<16xi32>
      %add3A_965 = arith.addi %add3A_684, %add3A_684 : vector<16xi32>
      %lt3A_966 = arith.cmpi slt, %gather3A_964, %get3A_162 : vector<16xi32>
      %jit3A_967 = arith.constant 2 : i32
      %jit3A_968 = arith.constant 1 : i32
      %broadcast_in_dim3A_969 = vector.broadcast %jit3A_967 : i32 to vector<16xi32>
      %broadcast_in_dim3A_970 = vector.broadcast %jit3A_968 : i32 to vector<16xi32>
      %select_n3A_971 = arith.select %lt3A_966, %broadcast_in_dim3A_969, %broadcast_in_dim3A_970 : vector<16xi1>, vector<16xi32>
      %add3A_972 = arith.addi %add3A_965, %select_n3A_971 : vector<16xi32>
      %lt3A_973 = arith.constant 0 : i32
      %lt3A_974 = vector.broadcast %lt3A_973 : i32 to vector<16xi32>
      %lt3A_975 = arith.cmpi slt, %add3A_702, %lt3A_974 : vector<16xi32>
      %add3A_976 = arith.constant 16 : i32
      %add3A_977 = vector.broadcast %add3A_976 : i32 to vector<16xi32>
      %add3A_978 = arith.addi %add3A_702, %add3A_977 : vector<16xi32>
      %select_n3A_979 = arith.select %lt3A_975, %add3A_978, %add3A_702 : vector<16xi1>, vector<16xi32>
      %reshape3A_980 = vector.shape_cast %select_n3A_979 : vector<16xi32> to vector<16x1xi32>
      %gather3A_981 = vector.shape_cast %reshape3A_980 : vector<16x1xi32> to vector<16xi32>
      %gather3A_982 = tpu.dynamic_gather %gather3A[%gather3A_981] in [0] : vector<16xi32>, vector<16xi32> -> vector<16xi32>
      %add3A_983 = arith.addi %add3A_702, %add3A_702 : vector<16xi32>
      %lt3A_984 = arith.cmpi slt, %gather3A_982, %get3A_166 : vector<16xi32>
      %jit3A_985 = arith.constant 2 : i32
      %jit3A_986 = arith.constant 1 : i32
      %broadcast_in_dim3A_987 = vector.broadcast %jit3A_985 : i32 to vector<16xi32>
      %broadcast_in_dim3A_988 = vector.broadcast %jit3A_986 : i32 to vector<16xi32>
      %select_n3A_989 = arith.select %lt3A_984, %broadcast_in_dim3A_987, %broadcast_in_dim3A_988 : vector<16xi1>, vector<16xi32>
      %add3A_990 = arith.addi %add3A_983, %select_n3A_989 : vector<16xi32>
      %lt3A_991 = arith.constant 0 : i32
      %lt3A_992 = vector.broadcast %lt3A_991 : i32 to vector<16xi32>
      %lt3A_993 = arith.cmpi slt, %add3A_720, %lt3A_992 : vector<16xi32>
      %add3A_994 = arith.constant 16 : i32
      %add3A_995 = vector.broadcast %add3A_994 : i32 to vector<16xi32>
      %add3A_996 = arith.addi %add3A_720, %add3A_995 : vector<16xi32>
      %select_n3A_997 = arith.select %lt3A_993, %add3A_996, %add3A_720 : vector<16xi1>, vector<16xi32>
      %reshape3A_998 = vector.shape_cast %select_n3A_997 : vector<16xi32> to vector<16x1xi32>
      %gather3A_999 = vector.shape_cast %reshape3A_998 : vector<16x1xi32> to vector<16xi32>
      %gather3A_1000 = tpu.dynamic_gather %gather3A[%gather3A_999] in [0] : vector<16xi32>, vector<16xi32> -> vector<16xi32>
      %add3A_1001 = arith.addi %add3A_720, %add3A_720 : vector<16xi32>
      %lt3A_1002 = arith.cmpi slt, %gather3A_1000, %get3A_170 : vector<16xi32>
      %jit3A_1003 = arith.constant 2 : i32
      %jit3A_1004 = arith.constant 1 : i32
      %broadcast_in_dim3A_1005 = vector.broadcast %jit3A_1003 : i32 to vector<16xi32>
      %broadcast_in_dim3A_1006 = vector.broadcast %jit3A_1004 : i32 to vector<16xi32>
      %select_n3A_1007 = arith.select %lt3A_1002, %broadcast_in_dim3A_1005, %broadcast_in_dim3A_1006 : vector<16xi1>, vector<16xi32>
      %add3A_1008 = arith.addi %add3A_1001, %select_n3A_1007 : vector<16xi32>
      %lt3A_1009 = arith.constant 0 : i32
      %lt3A_1010 = vector.broadcast %lt3A_1009 : i32 to vector<16xi32>
      %lt3A_1011 = arith.cmpi slt, %add3A_738, %lt3A_1010 : vector<16xi32>
      %add3A_1012 = arith.constant 16 : i32
      %add3A_1013 = vector.broadcast %add3A_1012 : i32 to vector<16xi32>
      %add3A_1014 = arith.addi %add3A_738, %add3A_1013 : vector<16xi32>
      %select_n3A_1015 = arith.select %lt3A_1011, %add3A_1014, %add3A_738 : vector<16xi1>, vector<16xi32>
      %reshape3A_1016 = vector.shape_cast %select_n3A_1015 : vector<16xi32> to vector<16x1xi32>
      %gather3A_1017 = vector.shape_cast %reshape3A_1016 : vector<16x1xi32> to vector<16xi32>
      %gather3A_1018 = tpu.dynamic_gather %gather3A[%gather3A_1017] in [0] : vector<16xi32>, vector<16xi32> -> vector<16xi32>
      %add3A_1019 = arith.addi %add3A_738, %add3A_738 : vector<16xi32>
      %lt3A_1020 = arith.cmpi slt, %gather3A_1018, %get3A_174 : vector<16xi32>
      %jit3A_1021 = arith.constant 2 : i32
      %jit3A_1022 = arith.constant 1 : i32
      %broadcast_in_dim3A_1023 = vector.broadcast %jit3A_1021 : i32 to vector<16xi32>
      %broadcast_in_dim3A_1024 = vector.broadcast %jit3A_1022 : i32 to vector<16xi32>
      %select_n3A_1025 = arith.select %lt3A_1020, %broadcast_in_dim3A_1023, %broadcast_in_dim3A_1024 : vector<16xi1>, vector<16xi32>
      %add3A_1026 = arith.addi %add3A_1019, %select_n3A_1025 : vector<16xi32>
      %lt3A_1027 = arith.constant 0 : i32
      %lt3A_1028 = vector.broadcast %lt3A_1027 : i32 to vector<16xi32>
      %lt3A_1029 = arith.cmpi slt, %add3A_756, %lt3A_1028 : vector<16xi32>
      %add3A_1030 = arith.constant 16 : i32
      %add3A_1031 = vector.broadcast %add3A_1030 : i32 to vector<16xi32>
      %add3A_1032 = arith.addi %add3A_756, %add3A_1031 : vector<16xi32>
      %select_n3A_1033 = arith.select %lt3A_1029, %add3A_1032, %add3A_756 : vector<16xi1>, vector<16xi32>
      %reshape3A_1034 = vector.shape_cast %select_n3A_1033 : vector<16xi32> to vector<16x1xi32>
      %gather3A_1035 = vector.shape_cast %reshape3A_1034 : vector<16x1xi32> to vector<16xi32>
      %gather3A_1036 = tpu.dynamic_gather %gather3A[%gather3A_1035] in [0] : vector<16xi32>, vector<16xi32> -> vector<16xi32>
      %add3A_1037 = arith.addi %add3A_756, %add3A_756 : vector<16xi32>
      %lt3A_1038 = arith.cmpi slt, %gather3A_1036, %get3A_178 : vector<16xi32>
      %jit3A_1039 = arith.constant 2 : i32
      %jit3A_1040 = arith.constant 1 : i32
      %broadcast_in_dim3A_1041 = vector.broadcast %jit3A_1039 : i32 to vector<16xi32>
      %broadcast_in_dim3A_1042 = vector.broadcast %jit3A_1040 : i32 to vector<16xi32>
      %select_n3A_1043 = arith.select %lt3A_1038, %broadcast_in_dim3A_1041, %broadcast_in_dim3A_1042 : vector<16xi1>, vector<16xi32>
      %add3A_1044 = arith.addi %add3A_1037, %select_n3A_1043 : vector<16xi32>
      %lt3A_1045 = arith.constant 0 : i32
      %lt3A_1046 = vector.broadcast %lt3A_1045 : i32 to vector<16xi32>
      %lt3A_1047 = arith.cmpi slt, %add3A_774, %lt3A_1046 : vector<16xi32>
      %add3A_1048 = arith.constant 16 : i32
      %add3A_1049 = vector.broadcast %add3A_1048 : i32 to vector<16xi32>
      %add3A_1050 = arith.addi %add3A_774, %add3A_1049 : vector<16xi32>
      %select_n3A_1051 = arith.select %lt3A_1047, %add3A_1050, %add3A_774 : vector<16xi1>, vector<16xi32>
      %reshape3A_1052 = vector.shape_cast %select_n3A_1051 : vector<16xi32> to vector<16x1xi32>
      %gather3A_1053 = vector.shape_cast %reshape3A_1052 : vector<16x1xi32> to vector<16xi32>
      %gather3A_1054 = tpu.dynamic_gather %gather3A[%gather3A_1053] in [0] : vector<16xi32>, vector<16xi32> -> vector<16xi32>
      %add3A_1055 = arith.addi %add3A_774, %add3A_774 : vector<16xi32>
      %lt3A_1056 = arith.cmpi slt, %gather3A_1054, %get3A_182 : vector<16xi32>
      %jit3A_1057 = arith.constant 2 : i32
      %jit3A_1058 = arith.constant 1 : i32
      %broadcast_in_dim3A_1059 = vector.broadcast %jit3A_1057 : i32 to vector<16xi32>
      %broadcast_in_dim3A_1060 = vector.broadcast %jit3A_1058 : i32 to vector<16xi32>
      %select_n3A_1061 = arith.select %lt3A_1056, %broadcast_in_dim3A_1059, %broadcast_in_dim3A_1060 : vector<16xi1>, vector<16xi32>
      %add3A_1062 = arith.addi %add3A_1055, %select_n3A_1061 : vector<16xi32>
      %lt3A_1063 = arith.constant 0 : i32
      %lt3A_1064 = vector.broadcast %lt3A_1063 : i32 to vector<16xi32>
      %lt3A_1065 = arith.cmpi slt, %add3A_792, %lt3A_1064 : vector<16xi32>
      %add3A_1066 = arith.constant 16 : i32
      %add3A_1067 = vector.broadcast %add3A_1066 : i32 to vector<16xi32>
      %add3A_1068 = arith.addi %add3A_792, %add3A_1067 : vector<16xi32>
      %select_n3A_1069 = arith.select %lt3A_1065, %add3A_1068, %add3A_792 : vector<16xi1>, vector<16xi32>
      %reshape3A_1070 = vector.shape_cast %select_n3A_1069 : vector<16xi32> to vector<16x1xi32>
      %gather3A_1071 = vector.shape_cast %reshape3A_1070 : vector<16x1xi32> to vector<16xi32>
      %gather3A_1072 = tpu.dynamic_gather %gather3A[%gather3A_1071] in [0] : vector<16xi32>, vector<16xi32> -> vector<16xi32>
      %add3A_1073 = arith.addi %add3A_792, %add3A_792 : vector<16xi32>
      %lt3A_1074 = arith.cmpi slt, %gather3A_1072, %get3A_186 : vector<16xi32>
      %jit3A_1075 = arith.constant 2 : i32
      %jit3A_1076 = arith.constant 1 : i32
      %broadcast_in_dim3A_1077 = vector.broadcast %jit3A_1075 : i32 to vector<16xi32>
      %broadcast_in_dim3A_1078 = vector.broadcast %jit3A_1076 : i32 to vector<16xi32>
      %select_n3A_1079 = arith.select %lt3A_1074, %broadcast_in_dim3A_1077, %broadcast_in_dim3A_1078 : vector<16xi1>, vector<16xi32>
      %add3A_1080 = arith.addi %add3A_1073, %select_n3A_1079 : vector<16xi32>
      %sub3A = arith.constant 7 : i32
      %sub3A_1081 = vector.broadcast %sub3A : i32 to vector<16xi32>
      %sub3A_1082 = arith.subi %add3A_810, %sub3A_1081 : vector<16xi32>
      %mul3A_1083 = arith.constant 16 : i32
      %mul3A_1084 = vector.broadcast %mul3A_1083 : i32 to vector<16xi32>
      %mul3A_1085 = arith.muli %sub3A_1082, %mul3A_1084 : vector<16xi32>
      %sub3A_1086 = arith.constant 7 : i32
      %sub3A_1087 = vector.broadcast %sub3A_1086 : i32 to vector<16xi32>
      %sub3A_1088 = arith.subi %add3A_828, %sub3A_1087 : vector<16xi32>
      %mul3A_1089 = arith.constant 16 : i32
      %mul3A_1090 = vector.broadcast %mul3A_1089 : i32 to vector<16xi32>
      %mul3A_1091 = arith.muli %sub3A_1088, %mul3A_1090 : vector<16xi32>
      %sub3A_1092 = arith.constant 7 : i32
      %sub3A_1093 = vector.broadcast %sub3A_1092 : i32 to vector<16xi32>
      %sub3A_1094 = arith.subi %add3A_846, %sub3A_1093 : vector<16xi32>
      %mul3A_1095 = arith.constant 16 : i32
      %mul3A_1096 = vector.broadcast %mul3A_1095 : i32 to vector<16xi32>
      %mul3A_1097 = arith.muli %sub3A_1094, %mul3A_1096 : vector<16xi32>
      %sub3A_1098 = arith.constant 7 : i32
      %sub3A_1099 = vector.broadcast %sub3A_1098 : i32 to vector<16xi32>
      %sub3A_1100 = arith.subi %add3A_864, %sub3A_1099 : vector<16xi32>
      %mul3A_1101 = arith.constant 16 : i32
      %mul3A_1102 = vector.broadcast %mul3A_1101 : i32 to vector<16xi32>
      %mul3A_1103 = arith.muli %sub3A_1100, %mul3A_1102 : vector<16xi32>
      %sub3A_1104 = arith.constant 7 : i32
      %sub3A_1105 = vector.broadcast %sub3A_1104 : i32 to vector<16xi32>
      %sub3A_1106 = arith.subi %add3A_882, %sub3A_1105 : vector<16xi32>
      %mul3A_1107 = arith.constant 16 : i32
      %mul3A_1108 = vector.broadcast %mul3A_1107 : i32 to vector<16xi32>
      %mul3A_1109 = arith.muli %sub3A_1106, %mul3A_1108 : vector<16xi32>
      %sub3A_1110 = arith.constant 7 : i32
      %sub3A_1111 = vector.broadcast %sub3A_1110 : i32 to vector<16xi32>
      %sub3A_1112 = arith.subi %add3A_900, %sub3A_1111 : vector<16xi32>
      %mul3A_1113 = arith.constant 16 : i32
      %mul3A_1114 = vector.broadcast %mul3A_1113 : i32 to vector<16xi32>
      %mul3A_1115 = arith.muli %sub3A_1112, %mul3A_1114 : vector<16xi32>
      %sub3A_1116 = arith.constant 7 : i32
      %sub3A_1117 = vector.broadcast %sub3A_1116 : i32 to vector<16xi32>
      %sub3A_1118 = arith.subi %add3A_918, %sub3A_1117 : vector<16xi32>
      %mul3A_1119 = arith.constant 16 : i32
      %mul3A_1120 = vector.broadcast %mul3A_1119 : i32 to vector<16xi32>
      %mul3A_1121 = arith.muli %sub3A_1118, %mul3A_1120 : vector<16xi32>
      %sub3A_1122 = arith.constant 7 : i32
      %sub3A_1123 = vector.broadcast %sub3A_1122 : i32 to vector<16xi32>
      %sub3A_1124 = arith.subi %add3A_936, %sub3A_1123 : vector<16xi32>
      %mul3A_1125 = arith.constant 16 : i32
      %mul3A_1126 = vector.broadcast %mul3A_1125 : i32 to vector<16xi32>
      %mul3A_1127 = arith.muli %sub3A_1124, %mul3A_1126 : vector<16xi32>
      %sub3A_1128 = arith.constant 7 : i32
      %sub3A_1129 = vector.broadcast %sub3A_1128 : i32 to vector<16xi32>
      %sub3A_1130 = arith.subi %add3A_954, %sub3A_1129 : vector<16xi32>
      %mul3A_1131 = arith.constant 16 : i32
      %mul3A_1132 = vector.broadcast %mul3A_1131 : i32 to vector<16xi32>
      %mul3A_1133 = arith.muli %sub3A_1130, %mul3A_1132 : vector<16xi32>
      %sub3A_1134 = arith.constant 7 : i32
      %sub3A_1135 = vector.broadcast %sub3A_1134 : i32 to vector<16xi32>
      %sub3A_1136 = arith.subi %add3A_972, %sub3A_1135 : vector<16xi32>
      %mul3A_1137 = arith.constant 16 : i32
      %mul3A_1138 = vector.broadcast %mul3A_1137 : i32 to vector<16xi32>
      %mul3A_1139 = arith.muli %sub3A_1136, %mul3A_1138 : vector<16xi32>
      %sub3A_1140 = arith.constant 7 : i32
      %sub3A_1141 = vector.broadcast %sub3A_1140 : i32 to vector<16xi32>
      %sub3A_1142 = arith.subi %add3A_990, %sub3A_1141 : vector<16xi32>
      %mul3A_1143 = arith.constant 16 : i32
      %mul3A_1144 = vector.broadcast %mul3A_1143 : i32 to vector<16xi32>
      %mul3A_1145 = arith.muli %sub3A_1142, %mul3A_1144 : vector<16xi32>
      %sub3A_1146 = arith.constant 7 : i32
      %sub3A_1147 = vector.broadcast %sub3A_1146 : i32 to vector<16xi32>
      %sub3A_1148 = arith.subi %add3A_1008, %sub3A_1147 : vector<16xi32>
      %mul3A_1149 = arith.constant 16 : i32
      %mul3A_1150 = vector.broadcast %mul3A_1149 : i32 to vector<16xi32>
      %mul3A_1151 = arith.muli %sub3A_1148, %mul3A_1150 : vector<16xi32>
      %sub3A_1152 = arith.constant 7 : i32
      %sub3A_1153 = vector.broadcast %sub3A_1152 : i32 to vector<16xi32>
      %sub3A_1154 = arith.subi %add3A_1026, %sub3A_1153 : vector<16xi32>
      %mul3A_1155 = arith.constant 16 : i32
      %mul3A_1156 = vector.broadcast %mul3A_1155 : i32 to vector<16xi32>
      %mul3A_1157 = arith.muli %sub3A_1154, %mul3A_1156 : vector<16xi32>
      %sub3A_1158 = arith.constant 7 : i32
      %sub3A_1159 = vector.broadcast %sub3A_1158 : i32 to vector<16xi32>
      %sub3A_1160 = arith.subi %add3A_1044, %sub3A_1159 : vector<16xi32>
      %mul3A_1161 = arith.constant 16 : i32
      %mul3A_1162 = vector.broadcast %mul3A_1161 : i32 to vector<16xi32>
      %mul3A_1163 = arith.muli %sub3A_1160, %mul3A_1162 : vector<16xi32>
      %sub3A_1164 = arith.constant 7 : i32
      %sub3A_1165 = vector.broadcast %sub3A_1164 : i32 to vector<16xi32>
      %sub3A_1166 = arith.subi %add3A_1062, %sub3A_1165 : vector<16xi32>
      %mul3A_1167 = arith.constant 16 : i32
      %mul3A_1168 = vector.broadcast %mul3A_1167 : i32 to vector<16xi32>
      %mul3A_1169 = arith.muli %sub3A_1166, %mul3A_1168 : vector<16xi32>
      %sub3A_1170 = arith.constant 7 : i32
      %sub3A_1171 = vector.broadcast %sub3A_1170 : i32 to vector<16xi32>
      %sub3A_1172 = arith.subi %add3A_1080, %sub3A_1171 : vector<16xi32>
      %mul3A_1173 = arith.constant 16 : i32
      %mul3A_1174 = vector.broadcast %mul3A_1173 : i32 to vector<16xi32>
      %mul3A_1175 = arith.muli %sub3A_1172, %mul3A_1174 : vector<16xi32>
      %add3A_1176 = arith.constant 7 : i32
      %add3A_1177 = vector.broadcast %add3A_1176 : i32 to vector<16xi32>
      %add3A_1178 = arith.addi %mul3A_1085, %add3A_1177 : vector<16xi32>
      %gather3A_1179 = tpu.vector_load_idx %arg10[%add3A_1178] : memref<128xi32, #tpu.memory_space<vmem>>[vector<16xi32>], vector<16xi32>,
      %lt3A_1180 = arith.cmpi slt, %gather3A_1179, %get3A_126 : vector<16xi32>
      %jit3A_1181 = arith.constant 8 : i32
      %jit3A_1182 = arith.constant 0 : i32
      %broadcast_in_dim3A_1183 = vector.broadcast %jit3A_1181 : i32 to vector<16xi32>
      %broadcast_in_dim3A_1184 = vector.broadcast %jit3A_1182 : i32 to vector<16xi32>
      %select_n3A_1185 = arith.select %lt3A_1180, %broadcast_in_dim3A_1183, %broadcast_in_dim3A_1184 : vector<16xi1>, vector<16xi32>
      %add3A_1186 = arith.addi %mul3A_1085, %select_n3A_1185 : vector<16xi32>
      %add3A_1187 = arith.constant 7 : i32
      %add3A_1188 = vector.broadcast %add3A_1187 : i32 to vector<16xi32>
      %add3A_1189 = arith.addi %mul3A_1091, %add3A_1188 : vector<16xi32>
      %gather3A_1190 = tpu.vector_load_idx %arg10[%add3A_1189] : memref<128xi32, #tpu.memory_space<vmem>>[vector<16xi32>], vector<16xi32>,
      %lt3A_1191 = arith.cmpi slt, %gather3A_1190, %get3A_130 : vector<16xi32>
      %jit3A_1192 = arith.constant 8 : i32
      %jit3A_1193 = arith.constant 0 : i32
      %broadcast_in_dim3A_1194 = vector.broadcast %jit3A_1192 : i32 to vector<16xi32>
      %broadcast_in_dim3A_1195 = vector.broadcast %jit3A_1193 : i32 to vector<16xi32>
      %select_n3A_1196 = arith.select %lt3A_1191, %broadcast_in_dim3A_1194, %broadcast_in_dim3A_1195 : vector<16xi1>, vector<16xi32>
      %add3A_1197 = arith.addi %mul3A_1091, %select_n3A_1196 : vector<16xi32>
      %add3A_1198 = arith.constant 7 : i32
      %add3A_1199 = vector.broadcast %add3A_1198 : i32 to vector<16xi32>
      %add3A_1200 = arith.addi %mul3A_1097, %add3A_1199 : vector<16xi32>
      %gather3A_1201 = tpu.vector_load_idx %arg10[%add3A_1200] : memref<128xi32, #tpu.memory_space<vmem>>[vector<16xi32>], vector<16xi32>,
      %lt3A_1202 = arith.cmpi slt, %gather3A_1201, %get3A_134 : vector<16xi32>
      %jit3A_1203 = arith.constant 8 : i32
      %jit3A_1204 = arith.constant 0 : i32
      %broadcast_in_dim3A_1205 = vector.broadcast %jit3A_1203 : i32 to vector<16xi32>
      %broadcast_in_dim3A_1206 = vector.broadcast %jit3A_1204 : i32 to vector<16xi32>
      %select_n3A_1207 = arith.select %lt3A_1202, %broadcast_in_dim3A_1205, %broadcast_in_dim3A_1206 : vector<16xi1>, vector<16xi32>
      %add3A_1208 = arith.addi %mul3A_1097, %select_n3A_1207 : vector<16xi32>
      %add3A_1209 = arith.constant 7 : i32
      %add3A_1210 = vector.broadcast %add3A_1209 : i32 to vector<16xi32>
      %add3A_1211 = arith.addi %mul3A_1103, %add3A_1210 : vector<16xi32>
      %gather3A_1212 = tpu.vector_load_idx %arg10[%add3A_1211] : memref<128xi32, #tpu.memory_space<vmem>>[vector<16xi32>], vector<16xi32>,
      %lt3A_1213 = arith.cmpi slt, %gather3A_1212, %get3A_138 : vector<16xi32>
      %jit3A_1214 = arith.constant 8 : i32
      %jit3A_1215 = arith.constant 0 : i32
      %broadcast_in_dim3A_1216 = vector.broadcast %jit3A_1214 : i32 to vector<16xi32>
      %broadcast_in_dim3A_1217 = vector.broadcast %jit3A_1215 : i32 to vector<16xi32>
      %select_n3A_1218 = arith.select %lt3A_1213, %broadcast_in_dim3A_1216, %broadcast_in_dim3A_1217 : vector<16xi1>, vector<16xi32>
      %add3A_1219 = arith.addi %mul3A_1103, %select_n3A_1218 : vector<16xi32>
      %add3A_1220 = arith.constant 7 : i32
      %add3A_1221 = vector.broadcast %add3A_1220 : i32 to vector<16xi32>
      %add3A_1222 = arith.addi %mul3A_1109, %add3A_1221 : vector<16xi32>
      %gather3A_1223 = tpu.vector_load_idx %arg10[%add3A_1222] : memref<128xi32, #tpu.memory_space<vmem>>[vector<16xi32>], vector<16xi32>,
      %lt3A_1224 = arith.cmpi slt, %gather3A_1223, %get3A_142 : vector<16xi32>
      %jit3A_1225 = arith.constant 8 : i32
      %jit3A_1226 = arith.constant 0 : i32
      %broadcast_in_dim3A_1227 = vector.broadcast %jit3A_1225 : i32 to vector<16xi32>
      %broadcast_in_dim3A_1228 = vector.broadcast %jit3A_1226 : i32 to vector<16xi32>
      %select_n3A_1229 = arith.select %lt3A_1224, %broadcast_in_dim3A_1227, %broadcast_in_dim3A_1228 : vector<16xi1>, vector<16xi32>
      %add3A_1230 = arith.addi %mul3A_1109, %select_n3A_1229 : vector<16xi32>
      %add3A_1231 = arith.constant 7 : i32
      %add3A_1232 = vector.broadcast %add3A_1231 : i32 to vector<16xi32>
      %add3A_1233 = arith.addi %mul3A_1115, %add3A_1232 : vector<16xi32>
      %gather3A_1234 = tpu.vector_load_idx %arg10[%add3A_1233] : memref<128xi32, #tpu.memory_space<vmem>>[vector<16xi32>], vector<16xi32>,
      %lt3A_1235 = arith.cmpi slt, %gather3A_1234, %get3A_146 : vector<16xi32>
      %jit3A_1236 = arith.constant 8 : i32
      %jit3A_1237 = arith.constant 0 : i32
      %broadcast_in_dim3A_1238 = vector.broadcast %jit3A_1236 : i32 to vector<16xi32>
      %broadcast_in_dim3A_1239 = vector.broadcast %jit3A_1237 : i32 to vector<16xi32>
      %select_n3A_1240 = arith.select %lt3A_1235, %broadcast_in_dim3A_1238, %broadcast_in_dim3A_1239 : vector<16xi1>, vector<16xi32>
      %add3A_1241 = arith.addi %mul3A_1115, %select_n3A_1240 : vector<16xi32>
      %add3A_1242 = arith.constant 7 : i32
      %add3A_1243 = vector.broadcast %add3A_1242 : i32 to vector<16xi32>
      %add3A_1244 = arith.addi %mul3A_1121, %add3A_1243 : vector<16xi32>
      %gather3A_1245 = tpu.vector_load_idx %arg10[%add3A_1244] : memref<128xi32, #tpu.memory_space<vmem>>[vector<16xi32>], vector<16xi32>,
      %lt3A_1246 = arith.cmpi slt, %gather3A_1245, %get3A_150 : vector<16xi32>
      %jit3A_1247 = arith.constant 8 : i32
      %jit3A_1248 = arith.constant 0 : i32
      %broadcast_in_dim3A_1249 = vector.broadcast %jit3A_1247 : i32 to vector<16xi32>
      %broadcast_in_dim3A_1250 = vector.broadcast %jit3A_1248 : i32 to vector<16xi32>
      %select_n3A_1251 = arith.select %lt3A_1246, %broadcast_in_dim3A_1249, %broadcast_in_dim3A_1250 : vector<16xi1>, vector<16xi32>
      %add3A_1252 = arith.addi %mul3A_1121, %select_n3A_1251 : vector<16xi32>
      %add3A_1253 = arith.constant 7 : i32
      %add3A_1254 = vector.broadcast %add3A_1253 : i32 to vector<16xi32>
      %add3A_1255 = arith.addi %mul3A_1127, %add3A_1254 : vector<16xi32>
      %gather3A_1256 = tpu.vector_load_idx %arg10[%add3A_1255] : memref<128xi32, #tpu.memory_space<vmem>>[vector<16xi32>], vector<16xi32>,
      %lt3A_1257 = arith.cmpi slt, %gather3A_1256, %get3A_154 : vector<16xi32>
      %jit3A_1258 = arith.constant 8 : i32
      %jit3A_1259 = arith.constant 0 : i32
      %broadcast_in_dim3A_1260 = vector.broadcast %jit3A_1258 : i32 to vector<16xi32>
      %broadcast_in_dim3A_1261 = vector.broadcast %jit3A_1259 : i32 to vector<16xi32>
      %select_n3A_1262 = arith.select %lt3A_1257, %broadcast_in_dim3A_1260, %broadcast_in_dim3A_1261 : vector<16xi1>, vector<16xi32>
      %add3A_1263 = arith.addi %mul3A_1127, %select_n3A_1262 : vector<16xi32>
      %add3A_1264 = arith.constant 7 : i32
      %add3A_1265 = vector.broadcast %add3A_1264 : i32 to vector<16xi32>
      %add3A_1266 = arith.addi %mul3A_1133, %add3A_1265 : vector<16xi32>
      %gather3A_1267 = tpu.vector_load_idx %arg10[%add3A_1266] : memref<128xi32, #tpu.memory_space<vmem>>[vector<16xi32>], vector<16xi32>,
      %lt3A_1268 = arith.cmpi slt, %gather3A_1267, %get3A_158 : vector<16xi32>
      %jit3A_1269 = arith.constant 8 : i32
      %jit3A_1270 = arith.constant 0 : i32
      %broadcast_in_dim3A_1271 = vector.broadcast %jit3A_1269 : i32 to vector<16xi32>
      %broadcast_in_dim3A_1272 = vector.broadcast %jit3A_1270 : i32 to vector<16xi32>
      %select_n3A_1273 = arith.select %lt3A_1268, %broadcast_in_dim3A_1271, %broadcast_in_dim3A_1272 : vector<16xi1>, vector<16xi32>
      %add3A_1274 = arith.addi %mul3A_1133, %select_n3A_1273 : vector<16xi32>
      %add3A_1275 = arith.constant 7 : i32
      %add3A_1276 = vector.broadcast %add3A_1275 : i32 to vector<16xi32>
      %add3A_1277 = arith.addi %mul3A_1139, %add3A_1276 : vector<16xi32>
      %gather3A_1278 = tpu.vector_load_idx %arg10[%add3A_1277] : memref<128xi32, #tpu.memory_space<vmem>>[vector<16xi32>], vector<16xi32>,
      %lt3A_1279 = arith.cmpi slt, %gather3A_1278, %get3A_162 : vector<16xi32>
      %jit3A_1280 = arith.constant 8 : i32
      %jit3A_1281 = arith.constant 0 : i32
      %broadcast_in_dim3A_1282 = vector.broadcast %jit3A_1280 : i32 to vector<16xi32>
      %broadcast_in_dim3A_1283 = vector.broadcast %jit3A_1281 : i32 to vector<16xi32>
      %select_n3A_1284 = arith.select %lt3A_1279, %broadcast_in_dim3A_1282, %broadcast_in_dim3A_1283 : vector<16xi1>, vector<16xi32>
      %add3A_1285 = arith.addi %mul3A_1139, %select_n3A_1284 : vector<16xi32>
      %add3A_1286 = arith.constant 7 : i32
      %add3A_1287 = vector.broadcast %add3A_1286 : i32 to vector<16xi32>
      %add3A_1288 = arith.addi %mul3A_1145, %add3A_1287 : vector<16xi32>
      %gather3A_1289 = tpu.vector_load_idx %arg10[%add3A_1288] : memref<128xi32, #tpu.memory_space<vmem>>[vector<16xi32>], vector<16xi32>,
      %lt3A_1290 = arith.cmpi slt, %gather3A_1289, %get3A_166 : vector<16xi32>
      %jit3A_1291 = arith.constant 8 : i32
      %jit3A_1292 = arith.constant 0 : i32
      %broadcast_in_dim3A_1293 = vector.broadcast %jit3A_1291 : i32 to vector<16xi32>
      %broadcast_in_dim3A_1294 = vector.broadcast %jit3A_1292 : i32 to vector<16xi32>
      %select_n3A_1295 = arith.select %lt3A_1290, %broadcast_in_dim3A_1293, %broadcast_in_dim3A_1294 : vector<16xi1>, vector<16xi32>
      %add3A_1296 = arith.addi %mul3A_1145, %select_n3A_1295 : vector<16xi32>
      %add3A_1297 = arith.constant 7 : i32
      %add3A_1298 = vector.broadcast %add3A_1297 : i32 to vector<16xi32>
      %add3A_1299 = arith.addi %mul3A_1151, %add3A_1298 : vector<16xi32>
      %gather3A_1300 = tpu.vector_load_idx %arg10[%add3A_1299] : memref<128xi32, #tpu.memory_space<vmem>>[vector<16xi32>], vector<16xi32>,
      %lt3A_1301 = arith.cmpi slt, %gather3A_1300, %get3A_170 : vector<16xi32>
      %jit3A_1302 = arith.constant 8 : i32
      %jit3A_1303 = arith.constant 0 : i32
      %broadcast_in_dim3A_1304 = vector.broadcast %jit3A_1302 : i32 to vector<16xi32>
      %broadcast_in_dim3A_1305 = vector.broadcast %jit3A_1303 : i32 to vector<16xi32>
      %select_n3A_1306 = arith.select %lt3A_1301, %broadcast_in_dim3A_1304, %broadcast_in_dim3A_1305 : vector<16xi1>, vector<16xi32>
      %add3A_1307 = arith.addi %mul3A_1151, %select_n3A_1306 : vector<16xi32>
      %add3A_1308 = arith.constant 7 : i32
      %add3A_1309 = vector.broadcast %add3A_1308 : i32 to vector<16xi32>
      %add3A_1310 = arith.addi %mul3A_1157, %add3A_1309 : vector<16xi32>
      %gather3A_1311 = tpu.vector_load_idx %arg10[%add3A_1310] : memref<128xi32, #tpu.memory_space<vmem>>[vector<16xi32>], vector<16xi32>,
      %lt3A_1312 = arith.cmpi slt, %gather3A_1311, %get3A_174 : vector<16xi32>
      %jit3A_1313 = arith.constant 8 : i32
      %jit3A_1314 = arith.constant 0 : i32
      %broadcast_in_dim3A_1315 = vector.broadcast %jit3A_1313 : i32 to vector<16xi32>
      %broadcast_in_dim3A_1316 = vector.broadcast %jit3A_1314 : i32 to vector<16xi32>
      %select_n3A_1317 = arith.select %lt3A_1312, %broadcast_in_dim3A_1315, %broadcast_in_dim3A_1316 : vector<16xi1>, vector<16xi32>
      %add3A_1318 = arith.addi %mul3A_1157, %select_n3A_1317 : vector<16xi32>
      %add3A_1319 = arith.constant 7 : i32
      %add3A_1320 = vector.broadcast %add3A_1319 : i32 to vector<16xi32>
      %add3A_1321 = arith.addi %mul3A_1163, %add3A_1320 : vector<16xi32>
      %gather3A_1322 = tpu.vector_load_idx %arg10[%add3A_1321] : memref<128xi32, #tpu.memory_space<vmem>>[vector<16xi32>], vector<16xi32>,
      %lt3A_1323 = arith.cmpi slt, %gather3A_1322, %get3A_178 : vector<16xi32>
      %jit3A_1324 = arith.constant 8 : i32
      %jit3A_1325 = arith.constant 0 : i32
      %broadcast_in_dim3A_1326 = vector.broadcast %jit3A_1324 : i32 to vector<16xi32>
      %broadcast_in_dim3A_1327 = vector.broadcast %jit3A_1325 : i32 to vector<16xi32>
      %select_n3A_1328 = arith.select %lt3A_1323, %broadcast_in_dim3A_1326, %broadcast_in_dim3A_1327 : vector<16xi1>, vector<16xi32>
      %add3A_1329 = arith.addi %mul3A_1163, %select_n3A_1328 : vector<16xi32>
      %add3A_1330 = arith.constant 7 : i32
      %add3A_1331 = vector.broadcast %add3A_1330 : i32 to vector<16xi32>
      %add3A_1332 = arith.addi %mul3A_1169, %add3A_1331 : vector<16xi32>
      %gather3A_1333 = tpu.vector_load_idx %arg10[%add3A_1332] : memref<128xi32, #tpu.memory_space<vmem>>[vector<16xi32>], vector<16xi32>,
      %lt3A_1334 = arith.cmpi slt, %gather3A_1333, %get3A_182 : vector<16xi32>
      %jit3A_1335 = arith.constant 8 : i32
      %jit3A_1336 = arith.constant 0 : i32
      %broadcast_in_dim3A_1337 = vector.broadcast %jit3A_1335 : i32 to vector<16xi32>
      %broadcast_in_dim3A_1338 = vector.broadcast %jit3A_1336 : i32 to vector<16xi32>
      %select_n3A_1339 = arith.select %lt3A_1334, %broadcast_in_dim3A_1337, %broadcast_in_dim3A_1338 : vector<16xi1>, vector<16xi32>
      %add3A_1340 = arith.addi %mul3A_1169, %select_n3A_1339 : vector<16xi32>
      %add3A_1341 = arith.constant 7 : i32
      %add3A_1342 = vector.broadcast %add3A_1341 : i32 to vector<16xi32>
      %add3A_1343 = arith.addi %mul3A_1175, %add3A_1342 : vector<16xi32>
      %gather3A_1344 = tpu.vector_load_idx %arg10[%add3A_1343] : memref<128xi32, #tpu.memory_space<vmem>>[vector<16xi32>], vector<16xi32>,
      %lt3A_1345 = arith.cmpi slt, %gather3A_1344, %get3A_186 : vector<16xi32>
      %jit3A_1346 = arith.constant 8 : i32
      %jit3A_1347 = arith.constant 0 : i32
      %broadcast_in_dim3A_1348 = vector.broadcast %jit3A_1346 : i32 to vector<16xi32>
      %broadcast_in_dim3A_1349 = vector.broadcast %jit3A_1347 : i32 to vector<16xi32>
      %select_n3A_1350 = arith.select %lt3A_1345, %broadcast_in_dim3A_1348, %broadcast_in_dim3A_1349 : vector<16xi1>, vector<16xi32>
      %add3A_1351 = arith.addi %mul3A_1175, %select_n3A_1350 : vector<16xi32>
      %add3A_1352 = arith.constant 3 : i32
      %add3A_1353 = vector.broadcast %add3A_1352 : i32 to vector<16xi32>
      %add3A_1354 = arith.addi %add3A_1186, %add3A_1353 : vector<16xi32>
      %gather3A_1355 = tpu.vector_load_idx %arg10[%add3A_1354] : memref<128xi32, #tpu.memory_space<vmem>>[vector<16xi32>], vector<16xi32>,
      %lt3A_1356 = arith.cmpi slt, %gather3A_1355, %get3A_126 : vector<16xi32>
      %jit3A_1357 = arith.constant 4 : i32
      %jit3A_1358 = arith.constant 0 : i32
      %broadcast_in_dim3A_1359 = vector.broadcast %jit3A_1357 : i32 to vector<16xi32>
      %broadcast_in_dim3A_1360 = vector.broadcast %jit3A_1358 : i32 to vector<16xi32>
      %select_n3A_1361 = arith.select %lt3A_1356, %broadcast_in_dim3A_1359, %broadcast_in_dim3A_1360 : vector<16xi1>, vector<16xi32>
      %add3A_1362 = arith.addi %add3A_1186, %select_n3A_1361 : vector<16xi32>
      %add3A_1363 = arith.constant 3 : i32
      %add3A_1364 = vector.broadcast %add3A_1363 : i32 to vector<16xi32>
      %add3A_1365 = arith.addi %add3A_1197, %add3A_1364 : vector<16xi32>
      %gather3A_1366 = tpu.vector_load_idx %arg10[%add3A_1365] : memref<128xi32, #tpu.memory_space<vmem>>[vector<16xi32>], vector<16xi32>,
      %lt3A_1367 = arith.cmpi slt, %gather3A_1366, %get3A_130 : vector<16xi32>
      %jit3A_1368 = arith.constant 4 : i32
      %jit3A_1369 = arith.constant 0 : i32
      %broadcast_in_dim3A_1370 = vector.broadcast %jit3A_1368 : i32 to vector<16xi32>
      %broadcast_in_dim3A_1371 = vector.broadcast %jit3A_1369 : i32 to vector<16xi32>
      %select_n3A_1372 = arith.select %lt3A_1367, %broadcast_in_dim3A_1370, %broadcast_in_dim3A_1371 : vector<16xi1>, vector<16xi32>
      %add3A_1373 = arith.addi %add3A_1197, %select_n3A_1372 : vector<16xi32>
      %add3A_1374 = arith.constant 3 : i32
      %add3A_1375 = vector.broadcast %add3A_1374 : i32 to vector<16xi32>
      %add3A_1376 = arith.addi %add3A_1208, %add3A_1375 : vector<16xi32>
      %gather3A_1377 = tpu.vector_load_idx %arg10[%add3A_1376] : memref<128xi32, #tpu.memory_space<vmem>>[vector<16xi32>], vector<16xi32>,
      %lt3A_1378 = arith.cmpi slt, %gather3A_1377, %get3A_134 : vector<16xi32>
      %jit3A_1379 = arith.constant 4 : i32
      %jit3A_1380 = arith.constant 0 : i32
      %broadcast_in_dim3A_1381 = vector.broadcast %jit3A_1379 : i32 to vector<16xi32>
      %broadcast_in_dim3A_1382 = vector.broadcast %jit3A_1380 : i32 to vector<16xi32>
      %select_n3A_1383 = arith.select %lt3A_1378, %broadcast_in_dim3A_1381, %broadcast_in_dim3A_1382 : vector<16xi1>, vector<16xi32>
      %add3A_1384 = arith.addi %add3A_1208, %select_n3A_1383 : vector<16xi32>
      %add3A_1385 = arith.constant 3 : i32
      %add3A_1386 = vector.broadcast %add3A_1385 : i32 to vector<16xi32>
      %add3A_1387 = arith.addi %add3A_1219, %add3A_1386 : vector<16xi32>
      %gather3A_1388 = tpu.vector_load_idx %arg10[%add3A_1387] : memref<128xi32, #tpu.memory_space<vmem>>[vector<16xi32>], vector<16xi32>,
      %lt3A_1389 = arith.cmpi slt, %gather3A_1388, %get3A_138 : vector<16xi32>
      %jit3A_1390 = arith.constant 4 : i32
      %jit3A_1391 = arith.constant 0 : i32
      %broadcast_in_dim3A_1392 = vector.broadcast %jit3A_1390 : i32 to vector<16xi32>
      %broadcast_in_dim3A_1393 = vector.broadcast %jit3A_1391 : i32 to vector<16xi32>
      %select_n3A_1394 = arith.select %lt3A_1389, %broadcast_in_dim3A_1392, %broadcast_in_dim3A_1393 : vector<16xi1>, vector<16xi32>
      %add3A_1395 = arith.addi %add3A_1219, %select_n3A_1394 : vector<16xi32>
      %add3A_1396 = arith.constant 3 : i32
      %add3A_1397 = vector.broadcast %add3A_1396 : i32 to vector<16xi32>
      %add3A_1398 = arith.addi %add3A_1230, %add3A_1397 : vector<16xi32>
      %gather3A_1399 = tpu.vector_load_idx %arg10[%add3A_1398] : memref<128xi32, #tpu.memory_space<vmem>>[vector<16xi32>], vector<16xi32>,
      %lt3A_1400 = arith.cmpi slt, %gather3A_1399, %get3A_142 : vector<16xi32>
      %jit3A_1401 = arith.constant 4 : i32
      %jit3A_1402 = arith.constant 0 : i32
      %broadcast_in_dim3A_1403 = vector.broadcast %jit3A_1401 : i32 to vector<16xi32>
      %broadcast_in_dim3A_1404 = vector.broadcast %jit3A_1402 : i32 to vector<16xi32>
      %select_n3A_1405 = arith.select %lt3A_1400, %broadcast_in_dim3A_1403, %broadcast_in_dim3A_1404 : vector<16xi1>, vector<16xi32>
      %add3A_1406 = arith.addi %add3A_1230, %select_n3A_1405 : vector<16xi32>
      %add3A_1407 = arith.constant 3 : i32
      %add3A_1408 = vector.broadcast %add3A_1407 : i32 to vector<16xi32>
      %add3A_1409 = arith.addi %add3A_1241, %add3A_1408 : vector<16xi32>
      %gather3A_1410 = tpu.vector_load_idx %arg10[%add3A_1409] : memref<128xi32, #tpu.memory_space<vmem>>[vector<16xi32>], vector<16xi32>,
      %lt3A_1411 = arith.cmpi slt, %gather3A_1410, %get3A_146 : vector<16xi32>
      %jit3A_1412 = arith.constant 4 : i32
      %jit3A_1413 = arith.constant 0 : i32
      %broadcast_in_dim3A_1414 = vector.broadcast %jit3A_1412 : i32 to vector<16xi32>
      %broadcast_in_dim3A_1415 = vector.broadcast %jit3A_1413 : i32 to vector<16xi32>
      %select_n3A_1416 = arith.select %lt3A_1411, %broadcast_in_dim3A_1414, %broadcast_in_dim3A_1415 : vector<16xi1>, vector<16xi32>
      %add3A_1417 = arith.addi %add3A_1241, %select_n3A_1416 : vector<16xi32>
      %add3A_1418 = arith.constant 3 : i32
      %add3A_1419 = vector.broadcast %add3A_1418 : i32 to vector<16xi32>
      %add3A_1420 = arith.addi %add3A_1252, %add3A_1419 : vector<16xi32>
      %gather3A_1421 = tpu.vector_load_idx %arg10[%add3A_1420] : memref<128xi32, #tpu.memory_space<vmem>>[vector<16xi32>], vector<16xi32>,
      %lt3A_1422 = arith.cmpi slt, %gather3A_1421, %get3A_150 : vector<16xi32>
      %jit3A_1423 = arith.constant 4 : i32
      %jit3A_1424 = arith.constant 0 : i32
      %broadcast_in_dim3A_1425 = vector.broadcast %jit3A_1423 : i32 to vector<16xi32>
      %broadcast_in_dim3A_1426 = vector.broadcast %jit3A_1424 : i32 to vector<16xi32>
      %select_n3A_1427 = arith.select %lt3A_1422, %broadcast_in_dim3A_1425, %broadcast_in_dim3A_1426 : vector<16xi1>, vector<16xi32>
      %add3A_1428 = arith.addi %add3A_1252, %select_n3A_1427 : vector<16xi32>
      %add3A_1429 = arith.constant 3 : i32
      %add3A_1430 = vector.broadcast %add3A_1429 : i32 to vector<16xi32>
      %add3A_1431 = arith.addi %add3A_1263, %add3A_1430 : vector<16xi32>
      %gather3A_1432 = tpu.vector_load_idx %arg10[%add3A_1431] : memref<128xi32, #tpu.memory_space<vmem>>[vector<16xi32>], vector<16xi32>,
      %lt3A_1433 = arith.cmpi slt, %gather3A_1432, %get3A_154 : vector<16xi32>
      %jit3A_1434 = arith.constant 4 : i32
      %jit3A_1435 = arith.constant 0 : i32
      %broadcast_in_dim3A_1436 = vector.broadcast %jit3A_1434 : i32 to vector<16xi32>
      %broadcast_in_dim3A_1437 = vector.broadcast %jit3A_1435 : i32 to vector<16xi32>
      %select_n3A_1438 = arith.select %lt3A_1433, %broadcast_in_dim3A_1436, %broadcast_in_dim3A_1437 : vector<16xi1>, vector<16xi32>
      %add3A_1439 = arith.addi %add3A_1263, %select_n3A_1438 : vector<16xi32>
      %add3A_1440 = arith.constant 3 : i32
      %add3A_1441 = vector.broadcast %add3A_1440 : i32 to vector<16xi32>
      %add3A_1442 = arith.addi %add3A_1274, %add3A_1441 : vector<16xi32>
      %gather3A_1443 = tpu.vector_load_idx %arg10[%add3A_1442] : memref<128xi32, #tpu.memory_space<vmem>>[vector<16xi32>], vector<16xi32>,
      %lt3A_1444 = arith.cmpi slt, %gather3A_1443, %get3A_158 : vector<16xi32>
      %jit3A_1445 = arith.constant 4 : i32
      %jit3A_1446 = arith.constant 0 : i32
      %broadcast_in_dim3A_1447 = vector.broadcast %jit3A_1445 : i32 to vector<16xi32>
      %broadcast_in_dim3A_1448 = vector.broadcast %jit3A_1446 : i32 to vector<16xi32>
      %select_n3A_1449 = arith.select %lt3A_1444, %broadcast_in_dim3A_1447, %broadcast_in_dim3A_1448 : vector<16xi1>, vector<16xi32>
      %add3A_1450 = arith.addi %add3A_1274, %select_n3A_1449 : vector<16xi32>
      %add3A_1451 = arith.constant 3 : i32
      %add3A_1452 = vector.broadcast %add3A_1451 : i32 to vector<16xi32>
      %add3A_1453 = arith.addi %add3A_1285, %add3A_1452 : vector<16xi32>
      %gather3A_1454 = tpu.vector_load_idx %arg10[%add3A_1453] : memref<128xi32, #tpu.memory_space<vmem>>[vector<16xi32>], vector<16xi32>,
      %lt3A_1455 = arith.cmpi slt, %gather3A_1454, %get3A_162 : vector<16xi32>
      %jit3A_1456 = arith.constant 4 : i32
      %jit3A_1457 = arith.constant 0 : i32
      %broadcast_in_dim3A_1458 = vector.broadcast %jit3A_1456 : i32 to vector<16xi32>
      %broadcast_in_dim3A_1459 = vector.broadcast %jit3A_1457 : i32 to vector<16xi32>
      %select_n3A_1460 = arith.select %lt3A_1455, %broadcast_in_dim3A_1458, %broadcast_in_dim3A_1459 : vector<16xi1>, vector<16xi32>
      %add3A_1461 = arith.addi %add3A_1285, %select_n3A_1460 : vector<16xi32>
      %add3A_1462 = arith.constant 3 : i32
      %add3A_1463 = vector.broadcast %add3A_1462 : i32 to vector<16xi32>
      %add3A_1464 = arith.addi %add3A_1296, %add3A_1463 : vector<16xi32>
      %gather3A_1465 = tpu.vector_load_idx %arg10[%add3A_1464] : memref<128xi32, #tpu.memory_space<vmem>>[vector<16xi32>], vector<16xi32>,
      %lt3A_1466 = arith.cmpi slt, %gather3A_1465, %get3A_166 : vector<16xi32>
      %jit3A_1467 = arith.constant 4 : i32
      %jit3A_1468 = arith.constant 0 : i32
      %broadcast_in_dim3A_1469 = vector.broadcast %jit3A_1467 : i32 to vector<16xi32>
      %broadcast_in_dim3A_1470 = vector.broadcast %jit3A_1468 : i32 to vector<16xi32>
      %select_n3A_1471 = arith.select %lt3A_1466, %broadcast_in_dim3A_1469, %broadcast_in_dim3A_1470 : vector<16xi1>, vector<16xi32>
      %add3A_1472 = arith.addi %add3A_1296, %select_n3A_1471 : vector<16xi32>
      %add3A_1473 = arith.constant 3 : i32
      %add3A_1474 = vector.broadcast %add3A_1473 : i32 to vector<16xi32>
      %add3A_1475 = arith.addi %add3A_1307, %add3A_1474 : vector<16xi32>
      %gather3A_1476 = tpu.vector_load_idx %arg10[%add3A_1475] : memref<128xi32, #tpu.memory_space<vmem>>[vector<16xi32>], vector<16xi32>,
      %lt3A_1477 = arith.cmpi slt, %gather3A_1476, %get3A_170 : vector<16xi32>
      %jit3A_1478 = arith.constant 4 : i32
      %jit3A_1479 = arith.constant 0 : i32
      %broadcast_in_dim3A_1480 = vector.broadcast %jit3A_1478 : i32 to vector<16xi32>
      %broadcast_in_dim3A_1481 = vector.broadcast %jit3A_1479 : i32 to vector<16xi32>
      %select_n3A_1482 = arith.select %lt3A_1477, %broadcast_in_dim3A_1480, %broadcast_in_dim3A_1481 : vector<16xi1>, vector<16xi32>
      %add3A_1483 = arith.addi %add3A_1307, %select_n3A_1482 : vector<16xi32>
      %add3A_1484 = arith.constant 3 : i32
      %add3A_1485 = vector.broadcast %add3A_1484 : i32 to vector<16xi32>
      %add3A_1486 = arith.addi %add3A_1318, %add3A_1485 : vector<16xi32>
      %gather3A_1487 = tpu.vector_load_idx %arg10[%add3A_1486] : memref<128xi32, #tpu.memory_space<vmem>>[vector<16xi32>], vector<16xi32>,
      %lt3A_1488 = arith.cmpi slt, %gather3A_1487, %get3A_174 : vector<16xi32>
      %jit3A_1489 = arith.constant 4 : i32
      %jit3A_1490 = arith.constant 0 : i32
      %broadcast_in_dim3A_1491 = vector.broadcast %jit3A_1489 : i32 to vector<16xi32>
      %broadcast_in_dim3A_1492 = vector.broadcast %jit3A_1490 : i32 to vector<16xi32>
      %select_n3A_1493 = arith.select %lt3A_1488, %broadcast_in_dim3A_1491, %broadcast_in_dim3A_1492 : vector<16xi1>, vector<16xi32>
      %add3A_1494 = arith.addi %add3A_1318, %select_n3A_1493 : vector<16xi32>
      %add3A_1495 = arith.constant 3 : i32
      %add3A_1496 = vector.broadcast %add3A_1495 : i32 to vector<16xi32>
      %add3A_1497 = arith.addi %add3A_1329, %add3A_1496 : vector<16xi32>
      %gather3A_1498 = tpu.vector_load_idx %arg10[%add3A_1497] : memref<128xi32, #tpu.memory_space<vmem>>[vector<16xi32>], vector<16xi32>,
      %lt3A_1499 = arith.cmpi slt, %gather3A_1498, %get3A_178 : vector<16xi32>
      %jit3A_1500 = arith.constant 4 : i32
      %jit3A_1501 = arith.constant 0 : i32
      %broadcast_in_dim3A_1502 = vector.broadcast %jit3A_1500 : i32 to vector<16xi32>
      %broadcast_in_dim3A_1503 = vector.broadcast %jit3A_1501 : i32 to vector<16xi32>
      %select_n3A_1504 = arith.select %lt3A_1499, %broadcast_in_dim3A_1502, %broadcast_in_dim3A_1503 : vector<16xi1>, vector<16xi32>
      %add3A_1505 = arith.addi %add3A_1329, %select_n3A_1504 : vector<16xi32>
      %add3A_1506 = arith.constant 3 : i32
      %add3A_1507 = vector.broadcast %add3A_1506 : i32 to vector<16xi32>
      %add3A_1508 = arith.addi %add3A_1340, %add3A_1507 : vector<16xi32>
      %gather3A_1509 = tpu.vector_load_idx %arg10[%add3A_1508] : memref<128xi32, #tpu.memory_space<vmem>>[vector<16xi32>], vector<16xi32>,
      %lt3A_1510 = arith.cmpi slt, %gather3A_1509, %get3A_182 : vector<16xi32>
      %jit3A_1511 = arith.constant 4 : i32
      %jit3A_1512 = arith.constant 0 : i32
      %broadcast_in_dim3A_1513 = vector.broadcast %jit3A_1511 : i32 to vector<16xi32>
      %broadcast_in_dim3A_1514 = vector.broadcast %jit3A_1512 : i32 to vector<16xi32>
      %select_n3A_1515 = arith.select %lt3A_1510, %broadcast_in_dim3A_1513, %broadcast_in_dim3A_1514 : vector<16xi1>, vector<16xi32>
      %add3A_1516 = arith.addi %add3A_1340, %select_n3A_1515 : vector<16xi32>
      %add3A_1517 = arith.constant 3 : i32
      %add3A_1518 = vector.broadcast %add3A_1517 : i32 to vector<16xi32>
      %add3A_1519 = arith.addi %add3A_1351, %add3A_1518 : vector<16xi32>
      %gather3A_1520 = tpu.vector_load_idx %arg10[%add3A_1519] : memref<128xi32, #tpu.memory_space<vmem>>[vector<16xi32>], vector<16xi32>,
      %lt3A_1521 = arith.cmpi slt, %gather3A_1520, %get3A_186 : vector<16xi32>
      %jit3A_1522 = arith.constant 4 : i32
      %jit3A_1523 = arith.constant 0 : i32
      %broadcast_in_dim3A_1524 = vector.broadcast %jit3A_1522 : i32 to vector<16xi32>
      %broadcast_in_dim3A_1525 = vector.broadcast %jit3A_1523 : i32 to vector<16xi32>
      %select_n3A_1526 = arith.select %lt3A_1521, %broadcast_in_dim3A_1524, %broadcast_in_dim3A_1525 : vector<16xi1>, vector<16xi32>
      %add3A_1527 = arith.addi %add3A_1351, %select_n3A_1526 : vector<16xi32>
      %add3A_1528 = arith.constant 1 : i32
      %add3A_1529 = vector.broadcast %add3A_1528 : i32 to vector<16xi32>
      %add3A_1530 = arith.addi %add3A_1362, %add3A_1529 : vector<16xi32>
      %gather3A_1531 = tpu.vector_load_idx %arg10[%add3A_1530] : memref<128xi32, #tpu.memory_space<vmem>>[vector<16xi32>], vector<16xi32>,
      %lt3A_1532 = arith.cmpi slt, %gather3A_1531, %get3A_126 : vector<16xi32>
      %jit3A_1533 = arith.constant 2 : i32
      %jit3A_1534 = arith.constant 0 : i32
      %broadcast_in_dim3A_1535 = vector.broadcast %jit3A_1533 : i32 to vector<16xi32>
      %broadcast_in_dim3A_1536 = vector.broadcast %jit3A_1534 : i32 to vector<16xi32>
      %select_n3A_1537 = arith.select %lt3A_1532, %broadcast_in_dim3A_1535, %broadcast_in_dim3A_1536 : vector<16xi1>, vector<16xi32>
      %add3A_1538 = arith.addi %add3A_1362, %select_n3A_1537 : vector<16xi32>
      %add3A_1539 = arith.constant 1 : i32
      %add3A_1540 = vector.broadcast %add3A_1539 : i32 to vector<16xi32>
      %add3A_1541 = arith.addi %add3A_1373, %add3A_1540 : vector<16xi32>
      %gather3A_1542 = tpu.vector_load_idx %arg10[%add3A_1541] : memref<128xi32, #tpu.memory_space<vmem>>[vector<16xi32>], vector<16xi32>,
      %lt3A_1543 = arith.cmpi slt, %gather3A_1542, %get3A_130 : vector<16xi32>
      %jit3A_1544 = arith.constant 2 : i32
      %jit3A_1545 = arith.constant 0 : i32
      %broadcast_in_dim3A_1546 = vector.broadcast %jit3A_1544 : i32 to vector<16xi32>
      %broadcast_in_dim3A_1547 = vector.broadcast %jit3A_1545 : i32 to vector<16xi32>
      %select_n3A_1548 = arith.select %lt3A_1543, %broadcast_in_dim3A_1546, %broadcast_in_dim3A_1547 : vector<16xi1>, vector<16xi32>
      %add3A_1549 = arith.addi %add3A_1373, %select_n3A_1548 : vector<16xi32>
      %add3A_1550 = arith.constant 1 : i32
      %add3A_1551 = vector.broadcast %add3A_1550 : i32 to vector<16xi32>
      %add3A_1552 = arith.addi %add3A_1384, %add3A_1551 : vector<16xi32>
      %gather3A_1553 = tpu.vector_load_idx %arg10[%add3A_1552] : memref<128xi32, #tpu.memory_space<vmem>>[vector<16xi32>], vector<16xi32>,
      %lt3A_1554 = arith.cmpi slt, %gather3A_1553, %get3A_134 : vector<16xi32>
      %jit3A_1555 = arith.constant 2 : i32
      %jit3A_1556 = arith.constant 0 : i32
      %broadcast_in_dim3A_1557 = vector.broadcast %jit3A_1555 : i32 to vector<16xi32>
      %broadcast_in_dim3A_1558 = vector.broadcast %jit3A_1556 : i32 to vector<16xi32>
      %select_n3A_1559 = arith.select %lt3A_1554, %broadcast_in_dim3A_1557, %broadcast_in_dim3A_1558 : vector<16xi1>, vector<16xi32>
      %add3A_1560 = arith.addi %add3A_1384, %select_n3A_1559 : vector<16xi32>
      %add3A_1561 = arith.constant 1 : i32
      %add3A_1562 = vector.broadcast %add3A_1561 : i32 to vector<16xi32>
      %add3A_1563 = arith.addi %add3A_1395, %add3A_1562 : vector<16xi32>
      %gather3A_1564 = tpu.vector_load_idx %arg10[%add3A_1563] : memref<128xi32, #tpu.memory_space<vmem>>[vector<16xi32>], vector<16xi32>,
      %lt3A_1565 = arith.cmpi slt, %gather3A_1564, %get3A_138 : vector<16xi32>
      %jit3A_1566 = arith.constant 2 : i32
      %jit3A_1567 = arith.constant 0 : i32
      %broadcast_in_dim3A_1568 = vector.broadcast %jit3A_1566 : i32 to vector<16xi32>
      %broadcast_in_dim3A_1569 = vector.broadcast %jit3A_1567 : i32 to vector<16xi32>
      %select_n3A_1570 = arith.select %lt3A_1565, %broadcast_in_dim3A_1568, %broadcast_in_dim3A_1569 : vector<16xi1>, vector<16xi32>
      %add3A_1571 = arith.addi %add3A_1395, %select_n3A_1570 : vector<16xi32>
      %add3A_1572 = arith.constant 1 : i32
      %add3A_1573 = vector.broadcast %add3A_1572 : i32 to vector<16xi32>
      %add3A_1574 = arith.addi %add3A_1406, %add3A_1573 : vector<16xi32>
      %gather3A_1575 = tpu.vector_load_idx %arg10[%add3A_1574] : memref<128xi32, #tpu.memory_space<vmem>>[vector<16xi32>], vector<16xi32>,
      %lt3A_1576 = arith.cmpi slt, %gather3A_1575, %get3A_142 : vector<16xi32>
      %jit3A_1577 = arith.constant 2 : i32
      %jit3A_1578 = arith.constant 0 : i32
      %broadcast_in_dim3A_1579 = vector.broadcast %jit3A_1577 : i32 to vector<16xi32>
      %broadcast_in_dim3A_1580 = vector.broadcast %jit3A_1578 : i32 to vector<16xi32>
      %select_n3A_1581 = arith.select %lt3A_1576, %broadcast_in_dim3A_1579, %broadcast_in_dim3A_1580 : vector<16xi1>, vector<16xi32>
      %add3A_1582 = arith.addi %add3A_1406, %select_n3A_1581 : vector<16xi32>
      %add3A_1583 = arith.constant 1 : i32
      %add3A_1584 = vector.broadcast %add3A_1583 : i32 to vector<16xi32>
      %add3A_1585 = arith.addi %add3A_1417, %add3A_1584 : vector<16xi32>
      %gather3A_1586 = tpu.vector_load_idx %arg10[%add3A_1585] : memref<128xi32, #tpu.memory_space<vmem>>[vector<16xi32>], vector<16xi32>,
      %lt3A_1587 = arith.cmpi slt, %gather3A_1586, %get3A_146 : vector<16xi32>
      %jit3A_1588 = arith.constant 2 : i32
      %jit3A_1589 = arith.constant 0 : i32
      %broadcast_in_dim3A_1590 = vector.broadcast %jit3A_1588 : i32 to vector<16xi32>
      %broadcast_in_dim3A_1591 = vector.broadcast %jit3A_1589 : i32 to vector<16xi32>
      %select_n3A_1592 = arith.select %lt3A_1587, %broadcast_in_dim3A_1590, %broadcast_in_dim3A_1591 : vector<16xi1>, vector<16xi32>
      %add3A_1593 = arith.addi %add3A_1417, %select_n3A_1592 : vector<16xi32>
      %add3A_1594 = arith.constant 1 : i32
      %add3A_1595 = vector.broadcast %add3A_1594 : i32 to vector<16xi32>
      %add3A_1596 = arith.addi %add3A_1428, %add3A_1595 : vector<16xi32>
      %gather3A_1597 = tpu.vector_load_idx %arg10[%add3A_1596] : memref<128xi32, #tpu.memory_space<vmem>>[vector<16xi32>], vector<16xi32>,
      %lt3A_1598 = arith.cmpi slt, %gather3A_1597, %get3A_150 : vector<16xi32>
      %jit3A_1599 = arith.constant 2 : i32
      %jit3A_1600 = arith.constant 0 : i32
      %broadcast_in_dim3A_1601 = vector.broadcast %jit3A_1599 : i32 to vector<16xi32>
      %broadcast_in_dim3A_1602 = vector.broadcast %jit3A_1600 : i32 to vector<16xi32>
      %select_n3A_1603 = arith.select %lt3A_1598, %broadcast_in_dim3A_1601, %broadcast_in_dim3A_1602 : vector<16xi1>, vector<16xi32>
      %add3A_1604 = arith.addi %add3A_1428, %select_n3A_1603 : vector<16xi32>
      %add3A_1605 = arith.constant 1 : i32
      %add3A_1606 = vector.broadcast %add3A_1605 : i32 to vector<16xi32>
      %add3A_1607 = arith.addi %add3A_1439, %add3A_1606 : vector<16xi32>
      %gather3A_1608 = tpu.vector_load_idx %arg10[%add3A_1607] : memref<128xi32, #tpu.memory_space<vmem>>[vector<16xi32>], vector<16xi32>,
      %lt3A_1609 = arith.cmpi slt, %gather3A_1608, %get3A_154 : vector<16xi32>
      %jit3A_1610 = arith.constant 2 : i32
      %jit3A_1611 = arith.constant 0 : i32
      %broadcast_in_dim3A_1612 = vector.broadcast %jit3A_1610 : i32 to vector<16xi32>
      %broadcast_in_dim3A_1613 = vector.broadcast %jit3A_1611 : i32 to vector<16xi32>
      %select_n3A_1614 = arith.select %lt3A_1609, %broadcast_in_dim3A_1612, %broadcast_in_dim3A_1613 : vector<16xi1>, vector<16xi32>
      %add3A_1615 = arith.addi %add3A_1439, %select_n3A_1614 : vector<16xi32>
      %add3A_1616 = arith.constant 1 : i32
      %add3A_1617 = vector.broadcast %add3A_1616 : i32 to vector<16xi32>
      %add3A_1618 = arith.addi %add3A_1450, %add3A_1617 : vector<16xi32>
      %gather3A_1619 = tpu.vector_load_idx %arg10[%add3A_1618] : memref<128xi32, #tpu.memory_space<vmem>>[vector<16xi32>], vector<16xi32>,
      %lt3A_1620 = arith.cmpi slt, %gather3A_1619, %get3A_158 : vector<16xi32>
      %jit3A_1621 = arith.constant 2 : i32
      %jit3A_1622 = arith.constant 0 : i32
      %broadcast_in_dim3A_1623 = vector.broadcast %jit3A_1621 : i32 to vector<16xi32>
      %broadcast_in_dim3A_1624 = vector.broadcast %jit3A_1622 : i32 to vector<16xi32>
      %select_n3A_1625 = arith.select %lt3A_1620, %broadcast_in_dim3A_1623, %broadcast_in_dim3A_1624 : vector<16xi1>, vector<16xi32>
      %add3A_1626 = arith.addi %add3A_1450, %select_n3A_1625 : vector<16xi32>
      %add3A_1627 = arith.constant 1 : i32
      %add3A_1628 = vector.broadcast %add3A_1627 : i32 to vector<16xi32>
      %add3A_1629 = arith.addi %add3A_1461, %add3A_1628 : vector<16xi32>
      %gather3A_1630 = tpu.vector_load_idx %arg10[%add3A_1629] : memref<128xi32, #tpu.memory_space<vmem>>[vector<16xi32>], vector<16xi32>,
      %lt3A_1631 = arith.cmpi slt, %gather3A_1630, %get3A_162 : vector<16xi32>
      %jit3A_1632 = arith.constant 2 : i32
      %jit3A_1633 = arith.constant 0 : i32
      %broadcast_in_dim3A_1634 = vector.broadcast %jit3A_1632 : i32 to vector<16xi32>
      %broadcast_in_dim3A_1635 = vector.broadcast %jit3A_1633 : i32 to vector<16xi32>
      %select_n3A_1636 = arith.select %lt3A_1631, %broadcast_in_dim3A_1634, %broadcast_in_dim3A_1635 : vector<16xi1>, vector<16xi32>
      %add3A_1637 = arith.addi %add3A_1461, %select_n3A_1636 : vector<16xi32>
      %add3A_1638 = arith.constant 1 : i32
      %add3A_1639 = vector.broadcast %add3A_1638 : i32 to vector<16xi32>
      %add3A_1640 = arith.addi %add3A_1472, %add3A_1639 : vector<16xi32>
      %gather3A_1641 = tpu.vector_load_idx %arg10[%add3A_1640] : memref<128xi32, #tpu.memory_space<vmem>>[vector<16xi32>], vector<16xi32>,
      %lt3A_1642 = arith.cmpi slt, %gather3A_1641, %get3A_166 : vector<16xi32>
      %jit3A_1643 = arith.constant 2 : i32
      %jit3A_1644 = arith.constant 0 : i32
      %broadcast_in_dim3A_1645 = vector.broadcast %jit3A_1643 : i32 to vector<16xi32>
      %broadcast_in_dim3A_1646 = vector.broadcast %jit3A_1644 : i32 to vector<16xi32>
      %select_n3A_1647 = arith.select %lt3A_1642, %broadcast_in_dim3A_1645, %broadcast_in_dim3A_1646 : vector<16xi1>, vector<16xi32>
      %add3A_1648 = arith.addi %add3A_1472, %select_n3A_1647 : vector<16xi32>
      %add3A_1649 = arith.constant 1 : i32
      %add3A_1650 = vector.broadcast %add3A_1649 : i32 to vector<16xi32>
      %add3A_1651 = arith.addi %add3A_1483, %add3A_1650 : vector<16xi32>
      %gather3A_1652 = tpu.vector_load_idx %arg10[%add3A_1651] : memref<128xi32, #tpu.memory_space<vmem>>[vector<16xi32>], vector<16xi32>,
      %lt3A_1653 = arith.cmpi slt, %gather3A_1652, %get3A_170 : vector<16xi32>
      %jit3A_1654 = arith.constant 2 : i32
      %jit3A_1655 = arith.constant 0 : i32
      %broadcast_in_dim3A_1656 = vector.broadcast %jit3A_1654 : i32 to vector<16xi32>
      %broadcast_in_dim3A_1657 = vector.broadcast %jit3A_1655 : i32 to vector<16xi32>
      %select_n3A_1658 = arith.select %lt3A_1653, %broadcast_in_dim3A_1656, %broadcast_in_dim3A_1657 : vector<16xi1>, vector<16xi32>
      %add3A_1659 = arith.addi %add3A_1483, %select_n3A_1658 : vector<16xi32>
      %add3A_1660 = arith.constant 1 : i32
      %add3A_1661 = vector.broadcast %add3A_1660 : i32 to vector<16xi32>
      %add3A_1662 = arith.addi %add3A_1494, %add3A_1661 : vector<16xi32>
      %gather3A_1663 = tpu.vector_load_idx %arg10[%add3A_1662] : memref<128xi32, #tpu.memory_space<vmem>>[vector<16xi32>], vector<16xi32>,
      %lt3A_1664 = arith.cmpi slt, %gather3A_1663, %get3A_174 : vector<16xi32>
      %jit3A_1665 = arith.constant 2 : i32
      %jit3A_1666 = arith.constant 0 : i32
      %broadcast_in_dim3A_1667 = vector.broadcast %jit3A_1665 : i32 to vector<16xi32>
      %broadcast_in_dim3A_1668 = vector.broadcast %jit3A_1666 : i32 to vector<16xi32>
      %select_n3A_1669 = arith.select %lt3A_1664, %broadcast_in_dim3A_1667, %broadcast_in_dim3A_1668 : vector<16xi1>, vector<16xi32>
      %add3A_1670 = arith.addi %add3A_1494, %select_n3A_1669 : vector<16xi32>
      %add3A_1671 = arith.constant 1 : i32
      %add3A_1672 = vector.broadcast %add3A_1671 : i32 to vector<16xi32>
      %add3A_1673 = arith.addi %add3A_1505, %add3A_1672 : vector<16xi32>
      %gather3A_1674 = tpu.vector_load_idx %arg10[%add3A_1673] : memref<128xi32, #tpu.memory_space<vmem>>[vector<16xi32>], vector<16xi32>,
      %lt3A_1675 = arith.cmpi slt, %gather3A_1674, %get3A_178 : vector<16xi32>
      %jit3A_1676 = arith.constant 2 : i32
      %jit3A_1677 = arith.constant 0 : i32
      %broadcast_in_dim3A_1678 = vector.broadcast %jit3A_1676 : i32 to vector<16xi32>
      %broadcast_in_dim3A_1679 = vector.broadcast %jit3A_1677 : i32 to vector<16xi32>
      %select_n3A_1680 = arith.select %lt3A_1675, %broadcast_in_dim3A_1678, %broadcast_in_dim3A_1679 : vector<16xi1>, vector<16xi32>
      %add3A_1681 = arith.addi %add3A_1505, %select_n3A_1680 : vector<16xi32>
      %add3A_1682 = arith.constant 1 : i32
      %add3A_1683 = vector.broadcast %add3A_1682 : i32 to vector<16xi32>
      %add3A_1684 = arith.addi %add3A_1516, %add3A_1683 : vector<16xi32>
      %gather3A_1685 = tpu.vector_load_idx %arg10[%add3A_1684] : memref<128xi32, #tpu.memory_space<vmem>>[vector<16xi32>], vector<16xi32>,
      %lt3A_1686 = arith.cmpi slt, %gather3A_1685, %get3A_182 : vector<16xi32>
      %jit3A_1687 = arith.constant 2 : i32
      %jit3A_1688 = arith.constant 0 : i32
      %broadcast_in_dim3A_1689 = vector.broadcast %jit3A_1687 : i32 to vector<16xi32>
      %broadcast_in_dim3A_1690 = vector.broadcast %jit3A_1688 : i32 to vector<16xi32>
      %select_n3A_1691 = arith.select %lt3A_1686, %broadcast_in_dim3A_1689, %broadcast_in_dim3A_1690 : vector<16xi1>, vector<16xi32>
      %add3A_1692 = arith.addi %add3A_1516, %select_n3A_1691 : vector<16xi32>
      %add3A_1693 = arith.constant 1 : i32
      %add3A_1694 = vector.broadcast %add3A_1693 : i32 to vector<16xi32>
      %add3A_1695 = arith.addi %add3A_1527, %add3A_1694 : vector<16xi32>
      %gather3A_1696 = tpu.vector_load_idx %arg10[%add3A_1695] : memref<128xi32, #tpu.memory_space<vmem>>[vector<16xi32>], vector<16xi32>,
      %lt3A_1697 = arith.cmpi slt, %gather3A_1696, %get3A_186 : vector<16xi32>
      %jit3A_1698 = arith.constant 2 : i32
      %jit3A_1699 = arith.constant 0 : i32
      %broadcast_in_dim3A_1700 = vector.broadcast %jit3A_1698 : i32 to vector<16xi32>
      %broadcast_in_dim3A_1701 = vector.broadcast %jit3A_1699 : i32 to vector<16xi32>
      %select_n3A_1702 = arith.select %lt3A_1697, %broadcast_in_dim3A_1700, %broadcast_in_dim3A_1701 : vector<16xi1>, vector<16xi32>
      %add3A_1703 = arith.addi %add3A_1527, %select_n3A_1702 : vector<16xi32>
      %add3A_1704 = arith.constant 0 : i32
      %add3A_1705 = vector.broadcast %add3A_1704 : i32 to vector<16xi32>
      %add3A_1706 = arith.addi %add3A_1538, %add3A_1705 : vector<16xi32>
      %gather3A_1707 = tpu.vector_load_idx %arg10[%add3A_1706] : memref<128xi32, #tpu.memory_space<vmem>>[vector<16xi32>], vector<16xi32>,
      %lt3A_1708 = arith.cmpi slt, %gather3A_1707, %get3A_126 : vector<16xi32>
      %jit3A_1709 = arith.constant 1 : i32
      %jit3A_1710 = arith.constant 0 : i32
      %broadcast_in_dim3A_1711 = vector.broadcast %jit3A_1709 : i32 to vector<16xi32>
      %broadcast_in_dim3A_1712 = vector.broadcast %jit3A_1710 : i32 to vector<16xi32>
      %select_n3A_1713 = arith.select %lt3A_1708, %broadcast_in_dim3A_1711, %broadcast_in_dim3A_1712 : vector<16xi1>, vector<16xi32>
      %add3A_1714 = arith.addi %add3A_1538, %select_n3A_1713 : vector<16xi32>
      %add3A_1715 = arith.constant 0 : i32
      %add3A_1716 = vector.broadcast %add3A_1715 : i32 to vector<16xi32>
      %add3A_1717 = arith.addi %add3A_1549, %add3A_1716 : vector<16xi32>
      %gather3A_1718 = tpu.vector_load_idx %arg10[%add3A_1717] : memref<128xi32, #tpu.memory_space<vmem>>[vector<16xi32>], vector<16xi32>,
      %lt3A_1719 = arith.cmpi slt, %gather3A_1718, %get3A_130 : vector<16xi32>
      %jit3A_1720 = arith.constant 1 : i32
      %jit3A_1721 = arith.constant 0 : i32
      %broadcast_in_dim3A_1722 = vector.broadcast %jit3A_1720 : i32 to vector<16xi32>
      %broadcast_in_dim3A_1723 = vector.broadcast %jit3A_1721 : i32 to vector<16xi32>
      %select_n3A_1724 = arith.select %lt3A_1719, %broadcast_in_dim3A_1722, %broadcast_in_dim3A_1723 : vector<16xi1>, vector<16xi32>
      %add3A_1725 = arith.addi %add3A_1549, %select_n3A_1724 : vector<16xi32>
      %add3A_1726 = arith.constant 0 : i32
      %add3A_1727 = vector.broadcast %add3A_1726 : i32 to vector<16xi32>
      %add3A_1728 = arith.addi %add3A_1560, %add3A_1727 : vector<16xi32>
      %gather3A_1729 = tpu.vector_load_idx %arg10[%add3A_1728] : memref<128xi32, #tpu.memory_space<vmem>>[vector<16xi32>], vector<16xi32>,
      %lt3A_1730 = arith.cmpi slt, %gather3A_1729, %get3A_134 : vector<16xi32>
      %jit3A_1731 = arith.constant 1 : i32
      %jit3A_1732 = arith.constant 0 : i32
      %broadcast_in_dim3A_1733 = vector.broadcast %jit3A_1731 : i32 to vector<16xi32>
      %broadcast_in_dim3A_1734 = vector.broadcast %jit3A_1732 : i32 to vector<16xi32>
      %select_n3A_1735 = arith.select %lt3A_1730, %broadcast_in_dim3A_1733, %broadcast_in_dim3A_1734 : vector<16xi1>, vector<16xi32>
      %add3A_1736 = arith.addi %add3A_1560, %select_n3A_1735 : vector<16xi32>
      %add3A_1737 = arith.constant 0 : i32
      %add3A_1738 = vector.broadcast %add3A_1737 : i32 to vector<16xi32>
      %add3A_1739 = arith.addi %add3A_1571, %add3A_1738 : vector<16xi32>
      %gather3A_1740 = tpu.vector_load_idx %arg10[%add3A_1739] : memref<128xi32, #tpu.memory_space<vmem>>[vector<16xi32>], vector<16xi32>,
      %lt3A_1741 = arith.cmpi slt, %gather3A_1740, %get3A_138 : vector<16xi32>
      %jit3A_1742 = arith.constant 1 : i32
      %jit3A_1743 = arith.constant 0 : i32
      %broadcast_in_dim3A_1744 = vector.broadcast %jit3A_1742 : i32 to vector<16xi32>
      %broadcast_in_dim3A_1745 = vector.broadcast %jit3A_1743 : i32 to vector<16xi32>
      %select_n3A_1746 = arith.select %lt3A_1741, %broadcast_in_dim3A_1744, %broadcast_in_dim3A_1745 : vector<16xi1>, vector<16xi32>
      %add3A_1747 = arith.addi %add3A_1571, %select_n3A_1746 : vector<16xi32>
      %add3A_1748 = arith.constant 0 : i32
      %add3A_1749 = vector.broadcast %add3A_1748 : i32 to vector<16xi32>
      %add3A_1750 = arith.addi %add3A_1582, %add3A_1749 : vector<16xi32>
      %gather3A_1751 = tpu.vector_load_idx %arg10[%add3A_1750] : memref<128xi32, #tpu.memory_space<vmem>>[vector<16xi32>], vector<16xi32>,
      %lt3A_1752 = arith.cmpi slt, %gather3A_1751, %get3A_142 : vector<16xi32>
      %jit3A_1753 = arith.constant 1 : i32
      %jit3A_1754 = arith.constant 0 : i32
      %broadcast_in_dim3A_1755 = vector.broadcast %jit3A_1753 : i32 to vector<16xi32>
      %broadcast_in_dim3A_1756 = vector.broadcast %jit3A_1754 : i32 to vector<16xi32>
      %select_n3A_1757 = arith.select %lt3A_1752, %broadcast_in_dim3A_1755, %broadcast_in_dim3A_1756 : vector<16xi1>, vector<16xi32>
      %add3A_1758 = arith.addi %add3A_1582, %select_n3A_1757 : vector<16xi32>
      %add3A_1759 = arith.constant 0 : i32
      %add3A_1760 = vector.broadcast %add3A_1759 : i32 to vector<16xi32>
      %add3A_1761 = arith.addi %add3A_1593, %add3A_1760 : vector<16xi32>
      %gather3A_1762 = tpu.vector_load_idx %arg10[%add3A_1761] : memref<128xi32, #tpu.memory_space<vmem>>[vector<16xi32>], vector<16xi32>,
      %lt3A_1763 = arith.cmpi slt, %gather3A_1762, %get3A_146 : vector<16xi32>
      %jit3A_1764 = arith.constant 1 : i32
      %jit3A_1765 = arith.constant 0 : i32
      %broadcast_in_dim3A_1766 = vector.broadcast %jit3A_1764 : i32 to vector<16xi32>
      %broadcast_in_dim3A_1767 = vector.broadcast %jit3A_1765 : i32 to vector<16xi32>
      %select_n3A_1768 = arith.select %lt3A_1763, %broadcast_in_dim3A_1766, %broadcast_in_dim3A_1767 : vector<16xi1>, vector<16xi32>
      %add3A_1769 = arith.addi %add3A_1593, %select_n3A_1768 : vector<16xi32>
      %add3A_1770 = arith.constant 0 : i32
      %add3A_1771 = vector.broadcast %add3A_1770 : i32 to vector<16xi32>
      %add3A_1772 = arith.addi %add3A_1604, %add3A_1771 : vector<16xi32>
      %gather3A_1773 = tpu.vector_load_idx %arg10[%add3A_1772] : memref<128xi32, #tpu.memory_space<vmem>>[vector<16xi32>], vector<16xi32>,
      %lt3A_1774 = arith.cmpi slt, %gather3A_1773, %get3A_150 : vector<16xi32>
      %jit3A_1775 = arith.constant 1 : i32
      %jit3A_1776 = arith.constant 0 : i32
      %broadcast_in_dim3A_1777 = vector.broadcast %jit3A_1775 : i32 to vector<16xi32>
      %broadcast_in_dim3A_1778 = vector.broadcast %jit3A_1776 : i32 to vector<16xi32>
      %select_n3A_1779 = arith.select %lt3A_1774, %broadcast_in_dim3A_1777, %broadcast_in_dim3A_1778 : vector<16xi1>, vector<16xi32>
      %add3A_1780 = arith.addi %add3A_1604, %select_n3A_1779 : vector<16xi32>
      %add3A_1781 = arith.constant 0 : i32
      %add3A_1782 = vector.broadcast %add3A_1781 : i32 to vector<16xi32>
      %add3A_1783 = arith.addi %add3A_1615, %add3A_1782 : vector<16xi32>
      %gather3A_1784 = tpu.vector_load_idx %arg10[%add3A_1783] : memref<128xi32, #tpu.memory_space<vmem>>[vector<16xi32>], vector<16xi32>,
      %lt3A_1785 = arith.cmpi slt, %gather3A_1784, %get3A_154 : vector<16xi32>
      %jit3A_1786 = arith.constant 1 : i32
      %jit3A_1787 = arith.constant 0 : i32
      %broadcast_in_dim3A_1788 = vector.broadcast %jit3A_1786 : i32 to vector<16xi32>
      %broadcast_in_dim3A_1789 = vector.broadcast %jit3A_1787 : i32 to vector<16xi32>
      %select_n3A_1790 = arith.select %lt3A_1785, %broadcast_in_dim3A_1788, %broadcast_in_dim3A_1789 : vector<16xi1>, vector<16xi32>
      %add3A_1791 = arith.addi %add3A_1615, %select_n3A_1790 : vector<16xi32>
      %add3A_1792 = arith.constant 0 : i32
      %add3A_1793 = vector.broadcast %add3A_1792 : i32 to vector<16xi32>
      %add3A_1794 = arith.addi %add3A_1626, %add3A_1793 : vector<16xi32>
      %gather3A_1795 = tpu.vector_load_idx %arg10[%add3A_1794] : memref<128xi32, #tpu.memory_space<vmem>>[vector<16xi32>], vector<16xi32>,
      %lt3A_1796 = arith.cmpi slt, %gather3A_1795, %get3A_158 : vector<16xi32>
      %jit3A_1797 = arith.constant 1 : i32
      %jit3A_1798 = arith.constant 0 : i32
      %broadcast_in_dim3A_1799 = vector.broadcast %jit3A_1797 : i32 to vector<16xi32>
      %broadcast_in_dim3A_1800 = vector.broadcast %jit3A_1798 : i32 to vector<16xi32>
      %select_n3A_1801 = arith.select %lt3A_1796, %broadcast_in_dim3A_1799, %broadcast_in_dim3A_1800 : vector<16xi1>, vector<16xi32>
      %add3A_1802 = arith.addi %add3A_1626, %select_n3A_1801 : vector<16xi32>
      %add3A_1803 = arith.constant 0 : i32
      %add3A_1804 = vector.broadcast %add3A_1803 : i32 to vector<16xi32>
      %add3A_1805 = arith.addi %add3A_1637, %add3A_1804 : vector<16xi32>
      %gather3A_1806 = tpu.vector_load_idx %arg10[%add3A_1805] : memref<128xi32, #tpu.memory_space<vmem>>[vector<16xi32>], vector<16xi32>,
      %lt3A_1807 = arith.cmpi slt, %gather3A_1806, %get3A_162 : vector<16xi32>
      %jit3A_1808 = arith.constant 1 : i32
      %jit3A_1809 = arith.constant 0 : i32
      %broadcast_in_dim3A_1810 = vector.broadcast %jit3A_1808 : i32 to vector<16xi32>
      %broadcast_in_dim3A_1811 = vector.broadcast %jit3A_1809 : i32 to vector<16xi32>
      %select_n3A_1812 = arith.select %lt3A_1807, %broadcast_in_dim3A_1810, %broadcast_in_dim3A_1811 : vector<16xi1>, vector<16xi32>
      %add3A_1813 = arith.addi %add3A_1637, %select_n3A_1812 : vector<16xi32>
      %add3A_1814 = arith.constant 0 : i32
      %add3A_1815 = vector.broadcast %add3A_1814 : i32 to vector<16xi32>
      %add3A_1816 = arith.addi %add3A_1648, %add3A_1815 : vector<16xi32>
      %gather3A_1817 = tpu.vector_load_idx %arg10[%add3A_1816] : memref<128xi32, #tpu.memory_space<vmem>>[vector<16xi32>], vector<16xi32>,
      %lt3A_1818 = arith.cmpi slt, %gather3A_1817, %get3A_166 : vector<16xi32>
      %jit3A_1819 = arith.constant 1 : i32
      %jit3A_1820 = arith.constant 0 : i32
      %broadcast_in_dim3A_1821 = vector.broadcast %jit3A_1819 : i32 to vector<16xi32>
      %broadcast_in_dim3A_1822 = vector.broadcast %jit3A_1820 : i32 to vector<16xi32>
      %select_n3A_1823 = arith.select %lt3A_1818, %broadcast_in_dim3A_1821, %broadcast_in_dim3A_1822 : vector<16xi1>, vector<16xi32>
      %add3A_1824 = arith.addi %add3A_1648, %select_n3A_1823 : vector<16xi32>
      %add3A_1825 = arith.constant 0 : i32
      %add3A_1826 = vector.broadcast %add3A_1825 : i32 to vector<16xi32>
      %add3A_1827 = arith.addi %add3A_1659, %add3A_1826 : vector<16xi32>
      %gather3A_1828 = tpu.vector_load_idx %arg10[%add3A_1827] : memref<128xi32, #tpu.memory_space<vmem>>[vector<16xi32>], vector<16xi32>,
      %lt3A_1829 = arith.cmpi slt, %gather3A_1828, %get3A_170 : vector<16xi32>
      %jit3A_1830 = arith.constant 1 : i32
      %jit3A_1831 = arith.constant 0 : i32
      %broadcast_in_dim3A_1832 = vector.broadcast %jit3A_1830 : i32 to vector<16xi32>
      %broadcast_in_dim3A_1833 = vector.broadcast %jit3A_1831 : i32 to vector<16xi32>
      %select_n3A_1834 = arith.select %lt3A_1829, %broadcast_in_dim3A_1832, %broadcast_in_dim3A_1833 : vector<16xi1>, vector<16xi32>
      %add3A_1835 = arith.addi %add3A_1659, %select_n3A_1834 : vector<16xi32>
      %add3A_1836 = arith.constant 0 : i32
      %add3A_1837 = vector.broadcast %add3A_1836 : i32 to vector<16xi32>
      %add3A_1838 = arith.addi %add3A_1670, %add3A_1837 : vector<16xi32>
      %gather3A_1839 = tpu.vector_load_idx %arg10[%add3A_1838] : memref<128xi32, #tpu.memory_space<vmem>>[vector<16xi32>], vector<16xi32>,
      %lt3A_1840 = arith.cmpi slt, %gather3A_1839, %get3A_174 : vector<16xi32>
      %jit3A_1841 = arith.constant 1 : i32
      %jit3A_1842 = arith.constant 0 : i32
      %broadcast_in_dim3A_1843 = vector.broadcast %jit3A_1841 : i32 to vector<16xi32>
      %broadcast_in_dim3A_1844 = vector.broadcast %jit3A_1842 : i32 to vector<16xi32>
      %select_n3A_1845 = arith.select %lt3A_1840, %broadcast_in_dim3A_1843, %broadcast_in_dim3A_1844 : vector<16xi1>, vector<16xi32>
      %add3A_1846 = arith.addi %add3A_1670, %select_n3A_1845 : vector<16xi32>
      %add3A_1847 = arith.constant 0 : i32
      %add3A_1848 = vector.broadcast %add3A_1847 : i32 to vector<16xi32>
      %add3A_1849 = arith.addi %add3A_1681, %add3A_1848 : vector<16xi32>
      %gather3A_1850 = tpu.vector_load_idx %arg10[%add3A_1849] : memref<128xi32, #tpu.memory_space<vmem>>[vector<16xi32>], vector<16xi32>,
      %lt3A_1851 = arith.cmpi slt, %gather3A_1850, %get3A_178 : vector<16xi32>
      %jit3A_1852 = arith.constant 1 : i32
      %jit3A_1853 = arith.constant 0 : i32
      %broadcast_in_dim3A_1854 = vector.broadcast %jit3A_1852 : i32 to vector<16xi32>
      %broadcast_in_dim3A_1855 = vector.broadcast %jit3A_1853 : i32 to vector<16xi32>
      %select_n3A_1856 = arith.select %lt3A_1851, %broadcast_in_dim3A_1854, %broadcast_in_dim3A_1855 : vector<16xi1>, vector<16xi32>
      %add3A_1857 = arith.addi %add3A_1681, %select_n3A_1856 : vector<16xi32>
      %add3A_1858 = arith.constant 0 : i32
      %add3A_1859 = vector.broadcast %add3A_1858 : i32 to vector<16xi32>
      %add3A_1860 = arith.addi %add3A_1692, %add3A_1859 : vector<16xi32>
      %gather3A_1861 = tpu.vector_load_idx %arg10[%add3A_1860] : memref<128xi32, #tpu.memory_space<vmem>>[vector<16xi32>], vector<16xi32>,
      %lt3A_1862 = arith.cmpi slt, %gather3A_1861, %get3A_182 : vector<16xi32>
      %jit3A_1863 = arith.constant 1 : i32
      %jit3A_1864 = arith.constant 0 : i32
      %broadcast_in_dim3A_1865 = vector.broadcast %jit3A_1863 : i32 to vector<16xi32>
      %broadcast_in_dim3A_1866 = vector.broadcast %jit3A_1864 : i32 to vector<16xi32>
      %select_n3A_1867 = arith.select %lt3A_1862, %broadcast_in_dim3A_1865, %broadcast_in_dim3A_1866 : vector<16xi1>, vector<16xi32>
      %add3A_1868 = arith.addi %add3A_1692, %select_n3A_1867 : vector<16xi32>
      %add3A_1869 = arith.constant 0 : i32
      %add3A_1870 = vector.broadcast %add3A_1869 : i32 to vector<16xi32>
      %add3A_1871 = arith.addi %add3A_1703, %add3A_1870 : vector<16xi32>
      %gather3A_1872 = tpu.vector_load_idx %arg10[%add3A_1871] : memref<128xi32, #tpu.memory_space<vmem>>[vector<16xi32>], vector<16xi32>,
      %lt3A_1873 = arith.cmpi slt, %gather3A_1872, %get3A_186 : vector<16xi32>
      %jit3A_1874 = arith.constant 1 : i32
      %jit3A_1875 = arith.constant 0 : i32
      %broadcast_in_dim3A_1876 = vector.broadcast %jit3A_1874 : i32 to vector<16xi32>
      %broadcast_in_dim3A_1877 = vector.broadcast %jit3A_1875 : i32 to vector<16xi32>
      %select_n3A_1878 = arith.select %lt3A_1873, %broadcast_in_dim3A_1876, %broadcast_in_dim3A_1877 : vector<16xi1>, vector<16xi32>
      %add3A_1879 = arith.addi %add3A_1703, %select_n3A_1878 : vector<16xi32>
      %gather3A_1880 = tpu.vector_load_idx %arg11[%add3A_1714] : memref<128xi32, #tpu.memory_space<vmem>>[vector<16xi32>], vector<16xi32>,
      %add3A_1881 = arith.constant 0 : i32
      %add3A_1882 = arith.addi %mul3A_122, %add3A_1881 : i32
      %swap3A = arith.index_cast %add3A_1882 : i32 to index
      %swap3A_1883 = tpu.vector_load %arg8[%swap3A] {strides = array<i32>} : memref<7936xi32, #tpu.memory_space<vmem>>, vector<16xi32>,
      tpu.vector_store %arg8[%swap3A], %gather3A_1880 {strides = array<i32>} : memref<7936xi32, #tpu.memory_space<vmem>>, vector<16xi32>,
      %gather3A_1884 = tpu.vector_load_idx %arg11[%add3A_1725] : memref<128xi32, #tpu.memory_space<vmem>>[vector<16xi32>], vector<16xi32>,
      %add3A_1885 = arith.constant 16 : i32
      %add3A_1886 = arith.addi %mul3A_122, %add3A_1885 : i32
      %swap3A_1887 = arith.index_cast %add3A_1886 : i32 to index
      %swap3A_1888 = tpu.vector_load %arg8[%swap3A_1887] {strides = array<i32>} : memref<7936xi32, #tpu.memory_space<vmem>>, vector<16xi32>,
      tpu.vector_store %arg8[%swap3A_1887], %gather3A_1884 {strides = array<i32>} : memref<7936xi32, #tpu.memory_space<vmem>>, vector<16xi32>,
      %gather3A_1889 = tpu.vector_load_idx %arg11[%add3A_1736] : memref<128xi32, #tpu.memory_space<vmem>>[vector<16xi32>], vector<16xi32>,
      %add3A_1890 = arith.constant 32 : i32
      %add3A_1891 = arith.addi %mul3A_122, %add3A_1890 : i32
      %swap3A_1892 = arith.index_cast %add3A_1891 : i32 to index
      %swap3A_1893 = tpu.vector_load %arg8[%swap3A_1892] {strides = array<i32>} : memref<7936xi32, #tpu.memory_space<vmem>>, vector<16xi32>,
      tpu.vector_store %arg8[%swap3A_1892], %gather3A_1889 {strides = array<i32>} : memref<7936xi32, #tpu.memory_space<vmem>>, vector<16xi32>,
      %gather3A_1894 = tpu.vector_load_idx %arg11[%add3A_1747] : memref<128xi32, #tpu.memory_space<vmem>>[vector<16xi32>], vector<16xi32>,
      %add3A_1895 = arith.constant 48 : i32
      %add3A_1896 = arith.addi %mul3A_122, %add3A_1895 : i32
      %swap3A_1897 = arith.index_cast %add3A_1896 : i32 to index
      %swap3A_1898 = tpu.vector_load %arg8[%swap3A_1897] {strides = array<i32>} : memref<7936xi32, #tpu.memory_space<vmem>>, vector<16xi32>,
      tpu.vector_store %arg8[%swap3A_1897], %gather3A_1894 {strides = array<i32>} : memref<7936xi32, #tpu.memory_space<vmem>>, vector<16xi32>,
      %gather3A_1899 = tpu.vector_load_idx %arg11[%add3A_1758] : memref<128xi32, #tpu.memory_space<vmem>>[vector<16xi32>], vector<16xi32>,
      %add3A_1900 = arith.constant 64 : i32
      %add3A_1901 = arith.addi %mul3A_122, %add3A_1900 : i32
      %swap3A_1902 = arith.index_cast %add3A_1901 : i32 to index
      %swap3A_1903 = tpu.vector_load %arg8[%swap3A_1902] {strides = array<i32>} : memref<7936xi32, #tpu.memory_space<vmem>>, vector<16xi32>,
      tpu.vector_store %arg8[%swap3A_1902], %gather3A_1899 {strides = array<i32>} : memref<7936xi32, #tpu.memory_space<vmem>>, vector<16xi32>,
      %gather3A_1904 = tpu.vector_load_idx %arg11[%add3A_1769] : memref<128xi32, #tpu.memory_space<vmem>>[vector<16xi32>], vector<16xi32>,
      %add3A_1905 = arith.constant 80 : i32
      %add3A_1906 = arith.addi %mul3A_122, %add3A_1905 : i32
      %swap3A_1907 = arith.index_cast %add3A_1906 : i32 to index
      %swap3A_1908 = tpu.vector_load %arg8[%swap3A_1907] {strides = array<i32>} : memref<7936xi32, #tpu.memory_space<vmem>>, vector<16xi32>,
      tpu.vector_store %arg8[%swap3A_1907], %gather3A_1904 {strides = array<i32>} : memref<7936xi32, #tpu.memory_space<vmem>>, vector<16xi32>,
      %gather3A_1909 = tpu.vector_load_idx %arg11[%add3A_1780] : memref<128xi32, #tpu.memory_space<vmem>>[vector<16xi32>], vector<16xi32>,
      %add3A_1910 = arith.constant 96 : i32
      %add3A_1911 = arith.addi %mul3A_122, %add3A_1910 : i32
      %swap3A_1912 = arith.index_cast %add3A_1911 : i32 to index
      %swap3A_1913 = tpu.vector_load %arg8[%swap3A_1912] {strides = array<i32>} : memref<7936xi32, #tpu.memory_space<vmem>>, vector<16xi32>,
      tpu.vector_store %arg8[%swap3A_1912], %gather3A_1909 {strides = array<i32>} : memref<7936xi32, #tpu.memory_space<vmem>>, vector<16xi32>,
      %gather3A_1914 = tpu.vector_load_idx %arg11[%add3A_1791] : memref<128xi32, #tpu.memory_space<vmem>>[vector<16xi32>], vector<16xi32>,
      %add3A_1915 = arith.constant 112 : i32
      %add3A_1916 = arith.addi %mul3A_122, %add3A_1915 : i32
      %swap3A_1917 = arith.index_cast %add3A_1916 : i32 to index
      %swap3A_1918 = tpu.vector_load %arg8[%swap3A_1917] {strides = array<i32>} : memref<7936xi32, #tpu.memory_space<vmem>>, vector<16xi32>,
      tpu.vector_store %arg8[%swap3A_1917], %gather3A_1914 {strides = array<i32>} : memref<7936xi32, #tpu.memory_space<vmem>>, vector<16xi32>,
      %gather3A_1919 = tpu.vector_load_idx %arg11[%add3A_1802] : memref<128xi32, #tpu.memory_space<vmem>>[vector<16xi32>], vector<16xi32>,
      %add3A_1920 = arith.constant 128 : i32
      %add3A_1921 = arith.addi %mul3A_122, %add3A_1920 : i32
      %swap3A_1922 = arith.index_cast %add3A_1921 : i32 to index
      %swap3A_1923 = tpu.vector_load %arg8[%swap3A_1922] {strides = array<i32>} : memref<7936xi32, #tpu.memory_space<vmem>>, vector<16xi32>,
      tpu.vector_store %arg8[%swap3A_1922], %gather3A_1919 {strides = array<i32>} : memref<7936xi32, #tpu.memory_space<vmem>>, vector<16xi32>,
      %gather3A_1924 = tpu.vector_load_idx %arg11[%add3A_1813] : memref<128xi32, #tpu.memory_space<vmem>>[vector<16xi32>], vector<16xi32>,
      %add3A_1925 = arith.constant 144 : i32
      %add3A_1926 = arith.addi %mul3A_122, %add3A_1925 : i32
      %swap3A_1927 = arith.index_cast %add3A_1926 : i32 to index
      %swap3A_1928 = tpu.vector_load %arg8[%swap3A_1927] {strides = array<i32>} : memref<7936xi32, #tpu.memory_space<vmem>>, vector<16xi32>,
      tpu.vector_store %arg8[%swap3A_1927], %gather3A_1924 {strides = array<i32>} : memref<7936xi32, #tpu.memory_space<vmem>>, vector<16xi32>,
      %gather3A_1929 = tpu.vector_load_idx %arg11[%add3A_1824] : memref<128xi32, #tpu.memory_space<vmem>>[vector<16xi32>], vector<16xi32>,
      %add3A_1930 = arith.constant 160 : i32
      %add3A_1931 = arith.addi %mul3A_122, %add3A_1930 : i32
      %swap3A_1932 = arith.index_cast %add3A_1931 : i32 to index
      %swap3A_1933 = tpu.vector_load %arg8[%swap3A_1932] {strides = array<i32>} : memref<7936xi32, #tpu.memory_space<vmem>>, vector<16xi32>,
      tpu.vector_store %arg8[%swap3A_1932], %gather3A_1929 {strides = array<i32>} : memref<7936xi32, #tpu.memory_space<vmem>>, vector<16xi32>,
      %gather3A_1934 = tpu.vector_load_idx %arg11[%add3A_1835] : memref<128xi32, #tpu.memory_space<vmem>>[vector<16xi32>], vector<16xi32>,
      %add3A_1935 = arith.constant 176 : i32
      %add3A_1936 = arith.addi %mul3A_122, %add3A_1935 : i32
      %swap3A_1937 = arith.index_cast %add3A_1936 : i32 to index
      %swap3A_1938 = tpu.vector_load %arg8[%swap3A_1937] {strides = array<i32>} : memref<7936xi32, #tpu.memory_space<vmem>>, vector<16xi32>,
      tpu.vector_store %arg8[%swap3A_1937], %gather3A_1934 {strides = array<i32>} : memref<7936xi32, #tpu.memory_space<vmem>>, vector<16xi32>,
      %gather3A_1939 = tpu.vector_load_idx %arg11[%add3A_1846] : memref<128xi32, #tpu.memory_space<vmem>>[vector<16xi32>], vector<16xi32>,
      %add3A_1940 = arith.constant 192 : i32
      %add3A_1941 = arith.addi %mul3A_122, %add3A_1940 : i32
      %swap3A_1942 = arith.index_cast %add3A_1941 : i32 to index
      %swap3A_1943 = tpu.vector_load %arg8[%swap3A_1942] {strides = array<i32>} : memref<7936xi32, #tpu.memory_space<vmem>>, vector<16xi32>,
      tpu.vector_store %arg8[%swap3A_1942], %gather3A_1939 {strides = array<i32>} : memref<7936xi32, #tpu.memory_space<vmem>>, vector<16xi32>,
      %gather3A_1944 = tpu.vector_load_idx %arg11[%add3A_1857] : memref<128xi32, #tpu.memory_space<vmem>>[vector<16xi32>], vector<16xi32>,
      %add3A_1945 = arith.constant 208 : i32
      %add3A_1946 = arith.addi %mul3A_122, %add3A_1945 : i32
      %swap3A_1947 = arith.index_cast %add3A_1946 : i32 to index
      %swap3A_1948 = tpu.vector_load %arg8[%swap3A_1947] {strides = array<i32>} : memref<7936xi32, #tpu.memory_space<vmem>>, vector<16xi32>,
      tpu.vector_store %arg8[%swap3A_1947], %gather3A_1944 {strides = array<i32>} : memref<7936xi32, #tpu.memory_space<vmem>>, vector<16xi32>,
      %gather3A_1949 = tpu.vector_load_idx %arg11[%add3A_1868] : memref<128xi32, #tpu.memory_space<vmem>>[vector<16xi32>], vector<16xi32>,
      %add3A_1950 = arith.constant 224 : i32
      %add3A_1951 = arith.addi %mul3A_122, %add3A_1950 : i32
      %swap3A_1952 = arith.index_cast %add3A_1951 : i32 to index
      %swap3A_1953 = tpu.vector_load %arg8[%swap3A_1952] {strides = array<i32>} : memref<7936xi32, #tpu.memory_space<vmem>>, vector<16xi32>,
      tpu.vector_store %arg8[%swap3A_1952], %gather3A_1949 {strides = array<i32>} : memref<7936xi32, #tpu.memory_space<vmem>>, vector<16xi32>,
      %gather3A_1954 = tpu.vector_load_idx %arg11[%add3A_1879] : memref<128xi32, #tpu.memory_space<vmem>>[vector<16xi32>], vector<16xi32>,
      %add3A_1955 = arith.constant 240 : i32
      %add3A_1956 = arith.addi %mul3A_122, %add3A_1955 : i32
      %swap3A_1957 = arith.index_cast %add3A_1956 : i32 to index
      %swap3A_1958 = tpu.vector_load %arg8[%swap3A_1957] {strides = array<i32>} : memref<7936xi32, #tpu.memory_space<vmem>>, vector<16xi32>,
      tpu.vector_store %arg8[%swap3A_1957], %gather3A_1954 {strides = array<i32>} : memref<7936xi32, #tpu.memory_space<vmem>>, vector<16xi32>,
    }
    %scan3A_111 = arith.constant 31 : i32
    %add3A_112 = arith.constant 7936 : i32
    %add3A_113 = arith.addi %min3A_3, %add3A_112 : i32
    %dma_start3A_114 = tpu.memref_slice %arg4[%add3A_113] : memref<500000xi32, #tpu.memory_space<hbm>> -> memref<7936xi32, #tpu.memory_space<hbm>>
    %dma_start3A_115 = tpu.memref_slice %arg4[%add3A_113] : memref<500000xi32, #tpu.memory_space<hbm>> -> memref<7936xi32, #tpu.memory_space<hbm>>
    tpu.enqueue_dma source(%arg8 : memref<7936xi32, #tpu.memory_space<vmem>>) target(%dma_start3A_115 : memref<7936xi32, #tpu.memory_space<hbm>>) target_semaphore(%arg15 : memref<!tpu.dma_semaphore, #tpu.memory_space<semaphore_mem>>)
    %dma_wait3A_116 = tpu.memref_slice %arg4[%min3A_3] : memref<500000xi32, #tpu.memory_space<hbm>> -> memref<7936xi32, #tpu.memory_space<hbm>>
    %dma_wait3A_117 = tpu.memref_slice %arg4[%min3A_3] : memref<500000xi32, #tpu.memory_space<hbm>> -> memref<7936xi32, #tpu.memory_space<hbm>>
    tpu.wait_dma2 semaphore(%arg14 : memref<!tpu.dma_semaphore, #tpu.memory_space<semaphore_mem>>) src(%arg7 : memref<7936xi32, #tpu.memory_space<vmem>>) dst(%dma_wait3A_117 : memref<7936xi32, #tpu.memory_space<hbm>>)
    %dma_wait3A_118 = tpu.memref_slice %arg4[%add3A_113] : memref<500000xi32, #tpu.memory_space<hbm>> -> memref<7936xi32, #tpu.memory_space<hbm>>
    %dma_wait3A_119 = tpu.memref_slice %arg4[%add3A_113] : memref<500000xi32, #tpu.memory_space<hbm>> -> memref<7936xi32, #tpu.memory_space<hbm>>
    tpu.wait_dma2 semaphore(%arg15 : memref<!tpu.dma_semaphore, #tpu.memory_space<semaphore_mem>>) src(%arg8 : memref<7936xi32, #tpu.memory_space<vmem>>) dst(%dma_wait3A_119 : memref<7936xi32, #tpu.memory_space<hbm>>)
    return
  }
}

</mosaic_0001>

<sc_bundles>
// kernel: kernel.3.cloned.1.call-start
scs
__scs_entry_jumppad:
0x0: {  	(pc) =	sbr.rel $0x88, $3  }
0x1: {  	(tag) =	ssettag $0x0;
	lr =	simm.s32 $0x1  }
0x2: {  	[smem:$0x3F9F] =	sst lr;
	_ =	strace $0xD0000000  }
0x3: {  	_ = 	snop  }
0x4: {  	_ = 	snop  }
0x5: {  	_ = 	snop  }
0x6: {  	_ = 	snop  }
0x7: {  	_ = 	snop  }
__scs_overlays_trampoline_lowered:
0x8: {  	[smem:$0x3FAE] =	sst s0  }
0x9: {  	[smem:$0x3FAF] =	sst s1  }
0xa: {  	[smem:$0x3FB0] =	sst s2  }
0xb: {  	[smem:$0x3FB1] =	sst s3  }
0xc: {  	[smem:$0x3FB2] =	sst s4  }
0xd: {  	[smem:$0x3FB3] =	sst s5  }
0xe: {  	[smem:$0x3FB4] =	sst s6  }
0xf: {  	[smem:$0x3FB5] =	sst s7  }
0x10: {  	[smem:$0x3FB6] =	sst s8  }
0x11: {  	[smem:$0x3FB7] =	sst s9;
	s0 =	simm.s32 @!p0 $0x0  }
0x12: {  	s1 =	sld [smem:$0x3F9D];
	s0 =	simm.s32 @p0 $0x1  }
0x13: {  	[smem:$0x3FB8] =	sst s0;
	s0 =	simm.s32 @!p1 $0x0  }
0x14: {  	s2 =	sld [smem:$0x3F9C];
	s0 =	simm.s32 @p1 $0x1  }
0x15: {  	[smem:$0x3FB9] =	sst s0;
	s0 =	simm.s32 @!p2 $0x0  }
0x16: {  	s3 =	sld [smem:$0x3FDB];
	s0 =	simm.s32 @p2 $0x1  }
0x17: {  	s4 =	simm.s32 $0x1BF5;
	[smem:$0x3FBB] =	sst s0  }
0x18: {  	s0 =	sld [smem:$0x3F9E];
	_ =	swait.ge [sflag:s4], $0x0  }
0x19: {  	s7 =	sld [smem:$0x3F9F]  }
0x1a: {  	s8 =	sadd.s32 $0xFFFFE003, lr  }
0x1b: {  	s9 =	sadd.s32 $0xFFFFFEF7, lr;
	s5 =	simm.s32 $0xFFFFFFFF;
	p2 =	slt.u32 s8, $0xFFFFF086  }
0x1c: {  	p1 =	slt.u32 s9, $0xF7A;
	s5 =	simm.s32 @!p2 $0x0  }
0x1d: {  	s5 =	simm.s32 @p1 $0x1;
	p0 =	seq.s32 s7, s2  }
0x1e: {  	s7 =	smul.u32 @!p0 $0xF7A, s2;
	p2 =	seq.s32 @!p0 s5, $0x0  }
0x1f: {  	s9 =	smul.u32 $0xF7A, s1;
	s8 =	simm.s32 @!p0 $0x1BF5;
	p2 =	por !p2, p0  }
0x20: {  	[sflag:s8] =	ssyncset.s32 @!p0 $0xFFFFF086;
	s6 =	sadd.s32 @!p0 s3, s7;
	s7 =	simm.s32 @!p0 $0x108  }
0x21: {  	s3 =	sadd.s32 s3, s9;
	s6 =	sadd.s32 @!p0 $0x88, s6;
	s7 =	simm.s32 @p2 $0x1082  }
0x22: {  	[simem:s7], [sflag:s8] =	dma.local @!p0 [hbm:s6], $0xF7A  }
0x23: {  	s9 =	sor.u32 $0xD0000000, s2;
	s6 =	simm.s32 $0x108;
	_ =	swait.ge @!p0 [sflag:s8], $0x0  }
0x24: {  	s3 =	sadd.s32 $0x88, s3;
	s6 =	simm.s32 @!p1 $0x1082;
	[sflag:s4] =	ssyncset.s32 $0xFFFFF086  }
0x25: {  	[simem:s6], [sflag:s4] =	dma.local [hbm:s3], $0xF7A  }
0x26: {  	[smem:$0x3F9F] =	sst s1;
	(tag) =	ssettag s2;
	_ =	strace s9  }
0x27: {  	s1 =	sld [smem:$0x3FAF]  }
0x28: {  	s2 =	sld [smem:$0x3FB0]  }
0x29: {  	s4 =	sld [smem:$0x3FB2]  }
0x2a: {  	p0 =	seq.s32 s5, $0x0;
	s5 =	sld [smem:$0x3FB3]  }
0x2b: {  	s6 =	sld [smem:$0x3FB4]  }
0x2c: {  	s7 =	sld [smem:$0x3FB5]  }
0x2d: {  	s3 =	simm.s32 $0x108;
	s8 =	sld [smem:$0x3FB6]  }
0x2e: {  	s3 =	simm.s32 @!p0 $0x1082;
	s9 =	sld [smem:$0x3FB7]  }
0x2f: {  	lr =	sadd.s32 s0, s3;
	s0 =	sld [smem:$0x3FAE]  }
0x30: {  	s3 =	sld [smem:$0x3FB1]  }
0x31: {  	[smem:$0x3FBA] =	sst s10  }
0x32: {  	s10 =	sld [smem:$0x3FB8];
	_ =	sdelay $0x3  }
0x33: {  	p0 =	seq.s32 s10, $0x1;
	s10 =	sld [smem:$0x3FBA];
	_ =	sdelay $0x3  }
0x34: {  	[smem:$0x3FBA] =	sst s10  }
0x35: {  	s10 =	sld [smem:$0x3FB9];
	_ =	sdelay $0x3  }
0x36: {  	p1 =	seq.s32 s10, $0x1;
	s10 =	sld [smem:$0x3FBA];
	_ =	sdelay $0x3  }
0x37: {  	[smem:$0x3FBA] =	sst s10  }
0x38: {  	s10 =	sld [smem:$0x3FBB]  }
0x39: {  	_ = 	snop;
	(pc) =	sbr.ind lr, $3  }
0x3a: {  	_ = 	snop  }
0x3b: {  	_ = 	snop  }
0x3c: {  	p2 =	seq.s32 s10, $0x1;
	s10 =	sld [smem:$0x3FBA]  }
0x3d: {  	_ =	shalt  }
0x3e: {  	_ =	shalt  }
0x3f: {  	_ =	shalt  }
0x40: {  	_ =	shalt  }
0x41: {  	_ =	shalt  }
0x42: {  	_ =	shalt  }
0x43: {  	_ =	shalt  }
0x44: {  	_ =	shalt  }
0x45: {  	_ =	shalt  }
0x46: {  	_ =	shalt  }
0x47: {  	_ =	shalt  }
0x48: {  	_ =	shalt  }
0x49: {  	_ =	shalt  }
0x4a: {  	_ =	shalt  }
0x4b: {  	_ =	shalt  }
0x4c: {  	_ =	shalt  }
0x4d: {  	_ =	shalt  }
0x4e: {  	_ =	shalt  }
0x4f: {  	_ =	shalt  }
0x50: {  	_ =	shalt  }
0x51: {  	_ =	shalt  }
0x52: {  	_ =	shalt  }
0x53: {  	_ =	shalt  }
0x54: {  	_ =	shalt  }
0x55: {  	_ =	shalt  }
0x56: {  	_ =	shalt  }
0x57: {  	_ =	shalt  }
0x58: {  	_ =	shalt  }
0x59: {  	_ =	shalt  }
0x5a: {  	_ =	shalt  }
0x5b: {  	_ =	shalt  }
0x5c: {  	_ =	shalt  }
0x5d: {  	_ =	shalt  }
0x5e: {  	_ =	shalt  }
0x5f: {  	_ =	shalt  }
0x60: {  	_ =	shalt  }
0x61: {  	_ =	shalt  }
0x62: {  	_ =	shalt  }
0x63: {  	_ =	shalt  }
0x64: {  	_ =	shalt  }
0x65: {  	_ =	shalt  }
0x66: {  	_ =	shalt  }
0x67: {  	_ =	shalt  }
0x68: {  	_ =	shalt  }
0x69: {  	_ =	shalt  }
0x6a: {  	_ =	shalt  }
0x6b: {  	_ =	shalt  }
0x6c: {  	_ =	shalt  }
0x6d: {  	_ =	shalt  }
0x6e: {  	_ =	shalt  }
0x6f: {  	_ =	shalt  }
0x70: {  	_ =	shalt  }
0x71: {  	_ =	shalt  }
0x72: {  	_ =	shalt  }
0x73: {  	_ =	shalt  }
0x74: {  	_ =	shalt  }
0x75: {  	_ =	shalt  }
0x76: {  	_ =	shalt  }
0x77: {  	_ =	shalt  }
0x78: {  	_ =	shalt  }
0x79: {  	_ =	shalt  }
0x7a: {  	_ =	shalt  }
0x7b: {  	_ =	shalt  }
0x7c: {  	_ =	shalt  }
0x7d: {  	_ =	shalt  }
0x7e: {  	_ =	shalt  }
0x7f: {  	_ =	shalt  }
0x80: {  	_ =	shalt  }
0x81: {  	_ =	shalt  }
0x82: {  	_ =	shalt  }
0x83: {  	_ =	shalt  }
0x84: {  	_ =	shalt  }
0x85: {  	_ =	shalt  }
0x86: {  	_ =	shalt  }
0x87: {  	_ =	shalt  }
.Lfunc_end0:
.L_simem_size_0:
called_computation_lowered:
.L_overlay_start_0:
0x88: {  	s2 =	sld [smem:$0x3FD9]  }
0x89: {  	s3 =	sld [smem:$0x3FFE];
	_ =	sdelay $0x1  }
0x8a: {  	s1 =	srdreg.scid  }
0x8b: {  	s0 =	sand.u32 $0x1, s1  }
0x8c: {  	s18 =	sshll.u32 s0, $0xA;
	s2 =	sadd.s32 s3, s2  }
0x8d: {  	s2 =	sadd.s32 s2, s18  }
0x8e: {  	[smem:$0x3FC6] =	sst s2  }
0x8f: {  	_ = 	snop  }
0x90: {  	s2 =	sld [smem:$0x3FC9]  }
0x91: {  	s19 =	sld [smem:$0x3FC8]  }
0x92: {  	s4 =	sld [smem:$0x3FD0];
	(tm) =	ssettm $0x1  }
0x93: {  	s5 =	sld [smem:$0x3FFB];
	_ =	sdelay $0x3  }
0x94: {  	_ =	strace s5  }
0x95: {  	s5 =	sld [smem:$0x3FFC];
	_ =	sdelay $0x3  }
0x96: {  	_ =	strace s5  }
0x97: {  	s5 =	sld [smem:$0x3FFD];
	_ =	sdelay $0x3  }
0x98: {  	_ =	strace s5  }
0x99: {  	_ =	strace $0x8FFFFFFF  }
0x9a: {  	s20 =	sld [smem:$0x3FDB];
	_ =	sdelay $0x1  }
0x9b: {  	s6 =	simm.s32 $_scs_section_size  }
0x9c: {  	s7 =	simm.s32 $_size__tile_overlayer_lowered;
	s8 =	simm.s32 $_tile_overlayer_lowered  }
0x9d: {  	s23 =	simm.s32 $0x1BFF;
	s22 =	sshll.u32 s8, $0x1;
	s5 =	sadd.s32 s6, s20  }
0x9e: {  	s9 =	simm.s32 $0x0;
	s21 =	sshll.u32 s7, $0x1;
	s7 =	sadd.s32 s22, s5  }
0x9f: {  	[timem:s9], [sflag:s23] =	dma.local [hbm:s7], s21  }
0xa0: {  	_ =	swait.ge [sflag:s23], s21  }
0xa1: {  	s6 =	ssub.s32 $0x0, s21;
	[sflag:s23] =	ssyncset.done $0x0  }
0xa2: {  	[sflag:s23] =	ssyncadd.s32 s6;
	_ =	sdelay $0x1  }
0xa3: {  	s24 =	simm.s32 $0x1B8B  }
0xa4: {  	_ =	swait.ge [sflag:s24], $0x1  }
0xa5: {  	[sflag:s24] =	ssyncset.done $0x0  }
0xa6: {  	s25 =	simm.s32 $0x1B8E;
	[sflag:s24] =	ssyncadd.s32 $0xFFFFFFFF  }
0xa7: {  	s26 =	simm.s32 $execute0_lowered;
	[smem:$0x3FD2] =	sst s25  }
0xa8: {  	s6 =	sshll.u32 s26, $0x1;
	_ =	strace $0x80000046;
	[dreg:$0x1] =	wrdreg $0xFFFFFFFF  }
0xa9: {  	s28 =	simm.s32 $_size_execute0_lowered;
	s5 =	sadd.s32 s5, s6;
	[dreg:$0x0] =	wrdreg $0x0  }
0xaa: {  	s6 =	sshll.u32 s28, $0x1;
	[dreg:$0x2] =	wrdreg s5  }
0xab: {  	[dreg:$0x3] =	wrdreg s6  }
0xac: {  	[dreg:$0x4] =	wrdreg $0xC0  }
0xad: {  	_ =	task [dreg:s9], $0x5FFFF  }
0xae: {  	[dreg:$0x1] =	wrdreg $0xFFFFFFFF  }
0xaf: {  	[dreg:$0x0] =	wrdreg $0x60  }
0xb0: {  	[dreg:$0x2] =	wrdreg s2  }
0xb1: {  	[dreg:$0x3] =	wrdreg s19  }
0xb2: {  	[dreg:$0x4] =	wrdreg s4  }
0xb3: {  	[dreg:$0x5] =	wrdreg $0x9  }
0xb4: {  	_ =	task.clear_ibuf [dreg:s9], $0x6FFFF;
	_ =	strace $0x90000046  }
0xb5: {  	s29 =	simm.s32 $0x9;
	_ =	strace $0x80000048  }
0xb6: {  	_ =	swait.ge [sflag:s29], $0x1  }
0xb7: {  	[sflag:s29] =	ssyncadd.s32 $0xFFFFFFFF  }
0xb8: {  	_ =	strace $0x90000048  }
0xb9: {  	_ =	sfence  }
0xba: {  	s30 =	sld [smem:$0x0];
	_ =	sdelay $0x2  }
0xbb: {  	s31 =	sshll.u32 s1, $0xD;
	s1 =	sshrl.u32 s1, $0x2  }
0xbc: {  	s3 =	sand.u32 $0x4000, s31;
	s1 =	sadd.s32 s1, s30  }
0xbd: {  	s0 =	sor.u32 s3, s0;
	s1 =	sshll.u32 s1, $0x11  }
0xbe: {  	s0 =	sor.u32 s1, s0  }
0xbf: {  	s0 =	sadd.s32 $0x8F2B, s0  }
0xc0: {  	[sflag:s0] =	ssyncadd.remote.s32 $0x1  }
0xc1: {  	_ =	sfence.sel $0xFFFF  }
0xc2: {  	[dreg:$0x0] =	wrdreg $0xFFFFFFFF;
	(pc) =	sbr.abs _section_cstart, $3  }
0xc3: {  	[dreg:$0x1] =	wrdreg $0xFFFFFFFF  }
0xc4: {  	_ =	task.clear_ibuf [dreg:s9], $0x2FFFF;
	_ =	strace $0x9FFFFFFF  }
0xc5: {  	(tm) =	ssettm $0x7FFFFFFF  }
tec
execute0_lowered:
.L_overlay_start_1:
0x0: {  	(tag) =	ssettag $0x1  }
0x1: {  	s5 =	rddreg [dreg:$0x0]  }
0x2: {  	s1 =	srdreg.scid;
	s2 =	rddreg [dreg:$0x1]  }
0x3: {  	s0 =	stileid.u32;
	s7 =	rddreg [dreg:$0x2];
	s3 =	simm.s32 $0x0  }
0x4: {  	s10 =	simm.s32 $0x7C00;
	s11 =	simm.s32 $0x5;
	s12 =	simm.s32 $0x7C80  }
0x5: {  	s13 =	simm.s32 $0x7D00;
	s14 =	simm.s32 $0x1;
	s15 =	simm.s32 $0x3E00  }
0x6: {  	s16 =	simm.s32 $0x2;
	s4 =	sand.u32 $0x1, s1;
	s31 =	sshll.u32 s0, $0x1  }
0x7: {  	v0 =	vimm.s32 $0x0;
	v5 =	vimm.s32 $0xF5F1F3F;
	s17 =	simm.s32 $0x5D00;
	s18 =	simm.s32 $0x3;
	s1 =	sor.u32 s4, s31  }
0x8: {  	v1 =	vlaneseq.u32;
	v6 =	vimm.s32 $0x6F4F2F;
	vm0 =	vcmask $0xF00;
	s19 =	simm.s32 $0x4;
	s4 =	ssub.s32 $0x2, s4;
	s6 =	smul.u32 $0x3E00, s1  }
0x9: {  	vm15 =	vcmask $0x1F10;
	v11 =	vimm.s32 $0x2;
	v12 =	vimm.s32 $0x10;
	s20 =	simm.s32 $0x0;
	[smem:$0x7FF] =	sst s3;
	s8 =	sshrl.u32 s4, $0x1  }
0xa: {  	v2 =	vor.u32 $0x10, v1;
	v3 =	vor.u32 $0x20, v1;
	v7 =	vunpack.c.0.s8.s32 v5;
	s1 =	rddreg [dreg:$0x3];
	s8 =	ssub.s32 s4, s8;
	s6 =	smin.u32 s6, $0x76320  }
0xb: {  	v4 =	vor.u32 $0x30, v1;
	v5 =	vor.u32 $0x40, v1;
	v9 =	vunpack.c.0.s8.s32 v6;
	_ =	strace $0x80000047;
	s8 =	smax.u32 s8, $0x1;
	s6 =	sshrl.u32 s6, $0x3  }
0xc: {  	v6 =	vor.u32 $0x50, v1;
	v8 =	vor.u32 $0x70, v1;
	v10 =	vnsel vm0, $0x0, v7;
	s9 =	sadd.s32 $0x3E0, s6;
	s4 =	sadd.s32 s5, s6;
	s6 =	sadd.s32 s7, s6  }
0xd: {  	v7 =	vor.u32 $0x60, v1;
	v9 =	vsel vm15, v9, v10;
	v10 =	vimm.s32 $0x1;
	s5 =	sadd.s32 s5, s9;
	s7 =	sadd.s32 s7, s9;
	s9 =	simm.s32 $0x1F00  }
.LBB2_1:
0xe: {  	[tilespmem:s3], [sflag:$0x1] =	stream.linear.gather [hbm4b:s4+s3], $0x1F00, $0x38;
	[tilespmem:$0x7D80] =	vst v63  }
0xf: {  	_ = 	snop  }
0x10: {  	[tilespmem:s9], [sflag:$0x2] =	stream.linear.gather [hbm4b:s5+s3], $0x1F00, $0x38;
	[tilespmem:$0x7D80] =	vst v63  }
0x11: {  	_ = 	snop  }
0x12: {  	[tilespmem:s10], [sflag:$0x5] =	stream.linear.gather [hbm4b:s2+s3], $0x80, $0x38;
	[tilespmem:$0x7D80] =	vst v63  }
0x13: {  	s21 =	simm.s32 $0x1;
	_ =	swait.ge [sflag:s11], $0x80  }
0x14: {  	s22 =	simm.s32 $0x2;
	v13 =	vmov s21;
	[sflag:s11] =	ssyncset.done $0x0  }
0x15: {  	s31 =	simm.s32 $0x3;
	v14 =	vmov s22;
	v13 =	vand.u32 $0xFFFFFFFD, v13;
	[sflag:s11] =	ssyncadd.s32 $0xFFFFFF80  }
0x16: {  	v23 =	vmov s31;
	v14 =	vand.u32 $0xFFFFFFFE, v14;
	v13 =	vbroadcast v13, $0x0;
	v20 =	vld [tilespmem:$0x7C00]  }
0x17: {  	v14 =	vbroadcast v14, $0x0;
	v19 =	vld [tilespmem:$0x7C10]  }
0x18: {  	v18 =	vld [tilespmem:$0x7C20]  }
0x19: {  	v16 =	vld [tilespmem:$0x7C30]  }
0x1a: {  	v17 =	vld [tilespmem:$0x7C50]  }
0x1b: {  	v25 =	vld.idx.msk [tilespmem:v23+s10+$0x0], $0xffff  }
0x1c: {  	v21 =	vld.idx.msk [tilespmem:v13+s10+$0x0], $0xffff  }
0x1d: {  	v22 =	vld.idx.msk [tilespmem:v14+s10+$0x0], $0xffff  }
0x1e: {  	v13 =	vld [tilespmem:$0x7C60]  }
0x1f: {  	v24 =	vmov s3;
	v40 =	vimm.s32 $0x0;
	v39 =	vimm.s32 $0x0;
	v14 =	vld [tilespmem:$0x7C70]  }
0x20: {  	v32 =	vimm.s32 $0x0;
	v29 =	vimm.s32 $0x0;
	v24 =	vand.u32 $0xFFFFFFFC, v24;
	v15 =	vld [tilespmem:$0x7C40]  }
0x21: {  	v27 =	vbroadcast v24, $0x0;
	vm15 =	vlt.s32 v25, v20;
	vm2 =	vlt.s32 v21, v19  }
0x22: {  	vm3 =	vlt.s32 v21, v16;
	vm0 =	vlt.s32 v21, v20;
	vm4 =	vlt.s32 v22, v19  }
0x23: {  	vm5 =	vlt.s32 v22, v16;
	vm6 =	vlt.s32 v21, v13;
	vm7 =	vlt.s32 v22, v20  }
0x24: {  	vm8 =	vlt.s32 v21, v18;
	vm1 =	vlt.s32 v22, v14;
	vm9 =	vlt.s32 v21, v17  }
0x25: {  	vm10 =	vlt.s32 v22, v18;
	vm11 =	vlt.s32 v21, v15;
	vm12 =	vlt.s32 v22, v15  }
0x26: {  	vm13 =	vlt.s32 v22, v17;
	vm14 =	vlt.s32 v22, v13;
	v44 =	vsel vm15, $0x1, v0  }
0x27: {  	v36 =	vsel vm0, $0x1, v0;
	vm0 =	vlt.s32 v21, v14;
	v24 =	vsel vm13, $0x1, v0  }
0x28: {  	v42 =	vld.idx.msk [tilespmem:v27+s10+$0x0], $0xffff;
	v31 =	vsel vm10, $0x1, v0;
	v21 =	vsel vm1, $0x1, v0;
	vm1 =	vlt.s32 v25, v18  }
0x29: {  	vm13 =	vlt.s32 v25, v14;
	v26 =	vsel vm14, $0x1, v0;
	v30 =	vsel vm11, $0x1, v0  }
0x2a: {  	v28 =	vsel vm12, $0x1, v0;
	v41 =	vsel vm8, $0x1, v0;
	v35 =	vsel vm9, $0x1, v0  }
0x2b: {  	v38 =	vsel vm6, $0x1, v0;
	v45 =	vsel vm7, $0x1, v0;
	v46 =	vsel vm4, $0x1, v0  }
0x2c: {  	v43 =	vsel vm5, $0x1, v0;
	vm4 =	vlt.s32 v25, v13;
	v49 =	vsel vm2, $0x1, v0  }
0x2d: {  	v47 =	vsel vm3, $0x1, v0;
	vm2 =	vlt.s32 v42, v20;
	vm5 =	vlt.s32 v25, v17  }
0x2e: {  	vm6 =	vlt.s32 v42, v19;
	vm3 =	vlt.s32 v42, v13;
	v22 =	vsel vm0, $0x1, v0  }
0x2f: {  	vm0 =	vlt.s32 v25, v19;
	v23 =	vsel vm13, $0x1, v0;
	v34 =	vsel vm4, $0x1, v0  }
0x30: {  	vm4 =	vlt.s32 v42, v18;
	v37 =	vsel vm5, $0x1, v0;
	v27 =	vsel vm2, $0x1, v0  }
0x31: {  	vm2 =	vlt.s32 v42, v16;
	vm5 =	vlt.s32 v25, v16;
	v33 =	vsel vm0, $0x1, v0  }
0x32: {  	vm0 =	vlt.s32 v25, v15;
	v50 =	vadd.s32 v27, v0;
	v25 =	vsel vm6, $0x1, v0  }
0x33: {  	v48 =	vsel vm5, $0x1, v0;
	v51 =	vsel vm2, $0x1, v0;
	vm2 =	vlt.s32 v42, v14  }
0x34: {  	s23 =	simm.s32 $0x4;
	v27 =	vimm.s32 $0x0;
	v52 =	vadd.s32 v25, v0;
	v25 =	vimm.s32 $0x0  }
.LBB2_2:
0x35: {  	s24 =	sadd.s32 $0x1, s23  }
0x36: {  	s25 =	sadd.s32 $0x2, s23;
	v40 =	vadd.s32 v51, v40;
	v49 =	vadd.s32 v49, v52;
	v51 =	vsel vm1, $0x1, v0;
	s22 =	smov.u32 s23;
	s21 =	sadd.s32 $0x4, s23  }
0x37: {  	p0 =	sne.s32 s23, $0x7C;
	vm1 =	vlt.s32 v42, v17;
	v52 =	vmov s24;
	v53 =	vmov s25  }
0x38: {  	vm5 =	vlt.s32 v42, v15;
	v52 =	vand.u32 $0xFFFFFFFD, v52;
	v53 =	vand.u32 $0xFFFFFFFE, v53  }
0x39: {  	v42 =	vbroadcast v52, $0x0;
	v52 =	vbroadcast v53, $0x0;
	v53 =	vsel vm0, $0x1, v0  }
0x3a: {  	v54 =	vsel vm4, $0x1, v0;
	v55 =	vsel vm3, $0x1, v0;
	v40 =	vadd.s32 v47, v40  }
0x3b: {  	v39 =	vadd.s32 v54, v39;
	v47 =	vsel vm5, $0x1, v0;
	v46 =	vadd.s32 v46, v49  }
0x3c: {  	v36 =	vadd.s32 v36, v50;
	v49 =	vsel vm1, $0x1, v0;
	v27 =	vadd.s32 v55, v27  }
0x3d: {  	v36 =	vadd.s32 v45, v36;
	v27 =	vadd.s32 v38, v27;
	v38 =	vadd.s32 v43, v40  }
0x3e: {  	v32 =	vadd.s32 v49, v32;
	v39 =	vadd.s32 v41, v39;
	v50 =	vadd.s32 v44, v36  }
0x3f: {  	v32 =	vadd.s32 v35, v32;
	v31 =	vadd.s32 v31, v39;
	v40 =	vadd.s32 v48, v38;
	v41 =	vld.idx.msk [tilespmem:v42+s10+$0x0], $0xffff  }
0x40: {  	v36 =	vsel vm2, $0x1, v0;
	v26 =	vadd.s32 v26, v27;
	v24 =	vadd.s32 v24, v32;
	v35 =	vld.idx.msk [tilespmem:v52+s10+$0x0], $0xffff  }
0x41: {  	v29 =	vadd.s32 v47, v29;
	v25 =	vadd.s32 v36, v25;
	v27 =	vadd.s32 v34, v26  }
0x42: {  	s23 =	sadd.s32 $0x3, s22;
	v26 =	vadd.s32 v30, v29;
	v22 =	vadd.s32 v22, v25;
	v52 =	vadd.s32 v33, v46  }
0x43: {  	v30 =	vmov s23;
	v39 =	vadd.s32 v51, v31;
	v25 =	vadd.s32 v28, v26  }
0x44: {  	v21 =	vadd.s32 v21, v22;
	v32 =	vadd.s32 v37, v24;
	v29 =	vadd.s32 v53, v25  }
0x45: {  	v25 =	vadd.s32 v23, v21;
	vm2 =	vlt.s32 v41, v19;
	vm3 =	vlt.s32 v41, v16  }
0x46: {  	vm0 =	vlt.s32 v41, v20;
	vm4 =	vlt.s32 v35, v19;
	vm5 =	vlt.s32 v35, v16  }
0x47: {  	v21 =	vmov s22;
	vm6 =	vlt.s32 v41, v13;
	vm7 =	vlt.s32 v35, v20  }
0x48: {  	v21 =	vand.u32 $0xFFFFFFFC, v21;
	vm8 =	vlt.s32 v41, v18;
	vm1 =	vlt.s32 v35, v14;
	v48 =	vld.idx.msk [tilespmem:v30+s10+$0x0], $0xffff  }
0x49: {  	v23 =	vbroadcast v21, $0x0;
	vm9 =	vlt.s32 v41, v17;
	vm10 =	vlt.s32 v35, v18  }
0x4a: {  	vm11 =	vlt.s32 v41, v15;
	vm12 =	vlt.s32 v35, v15;
	vm13 =	vlt.s32 v35, v17  }
0x4b: {  	vm14 =	vlt.s32 v35, v13  }
0x4c: {  	v36 =	vsel vm0, $0x1, v0;
	vm0 =	vlt.s32 v41, v14;
	v24 =	vsel vm13, $0x1, v0  }
0x4d: {  	v22 =	vsel vm0, $0x1, v0;
	v31 =	vsel vm10, $0x1, v0;
	v21 =	vsel vm1, $0x1, v0  }
0x4e: {  	vm0 =	vlt.s32 v48, v19;
	vm1 =	vlt.s32 v48, v18;
	vm10 =	vlt.s32 v48, v14  }
0x4f: {  	v26 =	vsel vm14, $0x1, v0;
	v33 =	vsel vm0, $0x1, v0;
	v42 =	vld.idx.msk [tilespmem:v23+s10+$0x0], $0xffff;
	v23 =	vsel vm10, $0x1, v0  }
0x50: {  	v28 =	vsel vm12, $0x1, v0;
	v30 =	vsel vm11, $0x1, v0;
	vm0 =	vlt.s32 v48, v15  }
0x51: {  	v41 =	vsel vm8, $0x1, v0;
	v35 =	vsel vm9, $0x1, v0;
	vm8 =	vlt.s32 v48, v20  }
0x52: {  	v38 =	vsel vm6, $0x1, v0;
	v45 =	vsel vm7, $0x1, v0;
	v44 =	vsel vm8, $0x1, v0  }
0x53: {  	v46 =	vsel vm4, $0x1, v0;
	v43 =	vsel vm5, $0x1, v0;
	vm4 =	vlt.s32 v48, v13  }
0x54: {  	v49 =	vsel vm2, $0x1, v0;
	v47 =	vsel vm3, $0x1, v0;
	v34 =	vsel vm4, $0x1, v0  }
.Ltmp0:
0x55: {  	vm5 =	vlt.s32 v48, v17;
	vm2 =	vlt.s32 v42, v20;
	vm4 =	vlt.s32 v42, v18;
	(pc) =	sbr.rel @p0 .LBB2_2-.Ltmp0, $4  }
0x56: {  	v37 =	vsel vm5, $0x1, v0;
	vm6 =	vlt.s32 v42, v19;
	vm3 =	vlt.s32 v42, v13  }
0x57: {  	vm5 =	vlt.s32 v48, v16;
	v51 =	vsel vm2, $0x1, v0;
	vm2 =	vlt.s32 v42, v16  }
0x58: {  	v48 =	vsel vm5, $0x1, v0;
	v50 =	vadd.s32 v51, v50;
	v51 =	vsel vm6, $0x1, v0  }
0x59: {  	s23 =	smov.u32 s21;
	v52 =	vadd.s32 v51, v52;
	v51 =	vsel vm2, $0x1, v0;
	vm2 =	vlt.s32 v42, v14  }
0x5a: {  	v36 =	vadd.s32 v36, v50  }
0x5b: {  	v36 =	vadd.s32 v45, v36  }
0x5c: {  	v63 =	vadd.s32 v49, v52;
	v52 =	vsel vm4, $0x1, v0;
	v36 =	vadd.s32 v44, v36  }
0x5d: {  	v40 =	vadd.s32 v51, v40;
	v39 =	vadd.s32 v52, v39;
	v53 =	vadd.s32 v46, v63  }
0x5e: {  	v54 =	vsel vm1, $0x1, v0;
	v39 =	vadd.s32 v41, v39;
	v33 =	vadd.s32 v33, v53  }
0x5f: {  	vm14 =	vlt.s32 v42, v17;
	vm15 =	vlt.s32 v42, v15;
	v31 =	vadd.s32 v31, v39  }
0x60: {  	v55 =	vadd.s32 v47, v40;
	v56 =	vsel vm15, $0x1, v0;
	v31 =	vadd.s32 v54, v31  }
0x61: {  	v29 =	vadd.s32 v56, v29;
	v39 =	vadd.s32 v43, v55;
	[tilespmem:v36+s12+$0x0] =	vst.idx.msk $0xffff, v20  }
0x62: {  	v57 =	vsel vm14, $0x1, v0;
	v29 =	vadd.s32 v30, v29;
	v39 =	vadd.s32 v48, v39;
	[tilespmem:v36+s13+$0x0] =	vst.idx.msk $0xffff, v1  }
0x63: {  	v58 =	vsel vm0, $0x1, v0;
	v28 =	vadd.s32 v28, v29;
	v20 =	vadd.s32 v57, v32;
	[tilespmem:v33+s12+$0x0] =	vst.idx.msk $0xffff, v19  }
0x64: {  	v59 =	vsel vm3, $0x1, v0;
	v28 =	vadd.s32 v58, v28;
	v20 =	vadd.s32 v35, v20;
	[tilespmem:v33+s13+$0x0] =	vst.idx.msk $0xffff, v2  }
0x65: {  	v19 =	vadd.s32 v59, v27;
	v20 =	vadd.s32 v24, v20;
	[tilespmem:v31+s12+$0x0] =	vst.idx.msk $0xffff, v18  }
0x66: {  	v61 =	vsel vm2, $0x1, v0;
	v60 =	vadd.s32 v38, v19;
	v20 =	vadd.s32 v37, v20;
	[tilespmem:v31+s13+$0x0] =	vst.idx.msk $0xffff, v3  }
0x67: {  	v19 =	vadd.s32 v61, v25;
	v18 =	vadd.s32 v26, v60;
	[tilespmem:v39+s12+$0x0] =	vst.idx.msk $0xffff, v16  }
0x68: {  	v63 =	vadd.s32 v22, v19;
	v62 =	vadd.s32 v34, v18;
	[tilespmem:v39+s13+$0x0] =	vst.idx.msk $0xffff, v4  }
0x69: {  	v18 =	vadd.s32 v21, v63;
	[tilespmem:v28+s12+$0x0] =	vst.idx.msk $0xffff, v15  }
0x6a: {  	v15 =	vadd.s32 v23, v18;
	[tilespmem:v28+s13+$0x0] =	vst.idx.msk $0xffff, v5  }
0x6b: {  	[tilespmem:v20+s12+$0x0] =	vst.idx.msk $0xffff, v17  }
0x6c: {  	[tilespmem:v20+s13+$0x0] =	vst.idx.msk $0xffff, v6  }
0x6d: {  	[tilespmem:v62+s12+$0x0] =	vst.idx.msk $0xffff, v13  }
0x6e: {  	[tilespmem:v62+s13+$0x0] =	vst.idx.msk $0xffff, v7  }
0x6f: {  	[tilespmem:v15+s12+$0x0] =	vst.idx.msk $0xffff, v14  }
0x70: {  	[tilespmem:v15+s13+$0x0] =	vst.idx.msk $0xffff, v8  }
0x71: {  	v13 =	vld.idx.msk [tilespmem:v9+s12+$0x0], $0xffff;
	_ =	sdelay $0x2  }
0x72: {  	_ =	swait.ge [sflag:s14], $0x1F00  }
0x73: {  	[sflag:s14] =	ssyncset.done $0x0  }
0x74: {  	s21 =	simm.s32 $0x0;
	[sflag:s14] =	ssyncadd.s32 $0xFFFFE100;
	v14 =	vperm.xlane v13, v0  }
.LBB2_4:
0x75: {  	s22 =	sshra.s32 s21, $0x2  }
0x76: {  	v30 =	vld [tilespmem:s22+$0x0]  }
0x77: {  	v29 =	vld [tilespmem:s22+$0x10]  }
0x78: {  	v28 =	vld [tilespmem:s22+$0x20]  }
0x79: {  	v27 =	vld [tilespmem:s22+$0x30]  }
0x7a: {  	v26 =	vld [tilespmem:s22+$0x40]  }
0x7b: {  	v25 =	vld [tilespmem:s22+$0x50]  }
0x7c: {  	v24 =	vld [tilespmem:s22+$0x60]  }
0x7d: {  	v23 =	vld [tilespmem:s22+$0x70]  }
0x7e: {  	v22 =	vld [tilespmem:s22+$0x80]  }
0x7f: {  	v21 =	vld [tilespmem:s22+$0x90]  }
0x80: {  	v20 =	vld [tilespmem:s22+$0xA0]  }
0x81: {  	v19 =	vld [tilespmem:s22+$0xB0]  }
0x82: {  	v18 =	vld [tilespmem:s22+$0xC0]  }
0x83: {  	v17 =	vld [tilespmem:s22+$0xD0]  }
0x84: {  	v16 =	vld [tilespmem:s22+$0xE0]  }
0x85: {  	v15 =	vld [tilespmem:s22+$0xF0];
	vm15 =	vlt.s32 v14, v30;
	vm14 =	vlt.s32 v14, v29;
	vm13 =	vlt.s32 v14, v28  }
0x86: {  	vm12 =	vlt.s32 v14, v27;
	vm11 =	vlt.s32 v14, v26;
	vm10 =	vlt.s32 v14, v25  }
0x87: {  	vm9 =	vlt.s32 v14, v24;
	vm8 =	vlt.s32 v14, v23;
	vm7 =	vlt.s32 v14, v22  }
0x88: {  	vm6 =	vlt.s32 v14, v21;
	vm5 =	vlt.s32 v14, v20;
	vm4 =	vlt.s32 v14, v19  }
0x89: {  	vm3 =	vlt.s32 v14, v18;
	vm2 =	vlt.s32 v14, v17;
	vm1 =	vlt.s32 v14, v16  }
0x8a: {  	vm0 =	vlt.s32 v14, v15;
	v31 =	vsel vm15, $0x2, v10;
	v32 =	vsel vm14, $0x2, v10  }
0x8b: {  	v33 =	vsel vm13, $0x2, v10;
	v34 =	vsel vm12, $0x2, v10;
	v35 =	vsel vm11, $0x2, v10  }
0x8c: {  	v36 =	vsel vm10, $0x2, v10;
	v37 =	vsel vm9, $0x2, v10;
	v38 =	vsel vm8, $0x2, v10  }
0x8d: {  	v39 =	vsel vm7, $0x2, v10;
	v40 =	vsel vm6, $0x2, v10;
	v41 =	vsel vm5, $0x2, v10  }
0x8e: {  	v42 =	vsel vm4, $0x2, v10;
	v43 =	vsel vm3, $0x2, v10;
	v44 =	vsel vm2, $0x2, v10  }
0x8f: {  	v45 =	vsel vm1, $0x2, v10;
	v46 =	vsel vm0, $0x2, v10;
	v47 =	vsel vm15, $0x4, v11  }
0x90: {  	v56 =	vsel vm14, $0x4, v11;
	v59 =	vsel vm13, $0x4, v11;
	v31 =	vperm.xlane v13, v31  }
0x91: {  	v61 =	vsel vm12, $0x4, v11;
	v32 =	vperm.xlane v13, v32;
	v55 =	vperm.xlane v13, v33  }
0x92: {  	v63 =	vsel vm11, $0x4, v11;
	v58 =	vperm.xlane v13, v34;
	v35 =	vperm.xlane v13, v35  }
0x93: {  	v50 =	vsel vm10, $0x4, v11;
	v62 =	vperm.xlane v13, v36;
	v49 =	vperm.xlane v13, v37  }
0x94: {  	v52 =	vsel vm9, $0x4, v11;
	v38 =	vperm.xlane v13, v38;
	v53 =	vperm.xlane v13, v39  }
0x95: {  	v54 =	vsel vm8, $0x4, v11;
	v41 =	vperm.xlane v13, v41;
	v44 =	vperm.xlane v13, v44  }
0x96: {  	vm15 =	vlt.s32 v31, v30;
	vm14 =	vlt.s32 v55, v28;
	vm12 =	vlt.s32 v58, v27  }
0x97: {  	vm13 =	vlt.s32 v49, v24;
	v31 =	vsel vm15, $0x2, v10;
	vm15 =	vlt.s32 v32, v29  }
0x98: {  	v60 =	vsel vm14, $0x2, v10;
	v32 =	vsel vm12, $0x2, v10;
	vm12 =	vlt.s32 v35, v26  }
0x99: {  	v35 =	vsel vm13, $0x2, v10;
	vm14 =	vlt.s32 v38, v23;
	v31 =	vadd.s32 v47, v31  }
0x9a: {  	v57 =	vsel vm15, $0x2, v10;
	v34 =	vadd.s32 v59, v60;
	v32 =	vadd.s32 v61, v32  }
0x9b: {  	v48 =	vsel vm12, $0x2, v10;
	vm12 =	vlt.s32 v62, v25;
	v35 =	vadd.s32 v52, v35  }
0x9c: {  	v55 =	vsel vm14, $0x2, v10;
	vm15 =	vlt.s32 v53, v22;
	v59 =	vsel vm6, $0x4, v11  }
0x9d: {  	v60 =	vperm.xlane v13, v42;
	v61 =	vsel vm5, $0x4, v11;
	v52 =	vsel vm2, $0x4, v11  }
0x9e: {  	v33 =	vadd.s32 v56, v57;
	v36 =	vadd.s32 v63, v48;
	v51 =	vsel vm12, $0x2, v10  }
0x9f: {  	v39 =	vadd.s32 v54, v55;
	v56 =	vperm.xlane v13, v40;
	v57 =	vsel vm7, $0x4, v11  }
0xa0: {  	v58 =	vsel vm15, $0x2, v10;
	vm12 =	vlt.s32 v41, v20;
	v63 =	vperm.xlane v13, v43  }
0xa1: {  	v48 =	vsel vm4, $0x4, v11;
	vm15 =	vlt.s32 v44, v17;
	v54 =	vperm.xlane v13, v46  }
0xa2: {  	v55 =	vsel vm1, $0x4, v11;
	v37 =	vadd.s32 v50, v51;
	v40 =	vadd.s32 v57, v58  }
0xa3: {  	v62 =	vsel vm12, $0x2, v10;
	vm13 =	vlt.s32 v60, v19;
	v50 =	vsel vm3, $0x4, v11  }
0xa4: {  	v51 =	vperm.xlane v13, v45;
	v53 =	vsel vm15, $0x2, v10;
	v57 =	vsel vm0, $0x4, v11  }
0xa5: {  	v58 =	vperm.xlane v13, v33;
	v60 =	vperm.xlane v13, v34;
	v33 =	vshll.u32 v33, $0x5  }
0xa6: {  	v34 =	vshll.u32 v34, $0x5;
	vm11 =	vlt.s32 v56, v21;
	v42 =	vadd.s32 v61, v62  }
0xa7: {  	v49 =	vsel vm13, $0x2, v10;
	vm14 =	vlt.s32 v63, v18;
	v45 =	vadd.s32 v52, v53  }
0xa8: {  	vm7 =	vlt.s32 v54, v15;
	v61 =	vperm.xlane v13, v36;
	v63 =	vperm.xlane v13, v37  }
0xa9: {  	v36 =	vshll.u32 v36, $0x5;
	v52 =	vperm.xlane v13, v35;
	v37 =	vshll.u32 v37, $0x5  }
0xaa: {  	v53 =	vperm.xlane v13, v39;
	v35 =	vshll.u32 v35, $0x5;
	v39 =	vshll.u32 v39, $0x5  }
0xab: {  	v38 =	vsel vm11, $0x2, v10;
	v43 =	vadd.s32 v48, v49;
	v41 =	vsel vm14, $0x2, v10  }
0xac: {  	vm6 =	vlt.s32 v51, v16;
	v48 =	vperm.xlane v13, v31;
	v44 =	vsel vm7, $0x2, v10  }
0xad: {  	v31 =	vshll.u32 v31, $0x5;
	vm9 =	vlt.s32 v58, v29;
	v49 =	vperm.xlane v13, v32  }
0xae: {  	vm10 =	vlt.s32 v60, v28;
	v32 =	vshll.u32 v32, $0x5;
	v60 =	vperm.xlane v13, v45  }
0xaf: {  	v45 =	vshll.u32 v45, $0x5;
	v38 =	vadd.s32 v59, v38;
	v41 =	vadd.s32 v50, v41  }
0xb0: {  	v56 =	vsel vm6, $0x2, v10;
	v44 =	vadd.s32 v57, v44;
	v47 =	vsel vm10, $0x20, v12  }
0xb1: {  	vm12 =	vlt.s32 v61, v26;
	vm13 =	vlt.s32 v63, v25;
	vm14 =	vlt.s32 v52, v24  }
0xb2: {  	v50 =	vperm.xlane v13, v40;
	vm15 =	vlt.s32 v53, v23;
	v40 =	vshll.u32 v40, $0x5  }
0xb3: {  	v57 =	vperm.xlane v13, v42;
	v58 =	vperm.xlane v13, v43;
	v42 =	vshll.u32 v42, $0x5  }
0xb4: {  	v43 =	vshll.u32 v43, $0x5;
	v46 =	vadd.s32 v55, v56;
	vm8 =	vlt.s32 v48, v30  }
0xb5: {  	v48 =	vsel vm9, $0x20, v12;
	vm11 =	vlt.s32 v49, v27;
	v34 =	vadd.s32 v34, v47  }
0xb6: {  	v47 =	vsel vm13, $0x20, v12;
	v49 =	vsel vm14, $0x20, v12;
	v54 =	vsel vm15, $0x20, v12  }
0xb7: {  	v56 =	vperm.xlane v13, v38;
	v38 =	vshll.u32 v38, $0x5;
	vm9 =	vlt.s32 v60, v17  }
0xb8: {  	v59 =	vsel vm8, $0x20, v12;
	v33 =	vadd.s32 v33, v48;
	v62 =	vsel vm11, $0x20, v12  }
0xb9: {  	v48 =	vsel vm12, $0x20, v12;
	v37 =	vadd.s32 v37, v47;
	v35 =	vadd.s32 v35, v49  }
0xba: {  	vm4 =	vlt.s32 v50, v22;
	v39 =	vadd.s32 v39, v54;
	vm6 =	vlt.s32 v57, v20  }
0xbb: {  	vm7 =	vlt.s32 v58, v19;
	v63 =	vadd.s32 $0xFFFFFF97, v34;
	v57 =	vperm.xlane v13, v46  }
0xbc: {  	v58 =	vsel vm9, $0x20, v12;
	v46 =	vshll.u32 v46, $0x5;
	v54 =	vperm.xlane v13, v44  }
0xbd: {  	v44 =	vshll.u32 v44, $0x5;
	v31 =	vadd.s32 v31, v59;
	v32 =	vadd.s32 v32, v62  }
0xbe: {  	v36 =	vadd.s32 v36, v48;
	v55 =	vsel vm4, $0x20, v12;
	vm5 =	vlt.s32 v56, v21  }
0xbf: {  	v47 =	vsel vm6, $0x20, v12;
	v48 =	vsel vm7, $0x20, v12;
	v61 =	vadd.s32 $0xFFFFFF97, v33  }
0xc0: {  	v59 =	vperm.xlane v13, v41;
	v41 =	vshll.u32 v41, $0x5;
	v51 =	vadd.s32 $0xFFFFFF97, v31  }
0xc1: {  	v45 =	vadd.s32 v45, v58;
	v40 =	vadd.s32 v40, v55;
	vm10 =	vlt.s32 v57, v16  }
0xc2: {  	vm8 =	vlt.s32 v59, v18;
	v59 =	vadd.s32 $0xFFFFFF97, v36;
	v53 =	vsel vm10, $0x20, v12  }
0xc3: {  	v49 =	vsel vm5, $0x20, v12;
	v46 =	vadd.s32 v46, v53;
	v53 =	vadd.s32 $0xFFFFFF97, v39;
	v60 =	vld.idx.msk [tilespmem:v63+s12+$0x0], $0xffff  }
0xc4: {  	v42 =	vadd.s32 v42, v47;
	v43 =	vadd.s32 v43, v48;
	v55 =	vadd.s32 $0xFFFFFF97, v37;
	v48 =	vld.idx.msk [tilespmem:v61+s12+$0x0], $0xffff  }
0xc5: {  	v52 =	vadd.s32 $0xFFFFFF97, v32;
	vm11 =	vlt.s32 v54, v15;
	v61 =	vadd.s32 $0xFFFFFF97, v35;
	v51 =	vld.idx.msk [tilespmem:v51+s12+$0x0], $0xffff  }
0xc6: {  	v38 =	vadd.s32 v38, v49;
	v54 =	vsel vm11, $0x20, v12;
	v62 =	vsel vm8, $0x20, v12  }
0xc7: {  	v44 =	vadd.s32 v44, v54;
	v56 =	vadd.s32 $0xFFFFFF97, v38;
	v41 =	vadd.s32 v41, v62;
	v47 =	vld.idx.msk [tilespmem:v59+s12+$0x0], $0xffff  }
0xc8: {  	v54 =	vadd.s32 $0xFFFFFF97, v42;
	v62 =	vadd.s32 $0xFFFFFF97, v40;
	v57 =	vadd.s32 $0xFFFFFF97, v41;
	v53 =	vld.idx.msk [tilespmem:v53+s12+$0x0], $0xffff  }
0xc9: {  	vm14 =	vlt.s32 v60, v28;
	v60 =	vadd.s32 $0xFFFFFF97, v43;
	vm13 =	vlt.s32 v48, v29;
	v48 =	vld.idx.msk [tilespmem:v55+s12+$0x0], $0xffff  }
0xca: {  	v49 =	vld.idx.msk [tilespmem:v61+s12+$0x0], $0xffff;
	v61 =	vsel vm14, $0x8, v0;
	vm12 =	vlt.s32 v51, v30;
	v59 =	vsel vm13, $0x8, v0  }
0xcb: {  	v51 =	vld.idx.msk [tilespmem:v52+s12+$0x0], $0xffff;
	v34 =	vor.u32 v61, v34;
	v52 =	vadd.s32 $0xFFFFFF97, v45;
	v61 =	vadd.s32 $0xFFFFFF97, v44  }
0xcc: {  	v63 =	vsel vm12, $0x8, v0;
	v33 =	vor.u32 v59, v33;
	vm4 =	vlt.s32 v47, v26  }
0xcd: {  	v47 =	vld.idx.msk [tilespmem:v56+s12+$0x0], $0xffff;
	v56 =	vadd.s32 $0xFFFFFF97, v46;
	v34 =	vadd.s32 $0xFFFFFF90, v34;
	v31 =	vor.u32 v63, v31  }
0xce: {  	v63 =	vsel vm4, $0x8, v0;
	vm7 =	vlt.s32 v53, v23;
	v33 =	vadd.s32 $0xFFFFFF90, v33  }
0xcf: {  	v55 =	vand.u32 $0x78, v34;
	v36 =	vor.u32 v63, v36;
	v63 =	vsel vm7, $0x8, v0  }
0xd0: {  	v31 =	vadd.s32 $0xFFFFFF90, v31;
	v53 =	vand.u32 $0x78, v33;
	vm5 =	vlt.s32 v48, v25  }
0xd1: {  	v48 =	vld.idx.msk [tilespmem:v54+s12+$0x0], $0xffff;
	vm6 =	vlt.s32 v49, v24;
	v39 =	vor.u32 v63, v39;
	v50 =	vand.u32 $0x78, v31  }
0xd2: {  	v49 =	vld.idx.msk [tilespmem:v60+s12+$0x0], $0xffff;
	v54 =	vor.u32 $0x3, v53;
	v36 =	vadd.s32 $0xFFFFFF90, v36;
	vm15 =	vlt.s32 v51, v27  }
0xd3: {  	v60 =	vld.idx.msk [tilespmem:v57+s12+$0x0], $0xffff;
	v58 =	vsel vm5, $0x8, v0;
	v59 =	vsel vm6, $0x8, v0;
	v39 =	vadd.s32 $0xFFFFFF90, v39  }
0xd4: {  	v51 =	vld.idx.msk [tilespmem:v62+s12+$0x0], $0xffff;
	v62 =	vsel vm15, $0x8, v0;
	v37 =	vor.u32 v58, v37;
	v35 =	vor.u32 v59, v35  }
0xd5: {  	vm9 =	vlt.s32 v47, v21;
	v47 =	vor.u32 $0x3, v50;
	v32 =	vor.u32 v62, v32  }
0xd6: {  	v59 =	vsel vm9, $0x8, v0;
	v37 =	vadd.s32 $0xFFFFFF90, v37;
	v35 =	vadd.s32 $0xFFFFFF90, v35  }
0xd7: {  	v38 =	vor.u32 v59, v38;
	v32 =	vadd.s32 $0xFFFFFF90, v32;
	v59 =	vand.u32 $0x78, v35  }
0xd8: {  	v58 =	vld.idx.msk [tilespmem:v56+s12+$0x0], $0xffff;
	vm10 =	vlt.s32 v48, v20;
	vm11 =	vlt.s32 v49, v19;
	vm12 =	vlt.s32 v60, v18  }
0xd9: {  	v62 =	vld.idx.msk [tilespmem:v52+s12+$0x0], $0xffff;
	v56 =	vand.u32 $0x78, v32;
	v38 =	vadd.s32 $0xFFFFFF90, v38;
	v53 =	vor.u32 $0x3, v59  }
0xda: {  	vm8 =	vlt.s32 v51, v22;
	v48 =	vsel vm10, $0x8, v0;
	v49 =	vsel vm11, $0x8, v0  }
0xdb: {  	v60 =	vld.idx.msk [tilespmem:v61+s12+$0x0], $0xffff;
	v61 =	vsel vm12, $0x8, v0;
	v50 =	vor.u32 $0x3, v56;
	v57 =	vsel vm8, $0x8, v0  }
0xdc: {  	v42 =	vor.u32 v48, v42;
	v43 =	vor.u32 v49, v43;
	v41 =	vor.u32 v61, v41  }
0xdd: {  	vm14 =	vlt.s32 v58, v16;
	v49 =	vor.u32 $0x3, v55;
	v58 =	vand.u32 $0x78, v37  }
0xde: {  	v40 =	vor.u32 v57, v40;
	vm13 =	vlt.s32 v62, v17;
	v63 =	vsel vm14, $0x8, v0  }
0xdf: {  	v57 =	vand.u32 $0x78, v36;
	v42 =	vadd.s32 $0xFFFFFF90, v42;
	v43 =	vadd.s32 $0xFFFFFF90, v43  }
0xe0: {  	v47 =	vld.idx.msk [tilespmem:v47+s12+$0x0], $0xffff;
	v41 =	vadd.s32 $0xFFFFFF90, v41;
	v62 =	vsel vm13, $0x8, v0;
	v46 =	vor.u32 v63, v46  }
0xe1: {  	v48 =	vld.idx.msk [tilespmem:v54+s12+$0x0], $0xffff;
	v40 =	vadd.s32 $0xFFFFFF90, v40;
	v51 =	vor.u32 $0x3, v57;
	v63 =	vand.u32 $0x78, v42  }
0xe2: {  	v45 =	vor.u32 v62, v45;
	vm15 =	vlt.s32 v60, v15;
	v60 =	vand.u32 $0x78, v39  }
0xe3: {  	v46 =	vadd.s32 $0xFFFFFF90, v46;
	v53 =	vld.idx.msk [tilespmem:v53+s12+$0x0], $0xffff;
	v55 =	vor.u32 $0x3, v63;
	v52 =	vsel vm15, $0x8, v0  }
0xe4: {  	v61 =	vand.u32 $0x78, v40;
	v44 =	vor.u32 v52, v44;
	v49 =	vld.idx.msk [tilespmem:v49+s12+$0x0], $0xffff;
	v52 =	vor.u32 $0x3, v58  }
0xe5: {  	v62 =	vand.u32 $0x78, v38;
	v45 =	vadd.s32 $0xFFFFFF90, v45;
	vm4 =	vlt.s32 v47, v30;
	v47 =	vld.idx.msk [tilespmem:v50+s12+$0x0], $0xffff  }
0xe6: {  	v50 =	vor.u32 $0x3, v60;
	vm5 =	vlt.s32 v48, v29;
	v48 =	vor.u32 $0x3, v61  }
0xe7: {  	v44 =	vadd.s32 $0xFFFFFF90, v44;
	v54 =	vsel vm4, $0x4, v0;
	v60 =	vsel vm5, $0x4, v0;
	v51 =	vld.idx.msk [tilespmem:v51+s12+$0x0], $0xffff  }
0xe8: {  	v31 =	vor.u32 v31, v54;
	v33 =	vor.u32 v33, v60;
	vm10 =	vlt.s32 v53, v24;
	v60 =	vld.idx.msk [tilespmem:v55+s12+$0x0], $0xffff  }
0xe9: {  	v55 =	vand.u32 $0x78, v45;
	vm6 =	vlt.s32 v49, v28;
	v49 =	vld.idx.msk [tilespmem:v52+s12+$0x0], $0xffff;
	v52 =	vor.u32 $0x3, v62  }
0xea: {  	vm7 =	vlt.s32 v47, v27;
	v62 =	vand.u32 $0x78, v43;
	v61 =	vsel vm6, $0x4, v0  }
0xeb: {  	v48 =	vld.idx.msk [tilespmem:v48+s12+$0x0], $0xffff;
	v63 =	vsel vm7, $0x4, v0;
	v47 =	vor.u32 $0x3, v62;
	v62 =	vsel vm10, $0x4, v0  }
0xec: {  	v50 =	vld.idx.msk [tilespmem:v50+s12+$0x0], $0xffff;
	v34 =	vor.u32 v34, v61;
	vm8 =	vlt.s32 v51, v26;
	v32 =	vor.u32 v32, v63  }
0xed: {  	v61 =	vand.u32 $0x78, v41;
	v35 =	vor.u32 v35, v62;
	v62 =	vand.u32 $0x7C, v33  }
0xee: {  	v57 =	vsel vm8, $0x4, v0;
	v63 =	vor.u32 $0x3, v61;
	vm14 =	vlt.s32 v60, v20  }
0xef: {  	v60 =	vand.u32 $0x7C, v31;
	v36 =	vor.u32 v36, v57;
	v57 =	vsel vm14, $0x4, v0  }
0xf0: {  	v51 =	vor.u32 $0x1, v60;
	v58 =	vld.idx.msk [tilespmem:v52+s12+$0x0], $0xffff;
	vm12 =	vlt.s32 v48, v22;
	v48 =	vor.u32 $0x3, v55  }
0xf1: {  	vm9 =	vlt.s32 v49, v25;
	vm11 =	vlt.s32 v50, v23;
	v42 =	vor.u32 v42, v57;
	v47 =	vld.idx.msk [tilespmem:v47+s12+$0x0], $0xffff  }
0xf2: {  	v57 =	vand.u32 $0x7C, v32;
	v59 =	vsel vm9, $0x4, v0;
	v54 =	vsel vm11, $0x4, v0  }
0xf3: {  	v56 =	vsel vm12, $0x4, v0;
	v53 =	vor.u32 $0x1, v57;
	v37 =	vor.u32 v37, v59  }
0xf4: {  	v39 =	vor.u32 v39, v54;
	v40 =	vor.u32 v40, v56;
	v50 =	vld.idx.msk [tilespmem:v63+s12+$0x0], $0xffff;
	v63 =	vor.u32 $0x1, v62  }
0xf5: {  	v59 =	vand.u32 $0x78, v44;
	vm13 =	vlt.s32 v58, v21;
	v58 =	vand.u32 $0x78, v46;
	v48 =	vld.idx.msk [tilespmem:v48+s12+$0x0], $0xffff  }
0xf6: {  	v49 =	vsel vm13, $0x4, v0;
	vm15 =	vlt.s32 v47, v19;
	v47 =	vor.u32 $0x3, v59  }
0xf7: {  	v56 =	vand.u32 $0x7C, v34;
	v38 =	vor.u32 v38, v49;
	v49 =	vor.u32 $0x3, v58  }
0xf8: {  	v60 =	vand.u32 $0x7C, v37;
	v59 =	vand.u32 $0x7C, v36;
	v61 =	vsel vm15, $0x4, v0  }
0xf9: {  	v54 =	vor.u32 $0x1, v59;
	vm4 =	vlt.s32 v50, v18;
	v50 =	vor.u32 $0x1, v56;
	v52 =	vld.idx.msk [tilespmem:v63+s12+$0x0], $0xffff  }
0xfa: {  	v43 =	vor.u32 v43, v61;
	v61 =	vand.u32 $0x7C, v35;
	vm5 =	vlt.s32 v48, v17;
	v48 =	vld.idx.msk [tilespmem:v51+s12+$0x0], $0xffff  }
0xfb: {  	v59 =	vand.u32 $0x7C, v42;
	v63 =	vand.u32 $0x7C, v39;
	v55 =	vor.u32 $0x1, v61;
	v47 =	vld.idx.msk [tilespmem:v47+s12+$0x0], $0xffff  }
0xfc: {  	v58 =	vsel vm4, $0x4, v0;
	v56 =	vor.u32 $0x1, v63;
	v61 =	vand.u32 $0x7C, v38;
	v49 =	vld.idx.msk [tilespmem:v49+s12+$0x0], $0xffff  }
0xfd: {  	v41 =	vor.u32 v41, v58;
	v51 =	vor.u32 $0x1, v60;
	v62 =	vsel vm5, $0x4, v0  }
0xfe: {  	v60 =	vand.u32 $0x7C, v40;
	v57 =	vor.u32 $0x1, v61;
	v45 =	vor.u32 v45, v62;
	v50 =	vld.idx.msk [tilespmem:v50+s12+$0x0], $0xffff  }
0xff: {  	v54 =	vld.idx.msk [tilespmem:v54+s12+$0x0], $0xffff;
	v62 =	vand.u32 $0x7C, v43;
	v61 =	vand.u32 $0x7C, v45;
	vm9 =	vlt.s32 v52, v29  }
0x100: {  	vm8 =	vlt.s32 v48, v30;
	vm7 =	vlt.s32 v47, v15;
	v47 =	vld.idx.msk [tilespmem:v55+s12+$0x0], $0xffff;
	v55 =	vor.u32 $0x1, v62  }
0x101: {  	v52 =	vsel vm8, $0x2, v0;
	vm6 =	vlt.s32 v49, v16;
	v49 =	vld.idx.msk [tilespmem:v53+s12+$0x0], $0xffff;
	v53 =	vor.u32 $0x1, v60  }
0x102: {  	v56 =	vld.idx.msk [tilespmem:v56+s12+$0x0], $0xffff;
	v60 =	vsel vm7, $0x4, v0;
	v31 =	vor.u32 v31, v52;
	v58 =	vsel vm6, $0x4, v0  }
0x103: {  	v51 =	vld.idx.msk [tilespmem:v51+s12+$0x0], $0xffff;
	v44 =	vor.u32 v44, v60;
	v60 =	vor.u32 $0x1, v61;
	vm10 =	vlt.s32 v50, v28  }
0x104: {  	v48 =	vld.idx.msk [tilespmem:v57+s12+$0x0], $0xffff;
	v46 =	vor.u32 v46, v58;
	v58 =	vor.u32 $0x1, v59;
	v59 =	vand.u32 $0x7C, v41  }
0x105: {  	vm12 =	vlt.s32 v54, v26;
	v62 =	vsel vm10, $0x2, v0;
	v59 =	vor.u32 $0x1, v59;
	v52 =	vld.idx.msk [tilespmem:v55+s12+$0x0], $0xffff  }
0x106: {  	v61 =	vand.u32 $0x7C, v46;
	v34 =	vor.u32 v34, v62;
	v55 =	vsel vm12, $0x2, v0;
	v53 =	vld.idx.msk [tilespmem:v53+s12+$0x0], $0xffff  }
0x107: {  	v57 =	vor.u32 $0x1, v61;
	v61 =	vand.u32 $0x7C, v44;
	v36 =	vor.u32 v36, v55;
	v55 =	vld.idx.msk [tilespmem:v31+s12+$0x0], $0xffff  }
0x108: {  	v63 =	vsel vm9, $0x2, v0;
	v61 =	vor.u32 $0x1, v61;
	v54 =	vld.idx.msk [tilespmem:v60+s12+$0x0], $0xffff  }
0x109: {  	v33 =	vor.u32 v33, v63;
	vm11 =	vlt.s32 v49, v27;
	v58 =	vld.idx.msk [tilespmem:v58+s12+$0x0], $0xffff  }
0x10a: {  	vm13 =	vlt.s32 v51, v25;
	vm14 =	vlt.s32 v47, v24;
	v63 =	vsel vm11, $0x2, v0;
	v50 =	vld.idx.msk [tilespmem:v59+s12+$0x0], $0xffff  }
0x10b: {  	vm5 =	vlt.s32 v48, v21;
	v60 =	vsel vm14, $0x2, v0;
	v32 =	vor.u32 v32, v63;
	v48 =	vld.idx.msk [tilespmem:v34+s12+$0x0], $0xffff  }
0x10c: {  	v35 =	vor.u32 v35, v60;
	v63 =	vsel vm5, $0x2, v0;
	v59 =	vsel vm13, $0x2, v0;
	v51 =	vld.idx.msk [tilespmem:v57+s12+$0x0], $0xffff  }
0x10d: {  	vm15 =	vlt.s32 v56, v23;
	v38 =	vor.u32 v38, v63;
	v37 =	vor.u32 v37, v59;
	v47 =	vld.idx.msk [tilespmem:v61+s12+$0x0], $0xffff  }
0x10e: {  	vm7 =	vlt.s32 v52, v19;
	v61 =	vsel vm15, $0x2, v0;
	vm4 =	vlt.s32 v53, v22;
	v53 =	vld.idx.msk [tilespmem:v33+s12+$0x0], $0xffff  }
0x10f: {  	v52 =	vld.idx.msk [tilespmem:v36+s12+$0x0], $0xffff;
	vm8 =	vlt.s32 v55, v30;
	v39 =	vor.u32 v39, v61;
	v62 =	vsel vm4, $0x2, v0  }
0x110: {  	v61 =	vsel vm7, $0x2, v0;
	vm10 =	vlt.s32 v54, v17;
	v40 =	vor.u32 v40, v62;
	v56 =	vld.idx.msk [tilespmem:v32+s12+$0x0], $0xffff  }
0x111: {  	v43 =	vor.u32 v43, v61;
	v62 =	vsel vm8, $0x1, v0;
	vm9 =	vlt.s32 v50, v18;
	v50 =	vld.idx.msk [tilespmem:v35+s12+$0x0], $0xffff  }
0x112: {  	vm6 =	vlt.s32 v58, v20;
	v55 =	vsel vm10, $0x2, v0;
	v31 =	vor.u32 v62, v31;
	v30 =	vld.idx.msk [tilespmem:v37+s12+$0x0], $0xffff  }
0x113: {  	v60 =	vsel vm6, $0x2, v0;
	v45 =	vor.u32 v45, v55;
	vm12 =	vlt.s32 v47, v15;
	v47 =	vld.idx.msk [tilespmem:v38+s12+$0x0], $0xffff  }
0x114: {  	v42 =	vor.u32 v42, v60;
	v63 =	vsel vm9, $0x2, v0;
	vm11 =	vlt.s32 v51, v16;
	v54 =	vld.idx.msk [tilespmem:v39+s12+$0x0], $0xffff  }
0x115: {  	v41 =	vor.u32 v41, v63;
	v57 =	vsel vm11, $0x2, v0;
	v51 =	vld.idx.msk [tilespmem:v40+s12+$0x0], $0xffff  }
0x116: {  	vm13 =	vlt.s32 v53, v29;
	v46 =	vor.u32 v46, v57;
	v58 =	vsel vm12, $0x2, v0;
	v29 =	vld.idx.msk [tilespmem:v43+s12+$0x0], $0xffff  }
0x117: {  	v59 =	vsel vm13, $0x1, v0;
	v44 =	vor.u32 v44, v58;
	v31 =	vld.idx.msk [tilespmem:v31+s13+$0x0], $0xffff  }
0x118: {  	v33 =	vor.u32 v59, v33;
	v61 =	vld.idx.msk [tilespmem:v45+s12+$0x0], $0xffff  }
0x119: {  	v55 =	vld.idx.msk [tilespmem:v42+s12+$0x0], $0xffff  }
0x11a: {  	v60 =	vld.idx.msk [tilespmem:v41+s12+$0x0], $0xffff  }
0x11b: {  	v62 =	vld.idx.msk [tilespmem:v46+s12+$0x0], $0xffff  }
0x11c: {  	vm14 =	vlt.s32 v48, v28;
	v63 =	vld.idx.msk [tilespmem:v44+s12+$0x0], $0xffff;
	[tilespmem:s22+$0x3E00] =	vst v31  }
0x11d: {  	v28 =	vsel vm14, $0x1, v0;
	v31 =	vld.idx.msk [tilespmem:v33+s13+$0x0], $0xffff  }
0x11e: {  	v28 =	vor.u32 v28, v34;
	_ =	sdelay $0x3  }
0x11f: {  	vm15 =	vlt.s32 v56, v27;
	[tilespmem:s22+$0x3E10] =	vst v31  }
0x120: {  	v27 =	vsel vm15, $0x1, v0;
	v28 =	vld.idx.msk [tilespmem:v28+s13+$0x0], $0xffff  }
0x121: {  	v27 =	vor.u32 v27, v32;
	_ =	sdelay $0x3  }
0x122: {  	vm4 =	vlt.s32 v52, v26;
	[tilespmem:s22+$0x3E20] =	vst v28  }
0x123: {  	v26 =	vsel vm4, $0x1, v0;
	v27 =	vld.idx.msk [tilespmem:v27+s13+$0x0], $0xffff  }
0x124: {  	v26 =	vor.u32 v26, v36;
	_ =	sdelay $0x3  }
0x125: {  	vm5 =	vlt.s32 v30, v25;
	[tilespmem:s22+$0x3E30] =	vst v27  }
0x126: {  	v25 =	vsel vm5, $0x1, v0;
	v26 =	vld.idx.msk [tilespmem:v26+s13+$0x0], $0xffff  }
0x127: {  	v25 =	vor.u32 v25, v37;
	_ =	sdelay $0x3  }
0x128: {  	vm6 =	vlt.s32 v50, v24;
	[tilespmem:s22+$0x3E40] =	vst v26  }
0x129: {  	v24 =	vsel vm6, $0x1, v0;
	v25 =	vld.idx.msk [tilespmem:v25+s13+$0x0], $0xffff  }
0x12a: {  	v24 =	vor.u32 v24, v35;
	_ =	sdelay $0x3  }
0x12b: {  	vm7 =	vlt.s32 v54, v23;
	[tilespmem:s22+$0x3E50] =	vst v25  }
0x12c: {  	v23 =	vsel vm7, $0x1, v0;
	v24 =	vld.idx.msk [tilespmem:v24+s13+$0x0], $0xffff  }
0x12d: {  	v23 =	vor.u32 v23, v39;
	_ =	sdelay $0x3  }
0x12e: {  	vm8 =	vlt.s32 v51, v22;
	[tilespmem:s22+$0x3E60] =	vst v24  }
0x12f: {  	v22 =	vsel vm8, $0x1, v0;
	v23 =	vld.idx.msk [tilespmem:v23+s13+$0x0], $0xffff  }
0x130: {  	v22 =	vor.u32 v22, v40;
	_ =	sdelay $0x3  }
0x131: {  	vm9 =	vlt.s32 v47, v21;
	[tilespmem:s22+$0x3E70] =	vst v23  }
0x132: {  	v21 =	vsel vm9, $0x1, v0;
	v22 =	vld.idx.msk [tilespmem:v22+s13+$0x0], $0xffff  }
0x133: {  	v21 =	vor.u32 v21, v38;
	_ =	sdelay $0x3  }
0x134: {  	vm10 =	vlt.s32 v55, v20;
	[tilespmem:s22+$0x3E80] =	vst v22  }
0x135: {  	v20 =	vsel vm10, $0x1, v0;
	v21 =	vld.idx.msk [tilespmem:v21+s13+$0x0], $0xffff  }
0x136: {  	v20 =	vor.u32 v20, v42;
	_ =	sdelay $0x3  }
0x137: {  	vm11 =	vlt.s32 v29, v19;
	[tilespmem:s22+$0x3E90] =	vst v21  }
0x138: {  	v19 =	vsel vm11, $0x1, v0;
	v20 =	vld.idx.msk [tilespmem:v20+s13+$0x0], $0xffff  }
0x139: {  	v19 =	vor.u32 v19, v43;
	_ =	sdelay $0x3  }
0x13a: {  	vm12 =	vlt.s32 v60, v18;
	[tilespmem:s22+$0x3EA0] =	vst v20  }
0x13b: {  	v18 =	vsel vm12, $0x1, v0;
	v19 =	vld.idx.msk [tilespmem:v19+s13+$0x0], $0xffff  }
0x13c: {  	v18 =	vor.u32 v18, v41;
	_ =	sdelay $0x3  }
0x13d: {  	vm13 =	vlt.s32 v61, v17;
	[tilespmem:s22+$0x3EB0] =	vst v19  }
0x13e: {  	v17 =	vsel vm13, $0x1, v0;
	v18 =	vld.idx.msk [tilespmem:v18+s13+$0x0], $0xffff  }
0x13f: {  	v17 =	vor.u32 v17, v45;
	_ =	sdelay $0x3  }
0x140: {  	vm14 =	vlt.s32 v62, v16;
	[tilespmem:s22+$0x3EC0] =	vst v18  }
0x141: {  	v16 =	vsel vm14, $0x1, v0;
	v17 =	vld.idx.msk [tilespmem:v17+s13+$0x0], $0xffff  }
0x142: {  	v16 =	vor.u32 v16, v46;
	_ =	sdelay $0x3  }
0x143: {  	vm15 =	vlt.s32 v63, v15;
	[tilespmem:s22+$0x3ED0] =	vst v17  }
0x144: {  	v15 =	vsel vm15, $0x1, v0;
	v16 =	vld.idx.msk [tilespmem:v16+s13+$0x0], $0xffff  }
0x145: {  	v15 =	vor.u32 v15, v44;
	_ =	sdelay $0x3  }
0x146: {  	[tilespmem:s22+$0x3EE0] =	vst v16  }
0x147: {  	p0 =	sne.s32 s21, $0x7800;
	v15 =	vld.idx.msk [tilespmem:v15+s13+$0x0], $0xffff  }
.Ltmp1:
0x148: {  	_ = 	snop;
	(pc) =	sbr.rel @p0 .LBB2_4-.Ltmp1, $2  }
0x149: {  	_ =	sdelay $0x2  }
0x14a: {  	s21 =	sadd.s32 $0x400, s21;
	[tilespmem:s22+$0x3EF0] =	vst v15  }
0x14b: {  	s21 =	simm.s32 $0x0  }
0x14c: {  	[hbm4b:s6+s21] =	stream.linear.scatter [tilespmem:s15], [sflag:$0x3], $0x1F00, $0x38;
	[tilespmem:$0x7D80] =	vst v63  }
0x14d: {  	_ =	swait.ge [sflag:s16], $0x1F00  }
0x14e: {  	[sflag:s16] =	ssyncset.done $0x0  }
0x14f: {  	[sflag:s16] =	ssyncadd.s32 $0xFFFFE100  }
.LBB2_6:
0x150: {  	s22 =	sshra.s32 s21, $0x2  }
0x151: {  	v30 =	vld [tilespmem:s22+$0x1F00]  }
0x152: {  	v29 =	vld [tilespmem:s22+$0x1F10]  }
0x153: {  	v28 =	vld [tilespmem:s22+$0x1F20]  }
0x154: {  	v27 =	vld [tilespmem:s22+$0x1F30]  }
0x155: {  	v26 =	vld [tilespmem:s22+$0x1F40]  }
0x156: {  	v25 =	vld [tilespmem:s22+$0x1F50]  }
0x157: {  	v24 =	vld [tilespmem:s22+$0x1F60]  }
0x158: {  	v23 =	vld [tilespmem:s22+$0x1F70]  }
0x159: {  	v22 =	vld [tilespmem:s22+$0x1F80]  }
0x15a: {  	v21 =	vld [tilespmem:s22+$0x1F90]  }
0x15b: {  	v20 =	vld [tilespmem:s22+$0x1FA0]  }
0x15c: {  	v19 =	vld [tilespmem:s22+$0x1FB0]  }
0x15d: {  	v18 =	vld [tilespmem:s22+$0x1FC0]  }
0x15e: {  	v17 =	vld [tilespmem:s22+$0x1FD0]  }
0x15f: {  	v16 =	vld [tilespmem:s22+$0x1FE0]  }
0x160: {  	v15 =	vld [tilespmem:s22+$0x1FF0];
	vm15 =	vlt.s32 v14, v30;
	vm14 =	vlt.s32 v14, v29;
	vm13 =	vlt.s32 v14, v28  }
0x161: {  	vm12 =	vlt.s32 v14, v27;
	vm11 =	vlt.s32 v14, v26;
	vm10 =	vlt.s32 v14, v25  }
0x162: {  	vm9 =	vlt.s32 v14, v24;
	vm8 =	vlt.s32 v14, v23;
	vm7 =	vlt.s32 v14, v22  }
0x163: {  	vm6 =	vlt.s32 v14, v21;
	vm5 =	vlt.s32 v14, v20;
	vm4 =	vlt.s32 v14, v19  }
0x164: {  	vm3 =	vlt.s32 v14, v18;
	vm2 =	vlt.s32 v14, v17;
	vm1 =	vlt.s32 v14, v16  }
0x165: {  	vm0 =	vlt.s32 v14, v15;
	v31 =	vsel vm15, $0x2, v10;
	v32 =	vsel vm14, $0x2, v10  }
0x166: {  	v33 =	vsel vm13, $0x2, v10;
	v34 =	vsel vm12, $0x2, v10;
	v35 =	vsel vm11, $0x2, v10  }
0x167: {  	v36 =	vsel vm10, $0x2, v10;
	v37 =	vsel vm9, $0x2, v10;
	v38 =	vsel vm8, $0x2, v10  }
0x168: {  	v39 =	vsel vm7, $0x2, v10;
	v40 =	vsel vm6, $0x2, v10;
	v41 =	vsel vm5, $0x2, v10  }
0x169: {  	v42 =	vsel vm4, $0x2, v10;
	v43 =	vsel vm3, $0x2, v10;
	v44 =	vsel vm2, $0x2, v10  }
0x16a: {  	v45 =	vsel vm1, $0x2, v10;
	v46 =	vsel vm0, $0x2, v10;
	v47 =	vsel vm15, $0x4, v11  }
0x16b: {  	v56 =	vsel vm14, $0x4, v11;
	v59 =	vsel vm13, $0x4, v11;
	v31 =	vperm.xlane v13, v31  }
0x16c: {  	v61 =	vsel vm12, $0x4, v11;
	v32 =	vperm.xlane v13, v32;
	v55 =	vperm.xlane v13, v33  }
0x16d: {  	v63 =	vsel vm11, $0x4, v11;
	v58 =	vperm.xlane v13, v34;
	v35 =	vperm.xlane v13, v35  }
0x16e: {  	v50 =	vsel vm10, $0x4, v11;
	v62 =	vperm.xlane v13, v36;
	v49 =	vperm.xlane v13, v37  }
0x16f: {  	v52 =	vsel vm9, $0x4, v11;
	v38 =	vperm.xlane v13, v38;
	v53 =	vperm.xlane v13, v39  }
0x170: {  	v54 =	vsel vm8, $0x4, v11;
	v41 =	vperm.xlane v13, v41;
	v44 =	vperm.xlane v13, v44  }
0x171: {  	vm15 =	vlt.s32 v31, v30;
	vm14 =	vlt.s32 v55, v28;
	vm12 =	vlt.s32 v58, v27  }
0x172: {  	vm13 =	vlt.s32 v49, v24;
	v31 =	vsel vm15, $0x2, v10;
	vm15 =	vlt.s32 v32, v29  }
0x173: {  	v60 =	vsel vm14, $0x2, v10;
	v32 =	vsel vm12, $0x2, v10;
	vm12 =	vlt.s32 v35, v26  }
0x174: {  	v35 =	vsel vm13, $0x2, v10;
	vm14 =	vlt.s32 v38, v23;
	v31 =	vadd.s32 v47, v31  }
0x175: {  	v57 =	vsel vm15, $0x2, v10;
	v34 =	vadd.s32 v59, v60;
	v32 =	vadd.s32 v61, v32  }
0x176: {  	v48 =	vsel vm12, $0x2, v10;
	vm12 =	vlt.s32 v62, v25;
	v35 =	vadd.s32 v52, v35  }
0x177: {  	v55 =	vsel vm14, $0x2, v10;
	vm15 =	vlt.s32 v53, v22;
	v59 =	vsel vm6, $0x4, v11  }
0x178: {  	v60 =	vperm.xlane v13, v42;
	v61 =	vsel vm5, $0x4, v11;
	v52 =	vsel vm2, $0x4, v11  }
0x179: {  	v33 =	vadd.s32 v56, v57;
	v36 =	vadd.s32 v63, v48;
	v51 =	vsel vm12, $0x2, v10  }
0x17a: {  	v39 =	vadd.s32 v54, v55;
	v56 =	vperm.xlane v13, v40;
	v57 =	vsel vm7, $0x4, v11  }
0x17b: {  	v58 =	vsel vm15, $0x2, v10;
	vm12 =	vlt.s32 v41, v20;
	v63 =	vperm.xlane v13, v43  }
0x17c: {  	v48 =	vsel vm4, $0x4, v11;
	vm15 =	vlt.s32 v44, v17;
	v54 =	vperm.xlane v13, v46  }
0x17d: {  	v55 =	vsel vm1, $0x4, v11;
	v37 =	vadd.s32 v50, v51;
	v40 =	vadd.s32 v57, v58  }
0x17e: {  	v62 =	vsel vm12, $0x2, v10;
	vm13 =	vlt.s32 v60, v19;
	v50 =	vsel vm3, $0x4, v11  }
0x17f: {  	v51 =	vperm.xlane v13, v45;
	v53 =	vsel vm15, $0x2, v10;
	v57 =	vsel vm0, $0x4, v11  }
0x180: {  	v58 =	vperm.xlane v13, v33;
	v60 =	vperm.xlane v13, v34;
	v33 =	vshll.u32 v33, $0x5  }
0x181: {  	v34 =	vshll.u32 v34, $0x5;
	vm11 =	vlt.s32 v56, v21;
	v42 =	vadd.s32 v61, v62  }
0x182: {  	v49 =	vsel vm13, $0x2, v10;
	vm14 =	vlt.s32 v63, v18;
	v45 =	vadd.s32 v52, v53  }
0x183: {  	vm7 =	vlt.s32 v54, v15;
	v61 =	vperm.xlane v13, v36;
	v63 =	vperm.xlane v13, v37  }
0x184: {  	v36 =	vshll.u32 v36, $0x5;
	v52 =	vperm.xlane v13, v35;
	v37 =	vshll.u32 v37, $0x5  }
0x185: {  	v53 =	vperm.xlane v13, v39;
	v35 =	vshll.u32 v35, $0x5;
	v39 =	vshll.u32 v39, $0x5  }
0x186: {  	v38 =	vsel vm11, $0x2, v10;
	v43 =	vadd.s32 v48, v49;
	v41 =	vsel vm14, $0x2, v10  }
0x187: {  	vm6 =	vlt.s32 v51, v16;
	v48 =	vperm.xlane v13, v31;
	v44 =	vsel vm7, $0x2, v10  }
0x188: {  	v31 =	vshll.u32 v31, $0x5;
	vm9 =	vlt.s32 v58, v29;
	v49 =	vperm.xlane v13, v32  }
0x189: {  	vm10 =	vlt.s32 v60, v28;
	v32 =	vshll.u32 v32, $0x5;
	v60 =	vperm.xlane v13, v45  }
0x18a: {  	v45 =	vshll.u32 v45, $0x5;
	v38 =	vadd.s32 v59, v38;
	v41 =	vadd.s32 v50, v41  }
0x18b: {  	v56 =	vsel vm6, $0x2, v10;
	v44 =	vadd.s32 v57, v44;
	v47 =	vsel vm10, $0x20, v12  }
0x18c: {  	vm12 =	vlt.s32 v61, v26;
	vm13 =	vlt.s32 v63, v25;
	vm14 =	vlt.s32 v52, v24  }
0x18d: {  	v50 =	vperm.xlane v13, v40;
	vm15 =	vlt.s32 v53, v23;
	v40 =	vshll.u32 v40, $0x5  }
0x18e: {  	v57 =	vperm.xlane v13, v42;
	v58 =	vperm.xlane v13, v43;
	v42 =	vshll.u32 v42, $0x5  }
0x18f: {  	v43 =	vshll.u32 v43, $0x5;
	v46 =	vadd.s32 v55, v56;
	vm8 =	vlt.s32 v48, v30  }
0x190: {  	v48 =	vsel vm9, $0x20, v12;
	vm11 =	vlt.s32 v49, v27;
	v34 =	vadd.s32 v34, v47  }
0x191: {  	v47 =	vsel vm13, $0x20, v12;
	v49 =	vsel vm14, $0x20, v12;
	v54 =	vsel vm15, $0x20, v12  }
0x192: {  	v56 =	vperm.xlane v13, v38;
	v38 =	vshll.u32 v38, $0x5;
	vm9 =	vlt.s32 v60, v17  }
0x193: {  	v59 =	vsel vm8, $0x20, v12;
	v33 =	vadd.s32 v33, v48;
	v62 =	vsel vm11, $0x20, v12  }
0x194: {  	v48 =	vsel vm12, $0x20, v12;
	v37 =	vadd.s32 v37, v47;
	v35 =	vadd.s32 v35, v49  }
0x195: {  	vm4 =	vlt.s32 v50, v22;
	v39 =	vadd.s32 v39, v54;
	vm6 =	vlt.s32 v57, v20  }
0x196: {  	vm7 =	vlt.s32 v58, v19;
	v63 =	vadd.s32 $0xFFFFFF97, v34;
	v57 =	vperm.xlane v13, v46  }
0x197: {  	v58 =	vsel vm9, $0x20, v12;
	v46 =	vshll.u32 v46, $0x5;
	v54 =	vperm.xlane v13, v44  }
0x198: {  	v44 =	vshll.u32 v44, $0x5;
	v31 =	vadd.s32 v31, v59;
	v32 =	vadd.s32 v32, v62  }
0x199: {  	v36 =	vadd.s32 v36, v48;
	v55 =	vsel vm4, $0x20, v12;
	vm5 =	vlt.s32 v56, v21  }
0x19a: {  	v47 =	vsel vm6, $0x20, v12;
	v48 =	vsel vm7, $0x20, v12;
	v61 =	vadd.s32 $0xFFFFFF97, v33  }
0x19b: {  	v59 =	vperm.xlane v13, v41;
	v41 =	vshll.u32 v41, $0x5;
	v51 =	vadd.s32 $0xFFFFFF97, v31  }
0x19c: {  	v45 =	vadd.s32 v45, v58;
	v40 =	vadd.s32 v40, v55;
	vm10 =	vlt.s32 v57, v16  }
0x19d: {  	vm8 =	vlt.s32 v59, v18;
	v59 =	vadd.s32 $0xFFFFFF97, v36;
	v53 =	vsel vm10, $0x20, v12  }
0x19e: {  	v49 =	vsel vm5, $0x20, v12;
	v46 =	vadd.s32 v46, v53;
	v53 =	vadd.s32 $0xFFFFFF97, v39;
	v60 =	vld.idx.msk [tilespmem:v63+s12+$0x0], $0xffff  }
0x19f: {  	v42 =	vadd.s32 v42, v47;
	v43 =	vadd.s32 v43, v48;
	v55 =	vadd.s32 $0xFFFFFF97, v37;
	v48 =	vld.idx.msk [tilespmem:v61+s12+$0x0], $0xffff  }
0x1a0: {  	v52 =	vadd.s32 $0xFFFFFF97, v32;
	vm11 =	vlt.s32 v54, v15;
	v61 =	vadd.s32 $0xFFFFFF97, v35;
	v51 =	vld.idx.msk [tilespmem:v51+s12+$0x0], $0xffff  }
0x1a1: {  	v38 =	vadd.s32 v38, v49;
	v54 =	vsel vm11, $0x20, v12;
	v62 =	vsel vm8, $0x20, v12  }
0x1a2: {  	v44 =	vadd.s32 v44, v54;
	v56 =	vadd.s32 $0xFFFFFF97, v38;
	v41 =	vadd.s32 v41, v62;
	v47 =	vld.idx.msk [tilespmem:v59+s12+$0x0], $0xffff  }
0x1a3: {  	v54 =	vadd.s32 $0xFFFFFF97, v42;
	v62 =	vadd.s32 $0xFFFFFF97, v40;
	v57 =	vadd.s32 $0xFFFFFF97, v41;
	v53 =	vld.idx.msk [tilespmem:v53+s12+$0x0], $0xffff  }
0x1a4: {  	vm14 =	vlt.s32 v60, v28;
	v60 =	vadd.s32 $0xFFFFFF97, v43;
	vm13 =	vlt.s32 v48, v29;
	v48 =	vld.idx.msk [tilespmem:v55+s12+$0x0], $0xffff  }
0x1a5: {  	v49 =	vld.idx.msk [tilespmem:v61+s12+$0x0], $0xffff;
	v61 =	vsel vm14, $0x8, v0;
	vm12 =	vlt.s32 v51, v30;
	v59 =	vsel vm13, $0x8, v0  }
0x1a6: {  	v51 =	vld.idx.msk [tilespmem:v52+s12+$0x0], $0xffff;
	v34 =	vor.u32 v61, v34;
	v52 =	vadd.s32 $0xFFFFFF97, v45;
	v61 =	vadd.s32 $0xFFFFFF97, v44  }
0x1a7: {  	v63 =	vsel vm12, $0x8, v0;
	v33 =	vor.u32 v59, v33;
	vm4 =	vlt.s32 v47, v26  }
0x1a8: {  	v47 =	vld.idx.msk [tilespmem:v56+s12+$0x0], $0xffff;
	v56 =	vadd.s32 $0xFFFFFF97, v46;
	v34 =	vadd.s32 $0xFFFFFF90, v34;
	v31 =	vor.u32 v63, v31  }
0x1a9: {  	v63 =	vsel vm4, $0x8, v0;
	vm7 =	vlt.s32 v53, v23;
	v33 =	vadd.s32 $0xFFFFFF90, v33  }
0x1aa: {  	v55 =	vand.u32 $0x78, v34;
	v36 =	vor.u32 v63, v36;
	v63 =	vsel vm7, $0x8, v0  }
0x1ab: {  	v31 =	vadd.s32 $0xFFFFFF90, v31;
	v53 =	vand.u32 $0x78, v33;
	vm5 =	vlt.s32 v48, v25  }
0x1ac: {  	v48 =	vld.idx.msk [tilespmem:v54+s12+$0x0], $0xffff;
	vm6 =	vlt.s32 v49, v24;
	v39 =	vor.u32 v63, v39;
	v50 =	vand.u32 $0x78, v31  }
0x1ad: {  	v49 =	vld.idx.msk [tilespmem:v60+s12+$0x0], $0xffff;
	v54 =	vor.u32 $0x3, v53;
	v36 =	vadd.s32 $0xFFFFFF90, v36;
	vm15 =	vlt.s32 v51, v27  }
0x1ae: {  	v60 =	vld.idx.msk [tilespmem:v57+s12+$0x0], $0xffff;
	v58 =	vsel vm5, $0x8, v0;
	v59 =	vsel vm6, $0x8, v0;
	v39 =	vadd.s32 $0xFFFFFF90, v39  }
0x1af: {  	v51 =	vld.idx.msk [tilespmem:v62+s12+$0x0], $0xffff;
	v62 =	vsel vm15, $0x8, v0;
	v37 =	vor.u32 v58, v37;
	v35 =	vor.u32 v59, v35  }
0x1b0: {  	vm9 =	vlt.s32 v47, v21;
	v47 =	vor.u32 $0x3, v50;
	v32 =	vor.u32 v62, v32  }
0x1b1: {  	v59 =	vsel vm9, $0x8, v0;
	v37 =	vadd.s32 $0xFFFFFF90, v37;
	v35 =	vadd.s32 $0xFFFFFF90, v35  }
0x1b2: {  	v38 =	vor.u32 v59, v38;
	v32 =	vadd.s32 $0xFFFFFF90, v32;
	v59 =	vand.u32 $0x78, v35  }
0x1b3: {  	v58 =	vld.idx.msk [tilespmem:v56+s12+$0x0], $0xffff;
	vm10 =	vlt.s32 v48, v20;
	vm11 =	vlt.s32 v49, v19;
	vm12 =	vlt.s32 v60, v18  }
0x1b4: {  	v62 =	vld.idx.msk [tilespmem:v52+s12+$0x0], $0xffff;
	v56 =	vand.u32 $0x78, v32;
	v38 =	vadd.s32 $0xFFFFFF90, v38;
	v53 =	vor.u32 $0x3, v59  }
0x1b5: {  	vm8 =	vlt.s32 v51, v22;
	v48 =	vsel vm10, $0x8, v0;
	v49 =	vsel vm11, $0x8, v0  }
0x1b6: {  	v60 =	vld.idx.msk [tilespmem:v61+s12+$0x0], $0xffff;
	v61 =	vsel vm12, $0x8, v0;
	v50 =	vor.u32 $0x3, v56;
	v57 =	vsel vm8, $0x8, v0  }
0x1b7: {  	v42 =	vor.u32 v48, v42;
	v43 =	vor.u32 v49, v43;
	v41 =	vor.u32 v61, v41  }
0x1b8: {  	vm14 =	vlt.s32 v58, v16;
	v49 =	vor.u32 $0x3, v55;
	v58 =	vand.u32 $0x78, v37  }
0x1b9: {  	v40 =	vor.u32 v57, v40;
	vm13 =	vlt.s32 v62, v17;
	v63 =	vsel vm14, $0x8, v0  }
0x1ba: {  	v57 =	vand.u32 $0x78, v36;
	v42 =	vadd.s32 $0xFFFFFF90, v42;
	v43 =	vadd.s32 $0xFFFFFF90, v43  }
0x1bb: {  	v47 =	vld.idx.msk [tilespmem:v47+s12+$0x0], $0xffff;
	v41 =	vadd.s32 $0xFFFFFF90, v41;
	v62 =	vsel vm13, $0x8, v0;
	v46 =	vor.u32 v63, v46  }
0x1bc: {  	v48 =	vld.idx.msk [tilespmem:v54+s12+$0x0], $0xffff;
	v40 =	vadd.s32 $0xFFFFFF90, v40;
	v51 =	vor.u32 $0x3, v57;
	v63 =	vand.u32 $0x78, v42  }
0x1bd: {  	v45 =	vor.u32 v62, v45;
	vm15 =	vlt.s32 v60, v15;
	v60 =	vand.u32 $0x78, v39  }
0x1be: {  	v46 =	vadd.s32 $0xFFFFFF90, v46;
	v53 =	vld.idx.msk [tilespmem:v53+s12+$0x0], $0xffff;
	v55 =	vor.u32 $0x3, v63;
	v52 =	vsel vm15, $0x8, v0  }
0x1bf: {  	v61 =	vand.u32 $0x78, v40;
	v44 =	vor.u32 v52, v44;
	v49 =	vld.idx.msk [tilespmem:v49+s12+$0x0], $0xffff;
	v52 =	vor.u32 $0x3, v58  }
0x1c0: {  	v62 =	vand.u32 $0x78, v38;
	v45 =	vadd.s32 $0xFFFFFF90, v45;
	vm4 =	vlt.s32 v47, v30;
	v47 =	vld.idx.msk [tilespmem:v50+s12+$0x0], $0xffff  }
0x1c1: {  	v50 =	vor.u32 $0x3, v60;
	vm5 =	vlt.s32 v48, v29;
	v48 =	vor.u32 $0x3, v61  }
0x1c2: {  	v44 =	vadd.s32 $0xFFFFFF90, v44;
	v54 =	vsel vm4, $0x4, v0;
	v60 =	vsel vm5, $0x4, v0;
	v51 =	vld.idx.msk [tilespmem:v51+s12+$0x0], $0xffff  }
0x1c3: {  	v31 =	vor.u32 v31, v54;
	v33 =	vor.u32 v33, v60;
	vm10 =	vlt.s32 v53, v24;
	v60 =	vld.idx.msk [tilespmem:v55+s12+$0x0], $0xffff  }
0x1c4: {  	v55 =	vand.u32 $0x78, v45;
	vm6 =	vlt.s32 v49, v28;
	v49 =	vld.idx.msk [tilespmem:v52+s12+$0x0], $0xffff;
	v52 =	vor.u32 $0x3, v62  }
0x1c5: {  	vm7 =	vlt.s32 v47, v27;
	v62 =	vand.u32 $0x78, v43;
	v61 =	vsel vm6, $0x4, v0  }
0x1c6: {  	v48 =	vld.idx.msk [tilespmem:v48+s12+$0x0], $0xffff;
	v63 =	vsel vm7, $0x4, v0;
	v47 =	vor.u32 $0x3, v62;
	v62 =	vsel vm10, $0x4, v0  }
0x1c7: {  	v50 =	vld.idx.msk [tilespmem:v50+s12+$0x0], $0xffff;
	v34 =	vor.u32 v34, v61;
	vm8 =	vlt.s32 v51, v26;
	v32 =	vor.u32 v32, v63  }
0x1c8: {  	v61 =	vand.u32 $0x78, v41;
	v35 =	vor.u32 v35, v62;
	v62 =	vand.u32 $0x7C, v33  }
0x1c9: {  	v57 =	vsel vm8, $0x4, v0;
	v63 =	vor.u32 $0x3, v61;
	vm14 =	vlt.s32 v60, v20  }
0x1ca: {  	v60 =	vand.u32 $0x7C, v31;
	v36 =	vor.u32 v36, v57;
	v57 =	vsel vm14, $0x4, v0  }
0x1cb: {  	v51 =	vor.u32 $0x1, v60;
	v58 =	vld.idx.msk [tilespmem:v52+s12+$0x0], $0xffff;
	vm12 =	vlt.s32 v48, v22;
	v48 =	vor.u32 $0x3, v55  }
0x1cc: {  	vm9 =	vlt.s32 v49, v25;
	vm11 =	vlt.s32 v50, v23;
	v42 =	vor.u32 v42, v57;
	v47 =	vld.idx.msk [tilespmem:v47+s12+$0x0], $0xffff  }
0x1cd: {  	v57 =	vand.u32 $0x7C, v32;
	v59 =	vsel vm9, $0x4, v0;
	v54 =	vsel vm11, $0x4, v0  }
0x1ce: {  	v56 =	vsel vm12, $0x4, v0;
	v53 =	vor.u32 $0x1, v57;
	v37 =	vor.u32 v37, v59  }
0x1cf: {  	v39 =	vor.u32 v39, v54;
	v40 =	vor.u32 v40, v56;
	v50 =	vld.idx.msk [tilespmem:v63+s12+$0x0], $0xffff;
	v63 =	vor.u32 $0x1, v62  }
0x1d0: {  	v59 =	vand.u32 $0x78, v44;
	vm13 =	vlt.s32 v58, v21;
	v58 =	vand.u32 $0x78, v46;
	v48 =	vld.idx.msk [tilespmem:v48+s12+$0x0], $0xffff  }
0x1d1: {  	v49 =	vsel vm13, $0x4, v0;
	vm15 =	vlt.s32 v47, v19;
	v47 =	vor.u32 $0x3, v59  }
0x1d2: {  	v56 =	vand.u32 $0x7C, v34;
	v38 =	vor.u32 v38, v49;
	v49 =	vor.u32 $0x3, v58  }
0x1d3: {  	v60 =	vand.u32 $0x7C, v37;
	v59 =	vand.u32 $0x7C, v36;
	v61 =	vsel vm15, $0x4, v0  }
0x1d4: {  	v54 =	vor.u32 $0x1, v59;
	vm4 =	vlt.s32 v50, v18;
	v50 =	vor.u32 $0x1, v56;
	v52 =	vld.idx.msk [tilespmem:v63+s12+$0x0], $0xffff  }
0x1d5: {  	v43 =	vor.u32 v43, v61;
	v61 =	vand.u32 $0x7C, v35;
	vm5 =	vlt.s32 v48, v17;
	v48 =	vld.idx.msk [tilespmem:v51+s12+$0x0], $0xffff  }
0x1d6: {  	v59 =	vand.u32 $0x7C, v42;
	v63 =	vand.u32 $0x7C, v39;
	v55 =	vor.u32 $0x1, v61;
	v47 =	vld.idx.msk [tilespmem:v47+s12+$0x0], $0xffff  }
0x1d7: {  	v58 =	vsel vm4, $0x4, v0;
	v56 =	vor.u32 $0x1, v63;
	v61 =	vand.u32 $0x7C, v38;
	v49 =	vld.idx.msk [tilespmem:v49+s12+$0x0], $0xffff  }
0x1d8: {  	v41 =	vor.u32 v41, v58;
	v51 =	vor.u32 $0x1, v60;
	v62 =	vsel vm5, $0x4, v0  }
0x1d9: {  	v60 =	vand.u32 $0x7C, v40;
	v57 =	vor.u32 $0x1, v61;
	v45 =	vor.u32 v45, v62;
	v50 =	vld.idx.msk [tilespmem:v50+s12+$0x0], $0xffff  }
0x1da: {  	v54 =	vld.idx.msk [tilespmem:v54+s12+$0x0], $0xffff;
	v62 =	vand.u32 $0x7C, v43;
	v61 =	vand.u32 $0x7C, v45;
	vm9 =	vlt.s32 v52, v29  }
0x1db: {  	vm8 =	vlt.s32 v48, v30;
	vm7 =	vlt.s32 v47, v15;
	v47 =	vld.idx.msk [tilespmem:v55+s12+$0x0], $0xffff;
	v55 =	vor.u32 $0x1, v62  }
0x1dc: {  	v52 =	vsel vm8, $0x2, v0;
	vm6 =	vlt.s32 v49, v16;
	v49 =	vld.idx.msk [tilespmem:v53+s12+$0x0], $0xffff;
	v53 =	vor.u32 $0x1, v60  }
0x1dd: {  	v56 =	vld.idx.msk [tilespmem:v56+s12+$0x0], $0xffff;
	v60 =	vsel vm7, $0x4, v0;
	v31 =	vor.u32 v31, v52;
	v58 =	vsel vm6, $0x4, v0  }
0x1de: {  	v51 =	vld.idx.msk [tilespmem:v51+s12+$0x0], $0xffff;
	v44 =	vor.u32 v44, v60;
	v60 =	vor.u32 $0x1, v61;
	vm10 =	vlt.s32 v50, v28  }
0x1df: {  	v48 =	vld.idx.msk [tilespmem:v57+s12+$0x0], $0xffff;
	v46 =	vor.u32 v46, v58;
	v58 =	vor.u32 $0x1, v59;
	v59 =	vand.u32 $0x7C, v41  }
0x1e0: {  	vm12 =	vlt.s32 v54, v26;
	v62 =	vsel vm10, $0x2, v0;
	v59 =	vor.u32 $0x1, v59;
	v52 =	vld.idx.msk [tilespmem:v55+s12+$0x0], $0xffff  }
0x1e1: {  	v61 =	vand.u32 $0x7C, v46;
	v34 =	vor.u32 v34, v62;
	v55 =	vsel vm12, $0x2, v0;
	v53 =	vld.idx.msk [tilespmem:v53+s12+$0x0], $0xffff  }
0x1e2: {  	v57 =	vor.u32 $0x1, v61;
	v61 =	vand.u32 $0x7C, v44;
	v36 =	vor.u32 v36, v55;
	v55 =	vld.idx.msk [tilespmem:v31+s12+$0x0], $0xffff  }
0x1e3: {  	v63 =	vsel vm9, $0x2, v0;
	v61 =	vor.u32 $0x1, v61;
	v54 =	vld.idx.msk [tilespmem:v60+s12+$0x0], $0xffff  }
0x1e4: {  	v33 =	vor.u32 v33, v63;
	vm11 =	vlt.s32 v49, v27;
	v58 =	vld.idx.msk [tilespmem:v58+s12+$0x0], $0xffff  }
0x1e5: {  	vm13 =	vlt.s32 v51, v25;
	vm14 =	vlt.s32 v47, v24;
	v63 =	vsel vm11, $0x2, v0;
	v50 =	vld.idx.msk [tilespmem:v59+s12+$0x0], $0xffff  }
0x1e6: {  	vm5 =	vlt.s32 v48, v21;
	v60 =	vsel vm14, $0x2, v0;
	v32 =	vor.u32 v32, v63;
	v48 =	vld.idx.msk [tilespmem:v34+s12+$0x0], $0xffff  }
0x1e7: {  	v35 =	vor.u32 v35, v60;
	v63 =	vsel vm5, $0x2, v0;
	v59 =	vsel vm13, $0x2, v0;
	v51 =	vld.idx.msk [tilespmem:v57+s12+$0x0], $0xffff  }
0x1e8: {  	vm15 =	vlt.s32 v56, v23;
	v38 =	vor.u32 v38, v63;
	v37 =	vor.u32 v37, v59;
	v47 =	vld.idx.msk [tilespmem:v61+s12+$0x0], $0xffff  }
0x1e9: {  	vm7 =	vlt.s32 v52, v19;
	v61 =	vsel vm15, $0x2, v0;
	vm4 =	vlt.s32 v53, v22;
	v53 =	vld.idx.msk [tilespmem:v33+s12+$0x0], $0xffff  }
0x1ea: {  	v52 =	vld.idx.msk [tilespmem:v36+s12+$0x0], $0xffff;
	vm8 =	vlt.s32 v55, v30;
	v39 =	vor.u32 v39, v61;
	v62 =	vsel vm4, $0x2, v0  }
0x1eb: {  	v61 =	vsel vm7, $0x2, v0;
	vm10 =	vlt.s32 v54, v17;
	v40 =	vor.u32 v40, v62;
	v56 =	vld.idx.msk [tilespmem:v32+s12+$0x0], $0xffff  }
0x1ec: {  	v43 =	vor.u32 v43, v61;
	v62 =	vsel vm8, $0x1, v0;
	vm9 =	vlt.s32 v50, v18;
	v50 =	vld.idx.msk [tilespmem:v35+s12+$0x0], $0xffff  }
0x1ed: {  	vm6 =	vlt.s32 v58, v20;
	v55 =	vsel vm10, $0x2, v0;
	v31 =	vor.u32 v62, v31;
	v30 =	vld.idx.msk [tilespmem:v37+s12+$0x0], $0xffff  }
0x1ee: {  	v60 =	vsel vm6, $0x2, v0;
	v45 =	vor.u32 v45, v55;
	vm12 =	vlt.s32 v47, v15;
	v47 =	vld.idx.msk [tilespmem:v38+s12+$0x0], $0xffff  }
0x1ef: {  	v42 =	vor.u32 v42, v60;
	v63 =	vsel vm9, $0x2, v0;
	vm11 =	vlt.s32 v51, v16;
	v54 =	vld.idx.msk [tilespmem:v39+s12+$0x0], $0xffff  }
0x1f0: {  	v41 =	vor.u32 v41, v63;
	v57 =	vsel vm11, $0x2, v0;
	v51 =	vld.idx.msk [tilespmem:v40+s12+$0x0], $0xffff  }
0x1f1: {  	vm13 =	vlt.s32 v53, v29;
	v46 =	vor.u32 v46, v57;
	v58 =	vsel vm12, $0x2, v0;
	v29 =	vld.idx.msk [tilespmem:v43+s12+$0x0], $0xffff  }
0x1f2: {  	v59 =	vsel vm13, $0x1, v0;
	v44 =	vor.u32 v44, v58;
	v31 =	vld.idx.msk [tilespmem:v31+s13+$0x0], $0xffff  }
0x1f3: {  	v33 =	vor.u32 v59, v33;
	v61 =	vld.idx.msk [tilespmem:v45+s12+$0x0], $0xffff  }
0x1f4: {  	v55 =	vld.idx.msk [tilespmem:v42+s12+$0x0], $0xffff  }
0x1f5: {  	v60 =	vld.idx.msk [tilespmem:v41+s12+$0x0], $0xffff  }
0x1f6: {  	v62 =	vld.idx.msk [tilespmem:v46+s12+$0x0], $0xffff  }
0x1f7: {  	vm14 =	vlt.s32 v48, v28;
	v63 =	vld.idx.msk [tilespmem:v44+s12+$0x0], $0xffff;
	[tilespmem:s22+$0x5D00] =	vst v31  }
0x1f8: {  	v28 =	vsel vm14, $0x1, v0;
	v31 =	vld.idx.msk [tilespmem:v33+s13+$0x0], $0xffff  }
0x1f9: {  	v28 =	vor.u32 v28, v34;
	_ =	sdelay $0x3  }
0x1fa: {  	vm15 =	vlt.s32 v56, v27;
	[tilespmem:s22+$0x5D10] =	vst v31  }
0x1fb: {  	v27 =	vsel vm15, $0x1, v0;
	v28 =	vld.idx.msk [tilespmem:v28+s13+$0x0], $0xffff  }
0x1fc: {  	v27 =	vor.u32 v27, v32;
	_ =	sdelay $0x3  }
0x1fd: {  	vm4 =	vlt.s32 v52, v26;
	[tilespmem:s22+$0x5D20] =	vst v28  }
0x1fe: {  	v26 =	vsel vm4, $0x1, v0;
	v27 =	vld.idx.msk [tilespmem:v27+s13+$0x0], $0xffff  }
0x1ff: {  	v26 =	vor.u32 v26, v36;
	_ =	sdelay $0x3  }
0x200: {  	vm5 =	vlt.s32 v30, v25;
	[tilespmem:s22+$0x5D30] =	vst v27  }
0x201: {  	v25 =	vsel vm5, $0x1, v0;
	v26 =	vld.idx.msk [tilespmem:v26+s13+$0x0], $0xffff  }
0x202: {  	v25 =	vor.u32 v25, v37;
	_ =	sdelay $0x3  }
0x203: {  	vm6 =	vlt.s32 v50, v24;
	[tilespmem:s22+$0x5D40] =	vst v26  }
0x204: {  	v24 =	vsel vm6, $0x1, v0;
	v25 =	vld.idx.msk [tilespmem:v25+s13+$0x0], $0xffff  }
0x205: {  	v24 =	vor.u32 v24, v35;
	_ =	sdelay $0x3  }
0x206: {  	vm7 =	vlt.s32 v54, v23;
	[tilespmem:s22+$0x5D50] =	vst v25  }
0x207: {  	v23 =	vsel vm7, $0x1, v0;
	v24 =	vld.idx.msk [tilespmem:v24+s13+$0x0], $0xffff  }
0x208: {  	v23 =	vor.u32 v23, v39;
	_ =	sdelay $0x3  }
0x209: {  	vm8 =	vlt.s32 v51, v22;
	[tilespmem:s22+$0x5D60] =	vst v24  }
0x20a: {  	v22 =	vsel vm8, $0x1, v0;
	v23 =	vld.idx.msk [tilespmem:v23+s13+$0x0], $0xffff  }
0x20b: {  	v22 =	vor.u32 v22, v40;
	_ =	sdelay $0x3  }
0x20c: {  	vm9 =	vlt.s32 v47, v21;
	[tilespmem:s22+$0x5D70] =	vst v23  }
0x20d: {  	v21 =	vsel vm9, $0x1, v0;
	v22 =	vld.idx.msk [tilespmem:v22+s13+$0x0], $0xffff  }
0x20e: {  	v21 =	vor.u32 v21, v38;
	_ =	sdelay $0x3  }
0x20f: {  	vm10 =	vlt.s32 v55, v20;
	[tilespmem:s22+$0x5D80] =	vst v22  }
0x210: {  	v20 =	vsel vm10, $0x1, v0;
	v21 =	vld.idx.msk [tilespmem:v21+s13+$0x0], $0xffff  }
0x211: {  	v20 =	vor.u32 v20, v42;
	_ =	sdelay $0x3  }
0x212: {  	vm11 =	vlt.s32 v29, v19;
	[tilespmem:s22+$0x5D90] =	vst v21  }
0x213: {  	v19 =	vsel vm11, $0x1, v0;
	v20 =	vld.idx.msk [tilespmem:v20+s13+$0x0], $0xffff  }
0x214: {  	v19 =	vor.u32 v19, v43;
	_ =	sdelay $0x3  }
0x215: {  	vm12 =	vlt.s32 v60, v18;
	[tilespmem:s22+$0x5DA0] =	vst v20  }
0x216: {  	v18 =	vsel vm12, $0x1, v0;
	v19 =	vld.idx.msk [tilespmem:v19+s13+$0x0], $0xffff  }
0x217: {  	v18 =	vor.u32 v18, v41;
	_ =	sdelay $0x3  }
0x218: {  	vm13 =	vlt.s32 v61, v17;
	[tilespmem:s22+$0x5DB0] =	vst v19  }
0x219: {  	v17 =	vsel vm13, $0x1, v0;
	v18 =	vld.idx.msk [tilespmem:v18+s13+$0x0], $0xffff  }
0x21a: {  	v17 =	vor.u32 v17, v45;
	_ =	sdelay $0x3  }
0x21b: {  	vm14 =	vlt.s32 v62, v16;
	[tilespmem:s22+$0x5DC0] =	vst v18  }
0x21c: {  	v16 =	vsel vm14, $0x1, v0;
	v17 =	vld.idx.msk [tilespmem:v17+s13+$0x0], $0xffff  }
0x21d: {  	v16 =	vor.u32 v16, v46;
	_ =	sdelay $0x3  }
0x21e: {  	vm15 =	vlt.s32 v63, v15;
	[tilespmem:s22+$0x5DD0] =	vst v17  }
0x21f: {  	v15 =	vsel vm15, $0x1, v0;
	v16 =	vld.idx.msk [tilespmem:v16+s13+$0x0], $0xffff  }
0x220: {  	v15 =	vor.u32 v15, v44;
	_ =	sdelay $0x3  }
0x221: {  	[tilespmem:s22+$0x5DE0] =	vst v16  }
0x222: {  	p0 =	sne.s32 s21, $0x7800;
	v15 =	vld.idx.msk [tilespmem:v15+s13+$0x0], $0xffff  }
.Ltmp2:
0x223: {  	_ = 	snop;
	(pc) =	sbr.rel @p0 .LBB2_6-.Ltmp2, $2  }
0x224: {  	_ =	sdelay $0x2  }
0x225: {  	s21 =	sadd.s32 $0x400, s21;
	[tilespmem:s22+$0x5DF0] =	vst v15  }
0x226: {  	[hbm4b:s7+s3] =	stream.linear.scatter [tilespmem:s17], [sflag:$0x4], $0x1F00, $0x38;
	[tilespmem:$0x7D80] =	vst v63  }
0x227: {  	s20 =	sadd.s32 $0x1, s20  }
0x228: {  	_ =	swait.ge [sflag:s18], $0x1F00;
	p0 =	sne.s32 s20, s8  }
.Ltmp3:
0x229: {  	[sflag:s18] =	ssyncset.done $0x0;
	(pc) =	sbr.rel @p0 .LBB2_1-.Ltmp3, $4  }
0x22a: {  	[sflag:s18] =	ssyncadd.s32 $0xFFFFE100  }
0x22b: {  	_ =	swait.ge [sflag:s19], $0x1F00  }
0x22c: {  	[sflag:s19] =	ssyncset.done $0x0  }
0x22d: {  	[sflag:s19] =	ssyncadd.s32 $0xFFFFE100  }
0x22e: {  	_ =	sfence.sel $0x180000  }
0x22f: {  	[bflag:$0x0] =	sbarrier.arrive $0xFFFF  }
0x230: {  	p0 =	sne.s32 s0, $0x0;
	_ =	strace $0x90000047  }
0x231: {  	s0 =	sadd.s32 @!p0 $0x100000, s1;
	[bflag:$0x2] =	sbarrier.arrive $0xFFFF  }
0x232: {  	[sflag:s0] =	ssyncadd.tile.s32 @!p0 $0x1;
	_ =	shalt  }
.Lfunc_end2:
_tile_overlayer_lowered:
.L_overlay_start_2:
0x233: {  	(tag) =	ssettag $0x2  }
0x234: {  	s0 =	rddreg [dreg:$0x0];
	s2 =	stileid.u32  }
0x235: {  	s1 =	rddreg [dreg:$0x1];
	p0 =	sne.s32 s2, $0x0  }
0x236: {  	s3 =	rddreg [dreg:$0x2];
	[bflag:$0x3] =	sbarrier.arrive $0xFFFF;
	s2 =	simm.s32 @!p0 $0x1C05  }
0x237: {  	[timem:s3], [sflag:s2] =	dma.local @!p0 [hbm:s0], s1  }
0x238: {  	s0 =	simm.s32 @!p0 $0x5  }
0x239: {  	_ =	swait.ge @!p0 [sflag:s0], s1  }
0x23a: {  	s1 =	ssub.s32 @!p0 $0x0, s1;
	[sflag:s0] =	ssyncset.done @!p0 $0x0  }
0x23b: {  	[sflag:s0] =	ssyncadd.s32 @!p0 s1  }
0x23c: {  	[bflag:$0x3] =	sbarrier.arrive $0xFFFF  }
0x23d: {  	_ =	shalt  }

</sc_bundles>
